<compile_context>
chip_gen: v7x
topology: tpu7x:2x2x1
jax: 0.10.2.dev20260603
libtpu: 0.0.44.dev20260713+nightly
codegen_flags: <defaults>
</compile_context>

<pallas_src>
import functools

import jax
import jax.numpy as jnp
from jax import lax
from jax.experimental import pallas as pl
from jax.experimental.pallas import tpu as pltpu
from jax.experimental.pallas import tpu_sc as plsc

NC = 2
NS = 16
NW = NC * NS
LANES = 16

_CHUNK = 1024
_GB = 128

_PARAMS = pltpu.CompilerParams(
    needs_layout_passes=False, use_tc_tiling_on_sc=False)


def _rsqrt(x):
    xi = plsc.bitcast(x, jnp.int32)
    y = plsc.bitcast(jnp.int32(0x5F3759DF) - (xi >> 1), jnp.float32)
    for _ in range(3):
        y = y * (jnp.float32(1.5) - jnp.float32(0.5) * x * y * y)
    return y


def _full(v):
    return jnp.full((LANES,), v, jnp.int32)


def _build_table(pos_flat, batch_idx, lat_flat, n_batches):
    n = batch_idx.shape[0]
    nt = -(-n // (NW * 16)) * 16
    lat_words = lat_flat.shape[0]
    mesh = plsc.VectorSubcoreMesh(core_axis_name="c", subcore_axis_name="s")

    @functools.partial(
        pl.kernel,
        mesh=mesh,
        compiler_params=_PARAMS,
        out_type=[jax.ShapeDtypeStruct((n, 16), jnp.float32)],
        scratch_types=[
            pltpu.VMEM((nt * 3,), jnp.float32),
            pltpu.VMEM((nt,), jnp.int32),
            pltpu.VMEM((lat_words,), jnp.float32),
            pltpu.VMEM((nt, 16), jnp.float32),
        ],
    )
    def build(pos_hbm, b_hbm, lat_hbm, t_hbm, posb, bb, latb, tb):
        wid = lax.axis_index("s") * NC + lax.axis_index("c")
        base = jnp.minimum(wid * nt, n - nt)
        pltpu.sync_copy(pos_hbm.at[pl.ds(base * 3, nt * 3)], posb)
        pltpu.sync_copy(b_hbm.at[pl.ds(base, nt)], bb)
        pltpu.sync_copy(lat_hbm, latb)
        viota = lax.iota(jnp.int32, 16)

        def body(blk, carry):
            rows = blk * 16 + viota
            rows3 = rows * 3
            b = bb[pl.ds(blk * 16, 16)]
            b9 = jnp.clip(b, 0, n_batches - 1) * 9
            for k in range(3):
                p = plsc.load_gather(posb, [rows3 + k])
                plsc.store_scatter(tb, [rows, _full(k)], p)
            for mk in range(9):
                lv = plsc.load_gather(latb, [b9 + mk])
                plsc.store_scatter(tb, [rows, _full(3 + mk)], lv)
            return carry

        lax.fori_loop(0, nt // 16, body, 0)
        pltpu.sync_copy(tb, t_hbm.at[pl.ds(base, nt)])

    return build(pos_flat, batch_idx, lat_flat)


def _edge_kernel(t_tab, ej, ei, s0a, s1a, s2a):
    e = ej.shape[0]
    ept = e // NW
    n_chunks = -(-ept // _CHUNK)
    n_pairs = -(-n_chunks // 2)
    cb = _CHUNK // _GB
    mesh = plsc.VectorSubcoreMesh(core_axis_name="c", subcore_axis_name="s")
    vout = jax.ShapeDtypeStruct((e,), jnp.float32)
    buf_types = [
        pltpu.VMEM((_CHUNK,), jnp.int32),
        pltpu.VMEM((_CHUNK,), jnp.int32),
        pltpu.VMEM((_CHUNK,), jnp.float32),
        pltpu.VMEM((_CHUNK,), jnp.float32),
        pltpu.VMEM((_CHUNK,), jnp.float32),
        pltpu.VMEM((cb, _GB, 16), jnp.float32),
        pltpu.VMEM((cb, _GB, 16), jnp.float32),
        pltpu.VMEM((7, _CHUNK), jnp.float32),
    ]

    @functools.partial(
        pl.kernel,
        mesh=mesh,
        compiler_params=_PARAMS,
        out_type=[vout] * 7,
        scratch_types=buf_types + buf_types + [
            pltpu.SemaphoreType.DMA,
            pltpu.SemaphoreType.DMA,
            pltpu.SemaphoreType.DMA,
            pltpu.SemaphoreType.DMA,
        ],
    )
    def edges(t_hbm, ej_hbm, ei_hbm, s0_hbm, s1_hbm, s2_hbm,
              dist_hbm, vx_hbm, vy_hbm, vz_hbm, dx_hbm, dy_hbm, dz_hbm,
              *refs):
        bufs = (refs[0:8], refs[8:16])
        sg = (refs[16], refs[17])
        sout = (refs[18], refs[19])
        wid = lax.axis_index("s") * NC + lax.axis_index("c")
        tbase = wid * ept
        viota = lax.iota(jnp.int32, 16)
        out_hbms = (dist_hbm, vx_hbm, vy_hbm, vz_hbm, dx_hbm, dy_hbm, dz_hbm)
        in_hbms = (ej_hbm, ei_hbm, s0_hbm, s1_hbm, s2_hbm)

        def chunk_start(c):
            return tbase + jnp.minimum(c * _CHUNK, ept - _CHUNK)

        def sync_in(c, b):
            g = chunk_start(c)
            for src_h, dst in zip(in_hbms, bufs[b][:5]):
                pltpu.sync_copy(src_h.at[pl.ds(g, _CHUNK)], dst)

        def fire_gathers(b):
            jidx, iidx = bufs[b][0], bufs[b][1]
            irows, jrows = bufs[b][5], bufs[b][6]
            cps = []
            for k in range(cb):
                cps.append(pltpu.async_copy(
                    t_hbm.at[iidx.at[pl.ds(k * _GB, _GB)]], irows.at[k],
                    sg[b]))
                cps.append(pltpu.async_copy(
                    t_hbm.at[jidx.at[pl.ds(k * _GB, _GB)]], jrows.at[k],
                    sg[b]))
            return cps

        def wait_gathers(b):
            jidx, iidx = bufs[b][0], bufs[b][1]
            irows, jrows = bufs[b][5], bufs[b][6]
            for k in range(cb):
                pltpu.make_async_copy(
                    t_hbm.at[iidx.at[pl.ds(k * _GB, _GB)]], irows.at[k],
                    sg[b]).wait()
                pltpu.make_async_copy(
                    t_hbm.at[jidx.at[pl.ds(k * _GB, _GB)]], jrows.at[k],
                    sg[b]).wait()

        def wait_outs(b):
            outb = bufs[b][7]
            for t, hbm in enumerate(out_hbms):
                pltpu.make_async_copy(
                    outb.at[t], hbm.at[pl.ds(tbase, _CHUNK)], sout[b]).wait()

        def compute(b):
            s0b, s1b, s2b = bufs[b][2], bufs[b][3], bufs[b][4]
            irows, jrows = bufs[b][5], bufs[b][6]
            outb = bufs[b][7]

            def blk(bi, carry2):
                o = bi * 16
                rows = o + viota
                q = rows >> 7
                w = rows & 127
                s0 = s0b[pl.ds(o, 16)]
                s1 = s1b[pl.ds(o, 16)]
                s2 = s2b[pl.ds(o, 16)]
                v = []
                for k in range(3):
                    pj = plsc.load_gather(jrows, [q, w, _full(k)])
                    pi = plsc.load_gather(irows, [q, w, _full(k)])
                    l0 = plsc.load_gather(irows, [q, w, _full(3 + k)])
                    l1 = plsc.load_gather(irows, [q, w, _full(6 + k)])
                    l2 = plsc.load_gather(irows, [q, w, _full(9 + k)])
                    v.append(pj - pi + s0 * l0 + s1 * l1 + s2 * l2)
                d2 = v[0] * v[0] + v[1] * v[1] + v[2] * v[2]
                y = _rsqrt(d2)
                outb[0, pl.ds(o, 16)] = d2 * y
                for k in range(3):
                    outb[1 + k, pl.ds(o, 16)] = v[k]
                    outb[4 + k, pl.ds(o, 16)] = v[k] * y
                return carry2

            lax.fori_loop(0, _CHUNK // 16, blk, 0)

        def fire_outs(c, b):
            g = chunk_start(c)
            outb = bufs[b][7]
            for t, hbm in enumerate(out_hbms):
                pltpu.async_copy(outb.at[t], hbm.at[pl.ds(g, _CHUNK)],
                                 sout[b])

        sync_in(0, 0)
        fire_gathers(0)

        def pair_body(m, carry):
            c0 = 2 * m
            c1 = c0 + 1
            sync_in(c1, 1)
            fire_gathers(1)
            wait_gathers(0)

            @pl.when(m > 0)
            def _():
                wait_outs(0)

            compute(0)
            fire_outs(c0, 0)

            @pl.when(m + 1 < n_pairs)
            def _():
                sync_in(c0 + 2, 0)
                fire_gathers(0)

            wait_gathers(1)

            @pl.when(m > 0)
            def _():
                wait_outs(1)

            compute(1)
            fire_outs(c1, 1)
            return carry

        lax.fori_loop(0, n_pairs, pair_body, 0)
        wait_outs(0)
        wait_outs(1)

    return edges(t_tab, ej, ei, s0a, s1a, s2a)


def kernel(pos, edge_shift, lattice, edge_index, batch_idx):
    n = pos.shape[0]
    e = edge_shift.shape[0]
    b = lattice.shape[0]
    lat_flat = lattice.reshape(b * 9)
    pos_flat = pos.reshape(n * 3)

    nt = -(-n // (NW * 16)) * 16
    if n < nt or (n - nt) % 16 != 0:
        npad = nt * NW
        pos_flat = jnp.concatenate(
            [pos_flat, jnp.zeros(((npad - n) * 3,), pos.dtype)])
        batch_idx = jnp.concatenate(
            [batch_idx, jnp.zeros((npad - n,), batch_idx.dtype)])
    t_tab, = _build_table(pos_flat, batch_idx, lat_flat, b)

    ej = edge_index[0]
    ei = edge_index[1]
    s0a = edge_shift[:, 0]
    s1a = edge_shift[:, 1]
    s2a = edge_shift[:, 2]
    epad = e
    ept = e // NW
    if e % NW != 0 or ept % 16 != 0 or ept < _CHUNK:
        step = NW * _CHUNK
        epad = -(-e // step) * step
        pad = epad - e
        zi = jnp.zeros((pad,), jnp.int32)
        zf = jnp.zeros((pad,), edge_shift.dtype)
        ej = jnp.concatenate([ej, zi])
        ei = jnp.concatenate([ei, zi])
        s0a = jnp.concatenate([s0a, zf])
        s1a = jnp.concatenate([s1a, zf])
        s2a = jnp.concatenate([s2a, zf])

    dist, vx, vy, vz, dx, dy, dz = _edge_kernel(t_tab, ej, ei, s0a, s1a, s2a)
    vec = jnp.stack([vx, vy, vz], axis=1)
    dirn = jnp.stack([dx, dy, dz], axis=1)
    if epad != e:
        dist, vec, dirn = dist[:e], vec[:e], dirn[:e]
    return dist, vec, dirn

# --- scband reference (transcript-rebuilt; emitter-appended) ---
"""Pipeline reference for scband-base-mpnn-2628519985297 (READ-ONLY COPY).

The authoritative reference and input builder live on the scoring server;
editing this copy changes nothing except your own understanding.
"""

import jax, jax.numpy as jnp
import numpy as np


def setup_inputs(seed: int = 0) -> dict:
    key = jax.random.key(seed)
    k1, k2, k3, k4, k5 = jax.random.split(key, 5)
    N = 100000
    E = 6400000
    B = 64
    pos = jax.random.normal(k1, (N, 3), dtype=jnp.float32)
    edge_index = jax.random.randint(k2, (2, E), 0, N, dtype=jnp.int32)
    edge_shift = jax.random.normal(k3, (E, 3), dtype=jnp.float32)
    lattice = jax.random.normal(k4, (B, 3, 3), dtype=jnp.float32)
    batch_idx = jnp.sort(jax.random.randint(k5, (N,), 0, B, dtype=jnp.int32))
    return {
        "pos": pos,
        "edge_shift": edge_shift,
        "lattice": lattice,
        "edge_index": edge_index,
        "batch_idx": batch_idx,
    }


def reference(pos, edge_shift, lattice, edge_index, batch_idx):
    # Faithful translation of BaseMPNN.calc_atomic_distances(graph, return_vec=True)
    edge_j = edge_index[0]
    edge_i = edge_index[1]
    # edge_batch = batch_ind[edge_i]
    edge_batch = jnp.take(batch_idx, edge_i, axis=0)
    # torch.einsum('ni,nij->nj', edge_shift, lattice[edge_batch])
    lat_per_edge = jnp.take(lattice, edge_batch, axis=0)
    shift = jnp.einsum("ni,nij->nj", edge_shift, lat_per_edge)
    # edge_vec = pos[edge_j] - pos[edge_i] + shift
    edge_vec = jnp.take(pos, edge_j, axis=0) - jnp.take(pos, edge_i, axis=0) + shift
    edge_dist = jnp.linalg.norm(edge_vec, axis=1)
    edge_dir = edge_vec / jnp.linalg.norm(edge_vec, axis=-1, keepdims=True)
    return edge_dist, edge_vec, edge_dir

if __name__ == "__main__":
    import jax
    _d = setup_inputs()
    print(jax.jit(kernel)(*tuple(_d.values())))

</pallas_src>

<mosaic_0001>
#map = affine_map<(d0, d1) -> (0)>
#map1 = affine_map<(d0, d1) -> (0, 0)>
module attributes {stable_mosaic.version = 14 : i64} {
  func.func @build(%arg0: i32, %arg1: i32, %arg2: memref<300000xf32, #tpu.memory_space<hbm>>, %arg3: memref<100000xi32, #tpu.memory_space<hbm>>, %arg4: memref<576xf32, #tpu.memory_space<hbm>>, %arg5: memref<100000x16xf32, #tpu.memory_space<hbm>>, %arg6: memref<9408xf32, #tpu.memory_space<vmem>>, %arg7: memref<3136xi32, #tpu.memory_space<vmem>>, %arg8: memref<576xf32, #tpu.memory_space<vmem>>, %arg9: memref<3136x16xf32, #tpu.memory_space<vmem>>) attributes {dimension_semantics = [#tpu.dimension_semantics<core_parallel>, #tpu.dimension_semantics<subcore_parallel>], iteration_bounds = array<i64: 2, 16>, scalar_prefetch = 0 : i64, scratch_operands = 4 : i64, tpu.core_type = #tpu.core_type<sc_vector_subcore>, window_params = [{transform_indices = #map}, {transform_indices = #map}, {transform_indices = #map}, {transform_indices = #map1}]} {
    %mul3A = arith.constant 2 : i32
    %mul3A_0 = arith.muli %arg1, %mul3A : i32
    %add3A = arith.addi %mul3A_0, %arg0 : i32
    %mul3A_1 = arith.constant 3136 : i32
    %mul3A_2 = arith.muli %add3A, %mul3A_1 : i32
    %min3A = arith.constant 96864 : i32
    %min3A_3 = arith.minsi %mul3A_2, %min3A : i32
    %mul3A_4 = arith.constant 3 : i32
    %mul3A_5 = arith.muli %min3A_3, %mul3A_4 : i32
    "tpu.region"() ({
      %run_scoped3A = tpu.sem_alloc : memref<!tpu.dma_semaphore, #tpu.memory_space<semaphore_mem>>
      %dma_start3A = tpu.memref_slice %arg2[%mul3A_5] : memref<300000xf32, #tpu.memory_space<hbm>> -> memref<9408xf32, #tpu.memory_space<hbm>>
      %dma_start3A_11 = tpu.memref_slice %arg2[%mul3A_5] : memref<300000xf32, #tpu.memory_space<hbm>> -> memref<9408xf32, #tpu.memory_space<hbm>>
      tpu.enqueue_dma source(%dma_start3A_11 : memref<9408xf32, #tpu.memory_space<hbm>>) target(%arg6 : memref<9408xf32, #tpu.memory_space<vmem>>) target_semaphore(%run_scoped3A : memref<!tpu.dma_semaphore, #tpu.memory_space<semaphore_mem>>)
      %dma_wait3A = tpu.memref_slice %arg2[%mul3A_5] : memref<300000xf32, #tpu.memory_space<hbm>> -> memref<9408xf32, #tpu.memory_space<hbm>>
      %dma_wait3A_12 = tpu.memref_slice %arg2[%mul3A_5] : memref<300000xf32, #tpu.memory_space<hbm>> -> memref<9408xf32, #tpu.memory_space<hbm>>
      tpu.wait_dma2 semaphore(%run_scoped3A : memref<!tpu.dma_semaphore, #tpu.memory_space<semaphore_mem>>) src(%dma_wait3A_12 : memref<9408xf32, #tpu.memory_space<hbm>>) dst(%arg6 : memref<9408xf32, #tpu.memory_space<vmem>>)
      tpu.yield
    }) : () -> ()
    "tpu.region"() ({
      %run_scoped3A = tpu.sem_alloc : memref<!tpu.dma_semaphore, #tpu.memory_space<semaphore_mem>>
      %dma_start3A = tpu.memref_slice %arg3[%min3A_3] : memref<100000xi32, #tpu.memory_space<hbm>> -> memref<3136xi32, #tpu.memory_space<hbm>>
      %dma_start3A_11 = tpu.memref_slice %arg3[%min3A_3] : memref<100000xi32, #tpu.memory_space<hbm>> -> memref<3136xi32, #tpu.memory_space<hbm>>
      tpu.enqueue_dma source(%dma_start3A_11 : memref<3136xi32, #tpu.memory_space<hbm>>) target(%arg7 : memref<3136xi32, #tpu.memory_space<vmem>>) target_semaphore(%run_scoped3A : memref<!tpu.dma_semaphore, #tpu.memory_space<semaphore_mem>>)
      %dma_wait3A = tpu.memref_slice %arg3[%min3A_3] : memref<100000xi32, #tpu.memory_space<hbm>> -> memref<3136xi32, #tpu.memory_space<hbm>>
      %dma_wait3A_12 = tpu.memref_slice %arg3[%min3A_3] : memref<100000xi32, #tpu.memory_space<hbm>> -> memref<3136xi32, #tpu.memory_space<hbm>>
      tpu.wait_dma2 semaphore(%run_scoped3A : memref<!tpu.dma_semaphore, #tpu.memory_space<semaphore_mem>>) src(%dma_wait3A_12 : memref<3136xi32, #tpu.memory_space<hbm>>) dst(%arg7 : memref<3136xi32, #tpu.memory_space<vmem>>)
      tpu.yield
    }) : () -> ()
    "tpu.region"() ({
      %run_scoped3A = tpu.sem_alloc : memref<!tpu.dma_semaphore, #tpu.memory_space<semaphore_mem>>
      tpu.enqueue_dma source(%arg4 : memref<576xf32, #tpu.memory_space<hbm>>) target(%arg8 : memref<576xf32, #tpu.memory_space<vmem>>) target_semaphore(%run_scoped3A : memref<!tpu.dma_semaphore, #tpu.memory_space<semaphore_mem>>)
      tpu.wait_dma2 semaphore(%run_scoped3A : memref<!tpu.dma_semaphore, #tpu.memory_space<semaphore_mem>>) src(%arg4 : memref<576xf32, #tpu.memory_space<hbm>>) dst(%arg8 : memref<576xf32, #tpu.memory_space<vmem>>)
      tpu.yield
    }) : () -> ()
    %iota3A = tpu.iota {dimensions = array<i32: 0>} : vector<16xi32>
    %scan3A = arith.constant 0 : i32
    %scan3A_6 = arith.constant 0 : i32
    %scan3A_7 = arith.constant 196 : i32
    %scan3A_8 = arith.addi %scan3A_6, %scan3A_7 : i32
    %scan3A_9 = arith.constant 1 : i32
    scf.for %scan3A_11 = %scan3A_6 to %scan3A_8 step %scan3A_9  : i32 {
      %mul3A_12 = arith.constant 16 : i32
      %mul3A_13 = arith.muli %scan3A_11, %mul3A_12 : i32
      %add3A_14 = vector.broadcast %mul3A_13 : i32 to vector<16xi32>
      %add3A_15 = arith.addi %add3A_14, %iota3A : vector<16xi32>
      %mul3A_16 = arith.constant 3 : i32
      %mul3A_17 = vector.broadcast %mul3A_16 : i32 to vector<16xi32>
      %mul3A_18 = arith.muli %add3A_15, %mul3A_17 : vector<16xi32>
      %mul3A_19 = arith.constant 16 : i32
      %mul3A_20 = arith.muli %scan3A_11, %mul3A_19 : i32
      %get3A = arith.index_cast %mul3A_20 : i32 to index
      %get3A_21 = tpu.vector_load %arg7[%get3A] {strides = array<i32>} : memref<3136xi32, #tpu.memory_space<vmem>>, vector<16xi32>,
      %jit3A = arith.constant 0 : i32
      %jit3A_22 = arith.constant 63 : i32
      %max3A = vector.broadcast %jit3A : i32 to vector<16xi32>
      %max3A_23 = arith.maxsi %max3A, %get3A_21 : vector<16xi32>
      %min3A_24 = vector.broadcast %jit3A_22 : i32 to vector<16xi32>
      %min3A_25 = arith.minsi %min3A_24, %max3A_23 : vector<16xi32>
      %mul3A_26 = arith.constant 9 : i32
      %mul3A_27 = vector.broadcast %mul3A_26 : i32 to vector<16xi32>
      %mul3A_28 = arith.muli %min3A_25, %mul3A_27 : vector<16xi32>
      %add3A_29 = arith.constant 0 : i32
      %add3A_30 = vector.broadcast %add3A_29 : i32 to vector<16xi32>
      %add3A_31 = arith.addi %mul3A_18, %add3A_30 : vector<16xi32>
      %gather3A = tpu.vector_load_idx %arg6[%add3A_31] : memref<9408xf32, #tpu.memory_space<vmem>>[vector<16xi32>], vector<16xf32>,
      %broadcast_in_dim3A = arith.constant 0 : i32
      %broadcast_in_dim3A_32 = vector.broadcast %broadcast_in_dim3A : i32 to vector<16xi32>
      tpu.vector_store_idx %arg9[%add3A_15, %broadcast_in_dim3A_32], %gather3A : memref<3136x16xf32, #tpu.memory_space<vmem>>[vector<16xi32>, vector<16xi32>], vector<16xf32>,
      %add3A_33 = arith.constant 1 : i32
      %add3A_34 = vector.broadcast %add3A_33 : i32 to vector<16xi32>
      %add3A_35 = arith.addi %mul3A_18, %add3A_34 : vector<16xi32>
      %gather3A_36 = tpu.vector_load_idx %arg6[%add3A_35] : memref<9408xf32, #tpu.memory_space<vmem>>[vector<16xi32>], vector<16xf32>,
      %broadcast_in_dim3A_37 = arith.constant 1 : i32
      %broadcast_in_dim3A_38 = vector.broadcast %broadcast_in_dim3A_37 : i32 to vector<16xi32>
      tpu.vector_store_idx %arg9[%add3A_15, %broadcast_in_dim3A_38], %gather3A_36 : memref<3136x16xf32, #tpu.memory_space<vmem>>[vector<16xi32>, vector<16xi32>], vector<16xf32>,
      %add3A_39 = arith.constant 2 : i32
      %add3A_40 = vector.broadcast %add3A_39 : i32 to vector<16xi32>
      %add3A_41 = arith.addi %mul3A_18, %add3A_40 : vector<16xi32>
      %gather3A_42 = tpu.vector_load_idx %arg6[%add3A_41] : memref<9408xf32, #tpu.memory_space<vmem>>[vector<16xi32>], vector<16xf32>,
      %broadcast_in_dim3A_43 = arith.constant 2 : i32
      %broadcast_in_dim3A_44 = vector.broadcast %broadcast_in_dim3A_43 : i32 to vector<16xi32>
      tpu.vector_store_idx %arg9[%add3A_15, %broadcast_in_dim3A_44], %gather3A_42 : memref<3136x16xf32, #tpu.memory_space<vmem>>[vector<16xi32>, vector<16xi32>], vector<16xf32>,
      %add3A_45 = arith.constant 0 : i32
      %add3A_46 = vector.broadcast %add3A_45 : i32 to vector<16xi32>
      %add3A_47 = arith.addi %mul3A_28, %add3A_46 : vector<16xi32>
      %gather3A_48 = tpu.vector_load_idx %arg8[%add3A_47] : memref<576xf32, #tpu.memory_space<vmem>>[vector<16xi32>], vector<16xf32>,
      %broadcast_in_dim3A_49 = arith.constant 3 : i32
      %broadcast_in_dim3A_50 = vector.broadcast %broadcast_in_dim3A_49 : i32 to vector<16xi32>
      tpu.vector_store_idx %arg9[%add3A_15, %broadcast_in_dim3A_50], %gather3A_48 : memref<3136x16xf32, #tpu.memory_space<vmem>>[vector<16xi32>, vector<16xi32>], vector<16xf32>,
      %add3A_51 = arith.constant 1 : i32
      %add3A_52 = vector.broadcast %add3A_51 : i32 to vector<16xi32>
      %add3A_53 = arith.addi %mul3A_28, %add3A_52 : vector<16xi32>
      %gather3A_54 = tpu.vector_load_idx %arg8[%add3A_53] : memref<576xf32, #tpu.memory_space<vmem>>[vector<16xi32>], vector<16xf32>,
      %broadcast_in_dim3A_55 = arith.constant 4 : i32
      %broadcast_in_dim3A_56 = vector.broadcast %broadcast_in_dim3A_55 : i32 to vector<16xi32>
      tpu.vector_store_idx %arg9[%add3A_15, %broadcast_in_dim3A_56], %gather3A_54 : memref<3136x16xf32, #tpu.memory_space<vmem>>[vector<16xi32>, vector<16xi32>], vector<16xf32>,
      %add3A_57 = arith.constant 2 : i32
      %add3A_58 = vector.broadcast %add3A_57 : i32 to vector<16xi32>
      %add3A_59 = arith.addi %mul3A_28, %add3A_58 : vector<16xi32>
      %gather3A_60 = tpu.vector_load_idx %arg8[%add3A_59] : memref<576xf32, #tpu.memory_space<vmem>>[vector<16xi32>], vector<16xf32>,
      %broadcast_in_dim3A_61 = arith.constant 5 : i32
      %broadcast_in_dim3A_62 = vector.broadcast %broadcast_in_dim3A_61 : i32 to vector<16xi32>
      tpu.vector_store_idx %arg9[%add3A_15, %broadcast_in_dim3A_62], %gather3A_60 : memref<3136x16xf32, #tpu.memory_space<vmem>>[vector<16xi32>, vector<16xi32>], vector<16xf32>,
      %add3A_63 = arith.constant 3 : i32
      %add3A_64 = vector.broadcast %add3A_63 : i32 to vector<16xi32>
      %add3A_65 = arith.addi %mul3A_28, %add3A_64 : vector<16xi32>
      %gather3A_66 = tpu.vector_load_idx %arg8[%add3A_65] : memref<576xf32, #tpu.memory_space<vmem>>[vector<16xi32>], vector<16xf32>,
      %broadcast_in_dim3A_67 = arith.constant 6 : i32
      %broadcast_in_dim3A_68 = vector.broadcast %broadcast_in_dim3A_67 : i32 to vector<16xi32>
      tpu.vector_store_idx %arg9[%add3A_15, %broadcast_in_dim3A_68], %gather3A_66 : memref<3136x16xf32, #tpu.memory_space<vmem>>[vector<16xi32>, vector<16xi32>], vector<16xf32>,
      %add3A_69 = arith.constant 4 : i32
      %add3A_70 = vector.broadcast %add3A_69 : i32 to vector<16xi32>
      %add3A_71 = arith.addi %mul3A_28, %add3A_70 : vector<16xi32>
      %gather3A_72 = tpu.vector_load_idx %arg8[%add3A_71] : memref<576xf32, #tpu.memory_space<vmem>>[vector<16xi32>], vector<16xf32>,
      %broadcast_in_dim3A_73 = arith.constant 7 : i32
      %broadcast_in_dim3A_74 = vector.broadcast %broadcast_in_dim3A_73 : i32 to vector<16xi32>
      tpu.vector_store_idx %arg9[%add3A_15, %broadcast_in_dim3A_74], %gather3A_72 : memref<3136x16xf32, #tpu.memory_space<vmem>>[vector<16xi32>, vector<16xi32>], vector<16xf32>,
      %add3A_75 = arith.constant 5 : i32
      %add3A_76 = vector.broadcast %add3A_75 : i32 to vector<16xi32>
      %add3A_77 = arith.addi %mul3A_28, %add3A_76 : vector<16xi32>
      %gather3A_78 = tpu.vector_load_idx %arg8[%add3A_77] : memref<576xf32, #tpu.memory_space<vmem>>[vector<16xi32>], vector<16xf32>,
      %broadcast_in_dim3A_79 = arith.constant 8 : i32
      %broadcast_in_dim3A_80 = vector.broadcast %broadcast_in_dim3A_79 : i32 to vector<16xi32>
      tpu.vector_store_idx %arg9[%add3A_15, %broadcast_in_dim3A_80], %gather3A_78 : memref<3136x16xf32, #tpu.memory_space<vmem>>[vector<16xi32>, vector<16xi32>], vector<16xf32>,
      %add3A_81 = arith.constant 6 : i32
      %add3A_82 = vector.broadcast %add3A_81 : i32 to vector<16xi32>
      %add3A_83 = arith.addi %mul3A_28, %add3A_82 : vector<16xi32>
      %gather3A_84 = tpu.vector_load_idx %arg8[%add3A_83] : memref<576xf32, #tpu.memory_space<vmem>>[vector<16xi32>], vector<16xf32>,
      %broadcast_in_dim3A_85 = arith.constant 9 : i32
      %broadcast_in_dim3A_86 = vector.broadcast %broadcast_in_dim3A_85 : i32 to vector<16xi32>
      tpu.vector_store_idx %arg9[%add3A_15, %broadcast_in_dim3A_86], %gather3A_84 : memref<3136x16xf32, #tpu.memory_space<vmem>>[vector<16xi32>, vector<16xi32>], vector<16xf32>,
      %add3A_87 = arith.constant 7 : i32
      %add3A_88 = vector.broadcast %add3A_87 : i32 to vector<16xi32>
      %add3A_89 = arith.addi %mul3A_28, %add3A_88 : vector<16xi32>
      %gather3A_90 = tpu.vector_load_idx %arg8[%add3A_89] : memref<576xf32, #tpu.memory_space<vmem>>[vector<16xi32>], vector<16xf32>,
      %broadcast_in_dim3A_91 = arith.constant 10 : i32
      %broadcast_in_dim3A_92 = vector.broadcast %broadcast_in_dim3A_91 : i32 to vector<16xi32>
      tpu.vector_store_idx %arg9[%add3A_15, %broadcast_in_dim3A_92], %gather3A_90 : memref<3136x16xf32, #tpu.memory_space<vmem>>[vector<16xi32>, vector<16xi32>], vector<16xf32>,
      %add3A_93 = arith.constant 8 : i32
      %add3A_94 = vector.broadcast %add3A_93 : i32 to vector<16xi32>
      %add3A_95 = arith.addi %mul3A_28, %add3A_94 : vector<16xi32>
      %gather3A_96 = tpu.vector_load_idx %arg8[%add3A_95] : memref<576xf32, #tpu.memory_space<vmem>>[vector<16xi32>], vector<16xf32>,
      %broadcast_in_dim3A_97 = arith.constant 11 : i32
      %broadcast_in_dim3A_98 = vector.broadcast %broadcast_in_dim3A_97 : i32 to vector<16xi32>
      tpu.vector_store_idx %arg9[%add3A_15, %broadcast_in_dim3A_98], %gather3A_96 : memref<3136x16xf32, #tpu.memory_space<vmem>>[vector<16xi32>, vector<16xi32>], vector<16xf32>,
    }
    %scan3A_10 = arith.constant 196 : i32
    "tpu.region"() ({
      %run_scoped3A = tpu.sem_alloc : memref<!tpu.dma_semaphore, #tpu.memory_space<semaphore_mem>>
      %dma_start3A = arith.constant 0 : i32
      %dma_start3A_11 = tpu.memref_slice %arg5[%min3A_3, %dma_start3A] : memref<100000x16xf32, #tpu.memory_space<hbm>> -> memref<3136x16xf32, #tpu.memory_space<hbm>>
      %dma_start3A_12 = arith.constant 0 : i32
      %dma_start3A_13 = tpu.memref_slice %arg5[%min3A_3, %dma_start3A_12] : memref<100000x16xf32, #tpu.memory_space<hbm>> -> memref<3136x16xf32, #tpu.memory_space<hbm>>
      tpu.enqueue_dma source(%arg9 : memref<3136x16xf32, #tpu.memory_space<vmem>>) target(%dma_start3A_13 : memref<3136x16xf32, #tpu.memory_space<hbm>>) target_semaphore(%run_scoped3A : memref<!tpu.dma_semaphore, #tpu.memory_space<semaphore_mem>>)
      %dma_wait3A = arith.constant 0 : i32
      %dma_wait3A_14 = tpu.memref_slice %arg5[%min3A_3, %dma_wait3A] : memref<100000x16xf32, #tpu.memory_space<hbm>> -> memref<3136x16xf32, #tpu.memory_space<hbm>>
      %dma_wait3A_15 = arith.constant 0 : i32
      %dma_wait3A_16 = tpu.memref_slice %arg5[%min3A_3, %dma_wait3A_15] : memref<100000x16xf32, #tpu.memory_space<hbm>> -> memref<3136x16xf32, #tpu.memory_space<hbm>>
      tpu.wait_dma2 semaphore(%run_scoped3A : memref<!tpu.dma_semaphore, #tpu.memory_space<semaphore_mem>>) src(%arg9 : memref<3136x16xf32, #tpu.memory_space<vmem>>) dst(%dma_wait3A_16 : memref<3136x16xf32, #tpu.memory_space<hbm>>)
      tpu.yield
    }) : () -> ()
    return
  }
}

#map = affine_map<(d0, d1) -> (0, 0)>
#map1 = affine_map<(d0, d1) -> (0)>
module attributes {stable_mosaic.version = 14 : i64} {
  func.func @edges(%arg0: i32, %arg1: i32, %arg2: memref<100000x16xf32, #tpu.memory_space<hbm>>, %arg3: memref<6400000xi32, #tpu.memory_space<hbm>>, %arg4: memref<6400000xi32, #tpu.memory_space<hbm>>, %arg5: memref<6400000xf32, #tpu.memory_space<hbm>>, %arg6: memref<6400000xf32, #tpu.memory_space<hbm>>, %arg7: memref<6400000xf32, #tpu.memory_space<hbm>>, %arg8: memref<6400000xf32, #tpu.memory_space<hbm>>, %arg9: memref<6400000xf32, #tpu.memory_space<hbm>>, %arg10: memref<6400000xf32, #tpu.memory_space<hbm>>, %arg11: memref<6400000xf32, #tpu.memory_space<hbm>>, %arg12: memref<6400000xf32, #tpu.memory_space<hbm>>, %arg13: memref<6400000xf32, #tpu.memory_space<hbm>>, %arg14: memref<6400000xf32, #tpu.memory_space<hbm>>, %arg15: memref<1024xi32, #tpu.memory_space<vmem>>, %arg16: memref<1024xi32, #tpu.memory_space<vmem>>, %arg17: memref<1024xf32, #tpu.memory_space<vmem>>, %arg18: memref<1024xf32, #tpu.memory_space<vmem>>, %arg19: memref<1024xf32, #tpu.memory_space<vmem>>, %arg20: memref<8x128x16xf32, #tpu.memory_space<vmem>>, %arg21: memref<8x128x16xf32, #tpu.memory_space<vmem>>, %arg22: memref<7x1024xf32, #tpu.memory_space<vmem>>, %arg23: memref<1024xi32, #tpu.memory_space<vmem>>, %arg24: memref<1024xi32, #tpu.memory_space<vmem>>, %arg25: memref<1024xf32, #tpu.memory_space<vmem>>, %arg26: memref<1024xf32, #tpu.memory_space<vmem>>, %arg27: memref<1024xf32, #tpu.memory_space<vmem>>, %arg28: memref<8x128x16xf32, #tpu.memory_space<vmem>>, %arg29: memref<8x128x16xf32, #tpu.memory_space<vmem>>, %arg30: memref<7x1024xf32, #tpu.memory_space<vmem>>, %arg31: memref<!tpu.dma_semaphore, #tpu.memory_space<semaphore_mem>>, %arg32: memref<!tpu.dma_semaphore, #tpu.memory_space<semaphore_mem>>, %arg33: memref<!tpu.dma_semaphore, #tpu.memory_space<semaphore_mem>>, %arg34: memref<!tpu.dma_semaphore, #tpu.memory_space<semaphore_mem>>) attributes {dimension_semantics = [#tpu.dimension_semantics<core_parallel>, #tpu.dimension_semantics<subcore_parallel>], iteration_bounds = array<i64: 2, 16>, scalar_prefetch = 0 : i64, scratch_operands = 20 : i64, tpu.core_type = #tpu.core_type<sc_vector_subcore>, window_params = [{transform_indices = #map}, {transform_indices = #map1}, {transform_indices = #map1}, {transform_indices = #map1}, {transform_indices = #map1}, {transform_indices = #map1}, {transform_indices = #map1}, {transform_indices = #map1}, {transform_indices = #map1}, {transform_indices = #map1}, {transform_indices = #map1}, {transform_indices = #map1}, {transform_indices = #map1}]} {
    %mul3A = arith.constant 2 : i32
    %mul3A_0 = arith.muli %arg1, %mul3A : i32
    %add3A = arith.addi %mul3A_0, %arg0 : i32
    %mul3A_1 = arith.constant 200000 : i32
    %mul3A_2 = arith.muli %add3A, %mul3A_1 : i32
    %iota3A = tpu.iota {dimensions = array<i32: 0>} : vector<16xi32>
    %min3A = arith.constant 0 : i32
    %min3A_3 = arith.constant 198976 : i32
    %min3A_4 = arith.minsi %min3A, %min3A_3 : i32
    %add3A_5 = arith.addi %mul3A_2, %min3A_4 : i32
    "tpu.region"() ({
      %run_scoped3A = tpu.sem_alloc : memref<!tpu.dma_semaphore, #tpu.memory_space<semaphore_mem>>
      %dma_start3A_295 = tpu.memref_slice %arg3[%add3A_5] : memref<6400000xi32, #tpu.memory_space<hbm>> -> memref<1024xi32, #tpu.memory_space<hbm>>
      %dma_start3A_296 = tpu.memref_slice %arg3[%add3A_5] : memref<6400000xi32, #tpu.memory_space<hbm>> -> memref<1024xi32, #tpu.memory_space<hbm>>
      tpu.enqueue_dma source(%dma_start3A_296 : memref<1024xi32, #tpu.memory_space<hbm>>) target(%arg15 : memref<1024xi32, #tpu.memory_space<vmem>>) target_semaphore(%run_scoped3A : memref<!tpu.dma_semaphore, #tpu.memory_space<semaphore_mem>>)
      %dma_wait3A_297 = tpu.memref_slice %arg3[%add3A_5] : memref<6400000xi32, #tpu.memory_space<hbm>> -> memref<1024xi32, #tpu.memory_space<hbm>>
      %dma_wait3A_298 = tpu.memref_slice %arg3[%add3A_5] : memref<6400000xi32, #tpu.memory_space<hbm>> -> memref<1024xi32, #tpu.memory_space<hbm>>
      tpu.wait_dma2 semaphore(%run_scoped3A : memref<!tpu.dma_semaphore, #tpu.memory_space<semaphore_mem>>) src(%dma_wait3A_298 : memref<1024xi32, #tpu.memory_space<hbm>>) dst(%arg15 : memref<1024xi32, #tpu.memory_space<vmem>>)
      tpu.yield
    }) : () -> ()
    "tpu.region"() ({
      %run_scoped3A = tpu.sem_alloc : memref<!tpu.dma_semaphore, #tpu.memory_space<semaphore_mem>>
      %dma_start3A_295 = tpu.memref_slice %arg4[%add3A_5] : memref<6400000xi32, #tpu.memory_space<hbm>> -> memref<1024xi32, #tpu.memory_space<hbm>>
      %dma_start3A_296 = tpu.memref_slice %arg4[%add3A_5] : memref<6400000xi32, #tpu.memory_space<hbm>> -> memref<1024xi32, #tpu.memory_space<hbm>>
      tpu.enqueue_dma source(%dma_start3A_296 : memref<1024xi32, #tpu.memory_space<hbm>>) target(%arg16 : memref<1024xi32, #tpu.memory_space<vmem>>) target_semaphore(%run_scoped3A : memref<!tpu.dma_semaphore, #tpu.memory_space<semaphore_mem>>)
      %dma_wait3A_297 = tpu.memref_slice %arg4[%add3A_5] : memref<6400000xi32, #tpu.memory_space<hbm>> -> memref<1024xi32, #tpu.memory_space<hbm>>
      %dma_wait3A_298 = tpu.memref_slice %arg4[%add3A_5] : memref<6400000xi32, #tpu.memory_space<hbm>> -> memref<1024xi32, #tpu.memory_space<hbm>>
      tpu.wait_dma2 semaphore(%run_scoped3A : memref<!tpu.dma_semaphore, #tpu.memory_space<semaphore_mem>>) src(%dma_wait3A_298 : memref<1024xi32, #tpu.memory_space<hbm>>) dst(%arg16 : memref<1024xi32, #tpu.memory_space<vmem>>)
      tpu.yield
    }) : () -> ()
    "tpu.region"() ({
      %run_scoped3A = tpu.sem_alloc : memref<!tpu.dma_semaphore, #tpu.memory_space<semaphore_mem>>
      %dma_start3A_295 = tpu.memref_slice %arg5[%add3A_5] : memref<6400000xf32, #tpu.memory_space<hbm>> -> memref<1024xf32, #tpu.memory_space<hbm>>
      %dma_start3A_296 = tpu.memref_slice %arg5[%add3A_5] : memref<6400000xf32, #tpu.memory_space<hbm>> -> memref<1024xf32, #tpu.memory_space<hbm>>
      tpu.enqueue_dma source(%dma_start3A_296 : memref<1024xf32, #tpu.memory_space<hbm>>) target(%arg17 : memref<1024xf32, #tpu.memory_space<vmem>>) target_semaphore(%run_scoped3A : memref<!tpu.dma_semaphore, #tpu.memory_space<semaphore_mem>>)
      %dma_wait3A_297 = tpu.memref_slice %arg5[%add3A_5] : memref<6400000xf32, #tpu.memory_space<hbm>> -> memref<1024xf32, #tpu.memory_space<hbm>>
      %dma_wait3A_298 = tpu.memref_slice %arg5[%add3A_5] : memref<6400000xf32, #tpu.memory_space<hbm>> -> memref<1024xf32, #tpu.memory_space<hbm>>
      tpu.wait_dma2 semaphore(%run_scoped3A : memref<!tpu.dma_semaphore, #tpu.memory_space<semaphore_mem>>) src(%dma_wait3A_298 : memref<1024xf32, #tpu.memory_space<hbm>>) dst(%arg17 : memref<1024xf32, #tpu.memory_space<vmem>>)
      tpu.yield
    }) : () -> ()
    "tpu.region"() ({
      %run_scoped3A = tpu.sem_alloc : memref<!tpu.dma_semaphore, #tpu.memory_space<semaphore_mem>>
      %dma_start3A_295 = tpu.memref_slice %arg6[%add3A_5] : memref<6400000xf32, #tpu.memory_space<hbm>> -> memref<1024xf32, #tpu.memory_space<hbm>>
      %dma_start3A_296 = tpu.memref_slice %arg6[%add3A_5] : memref<6400000xf32, #tpu.memory_space<hbm>> -> memref<1024xf32, #tpu.memory_space<hbm>>
      tpu.enqueue_dma source(%dma_start3A_296 : memref<1024xf32, #tpu.memory_space<hbm>>) target(%arg18 : memref<1024xf32, #tpu.memory_space<vmem>>) target_semaphore(%run_scoped3A : memref<!tpu.dma_semaphore, #tpu.memory_space<semaphore_mem>>)
      %dma_wait3A_297 = tpu.memref_slice %arg6[%add3A_5] : memref<6400000xf32, #tpu.memory_space<hbm>> -> memref<1024xf32, #tpu.memory_space<hbm>>
      %dma_wait3A_298 = tpu.memref_slice %arg6[%add3A_5] : memref<6400000xf32, #tpu.memory_space<hbm>> -> memref<1024xf32, #tpu.memory_space<hbm>>
      tpu.wait_dma2 semaphore(%run_scoped3A : memref<!tpu.dma_semaphore, #tpu.memory_space<semaphore_mem>>) src(%dma_wait3A_298 : memref<1024xf32, #tpu.memory_space<hbm>>) dst(%arg18 : memref<1024xf32, #tpu.memory_space<vmem>>)
      tpu.yield
    }) : () -> ()
    "tpu.region"() ({
      %run_scoped3A = tpu.sem_alloc : memref<!tpu.dma_semaphore, #tpu.memory_space<semaphore_mem>>
      %dma_start3A_295 = tpu.memref_slice %arg7[%add3A_5] : memref<6400000xf32, #tpu.memory_space<hbm>> -> memref<1024xf32, #tpu.memory_space<hbm>>
      %dma_start3A_296 = tpu.memref_slice %arg7[%add3A_5] : memref<6400000xf32, #tpu.memory_space<hbm>> -> memref<1024xf32, #tpu.memory_space<hbm>>
      tpu.enqueue_dma source(%dma_start3A_296 : memref<1024xf32, #tpu.memory_space<hbm>>) target(%arg19 : memref<1024xf32, #tpu.memory_space<vmem>>) target_semaphore(%run_scoped3A : memref<!tpu.dma_semaphore, #tpu.memory_space<semaphore_mem>>)
      %dma_wait3A_297 = tpu.memref_slice %arg7[%add3A_5] : memref<6400000xf32, #tpu.memory_space<hbm>> -> memref<1024xf32, #tpu.memory_space<hbm>>
      %dma_wait3A_298 = tpu.memref_slice %arg7[%add3A_5] : memref<6400000xf32, #tpu.memory_space<hbm>> -> memref<1024xf32, #tpu.memory_space<hbm>>
      tpu.wait_dma2 semaphore(%run_scoped3A : memref<!tpu.dma_semaphore, #tpu.memory_space<semaphore_mem>>) src(%dma_wait3A_298 : memref<1024xf32, #tpu.memory_space<hbm>>) dst(%arg19 : memref<1024xf32, #tpu.memory_space<vmem>>)
      tpu.yield
    }) : () -> ()
    %dma_start3A = arith.constant 0 : i32
    %dma_start3A_6 = arith.constant 0 : i32
    %dma_start3A_7 = arith.constant 0 : i32
    %dma_start3A_8 = tpu.memref_slice %arg20[%dma_start3A, %dma_start3A_6, %dma_start3A_7] : memref<8x128x16xf32, #tpu.memory_space<vmem>> -> memref<1x128x16xf32, #tpu.memory_space<vmem>>
    %dma_start3A_9 = tpu.memref_squeeze %dma_start3A_8 : memref<1x128x16xf32, #tpu.memory_space<vmem>> -> memref<128x16xf32, #tpu.memory_space<vmem>>
    %dma_start3A_10 = arith.constant 0 : i32
    %dma_start3A_11 = tpu.memref_slice %arg16[%dma_start3A_10] : memref<1024xi32, #tpu.memory_space<vmem>> -> memref<128xi32, #tpu.memory_space<vmem>>
    %dma_start3A_12 = arith.constant 0 : i32
    %dma_start3A_13 = arith.constant 0 : i32
    %dma_start3A_14 = tpu.memref_slice %arg2[%dma_start3A_12, %dma_start3A_13] : memref<100000x16xf32, #tpu.memory_space<hbm>> -> memref<100000x16xf32, #tpu.memory_space<hbm>>
    tpu.enqueue_indirect_dma source(%dma_start3A_14 : memref<100000x16xf32, #tpu.memory_space<hbm>>) target(%dma_start3A_9 : memref<128x16xf32, #tpu.memory_space<vmem>>) offsets(%dma_start3A_11 : memref<128xi32, #tpu.memory_space<vmem>>) semaphore(%arg31 : memref<!tpu.dma_semaphore, #tpu.memory_space<semaphore_mem>>)
    %dma_start3A_15 = arith.constant 0 : i32
    %dma_start3A_16 = arith.constant 0 : i32
    %dma_start3A_17 = arith.constant 0 : i32
    %dma_start3A_18 = tpu.memref_slice %arg21[%dma_start3A_15, %dma_start3A_16, %dma_start3A_17] : memref<8x128x16xf32, #tpu.memory_space<vmem>> -> memref<1x128x16xf32, #tpu.memory_space<vmem>>
    %dma_start3A_19 = tpu.memref_squeeze %dma_start3A_18 : memref<1x128x16xf32, #tpu.memory_space<vmem>> -> memref<128x16xf32, #tpu.memory_space<vmem>>
    %dma_start3A_20 = arith.constant 0 : i32
    %dma_start3A_21 = tpu.memref_slice %arg15[%dma_start3A_20] : memref<1024xi32, #tpu.memory_space<vmem>> -> memref<128xi32, #tpu.memory_space<vmem>>
    %dma_start3A_22 = arith.constant 0 : i32
    %dma_start3A_23 = arith.constant 0 : i32
    %dma_start3A_24 = tpu.memref_slice %arg2[%dma_start3A_22, %dma_start3A_23] : memref<100000x16xf32, #tpu.memory_space<hbm>> -> memref<100000x16xf32, #tpu.memory_space<hbm>>
    tpu.enqueue_indirect_dma source(%dma_start3A_24 : memref<100000x16xf32, #tpu.memory_space<hbm>>) target(%dma_start3A_19 : memref<128x16xf32, #tpu.memory_space<vmem>>) offsets(%dma_start3A_21 : memref<128xi32, #tpu.memory_space<vmem>>) semaphore(%arg31 : memref<!tpu.dma_semaphore, #tpu.memory_space<semaphore_mem>>)
    %dma_start3A_25 = arith.constant 1 : i32
    %dma_start3A_26 = arith.constant 0 : i32
    %dma_start3A_27 = arith.constant 0 : i32
    %dma_start3A_28 = tpu.memref_slice %arg20[%dma_start3A_25, %dma_start3A_26, %dma_start3A_27] : memref<8x128x16xf32, #tpu.memory_space<vmem>> -> memref<1x128x16xf32, #tpu.memory_space<vmem>>
    %dma_start3A_29 = tpu.memref_squeeze %dma_start3A_28 : memref<1x128x16xf32, #tpu.memory_space<vmem>> -> memref<128x16xf32, #tpu.memory_space<vmem>>
    %dma_start3A_30 = arith.constant 128 : i32
    %dma_start3A_31 = tpu.memref_slice %arg16[%dma_start3A_30] : memref<1024xi32, #tpu.memory_space<vmem>> -> memref<128xi32, #tpu.memory_space<vmem>>
    %dma_start3A_32 = arith.constant 0 : i32
    %dma_start3A_33 = arith.constant 0 : i32
    %dma_start3A_34 = tpu.memref_slice %arg2[%dma_start3A_32, %dma_start3A_33] : memref<100000x16xf32, #tpu.memory_space<hbm>> -> memref<100000x16xf32, #tpu.memory_space<hbm>>
    tpu.enqueue_indirect_dma source(%dma_start3A_34 : memref<100000x16xf32, #tpu.memory_space<hbm>>) target(%dma_start3A_29 : memref<128x16xf32, #tpu.memory_space<vmem>>) offsets(%dma_start3A_31 : memref<128xi32, #tpu.memory_space<vmem>>) semaphore(%arg31 : memref<!tpu.dma_semaphore, #tpu.memory_space<semaphore_mem>>)
    %dma_start3A_35 = arith.constant 1 : i32
    %dma_start3A_36 = arith.constant 0 : i32
    %dma_start3A_37 = arith.constant 0 : i32
    %dma_start3A_38 = tpu.memref_slice %arg21[%dma_start3A_35, %dma_start3A_36, %dma_start3A_37] : memref<8x128x16xf32, #tpu.memory_space<vmem>> -> memref<1x128x16xf32, #tpu.memory_space<vmem>>
    %dma_start3A_39 = tpu.memref_squeeze %dma_start3A_38 : memref<1x128x16xf32, #tpu.memory_space<vmem>> -> memref<128x16xf32, #tpu.memory_space<vmem>>
    %dma_start3A_40 = arith.constant 128 : i32
    %dma_start3A_41 = tpu.memref_slice %arg15[%dma_start3A_40] : memref<1024xi32, #tpu.memory_space<vmem>> -> memref<128xi32, #tpu.memory_space<vmem>>
    %dma_start3A_42 = arith.constant 0 : i32
    %dma_start3A_43 = arith.constant 0 : i32
    %dma_start3A_44 = tpu.memref_slice %arg2[%dma_start3A_42, %dma_start3A_43] : memref<100000x16xf32, #tpu.memory_space<hbm>> -> memref<100000x16xf32, #tpu.memory_space<hbm>>
    tpu.enqueue_indirect_dma source(%dma_start3A_44 : memref<100000x16xf32, #tpu.memory_space<hbm>>) target(%dma_start3A_39 : memref<128x16xf32, #tpu.memory_space<vmem>>) offsets(%dma_start3A_41 : memref<128xi32, #tpu.memory_space<vmem>>) semaphore(%arg31 : memref<!tpu.dma_semaphore, #tpu.memory_space<semaphore_mem>>)
    %dma_start3A_45 = arith.constant 2 : i32
    %dma_start3A_46 = arith.constant 0 : i32
    %dma_start3A_47 = arith.constant 0 : i32
    %dma_start3A_48 = tpu.memref_slice %arg20[%dma_start3A_45, %dma_start3A_46, %dma_start3A_47] : memref<8x128x16xf32, #tpu.memory_space<vmem>> -> memref<1x128x16xf32, #tpu.memory_space<vmem>>
    %dma_start3A_49 = tpu.memref_squeeze %dma_start3A_48 : memref<1x128x16xf32, #tpu.memory_space<vmem>> -> memref<128x16xf32, #tpu.memory_space<vmem>>
    %dma_start3A_50 = arith.constant 256 : i32
    %dma_start3A_51 = tpu.memref_slice %arg16[%dma_start3A_50] : memref<1024xi32, #tpu.memory_space<vmem>> -> memref<128xi32, #tpu.memory_space<vmem>>
    %dma_start3A_52 = arith.constant 0 : i32
    %dma_start3A_53 = arith.constant 0 : i32
    %dma_start3A_54 = tpu.memref_slice %arg2[%dma_start3A_52, %dma_start3A_53] : memref<100000x16xf32, #tpu.memory_space<hbm>> -> memref<100000x16xf32, #tpu.memory_space<hbm>>
    tpu.enqueue_indirect_dma source(%dma_start3A_54 : memref<100000x16xf32, #tpu.memory_space<hbm>>) target(%dma_start3A_49 : memref<128x16xf32, #tpu.memory_space<vmem>>) offsets(%dma_start3A_51 : memref<128xi32, #tpu.memory_space<vmem>>) semaphore(%arg31 : memref<!tpu.dma_semaphore, #tpu.memory_space<semaphore_mem>>)
    %dma_start3A_55 = arith.constant 2 : i32
    %dma_start3A_56 = arith.constant 0 : i32
    %dma_start3A_57 = arith.constant 0 : i32
    %dma_start3A_58 = tpu.memref_slice %arg21[%dma_start3A_55, %dma_start3A_56, %dma_start3A_57] : memref<8x128x16xf32, #tpu.memory_space<vmem>> -> memref<1x128x16xf32, #tpu.memory_space<vmem>>
    %dma_start3A_59 = tpu.memref_squeeze %dma_start3A_58 : memref<1x128x16xf32, #tpu.memory_space<vmem>> -> memref<128x16xf32, #tpu.memory_space<vmem>>
    %dma_start3A_60 = arith.constant 256 : i32
    %dma_start3A_61 = tpu.memref_slice %arg15[%dma_start3A_60] : memref<1024xi32, #tpu.memory_space<vmem>> -> memref<128xi32, #tpu.memory_space<vmem>>
    %dma_start3A_62 = arith.constant 0 : i32
    %dma_start3A_63 = arith.constant 0 : i32
    %dma_start3A_64 = tpu.memref_slice %arg2[%dma_start3A_62, %dma_start3A_63] : memref<100000x16xf32, #tpu.memory_space<hbm>> -> memref<100000x16xf32, #tpu.memory_space<hbm>>
    tpu.enqueue_indirect_dma source(%dma_start3A_64 : memref<100000x16xf32, #tpu.memory_space<hbm>>) target(%dma_start3A_59 : memref<128x16xf32, #tpu.memory_space<vmem>>) offsets(%dma_start3A_61 : memref<128xi32, #tpu.memory_space<vmem>>) semaphore(%arg31 : memref<!tpu.dma_semaphore, #tpu.memory_space<semaphore_mem>>)
    %dma_start3A_65 = arith.constant 3 : i32
    %dma_start3A_66 = arith.constant 0 : i32
    %dma_start3A_67 = arith.constant 0 : i32
    %dma_start3A_68 = tpu.memref_slice %arg20[%dma_start3A_65, %dma_start3A_66, %dma_start3A_67] : memref<8x128x16xf32, #tpu.memory_space<vmem>> -> memref<1x128x16xf32, #tpu.memory_space<vmem>>
    %dma_start3A_69 = tpu.memref_squeeze %dma_start3A_68 : memref<1x128x16xf32, #tpu.memory_space<vmem>> -> memref<128x16xf32, #tpu.memory_space<vmem>>
    %dma_start3A_70 = arith.constant 384 : i32
    %dma_start3A_71 = tpu.memref_slice %arg16[%dma_start3A_70] : memref<1024xi32, #tpu.memory_space<vmem>> -> memref<128xi32, #tpu.memory_space<vmem>>
    %dma_start3A_72 = arith.constant 0 : i32
    %dma_start3A_73 = arith.constant 0 : i32
    %dma_start3A_74 = tpu.memref_slice %arg2[%dma_start3A_72, %dma_start3A_73] : memref<100000x16xf32, #tpu.memory_space<hbm>> -> memref<100000x16xf32, #tpu.memory_space<hbm>>
    tpu.enqueue_indirect_dma source(%dma_start3A_74 : memref<100000x16xf32, #tpu.memory_space<hbm>>) target(%dma_start3A_69 : memref<128x16xf32, #tpu.memory_space<vmem>>) offsets(%dma_start3A_71 : memref<128xi32, #tpu.memory_space<vmem>>) semaphore(%arg31 : memref<!tpu.dma_semaphore, #tpu.memory_space<semaphore_mem>>)
    %dma_start3A_75 = arith.constant 3 : i32
    %dma_start3A_76 = arith.constant 0 : i32
    %dma_start3A_77 = arith.constant 0 : i32
    %dma_start3A_78 = tpu.memref_slice %arg21[%dma_start3A_75, %dma_start3A_76, %dma_start3A_77] : memref<8x128x16xf32, #tpu.memory_space<vmem>> -> memref<1x128x16xf32, #tpu.memory_space<vmem>>
    %dma_start3A_79 = tpu.memref_squeeze %dma_start3A_78 : memref<1x128x16xf32, #tpu.memory_space<vmem>> -> memref<128x16xf32, #tpu.memory_space<vmem>>
    %dma_start3A_80 = arith.constant 384 : i32
    %dma_start3A_81 = tpu.memref_slice %arg15[%dma_start3A_80] : memref<1024xi32, #tpu.memory_space<vmem>> -> memref<128xi32, #tpu.memory_space<vmem>>
    %dma_start3A_82 = arith.constant 0 : i32
    %dma_start3A_83 = arith.constant 0 : i32
    %dma_start3A_84 = tpu.memref_slice %arg2[%dma_start3A_82, %dma_start3A_83] : memref<100000x16xf32, #tpu.memory_space<hbm>> -> memref<100000x16xf32, #tpu.memory_space<hbm>>
    tpu.enqueue_indirect_dma source(%dma_start3A_84 : memref<100000x16xf32, #tpu.memory_space<hbm>>) target(%dma_start3A_79 : memref<128x16xf32, #tpu.memory_space<vmem>>) offsets(%dma_start3A_81 : memref<128xi32, #tpu.memory_space<vmem>>) semaphore(%arg31 : memref<!tpu.dma_semaphore, #tpu.memory_space<semaphore_mem>>)
    %dma_start3A_85 = arith.constant 4 : i32
    %dma_start3A_86 = arith.constant 0 : i32
    %dma_start3A_87 = arith.constant 0 : i32
    %dma_start3A_88 = tpu.memref_slice %arg20[%dma_start3A_85, %dma_start3A_86, %dma_start3A_87] : memref<8x128x16xf32, #tpu.memory_space<vmem>> -> memref<1x128x16xf32, #tpu.memory_space<vmem>>
    %dma_start3A_89 = tpu.memref_squeeze %dma_start3A_88 : memref<1x128x16xf32, #tpu.memory_space<vmem>> -> memref<128x16xf32, #tpu.memory_space<vmem>>
    %dma_start3A_90 = arith.constant 512 : i32
    %dma_start3A_91 = tpu.memref_slice %arg16[%dma_start3A_90] : memref<1024xi32, #tpu.memory_space<vmem>> -> memref<128xi32, #tpu.memory_space<vmem>>
    %dma_start3A_92 = arith.constant 0 : i32
    %dma_start3A_93 = arith.constant 0 : i32
    %dma_start3A_94 = tpu.memref_slice %arg2[%dma_start3A_92, %dma_start3A_93] : memref<100000x16xf32, #tpu.memory_space<hbm>> -> memref<100000x16xf32, #tpu.memory_space<hbm>>
    tpu.enqueue_indirect_dma source(%dma_start3A_94 : memref<100000x16xf32, #tpu.memory_space<hbm>>) target(%dma_start3A_89 : memref<128x16xf32, #tpu.memory_space<vmem>>) offsets(%dma_start3A_91 : memref<128xi32, #tpu.memory_space<vmem>>) semaphore(%arg31 : memref<!tpu.dma_semaphore, #tpu.memory_space<semaphore_mem>>)
    %dma_start3A_95 = arith.constant 4 : i32
    %dma_start3A_96 = arith.constant 0 : i32
    %dma_start3A_97 = arith.constant 0 : i32
    %dma_start3A_98 = tpu.memref_slice %arg21[%dma_start3A_95, %dma_start3A_96, %dma_start3A_97] : memref<8x128x16xf32, #tpu.memory_space<vmem>> -> memref<1x128x16xf32, #tpu.memory_space<vmem>>
    %dma_start3A_99 = tpu.memref_squeeze %dma_start3A_98 : memref<1x128x16xf32, #tpu.memory_space<vmem>> -> memref<128x16xf32, #tpu.memory_space<vmem>>
    %dma_start3A_100 = arith.constant 512 : i32
    %dma_start3A_101 = tpu.memref_slice %arg15[%dma_start3A_100] : memref<1024xi32, #tpu.memory_space<vmem>> -> memref<128xi32, #tpu.memory_space<vmem>>
    %dma_start3A_102 = arith.constant 0 : i32
    %dma_start3A_103 = arith.constant 0 : i32
    %dma_start3A_104 = tpu.memref_slice %arg2[%dma_start3A_102, %dma_start3A_103] : memref<100000x16xf32, #tpu.memory_space<hbm>> -> memref<100000x16xf32, #tpu.memory_space<hbm>>
    tpu.enqueue_indirect_dma source(%dma_start3A_104 : memref<100000x16xf32, #tpu.memory_space<hbm>>) target(%dma_start3A_99 : memref<128x16xf32, #tpu.memory_space<vmem>>) offsets(%dma_start3A_101 : memref<128xi32, #tpu.memory_space<vmem>>) semaphore(%arg31 : memref<!tpu.dma_semaphore, #tpu.memory_space<semaphore_mem>>)
    %dma_start3A_105 = arith.constant 5 : i32
    %dma_start3A_106 = arith.constant 0 : i32
    %dma_start3A_107 = arith.constant 0 : i32
    %dma_start3A_108 = tpu.memref_slice %arg20[%dma_start3A_105, %dma_start3A_106, %dma_start3A_107] : memref<8x128x16xf32, #tpu.memory_space<vmem>> -> memref<1x128x16xf32, #tpu.memory_space<vmem>>
    %dma_start3A_109 = tpu.memref_squeeze %dma_start3A_108 : memref<1x128x16xf32, #tpu.memory_space<vmem>> -> memref<128x16xf32, #tpu.memory_space<vmem>>
    %dma_start3A_110 = arith.constant 640 : i32
    %dma_start3A_111 = tpu.memref_slice %arg16[%dma_start3A_110] : memref<1024xi32, #tpu.memory_space<vmem>> -> memref<128xi32, #tpu.memory_space<vmem>>
    %dma_start3A_112 = arith.constant 0 : i32
    %dma_start3A_113 = arith.constant 0 : i32
    %dma_start3A_114 = tpu.memref_slice %arg2[%dma_start3A_112, %dma_start3A_113] : memref<100000x16xf32, #tpu.memory_space<hbm>> -> memref<100000x16xf32, #tpu.memory_space<hbm>>
    tpu.enqueue_indirect_dma source(%dma_start3A_114 : memref<100000x16xf32, #tpu.memory_space<hbm>>) target(%dma_start3A_109 : memref<128x16xf32, #tpu.memory_space<vmem>>) offsets(%dma_start3A_111 : memref<128xi32, #tpu.memory_space<vmem>>) semaphore(%arg31 : memref<!tpu.dma_semaphore, #tpu.memory_space<semaphore_mem>>)
    %dma_start3A_115 = arith.constant 5 : i32
    %dma_start3A_116 = arith.constant 0 : i32
    %dma_start3A_117 = arith.constant 0 : i32
    %dma_start3A_118 = tpu.memref_slice %arg21[%dma_start3A_115, %dma_start3A_116, %dma_start3A_117] : memref<8x128x16xf32, #tpu.memory_space<vmem>> -> memref<1x128x16xf32, #tpu.memory_space<vmem>>
    %dma_start3A_119 = tpu.memref_squeeze %dma_start3A_118 : memref<1x128x16xf32, #tpu.memory_space<vmem>> -> memref<128x16xf32, #tpu.memory_space<vmem>>
    %dma_start3A_120 = arith.constant 640 : i32
    %dma_start3A_121 = tpu.memref_slice %arg15[%dma_start3A_120] : memref<1024xi32, #tpu.memory_space<vmem>> -> memref<128xi32, #tpu.memory_space<vmem>>
    %dma_start3A_122 = arith.constant 0 : i32
    %dma_start3A_123 = arith.constant 0 : i32
    %dma_start3A_124 = tpu.memref_slice %arg2[%dma_start3A_122, %dma_start3A_123] : memref<100000x16xf32, #tpu.memory_space<hbm>> -> memref<100000x16xf32, #tpu.memory_space<hbm>>
    tpu.enqueue_indirect_dma source(%dma_start3A_124 : memref<100000x16xf32, #tpu.memory_space<hbm>>) target(%dma_start3A_119 : memref<128x16xf32, #tpu.memory_space<vmem>>) offsets(%dma_start3A_121 : memref<128xi32, #tpu.memory_space<vmem>>) semaphore(%arg31 : memref<!tpu.dma_semaphore, #tpu.memory_space<semaphore_mem>>)
    %dma_start3A_125 = arith.constant 6 : i32
    %dma_start3A_126 = arith.constant 0 : i32
    %dma_start3A_127 = arith.constant 0 : i32
    %dma_start3A_128 = tpu.memref_slice %arg20[%dma_start3A_125, %dma_start3A_126, %dma_start3A_127] : memref<8x128x16xf32, #tpu.memory_space<vmem>> -> memref<1x128x16xf32, #tpu.memory_space<vmem>>
    %dma_start3A_129 = tpu.memref_squeeze %dma_start3A_128 : memref<1x128x16xf32, #tpu.memory_space<vmem>> -> memref<128x16xf32, #tpu.memory_space<vmem>>
    %dma_start3A_130 = arith.constant 768 : i32
    %dma_start3A_131 = tpu.memref_slice %arg16[%dma_start3A_130] : memref<1024xi32, #tpu.memory_space<vmem>> -> memref<128xi32, #tpu.memory_space<vmem>>
    %dma_start3A_132 = arith.constant 0 : i32
    %dma_start3A_133 = arith.constant 0 : i32
    %dma_start3A_134 = tpu.memref_slice %arg2[%dma_start3A_132, %dma_start3A_133] : memref<100000x16xf32, #tpu.memory_space<hbm>> -> memref<100000x16xf32, #tpu.memory_space<hbm>>
    tpu.enqueue_indirect_dma source(%dma_start3A_134 : memref<100000x16xf32, #tpu.memory_space<hbm>>) target(%dma_start3A_129 : memref<128x16xf32, #tpu.memory_space<vmem>>) offsets(%dma_start3A_131 : memref<128xi32, #tpu.memory_space<vmem>>) semaphore(%arg31 : memref<!tpu.dma_semaphore, #tpu.memory_space<semaphore_mem>>)
    %dma_start3A_135 = arith.constant 6 : i32
    %dma_start3A_136 = arith.constant 0 : i32
    %dma_start3A_137 = arith.constant 0 : i32
    %dma_start3A_138 = tpu.memref_slice %arg21[%dma_start3A_135, %dma_start3A_136, %dma_start3A_137] : memref<8x128x16xf32, #tpu.memory_space<vmem>> -> memref<1x128x16xf32, #tpu.memory_space<vmem>>
    %dma_start3A_139 = tpu.memref_squeeze %dma_start3A_138 : memref<1x128x16xf32, #tpu.memory_space<vmem>> -> memref<128x16xf32, #tpu.memory_space<vmem>>
    %dma_start3A_140 = arith.constant 768 : i32
    %dma_start3A_141 = tpu.memref_slice %arg15[%dma_start3A_140] : memref<1024xi32, #tpu.memory_space<vmem>> -> memref<128xi32, #tpu.memory_space<vmem>>
    %dma_start3A_142 = arith.constant 0 : i32
    %dma_start3A_143 = arith.constant 0 : i32
    %dma_start3A_144 = tpu.memref_slice %arg2[%dma_start3A_142, %dma_start3A_143] : memref<100000x16xf32, #tpu.memory_space<hbm>> -> memref<100000x16xf32, #tpu.memory_space<hbm>>
    tpu.enqueue_indirect_dma source(%dma_start3A_144 : memref<100000x16xf32, #tpu.memory_space<hbm>>) target(%dma_start3A_139 : memref<128x16xf32, #tpu.memory_space<vmem>>) offsets(%dma_start3A_141 : memref<128xi32, #tpu.memory_space<vmem>>) semaphore(%arg31 : memref<!tpu.dma_semaphore, #tpu.memory_space<semaphore_mem>>)
    %dma_start3A_145 = arith.constant 7 : i32
    %dma_start3A_146 = arith.constant 0 : i32
    %dma_start3A_147 = arith.constant 0 : i32
    %dma_start3A_148 = tpu.memref_slice %arg20[%dma_start3A_145, %dma_start3A_146, %dma_start3A_147] : memref<8x128x16xf32, #tpu.memory_space<vmem>> -> memref<1x128x16xf32, #tpu.memory_space<vmem>>
    %dma_start3A_149 = tpu.memref_squeeze %dma_start3A_148 : memref<1x128x16xf32, #tpu.memory_space<vmem>> -> memref<128x16xf32, #tpu.memory_space<vmem>>
    %dma_start3A_150 = arith.constant 896 : i32
    %dma_start3A_151 = tpu.memref_slice %arg16[%dma_start3A_150] : memref<1024xi32, #tpu.memory_space<vmem>> -> memref<128xi32, #tpu.memory_space<vmem>>
    %dma_start3A_152 = arith.constant 0 : i32
    %dma_start3A_153 = arith.constant 0 : i32
    %dma_start3A_154 = tpu.memref_slice %arg2[%dma_start3A_152, %dma_start3A_153] : memref<100000x16xf32, #tpu.memory_space<hbm>> -> memref<100000x16xf32, #tpu.memory_space<hbm>>
    tpu.enqueue_indirect_dma source(%dma_start3A_154 : memref<100000x16xf32, #tpu.memory_space<hbm>>) target(%dma_start3A_149 : memref<128x16xf32, #tpu.memory_space<vmem>>) offsets(%dma_start3A_151 : memref<128xi32, #tpu.memory_space<vmem>>) semaphore(%arg31 : memref<!tpu.dma_semaphore, #tpu.memory_space<semaphore_mem>>)
    %dma_start3A_155 = arith.constant 7 : i32
    %dma_start3A_156 = arith.constant 0 : i32
    %dma_start3A_157 = arith.constant 0 : i32
    %dma_start3A_158 = tpu.memref_slice %arg21[%dma_start3A_155, %dma_start3A_156, %dma_start3A_157] : memref<8x128x16xf32, #tpu.memory_space<vmem>> -> memref<1x128x16xf32, #tpu.memory_space<vmem>>
    %dma_start3A_159 = tpu.memref_squeeze %dma_start3A_158 : memref<1x128x16xf32, #tpu.memory_space<vmem>> -> memref<128x16xf32, #tpu.memory_space<vmem>>
    %dma_start3A_160 = arith.constant 896 : i32
    %dma_start3A_161 = tpu.memref_slice %arg15[%dma_start3A_160] : memref<1024xi32, #tpu.memory_space<vmem>> -> memref<128xi32, #tpu.memory_space<vmem>>
    %dma_start3A_162 = arith.constant 0 : i32
    %dma_start3A_163 = arith.constant 0 : i32
    %dma_start3A_164 = tpu.memref_slice %arg2[%dma_start3A_162, %dma_start3A_163] : memref<100000x16xf32, #tpu.memory_space<hbm>> -> memref<100000x16xf32, #tpu.memory_space<hbm>>
    tpu.enqueue_indirect_dma source(%dma_start3A_164 : memref<100000x16xf32, #tpu.memory_space<hbm>>) target(%dma_start3A_159 : memref<128x16xf32, #tpu.memory_space<vmem>>) offsets(%dma_start3A_161 : memref<128xi32, #tpu.memory_space<vmem>>) semaphore(%arg31 : memref<!tpu.dma_semaphore, #tpu.memory_space<semaphore_mem>>)
    %scan3A = arith.constant 0 : i32
    %scan3A_165 = arith.constant 0 : i32
    %scan3A_166 = arith.constant 98 : i32
    %scan3A_167 = arith.addi %scan3A_165, %scan3A_166 : i32
    %scan3A_168 = arith.constant 1 : i32
    scf.for %scan3A_295 = %scan3A_165 to %scan3A_167 step %scan3A_168  : i32 {
      %mul3A_296 = arith.constant 2 : i32
      %mul3A_297 = arith.muli %mul3A_296, %scan3A_295 : i32
      %add3A_298 = arith.constant 1 : i32
      %add3A_299 = arith.addi %mul3A_297, %add3A_298 : i32
      %mul3A_300 = arith.constant 1024 : i32
      %mul3A_301 = arith.muli %add3A_299, %mul3A_300 : i32
      %min3A_302 = arith.constant 198976 : i32
      %min3A_303 = arith.minsi %mul3A_301, %min3A_302 : i32
      %add3A_304 = arith.addi %mul3A_2, %min3A_303 : i32
      "tpu.region"() ({
        %run_scoped3A = tpu.sem_alloc : memref<!tpu.dma_semaphore, #tpu.memory_space<semaphore_mem>>
        %dma_start3A_946 = tpu.memref_slice %arg3[%add3A_304] : memref<6400000xi32, #tpu.memory_space<hbm>> -> memref<1024xi32, #tpu.memory_space<hbm>>
        %dma_start3A_947 = tpu.memref_slice %arg3[%add3A_304] : memref<6400000xi32, #tpu.memory_space<hbm>> -> memref<1024xi32, #tpu.memory_space<hbm>>
        tpu.enqueue_dma source(%dma_start3A_947 : memref<1024xi32, #tpu.memory_space<hbm>>) target(%arg23 : memref<1024xi32, #tpu.memory_space<vmem>>) target_semaphore(%run_scoped3A : memref<!tpu.dma_semaphore, #tpu.memory_space<semaphore_mem>>)
        %dma_wait3A_948 = tpu.memref_slice %arg3[%add3A_304] : memref<6400000xi32, #tpu.memory_space<hbm>> -> memref<1024xi32, #tpu.memory_space<hbm>>
        %dma_wait3A_949 = tpu.memref_slice %arg3[%add3A_304] : memref<6400000xi32, #tpu.memory_space<hbm>> -> memref<1024xi32, #tpu.memory_space<hbm>>
        tpu.wait_dma2 semaphore(%run_scoped3A : memref<!tpu.dma_semaphore, #tpu.memory_space<semaphore_mem>>) src(%dma_wait3A_949 : memref<1024xi32, #tpu.memory_space<hbm>>) dst(%arg23 : memref<1024xi32, #tpu.memory_space<vmem>>)
        tpu.yield
      }) : () -> ()
      "tpu.region"() ({
        %run_scoped3A = tpu.sem_alloc : memref<!tpu.dma_semaphore, #tpu.memory_space<semaphore_mem>>
        %dma_start3A_946 = tpu.memref_slice %arg4[%add3A_304] : memref<6400000xi32, #tpu.memory_space<hbm>> -> memref<1024xi32, #tpu.memory_space<hbm>>
        %dma_start3A_947 = tpu.memref_slice %arg4[%add3A_304] : memref<6400000xi32, #tpu.memory_space<hbm>> -> memref<1024xi32, #tpu.memory_space<hbm>>
        tpu.enqueue_dma source(%dma_start3A_947 : memref<1024xi32, #tpu.memory_space<hbm>>) target(%arg24 : memref<1024xi32, #tpu.memory_space<vmem>>) target_semaphore(%run_scoped3A : memref<!tpu.dma_semaphore, #tpu.memory_space<semaphore_mem>>)
        %dma_wait3A_948 = tpu.memref_slice %arg4[%add3A_304] : memref<6400000xi32, #tpu.memory_space<hbm>> -> memref<1024xi32, #tpu.memory_space<hbm>>
        %dma_wait3A_949 = tpu.memref_slice %arg4[%add3A_304] : memref<6400000xi32, #tpu.memory_space<hbm>> -> memref<1024xi32, #tpu.memory_space<hbm>>
        tpu.wait_dma2 semaphore(%run_scoped3A : memref<!tpu.dma_semaphore, #tpu.memory_space<semaphore_mem>>) src(%dma_wait3A_949 : memref<1024xi32, #tpu.memory_space<hbm>>) dst(%arg24 : memref<1024xi32, #tpu.memory_space<vmem>>)
        tpu.yield
      }) : () -> ()
      "tpu.region"() ({
        %run_scoped3A = tpu.sem_alloc : memref<!tpu.dma_semaphore, #tpu.memory_space<semaphore_mem>>
        %dma_start3A_946 = tpu.memref_slice %arg5[%add3A_304] : memref<6400000xf32, #tpu.memory_space<hbm>> -> memref<1024xf32, #tpu.memory_space<hbm>>
        %dma_start3A_947 = tpu.memref_slice %arg5[%add3A_304] : memref<6400000xf32, #tpu.memory_space<hbm>> -> memref<1024xf32, #tpu.memory_space<hbm>>
        tpu.enqueue_dma source(%dma_start3A_947 : memref<1024xf32, #tpu.memory_space<hbm>>) target(%arg25 : memref<1024xf32, #tpu.memory_space<vmem>>) target_semaphore(%run_scoped3A : memref<!tpu.dma_semaphore, #tpu.memory_space<semaphore_mem>>)
        %dma_wait3A_948 = tpu.memref_slice %arg5[%add3A_304] : memref<6400000xf32, #tpu.memory_space<hbm>> -> memref<1024xf32, #tpu.memory_space<hbm>>
        %dma_wait3A_949 = tpu.memref_slice %arg5[%add3A_304] : memref<6400000xf32, #tpu.memory_space<hbm>> -> memref<1024xf32, #tpu.memory_space<hbm>>
        tpu.wait_dma2 semaphore(%run_scoped3A : memref<!tpu.dma_semaphore, #tpu.memory_space<semaphore_mem>>) src(%dma_wait3A_949 : memref<1024xf32, #tpu.memory_space<hbm>>) dst(%arg25 : memref<1024xf32, #tpu.memory_space<vmem>>)
        tpu.yield
      }) : () -> ()
      "tpu.region"() ({
        %run_scoped3A = tpu.sem_alloc : memref<!tpu.dma_semaphore, #tpu.memory_space<semaphore_mem>>
        %dma_start3A_946 = tpu.memref_slice %arg6[%add3A_304] : memref<6400000xf32, #tpu.memory_space<hbm>> -> memref<1024xf32, #tpu.memory_space<hbm>>
        %dma_start3A_947 = tpu.memref_slice %arg6[%add3A_304] : memref<6400000xf32, #tpu.memory_space<hbm>> -> memref<1024xf32, #tpu.memory_space<hbm>>
        tpu.enqueue_dma source(%dma_start3A_947 : memref<1024xf32, #tpu.memory_space<hbm>>) target(%arg26 : memref<1024xf32, #tpu.memory_space<vmem>>) target_semaphore(%run_scoped3A : memref<!tpu.dma_semaphore, #tpu.memory_space<semaphore_mem>>)
        %dma_wait3A_948 = tpu.memref_slice %arg6[%add3A_304] : memref<6400000xf32, #tpu.memory_space<hbm>> -> memref<1024xf32, #tpu.memory_space<hbm>>
        %dma_wait3A_949 = tpu.memref_slice %arg6[%add3A_304] : memref<6400000xf32, #tpu.memory_space<hbm>> -> memref<1024xf32, #tpu.memory_space<hbm>>
        tpu.wait_dma2 semaphore(%run_scoped3A : memref<!tpu.dma_semaphore, #tpu.memory_space<semaphore_mem>>) src(%dma_wait3A_949 : memref<1024xf32, #tpu.memory_space<hbm>>) dst(%arg26 : memref<1024xf32, #tpu.memory_space<vmem>>)
        tpu.yield
      }) : () -> ()
      "tpu.region"() ({
        %run_scoped3A = tpu.sem_alloc : memref<!tpu.dma_semaphore, #tpu.memory_space<semaphore_mem>>
        %dma_start3A_946 = tpu.memref_slice %arg7[%add3A_304] : memref<6400000xf32, #tpu.memory_space<hbm>> -> memref<1024xf32, #tpu.memory_space<hbm>>
        %dma_start3A_947 = tpu.memref_slice %arg7[%add3A_304] : memref<6400000xf32, #tpu.memory_space<hbm>> -> memref<1024xf32, #tpu.memory_space<hbm>>
        tpu.enqueue_dma source(%dma_start3A_947 : memref<1024xf32, #tpu.memory_space<hbm>>) target(%arg27 : memref<1024xf32, #tpu.memory_space<vmem>>) target_semaphore(%run_scoped3A : memref<!tpu.dma_semaphore, #tpu.memory_space<semaphore_mem>>)
        %dma_wait3A_948 = tpu.memref_slice %arg7[%add3A_304] : memref<6400000xf32, #tpu.memory_space<hbm>> -> memref<1024xf32, #tpu.memory_space<hbm>>
        %dma_wait3A_949 = tpu.memref_slice %arg7[%add3A_304] : memref<6400000xf32, #tpu.memory_space<hbm>> -> memref<1024xf32, #tpu.memory_space<hbm>>
        tpu.wait_dma2 semaphore(%run_scoped3A : memref<!tpu.dma_semaphore, #tpu.memory_space<semaphore_mem>>) src(%dma_wait3A_949 : memref<1024xf32, #tpu.memory_space<hbm>>) dst(%arg27 : memref<1024xf32, #tpu.memory_space<vmem>>)
        tpu.yield
      }) : () -> ()
      %dma_start3A_305 = arith.constant 0 : i32
      %dma_start3A_306 = arith.constant 0 : i32
      %dma_start3A_307 = arith.constant 0 : i32
      %dma_start3A_308 = tpu.memref_slice %arg28[%dma_start3A_305, %dma_start3A_306, %dma_start3A_307] : memref<8x128x16xf32, #tpu.memory_space<vmem>> -> memref<1x128x16xf32, #tpu.memory_space<vmem>>
      %dma_start3A_309 = tpu.memref_squeeze %dma_start3A_308 : memref<1x128x16xf32, #tpu.memory_space<vmem>> -> memref<128x16xf32, #tpu.memory_space<vmem>>
      %dma_start3A_310 = arith.constant 0 : i32
      %dma_start3A_311 = tpu.memref_slice %arg24[%dma_start3A_310] : memref<1024xi32, #tpu.memory_space<vmem>> -> memref<128xi32, #tpu.memory_space<vmem>>
      %dma_start3A_312 = arith.constant 0 : i32
      %dma_start3A_313 = arith.constant 0 : i32
      %dma_start3A_314 = tpu.memref_slice %arg2[%dma_start3A_312, %dma_start3A_313] : memref<100000x16xf32, #tpu.memory_space<hbm>> -> memref<100000x16xf32, #tpu.memory_space<hbm>>
      tpu.enqueue_indirect_dma source(%dma_start3A_314 : memref<100000x16xf32, #tpu.memory_space<hbm>>) target(%dma_start3A_309 : memref<128x16xf32, #tpu.memory_space<vmem>>) offsets(%dma_start3A_311 : memref<128xi32, #tpu.memory_space<vmem>>) semaphore(%arg32 : memref<!tpu.dma_semaphore, #tpu.memory_space<semaphore_mem>>)
      %dma_start3A_315 = arith.constant 0 : i32
      %dma_start3A_316 = arith.constant 0 : i32
      %dma_start3A_317 = arith.constant 0 : i32
      %dma_start3A_318 = tpu.memref_slice %arg29[%dma_start3A_315, %dma_start3A_316, %dma_start3A_317] : memref<8x128x16xf32, #tpu.memory_space<vmem>> -> memref<1x128x16xf32, #tpu.memory_space<vmem>>
      %dma_start3A_319 = tpu.memref_squeeze %dma_start3A_318 : memref<1x128x16xf32, #tpu.memory_space<vmem>> -> memref<128x16xf32, #tpu.memory_space<vmem>>
      %dma_start3A_320 = arith.constant 0 : i32
      %dma_start3A_321 = tpu.memref_slice %arg23[%dma_start3A_320] : memref<1024xi32, #tpu.memory_space<vmem>> -> memref<128xi32, #tpu.memory_space<vmem>>
      %dma_start3A_322 = arith.constant 0 : i32
      %dma_start3A_323 = arith.constant 0 : i32
      %dma_start3A_324 = tpu.memref_slice %arg2[%dma_start3A_322, %dma_start3A_323] : memref<100000x16xf32, #tpu.memory_space<hbm>> -> memref<100000x16xf32, #tpu.memory_space<hbm>>
      tpu.enqueue_indirect_dma source(%dma_start3A_324 : memref<100000x16xf32, #tpu.memory_space<hbm>>) target(%dma_start3A_319 : memref<128x16xf32, #tpu.memory_space<vmem>>) offsets(%dma_start3A_321 : memref<128xi32, #tpu.memory_space<vmem>>) semaphore(%arg32 : memref<!tpu.dma_semaphore, #tpu.memory_space<semaphore_mem>>)
      %dma_start3A_325 = arith.constant 1 : i32
      %dma_start3A_326 = arith.constant 0 : i32
      %dma_start3A_327 = arith.constant 0 : i32
      %dma_start3A_328 = tpu.memref_slice %arg28[%dma_start3A_325, %dma_start3A_326, %dma_start3A_327] : memref<8x128x16xf32, #tpu.memory_space<vmem>> -> memref<1x128x16xf32, #tpu.memory_space<vmem>>
      %dma_start3A_329 = tpu.memref_squeeze %dma_start3A_328 : memref<1x128x16xf32, #tpu.memory_space<vmem>> -> memref<128x16xf32, #tpu.memory_space<vmem>>
      %dma_start3A_330 = arith.constant 128 : i32
      %dma_start3A_331 = tpu.memref_slice %arg24[%dma_start3A_330] : memref<1024xi32, #tpu.memory_space<vmem>> -> memref<128xi32, #tpu.memory_space<vmem>>
      %dma_start3A_332 = arith.constant 0 : i32
      %dma_start3A_333 = arith.constant 0 : i32
      %dma_start3A_334 = tpu.memref_slice %arg2[%dma_start3A_332, %dma_start3A_333] : memref<100000x16xf32, #tpu.memory_space<hbm>> -> memref<100000x16xf32, #tpu.memory_space<hbm>>
      tpu.enqueue_indirect_dma source(%dma_start3A_334 : memref<100000x16xf32, #tpu.memory_space<hbm>>) target(%dma_start3A_329 : memref<128x16xf32, #tpu.memory_space<vmem>>) offsets(%dma_start3A_331 : memref<128xi32, #tpu.memory_space<vmem>>) semaphore(%arg32 : memref<!tpu.dma_semaphore, #tpu.memory_space<semaphore_mem>>)
      %dma_start3A_335 = arith.constant 1 : i32
      %dma_start3A_336 = arith.constant 0 : i32
      %dma_start3A_337 = arith.constant 0 : i32
      %dma_start3A_338 = tpu.memref_slice %arg29[%dma_start3A_335, %dma_start3A_336, %dma_start3A_337] : memref<8x128x16xf32, #tpu.memory_space<vmem>> -> memref<1x128x16xf32, #tpu.memory_space<vmem>>
      %dma_start3A_339 = tpu.memref_squeeze %dma_start3A_338 : memref<1x128x16xf32, #tpu.memory_space<vmem>> -> memref<128x16xf32, #tpu.memory_space<vmem>>
      %dma_start3A_340 = arith.constant 128 : i32
      %dma_start3A_341 = tpu.memref_slice %arg23[%dma_start3A_340] : memref<1024xi32, #tpu.memory_space<vmem>> -> memref<128xi32, #tpu.memory_space<vmem>>
      %dma_start3A_342 = arith.constant 0 : i32
      %dma_start3A_343 = arith.constant 0 : i32
      %dma_start3A_344 = tpu.memref_slice %arg2[%dma_start3A_342, %dma_start3A_343] : memref<100000x16xf32, #tpu.memory_space<hbm>> -> memref<100000x16xf32, #tpu.memory_space<hbm>>
      tpu.enqueue_indirect_dma source(%dma_start3A_344 : memref<100000x16xf32, #tpu.memory_space<hbm>>) target(%dma_start3A_339 : memref<128x16xf32, #tpu.memory_space<vmem>>) offsets(%dma_start3A_341 : memref<128xi32, #tpu.memory_space<vmem>>) semaphore(%arg32 : memref<!tpu.dma_semaphore, #tpu.memory_space<semaphore_mem>>)
      %dma_start3A_345 = arith.constant 2 : i32
      %dma_start3A_346 = arith.constant 0 : i32
      %dma_start3A_347 = arith.constant 0 : i32
      %dma_start3A_348 = tpu.memref_slice %arg28[%dma_start3A_345, %dma_start3A_346, %dma_start3A_347] : memref<8x128x16xf32, #tpu.memory_space<vmem>> -> memref<1x128x16xf32, #tpu.memory_space<vmem>>
      %dma_start3A_349 = tpu.memref_squeeze %dma_start3A_348 : memref<1x128x16xf32, #tpu.memory_space<vmem>> -> memref<128x16xf32, #tpu.memory_space<vmem>>
      %dma_start3A_350 = arith.constant 256 : i32
      %dma_start3A_351 = tpu.memref_slice %arg24[%dma_start3A_350] : memref<1024xi32, #tpu.memory_space<vmem>> -> memref<128xi32, #tpu.memory_space<vmem>>
      %dma_start3A_352 = arith.constant 0 : i32
      %dma_start3A_353 = arith.constant 0 : i32
      %dma_start3A_354 = tpu.memref_slice %arg2[%dma_start3A_352, %dma_start3A_353] : memref<100000x16xf32, #tpu.memory_space<hbm>> -> memref<100000x16xf32, #tpu.memory_space<hbm>>
      tpu.enqueue_indirect_dma source(%dma_start3A_354 : memref<100000x16xf32, #tpu.memory_space<hbm>>) target(%dma_start3A_349 : memref<128x16xf32, #tpu.memory_space<vmem>>) offsets(%dma_start3A_351 : memref<128xi32, #tpu.memory_space<vmem>>) semaphore(%arg32 : memref<!tpu.dma_semaphore, #tpu.memory_space<semaphore_mem>>)
      %dma_start3A_355 = arith.constant 2 : i32
      %dma_start3A_356 = arith.constant 0 : i32
      %dma_start3A_357 = arith.constant 0 : i32
      %dma_start3A_358 = tpu.memref_slice %arg29[%dma_start3A_355, %dma_start3A_356, %dma_start3A_357] : memref<8x128x16xf32, #tpu.memory_space<vmem>> -> memref<1x128x16xf32, #tpu.memory_space<vmem>>
      %dma_start3A_359 = tpu.memref_squeeze %dma_start3A_358 : memref<1x128x16xf32, #tpu.memory_space<vmem>> -> memref<128x16xf32, #tpu.memory_space<vmem>>
      %dma_start3A_360 = arith.constant 256 : i32
      %dma_start3A_361 = tpu.memref_slice %arg23[%dma_start3A_360] : memref<1024xi32, #tpu.memory_space<vmem>> -> memref<128xi32, #tpu.memory_space<vmem>>
      %dma_start3A_362 = arith.constant 0 : i32
      %dma_start3A_363 = arith.constant 0 : i32
      %dma_start3A_364 = tpu.memref_slice %arg2[%dma_start3A_362, %dma_start3A_363] : memref<100000x16xf32, #tpu.memory_space<hbm>> -> memref<100000x16xf32, #tpu.memory_space<hbm>>
      tpu.enqueue_indirect_dma source(%dma_start3A_364 : memref<100000x16xf32, #tpu.memory_space<hbm>>) target(%dma_start3A_359 : memref<128x16xf32, #tpu.memory_space<vmem>>) offsets(%dma_start3A_361 : memref<128xi32, #tpu.memory_space<vmem>>) semaphore(%arg32 : memref<!tpu.dma_semaphore, #tpu.memory_space<semaphore_mem>>)
      %dma_start3A_365 = arith.constant 3 : i32
      %dma_start3A_366 = arith.constant 0 : i32
      %dma_start3A_367 = arith.constant 0 : i32
      %dma_start3A_368 = tpu.memref_slice %arg28[%dma_start3A_365, %dma_start3A_366, %dma_start3A_367] : memref<8x128x16xf32, #tpu.memory_space<vmem>> -> memref<1x128x16xf32, #tpu.memory_space<vmem>>
      %dma_start3A_369 = tpu.memref_squeeze %dma_start3A_368 : memref<1x128x16xf32, #tpu.memory_space<vmem>> -> memref<128x16xf32, #tpu.memory_space<vmem>>
      %dma_start3A_370 = arith.constant 384 : i32
      %dma_start3A_371 = tpu.memref_slice %arg24[%dma_start3A_370] : memref<1024xi32, #tpu.memory_space<vmem>> -> memref<128xi32, #tpu.memory_space<vmem>>
      %dma_start3A_372 = arith.constant 0 : i32
      %dma_start3A_373 = arith.constant 0 : i32
      %dma_start3A_374 = tpu.memref_slice %arg2[%dma_start3A_372, %dma_start3A_373] : memref<100000x16xf32, #tpu.memory_space<hbm>> -> memref<100000x16xf32, #tpu.memory_space<hbm>>
      tpu.enqueue_indirect_dma source(%dma_start3A_374 : memref<100000x16xf32, #tpu.memory_space<hbm>>) target(%dma_start3A_369 : memref<128x16xf32, #tpu.memory_space<vmem>>) offsets(%dma_start3A_371 : memref<128xi32, #tpu.memory_space<vmem>>) semaphore(%arg32 : memref<!tpu.dma_semaphore, #tpu.memory_space<semaphore_mem>>)
      %dma_start3A_375 = arith.constant 3 : i32
      %dma_start3A_376 = arith.constant 0 : i32
      %dma_start3A_377 = arith.constant 0 : i32
      %dma_start3A_378 = tpu.memref_slice %arg29[%dma_start3A_375, %dma_start3A_376, %dma_start3A_377] : memref<8x128x16xf32, #tpu.memory_space<vmem>> -> memref<1x128x16xf32, #tpu.memory_space<vmem>>
      %dma_start3A_379 = tpu.memref_squeeze %dma_start3A_378 : memref<1x128x16xf32, #tpu.memory_space<vmem>> -> memref<128x16xf32, #tpu.memory_space<vmem>>
      %dma_start3A_380 = arith.constant 384 : i32
      %dma_start3A_381 = tpu.memref_slice %arg23[%dma_start3A_380] : memref<1024xi32, #tpu.memory_space<vmem>> -> memref<128xi32, #tpu.memory_space<vmem>>
      %dma_start3A_382 = arith.constant 0 : i32
      %dma_start3A_383 = arith.constant 0 : i32
      %dma_start3A_384 = tpu.memref_slice %arg2[%dma_start3A_382, %dma_start3A_383] : memref<100000x16xf32, #tpu.memory_space<hbm>> -> memref<100000x16xf32, #tpu.memory_space<hbm>>
      tpu.enqueue_indirect_dma source(%dma_start3A_384 : memref<100000x16xf32, #tpu.memory_space<hbm>>) target(%dma_start3A_379 : memref<128x16xf32, #tpu.memory_space<vmem>>) offsets(%dma_start3A_381 : memref<128xi32, #tpu.memory_space<vmem>>) semaphore(%arg32 : memref<!tpu.dma_semaphore, #tpu.memory_space<semaphore_mem>>)
      %dma_start3A_385 = arith.constant 4 : i32
      %dma_start3A_386 = arith.constant 0 : i32
      %dma_start3A_387 = arith.constant 0 : i32
      %dma_start3A_388 = tpu.memref_slice %arg28[%dma_start3A_385, %dma_start3A_386, %dma_start3A_387] : memref<8x128x16xf32, #tpu.memory_space<vmem>> -> memref<1x128x16xf32, #tpu.memory_space<vmem>>
      %dma_start3A_389 = tpu.memref_squeeze %dma_start3A_388 : memref<1x128x16xf32, #tpu.memory_space<vmem>> -> memref<128x16xf32, #tpu.memory_space<vmem>>
      %dma_start3A_390 = arith.constant 512 : i32
      %dma_start3A_391 = tpu.memref_slice %arg24[%dma_start3A_390] : memref<1024xi32, #tpu.memory_space<vmem>> -> memref<128xi32, #tpu.memory_space<vmem>>
      %dma_start3A_392 = arith.constant 0 : i32
      %dma_start3A_393 = arith.constant 0 : i32
      %dma_start3A_394 = tpu.memref_slice %arg2[%dma_start3A_392, %dma_start3A_393] : memref<100000x16xf32, #tpu.memory_space<hbm>> -> memref<100000x16xf32, #tpu.memory_space<hbm>>
      tpu.enqueue_indirect_dma source(%dma_start3A_394 : memref<100000x16xf32, #tpu.memory_space<hbm>>) target(%dma_start3A_389 : memref<128x16xf32, #tpu.memory_space<vmem>>) offsets(%dma_start3A_391 : memref<128xi32, #tpu.memory_space<vmem>>) semaphore(%arg32 : memref<!tpu.dma_semaphore, #tpu.memory_space<semaphore_mem>>)
      %dma_start3A_395 = arith.constant 4 : i32
      %dma_start3A_396 = arith.constant 0 : i32
      %dma_start3A_397 = arith.constant 0 : i32
      %dma_start3A_398 = tpu.memref_slice %arg29[%dma_start3A_395, %dma_start3A_396, %dma_start3A_397] : memref<8x128x16xf32, #tpu.memory_space<vmem>> -> memref<1x128x16xf32, #tpu.memory_space<vmem>>
      %dma_start3A_399 = tpu.memref_squeeze %dma_start3A_398 : memref<1x128x16xf32, #tpu.memory_space<vmem>> -> memref<128x16xf32, #tpu.memory_space<vmem>>
      %dma_start3A_400 = arith.constant 512 : i32
      %dma_start3A_401 = tpu.memref_slice %arg23[%dma_start3A_400] : memref<1024xi32, #tpu.memory_space<vmem>> -> memref<128xi32, #tpu.memory_space<vmem>>
      %dma_start3A_402 = arith.constant 0 : i32
      %dma_start3A_403 = arith.constant 0 : i32
      %dma_start3A_404 = tpu.memref_slice %arg2[%dma_start3A_402, %dma_start3A_403] : memref<100000x16xf32, #tpu.memory_space<hbm>> -> memref<100000x16xf32, #tpu.memory_space<hbm>>
      tpu.enqueue_indirect_dma source(%dma_start3A_404 : memref<100000x16xf32, #tpu.memory_space<hbm>>) target(%dma_start3A_399 : memref<128x16xf32, #tpu.memory_space<vmem>>) offsets(%dma_start3A_401 : memref<128xi32, #tpu.memory_space<vmem>>) semaphore(%arg32 : memref<!tpu.dma_semaphore, #tpu.memory_space<semaphore_mem>>)
      %dma_start3A_405 = arith.constant 5 : i32
      %dma_start3A_406 = arith.constant 0 : i32
      %dma_start3A_407 = arith.constant 0 : i32
      %dma_start3A_408 = tpu.memref_slice %arg28[%dma_start3A_405, %dma_start3A_406, %dma_start3A_407] : memref<8x128x16xf32, #tpu.memory_space<vmem>> -> memref<1x128x16xf32, #tpu.memory_space<vmem>>
      %dma_start3A_409 = tpu.memref_squeeze %dma_start3A_408 : memref<1x128x16xf32, #tpu.memory_space<vmem>> -> memref<128x16xf32, #tpu.memory_space<vmem>>
      %dma_start3A_410 = arith.constant 640 : i32
      %dma_start3A_411 = tpu.memref_slice %arg24[%dma_start3A_410] : memref<1024xi32, #tpu.memory_space<vmem>> -> memref<128xi32, #tpu.memory_space<vmem>>
      %dma_start3A_412 = arith.constant 0 : i32
      %dma_start3A_413 = arith.constant 0 : i32
      %dma_start3A_414 = tpu.memref_slice %arg2[%dma_start3A_412, %dma_start3A_413] : memref<100000x16xf32, #tpu.memory_space<hbm>> -> memref<100000x16xf32, #tpu.memory_space<hbm>>
      tpu.enqueue_indirect_dma source(%dma_start3A_414 : memref<100000x16xf32, #tpu.memory_space<hbm>>) target(%dma_start3A_409 : memref<128x16xf32, #tpu.memory_space<vmem>>) offsets(%dma_start3A_411 : memref<128xi32, #tpu.memory_space<vmem>>) semaphore(%arg32 : memref<!tpu.dma_semaphore, #tpu.memory_space<semaphore_mem>>)
      %dma_start3A_415 = arith.constant 5 : i32
      %dma_start3A_416 = arith.constant 0 : i32
      %dma_start3A_417 = arith.constant 0 : i32
      %dma_start3A_418 = tpu.memref_slice %arg29[%dma_start3A_415, %dma_start3A_416, %dma_start3A_417] : memref<8x128x16xf32, #tpu.memory_space<vmem>> -> memref<1x128x16xf32, #tpu.memory_space<vmem>>
      %dma_start3A_419 = tpu.memref_squeeze %dma_start3A_418 : memref<1x128x16xf32, #tpu.memory_space<vmem>> -> memref<128x16xf32, #tpu.memory_space<vmem>>
      %dma_start3A_420 = arith.constant 640 : i32
      %dma_start3A_421 = tpu.memref_slice %arg23[%dma_start3A_420] : memref<1024xi32, #tpu.memory_space<vmem>> -> memref<128xi32, #tpu.memory_space<vmem>>
      %dma_start3A_422 = arith.constant 0 : i32
      %dma_start3A_423 = arith.constant 0 : i32
      %dma_start3A_424 = tpu.memref_slice %arg2[%dma_start3A_422, %dma_start3A_423] : memref<100000x16xf32, #tpu.memory_space<hbm>> -> memref<100000x16xf32, #tpu.memory_space<hbm>>
      tpu.enqueue_indirect_dma source(%dma_start3A_424 : memref<100000x16xf32, #tpu.memory_space<hbm>>) target(%dma_start3A_419 : memref<128x16xf32, #tpu.memory_space<vmem>>) offsets(%dma_start3A_421 : memref<128xi32, #tpu.memory_space<vmem>>) semaphore(%arg32 : memref<!tpu.dma_semaphore, #tpu.memory_space<semaphore_mem>>)
      %dma_start3A_425 = arith.constant 6 : i32
      %dma_start3A_426 = arith.constant 0 : i32
      %dma_start3A_427 = arith.constant 0 : i32
      %dma_start3A_428 = tpu.memref_slice %arg28[%dma_start3A_425, %dma_start3A_426, %dma_start3A_427] : memref<8x128x16xf32, #tpu.memory_space<vmem>> -> memref<1x128x16xf32, #tpu.memory_space<vmem>>
      %dma_start3A_429 = tpu.memref_squeeze %dma_start3A_428 : memref<1x128x16xf32, #tpu.memory_space<vmem>> -> memref<128x16xf32, #tpu.memory_space<vmem>>
      %dma_start3A_430 = arith.constant 768 : i32
      %dma_start3A_431 = tpu.memref_slice %arg24[%dma_start3A_430] : memref<1024xi32, #tpu.memory_space<vmem>> -> memref<128xi32, #tpu.memory_space<vmem>>
      %dma_start3A_432 = arith.constant 0 : i32
      %dma_start3A_433 = arith.constant 0 : i32
      %dma_start3A_434 = tpu.memref_slice %arg2[%dma_start3A_432, %dma_start3A_433] : memref<100000x16xf32, #tpu.memory_space<hbm>> -> memref<100000x16xf32, #tpu.memory_space<hbm>>
      tpu.enqueue_indirect_dma source(%dma_start3A_434 : memref<100000x16xf32, #tpu.memory_space<hbm>>) target(%dma_start3A_429 : memref<128x16xf32, #tpu.memory_space<vmem>>) offsets(%dma_start3A_431 : memref<128xi32, #tpu.memory_space<vmem>>) semaphore(%arg32 : memref<!tpu.dma_semaphore, #tpu.memory_space<semaphore_mem>>)
      %dma_start3A_435 = arith.constant 6 : i32
      %dma_start3A_436 = arith.constant 0 : i32
      %dma_start3A_437 = arith.constant 0 : i32
      %dma_start3A_438 = tpu.memref_slice %arg29[%dma_start3A_435, %dma_start3A_436, %dma_start3A_437] : memref<8x128x16xf32, #tpu.memory_space<vmem>> -> memref<1x128x16xf32, #tpu.memory_space<vmem>>
      %dma_start3A_439 = tpu.memref_squeeze %dma_start3A_438 : memref<1x128x16xf32, #tpu.memory_space<vmem>> -> memref<128x16xf32, #tpu.memory_space<vmem>>
      %dma_start3A_440 = arith.constant 768 : i32
      %dma_start3A_441 = tpu.memref_slice %arg23[%dma_start3A_440] : memref<1024xi32, #tpu.memory_space<vmem>> -> memref<128xi32, #tpu.memory_space<vmem>>
      %dma_start3A_442 = arith.constant 0 : i32
      %dma_start3A_443 = arith.constant 0 : i32
      %dma_start3A_444 = tpu.memref_slice %arg2[%dma_start3A_442, %dma_start3A_443] : memref<100000x16xf32, #tpu.memory_space<hbm>> -> memref<100000x16xf32, #tpu.memory_space<hbm>>
      tpu.enqueue_indirect_dma source(%dma_start3A_444 : memref<100000x16xf32, #tpu.memory_space<hbm>>) target(%dma_start3A_439 : memref<128x16xf32, #tpu.memory_space<vmem>>) offsets(%dma_start3A_441 : memref<128xi32, #tpu.memory_space<vmem>>) semaphore(%arg32 : memref<!tpu.dma_semaphore, #tpu.memory_space<semaphore_mem>>)
      %dma_start3A_445 = arith.constant 7 : i32
      %dma_start3A_446 = arith.constant 0 : i32
      %dma_start3A_447 = arith.constant 0 : i32
      %dma_start3A_448 = tpu.memref_slice %arg28[%dma_start3A_445, %dma_start3A_446, %dma_start3A_447] : memref<8x128x16xf32, #tpu.memory_space<vmem>> -> memref<1x128x16xf32, #tpu.memory_space<vmem>>
      %dma_start3A_449 = tpu.memref_squeeze %dma_start3A_448 : memref<1x128x16xf32, #tpu.memory_space<vmem>> -> memref<128x16xf32, #tpu.memory_space<vmem>>
      %dma_start3A_450 = arith.constant 896 : i32
      %dma_start3A_451 = tpu.memref_slice %arg24[%dma_start3A_450] : memref<1024xi32, #tpu.memory_space<vmem>> -> memref<128xi32, #tpu.memory_space<vmem>>
      %dma_start3A_452 = arith.constant 0 : i32
      %dma_start3A_453 = arith.constant 0 : i32
      %dma_start3A_454 = tpu.memref_slice %arg2[%dma_start3A_452, %dma_start3A_453] : memref<100000x16xf32, #tpu.memory_space<hbm>> -> memref<100000x16xf32, #tpu.memory_space<hbm>>
      tpu.enqueue_indirect_dma source(%dma_start3A_454 : memref<100000x16xf32, #tpu.memory_space<hbm>>) target(%dma_start3A_449 : memref<128x16xf32, #tpu.memory_space<vmem>>) offsets(%dma_start3A_451 : memref<128xi32, #tpu.memory_space<vmem>>) semaphore(%arg32 : memref<!tpu.dma_semaphore, #tpu.memory_space<semaphore_mem>>)
      %dma_start3A_455 = arith.constant 7 : i32
      %dma_start3A_456 = arith.constant 0 : i32
      %dma_start3A_457 = arith.constant 0 : i32
      %dma_start3A_458 = tpu.memref_slice %arg29[%dma_start3A_455, %dma_start3A_456, %dma_start3A_457] : memref<8x128x16xf32, #tpu.memory_space<vmem>> -> memref<1x128x16xf32, #tpu.memory_space<vmem>>
      %dma_start3A_459 = tpu.memref_squeeze %dma_start3A_458 : memref<1x128x16xf32, #tpu.memory_space<vmem>> -> memref<128x16xf32, #tpu.memory_space<vmem>>
      %dma_start3A_460 = arith.constant 896 : i32
      %dma_start3A_461 = tpu.memref_slice %arg23[%dma_start3A_460] : memref<1024xi32, #tpu.memory_space<vmem>> -> memref<128xi32, #tpu.memory_space<vmem>>
      %dma_start3A_462 = arith.constant 0 : i32
      %dma_start3A_463 = arith.constant 0 : i32
      %dma_start3A_464 = tpu.memref_slice %arg2[%dma_start3A_462, %dma_start3A_463] : memref<100000x16xf32, #tpu.memory_space<hbm>> -> memref<100000x16xf32, #tpu.memory_space<hbm>>
      tpu.enqueue_indirect_dma source(%dma_start3A_464 : memref<100000x16xf32, #tpu.memory_space<hbm>>) target(%dma_start3A_459 : memref<128x16xf32, #tpu.memory_space<vmem>>) offsets(%dma_start3A_461 : memref<128xi32, #tpu.memory_space<vmem>>) semaphore(%arg32 : memref<!tpu.dma_semaphore, #tpu.memory_space<semaphore_mem>>)
      %dma_wait3A_465 = arith.constant 0 : i32
      %dma_wait3A_466 = arith.constant 0 : i32
      %dma_wait3A_467 = arith.constant 0 : i32
      %dma_wait3A_468 = tpu.memref_slice %arg20[%dma_wait3A_465, %dma_wait3A_466, %dma_wait3A_467] : memref<8x128x16xf32, #tpu.memory_space<vmem>> -> memref<1x128x16xf32, #tpu.memory_space<vmem>>
      %dma_wait3A_469 = tpu.memref_squeeze %dma_wait3A_468 : memref<1x128x16xf32, #tpu.memory_space<vmem>> -> memref<128x16xf32, #tpu.memory_space<vmem>>
      %dma_wait3A_470 = arith.constant 0 : i32
      %dma_wait3A_471 = tpu.memref_slice %arg16[%dma_wait3A_470] : memref<1024xi32, #tpu.memory_space<vmem>> -> memref<128xi32, #tpu.memory_space<vmem>>
      %dma_wait3A_472 = arith.constant 0 : i32
      %dma_wait3A_473 = arith.constant 0 : i32
      %dma_wait3A_474 = tpu.memref_slice %arg2[%dma_wait3A_472, %dma_wait3A_473] : memref<100000x16xf32, #tpu.memory_space<hbm>> -> memref<100000x16xf32, #tpu.memory_space<hbm>>
      tpu.wait_indirect_dma semaphore(%arg31 : memref<!tpu.dma_semaphore, #tpu.memory_space<semaphore_mem>>) src(%dma_wait3A_474 : memref<100000x16xf32, #tpu.memory_space<hbm>>) dst(%dma_wait3A_469 : memref<128x16xf32, #tpu.memory_space<vmem>>)
      %dma_wait3A_475 = arith.constant 0 : i32
      %dma_wait3A_476 = arith.constant 0 : i32
      %dma_wait3A_477 = arith.constant 0 : i32
      %dma_wait3A_478 = tpu.memref_slice %arg21[%dma_wait3A_475, %dma_wait3A_476, %dma_wait3A_477] : memref<8x128x16xf32, #tpu.memory_space<vmem>> -> memref<1x128x16xf32, #tpu.memory_space<vmem>>
      %dma_wait3A_479 = tpu.memref_squeeze %dma_wait3A_478 : memref<1x128x16xf32, #tpu.memory_space<vmem>> -> memref<128x16xf32, #tpu.memory_space<vmem>>
      %dma_wait3A_480 = arith.constant 0 : i32
      %dma_wait3A_481 = tpu.memref_slice %arg15[%dma_wait3A_480] : memref<1024xi32, #tpu.memory_space<vmem>> -> memref<128xi32, #tpu.memory_space<vmem>>
      %dma_wait3A_482 = arith.constant 0 : i32
      %dma_wait3A_483 = arith.constant 0 : i32
      %dma_wait3A_484 = tpu.memref_slice %arg2[%dma_wait3A_482, %dma_wait3A_483] : memref<100000x16xf32, #tpu.memory_space<hbm>> -> memref<100000x16xf32, #tpu.memory_space<hbm>>
      tpu.wait_indirect_dma semaphore(%arg31 : memref<!tpu.dma_semaphore, #tpu.memory_space<semaphore_mem>>) src(%dma_wait3A_484 : memref<100000x16xf32, #tpu.memory_space<hbm>>) dst(%dma_wait3A_479 : memref<128x16xf32, #tpu.memory_space<vmem>>)
      %dma_wait3A_485 = arith.constant 1 : i32
      %dma_wait3A_486 = arith.constant 0 : i32
      %dma_wait3A_487 = arith.constant 0 : i32
      %dma_wait3A_488 = tpu.memref_slice %arg20[%dma_wait3A_485, %dma_wait3A_486, %dma_wait3A_487] : memref<8x128x16xf32, #tpu.memory_space<vmem>> -> memref<1x128x16xf32, #tpu.memory_space<vmem>>
      %dma_wait3A_489 = tpu.memref_squeeze %dma_wait3A_488 : memref<1x128x16xf32, #tpu.memory_space<vmem>> -> memref<128x16xf32, #tpu.memory_space<vmem>>
      %dma_wait3A_490 = arith.constant 128 : i32
      %dma_wait3A_491 = tpu.memref_slice %arg16[%dma_wait3A_490] : memref<1024xi32, #tpu.memory_space<vmem>> -> memref<128xi32, #tpu.memory_space<vmem>>
      %dma_wait3A_492 = arith.constant 0 : i32
      %dma_wait3A_493 = arith.constant 0 : i32
      %dma_wait3A_494 = tpu.memref_slice %arg2[%dma_wait3A_492, %dma_wait3A_493] : memref<100000x16xf32, #tpu.memory_space<hbm>> -> memref<100000x16xf32, #tpu.memory_space<hbm>>
      tpu.wait_indirect_dma semaphore(%arg31 : memref<!tpu.dma_semaphore, #tpu.memory_space<semaphore_mem>>) src(%dma_wait3A_494 : memref<100000x16xf32, #tpu.memory_space<hbm>>) dst(%dma_wait3A_489 : memref<128x16xf32, #tpu.memory_space<vmem>>)
      %dma_wait3A_495 = arith.constant 1 : i32
      %dma_wait3A_496 = arith.constant 0 : i32
      %dma_wait3A_497 = arith.constant 0 : i32
      %dma_wait3A_498 = tpu.memref_slice %arg21[%dma_wait3A_495, %dma_wait3A_496, %dma_wait3A_497] : memref<8x128x16xf32, #tpu.memory_space<vmem>> -> memref<1x128x16xf32, #tpu.memory_space<vmem>>
      %dma_wait3A_499 = tpu.memref_squeeze %dma_wait3A_498 : memref<1x128x16xf32, #tpu.memory_space<vmem>> -> memref<128x16xf32, #tpu.memory_space<vmem>>
      %dma_wait3A_500 = arith.constant 128 : i32
      %dma_wait3A_501 = tpu.memref_slice %arg15[%dma_wait3A_500] : memref<1024xi32, #tpu.memory_space<vmem>> -> memref<128xi32, #tpu.memory_space<vmem>>
      %dma_wait3A_502 = arith.constant 0 : i32
      %dma_wait3A_503 = arith.constant 0 : i32
      %dma_wait3A_504 = tpu.memref_slice %arg2[%dma_wait3A_502, %dma_wait3A_503] : memref<100000x16xf32, #tpu.memory_space<hbm>> -> memref<100000x16xf32, #tpu.memory_space<hbm>>
      tpu.wait_indirect_dma semaphore(%arg31 : memref<!tpu.dma_semaphore, #tpu.memory_space<semaphore_mem>>) src(%dma_wait3A_504 : memref<100000x16xf32, #tpu.memory_space<hbm>>) dst(%dma_wait3A_499 : memref<128x16xf32, #tpu.memory_space<vmem>>)
      %dma_wait3A_505 = arith.constant 2 : i32
      %dma_wait3A_506 = arith.constant 0 : i32
      %dma_wait3A_507 = arith.constant 0 : i32
      %dma_wait3A_508 = tpu.memref_slice %arg20[%dma_wait3A_505, %dma_wait3A_506, %dma_wait3A_507] : memref<8x128x16xf32, #tpu.memory_space<vmem>> -> memref<1x128x16xf32, #tpu.memory_space<vmem>>
      %dma_wait3A_509 = tpu.memref_squeeze %dma_wait3A_508 : memref<1x128x16xf32, #tpu.memory_space<vmem>> -> memref<128x16xf32, #tpu.memory_space<vmem>>
      %dma_wait3A_510 = arith.constant 256 : i32
      %dma_wait3A_511 = tpu.memref_slice %arg16[%dma_wait3A_510] : memref<1024xi32, #tpu.memory_space<vmem>> -> memref<128xi32, #tpu.memory_space<vmem>>
      %dma_wait3A_512 = arith.constant 0 : i32
      %dma_wait3A_513 = arith.constant 0 : i32
      %dma_wait3A_514 = tpu.memref_slice %arg2[%dma_wait3A_512, %dma_wait3A_513] : memref<100000x16xf32, #tpu.memory_space<hbm>> -> memref<100000x16xf32, #tpu.memory_space<hbm>>
      tpu.wait_indirect_dma semaphore(%arg31 : memref<!tpu.dma_semaphore, #tpu.memory_space<semaphore_mem>>) src(%dma_wait3A_514 : memref<100000x16xf32, #tpu.memory_space<hbm>>) dst(%dma_wait3A_509 : memref<128x16xf32, #tpu.memory_space<vmem>>)
      %dma_wait3A_515 = arith.constant 2 : i32
      %dma_wait3A_516 = arith.constant 0 : i32
      %dma_wait3A_517 = arith.constant 0 : i32
      %dma_wait3A_518 = tpu.memref_slice %arg21[%dma_wait3A_515, %dma_wait3A_516, %dma_wait3A_517] : memref<8x128x16xf32, #tpu.memory_space<vmem>> -> memref<1x128x16xf32, #tpu.memory_space<vmem>>
      %dma_wait3A_519 = tpu.memref_squeeze %dma_wait3A_518 : memref<1x128x16xf32, #tpu.memory_space<vmem>> -> memref<128x16xf32, #tpu.memory_space<vmem>>
      %dma_wait3A_520 = arith.constant 256 : i32
      %dma_wait3A_521 = tpu.memref_slice %arg15[%dma_wait3A_520] : memref<1024xi32, #tpu.memory_space<vmem>> -> memref<128xi32, #tpu.memory_space<vmem>>
      %dma_wait3A_522 = arith.constant 0 : i32
      %dma_wait3A_523 = arith.constant 0 : i32
      %dma_wait3A_524 = tpu.memref_slice %arg2[%dma_wait3A_522, %dma_wait3A_523] : memref<100000x16xf32, #tpu.memory_space<hbm>> -> memref<100000x16xf32, #tpu.memory_space<hbm>>
      tpu.wait_indirect_dma semaphore(%arg31 : memref<!tpu.dma_semaphore, #tpu.memory_space<semaphore_mem>>) src(%dma_wait3A_524 : memref<100000x16xf32, #tpu.memory_space<hbm>>) dst(%dma_wait3A_519 : memref<128x16xf32, #tpu.memory_space<vmem>>)
      %dma_wait3A_525 = arith.constant 3 : i32
      %dma_wait3A_526 = arith.constant 0 : i32
      %dma_wait3A_527 = arith.constant 0 : i32
      %dma_wait3A_528 = tpu.memref_slice %arg20[%dma_wait3A_525, %dma_wait3A_526, %dma_wait3A_527] : memref<8x128x16xf32, #tpu.memory_space<vmem>> -> memref<1x128x16xf32, #tpu.memory_space<vmem>>
      %dma_wait3A_529 = tpu.memref_squeeze %dma_wait3A_528 : memref<1x128x16xf32, #tpu.memory_space<vmem>> -> memref<128x16xf32, #tpu.memory_space<vmem>>
      %dma_wait3A_530 = arith.constant 384 : i32
      %dma_wait3A_531 = tpu.memref_slice %arg16[%dma_wait3A_530] : memref<1024xi32, #tpu.memory_space<vmem>> -> memref<128xi32, #tpu.memory_space<vmem>>
      %dma_wait3A_532 = arith.constant 0 : i32
      %dma_wait3A_533 = arith.constant 0 : i32
      %dma_wait3A_534 = tpu.memref_slice %arg2[%dma_wait3A_532, %dma_wait3A_533] : memref<100000x16xf32, #tpu.memory_space<hbm>> -> memref<100000x16xf32, #tpu.memory_space<hbm>>
      tpu.wait_indirect_dma semaphore(%arg31 : memref<!tpu.dma_semaphore, #tpu.memory_space<semaphore_mem>>) src(%dma_wait3A_534 : memref<100000x16xf32, #tpu.memory_space<hbm>>) dst(%dma_wait3A_529 : memref<128x16xf32, #tpu.memory_space<vmem>>)
      %dma_wait3A_535 = arith.constant 3 : i32
      %dma_wait3A_536 = arith.constant 0 : i32
      %dma_wait3A_537 = arith.constant 0 : i32
      %dma_wait3A_538 = tpu.memref_slice %arg21[%dma_wait3A_535, %dma_wait3A_536, %dma_wait3A_537] : memref<8x128x16xf32, #tpu.memory_space<vmem>> -> memref<1x128x16xf32, #tpu.memory_space<vmem>>
      %dma_wait3A_539 = tpu.memref_squeeze %dma_wait3A_538 : memref<1x128x16xf32, #tpu.memory_space<vmem>> -> memref<128x16xf32, #tpu.memory_space<vmem>>
      %dma_wait3A_540 = arith.constant 384 : i32
      %dma_wait3A_541 = tpu.memref_slice %arg15[%dma_wait3A_540] : memref<1024xi32, #tpu.memory_space<vmem>> -> memref<128xi32, #tpu.memory_space<vmem>>
      %dma_wait3A_542 = arith.constant 0 : i32
      %dma_wait3A_543 = arith.constant 0 : i32
      %dma_wait3A_544 = tpu.memref_slice %arg2[%dma_wait3A_542, %dma_wait3A_543] : memref<100000x16xf32, #tpu.memory_space<hbm>> -> memref<100000x16xf32, #tpu.memory_space<hbm>>
      tpu.wait_indirect_dma semaphore(%arg31 : memref<!tpu.dma_semaphore, #tpu.memory_space<semaphore_mem>>) src(%dma_wait3A_544 : memref<100000x16xf32, #tpu.memory_space<hbm>>) dst(%dma_wait3A_539 : memref<128x16xf32, #tpu.memory_space<vmem>>)
      %dma_wait3A_545 = arith.constant 4 : i32
      %dma_wait3A_546 = arith.constant 0 : i32
      %dma_wait3A_547 = arith.constant 0 : i32
      %dma_wait3A_548 = tpu.memref_slice %arg20[%dma_wait3A_545, %dma_wait3A_546, %dma_wait3A_547] : memref<8x128x16xf32, #tpu.memory_space<vmem>> -> memref<1x128x16xf32, #tpu.memory_space<vmem>>
      %dma_wait3A_549 = tpu.memref_squeeze %dma_wait3A_548 : memref<1x128x16xf32, #tpu.memory_space<vmem>> -> memref<128x16xf32, #tpu.memory_space<vmem>>
      %dma_wait3A_550 = arith.constant 512 : i32
      %dma_wait3A_551 = tpu.memref_slice %arg16[%dma_wait3A_550] : memref<1024xi32, #tpu.memory_space<vmem>> -> memref<128xi32, #tpu.memory_space<vmem>>
      %dma_wait3A_552 = arith.constant 0 : i32
      %dma_wait3A_553 = arith.constant 0 : i32
      %dma_wait3A_554 = tpu.memref_slice %arg2[%dma_wait3A_552, %dma_wait3A_553] : memref<100000x16xf32, #tpu.memory_space<hbm>> -> memref<100000x16xf32, #tpu.memory_space<hbm>>
      tpu.wait_indirect_dma semaphore(%arg31 : memref<!tpu.dma_semaphore, #tpu.memory_space<semaphore_mem>>) src(%dma_wait3A_554 : memref<100000x16xf32, #tpu.memory_space<hbm>>) dst(%dma_wait3A_549 : memref<128x16xf32, #tpu.memory_space<vmem>>)
      %dma_wait3A_555 = arith.constant 4 : i32
      %dma_wait3A_556 = arith.constant 0 : i32
      %dma_wait3A_557 = arith.constant 0 : i32
      %dma_wait3A_558 = tpu.memref_slice %arg21[%dma_wait3A_555, %dma_wait3A_556, %dma_wait3A_557] : memref<8x128x16xf32, #tpu.memory_space<vmem>> -> memref<1x128x16xf32, #tpu.memory_space<vmem>>
      %dma_wait3A_559 = tpu.memref_squeeze %dma_wait3A_558 : memref<1x128x16xf32, #tpu.memory_space<vmem>> -> memref<128x16xf32, #tpu.memory_space<vmem>>
      %dma_wait3A_560 = arith.constant 512 : i32
      %dma_wait3A_561 = tpu.memref_slice %arg15[%dma_wait3A_560] : memref<1024xi32, #tpu.memory_space<vmem>> -> memref<128xi32, #tpu.memory_space<vmem>>
      %dma_wait3A_562 = arith.constant 0 : i32
      %dma_wait3A_563 = arith.constant 0 : i32
      %dma_wait3A_564 = tpu.memref_slice %arg2[%dma_wait3A_562, %dma_wait3A_563] : memref<100000x16xf32, #tpu.memory_space<hbm>> -> memref<100000x16xf32, #tpu.memory_space<hbm>>
      tpu.wait_indirect_dma semaphore(%arg31 : memref<!tpu.dma_semaphore, #tpu.memory_space<semaphore_mem>>) src(%dma_wait3A_564 : memref<100000x16xf32, #tpu.memory_space<hbm>>) dst(%dma_wait3A_559 : memref<128x16xf32, #tpu.memory_space<vmem>>)
      %dma_wait3A_565 = arith.constant 5 : i32
      %dma_wait3A_566 = arith.constant 0 : i32
      %dma_wait3A_567 = arith.constant 0 : i32
      %dma_wait3A_568 = tpu.memref_slice %arg20[%dma_wait3A_565, %dma_wait3A_566, %dma_wait3A_567] : memref<8x128x16xf32, #tpu.memory_space<vmem>> -> memref<1x128x16xf32, #tpu.memory_space<vmem>>
      %dma_wait3A_569 = tpu.memref_squeeze %dma_wait3A_568 : memref<1x128x16xf32, #tpu.memory_space<vmem>> -> memref<128x16xf32, #tpu.memory_space<vmem>>
      %dma_wait3A_570 = arith.constant 640 : i32
      %dma_wait3A_571 = tpu.memref_slice %arg16[%dma_wait3A_570] : memref<1024xi32, #tpu.memory_space<vmem>> -> memref<128xi32, #tpu.memory_space<vmem>>
      %dma_wait3A_572 = arith.constant 0 : i32
      %dma_wait3A_573 = arith.constant 0 : i32
      %dma_wait3A_574 = tpu.memref_slice %arg2[%dma_wait3A_572, %dma_wait3A_573] : memref<100000x16xf32, #tpu.memory_space<hbm>> -> memref<100000x16xf32, #tpu.memory_space<hbm>>
      tpu.wait_indirect_dma semaphore(%arg31 : memref<!tpu.dma_semaphore, #tpu.memory_space<semaphore_mem>>) src(%dma_wait3A_574 : memref<100000x16xf32, #tpu.memory_space<hbm>>) dst(%dma_wait3A_569 : memref<128x16xf32, #tpu.memory_space<vmem>>)
      %dma_wait3A_575 = arith.constant 5 : i32
      %dma_wait3A_576 = arith.constant 0 : i32
      %dma_wait3A_577 = arith.constant 0 : i32
      %dma_wait3A_578 = tpu.memref_slice %arg21[%dma_wait3A_575, %dma_wait3A_576, %dma_wait3A_577] : memref<8x128x16xf32, #tpu.memory_space<vmem>> -> memref<1x128x16xf32, #tpu.memory_space<vmem>>
      %dma_wait3A_579 = tpu.memref_squeeze %dma_wait3A_578 : memref<1x128x16xf32, #tpu.memory_space<vmem>> -> memref<128x16xf32, #tpu.memory_space<vmem>>
      %dma_wait3A_580 = arith.constant 640 : i32
      %dma_wait3A_581 = tpu.memref_slice %arg15[%dma_wait3A_580] : memref<1024xi32, #tpu.memory_space<vmem>> -> memref<128xi32, #tpu.memory_space<vmem>>
      %dma_wait3A_582 = arith.constant 0 : i32
      %dma_wait3A_583 = arith.constant 0 : i32
      %dma_wait3A_584 = tpu.memref_slice %arg2[%dma_wait3A_582, %dma_wait3A_583] : memref<100000x16xf32, #tpu.memory_space<hbm>> -> memref<100000x16xf32, #tpu.memory_space<hbm>>
      tpu.wait_indirect_dma semaphore(%arg31 : memref<!tpu.dma_semaphore, #tpu.memory_space<semaphore_mem>>) src(%dma_wait3A_584 : memref<100000x16xf32, #tpu.memory_space<hbm>>) dst(%dma_wait3A_579 : memref<128x16xf32, #tpu.memory_space<vmem>>)
      %dma_wait3A_585 = arith.constant 6 : i32
      %dma_wait3A_586 = arith.constant 0 : i32
      %dma_wait3A_587 = arith.constant 0 : i32
      %dma_wait3A_588 = tpu.memref_slice %arg20[%dma_wait3A_585, %dma_wait3A_586, %dma_wait3A_587] : memref<8x128x16xf32, #tpu.memory_space<vmem>> -> memref<1x128x16xf32, #tpu.memory_space<vmem>>
      %dma_wait3A_589 = tpu.memref_squeeze %dma_wait3A_588 : memref<1x128x16xf32, #tpu.memory_space<vmem>> -> memref<128x16xf32, #tpu.memory_space<vmem>>
      %dma_wait3A_590 = arith.constant 768 : i32
      %dma_wait3A_591 = tpu.memref_slice %arg16[%dma_wait3A_590] : memref<1024xi32, #tpu.memory_space<vmem>> -> memref<128xi32, #tpu.memory_space<vmem>>
      %dma_wait3A_592 = arith.constant 0 : i32
      %dma_wait3A_593 = arith.constant 0 : i32
      %dma_wait3A_594 = tpu.memref_slice %arg2[%dma_wait3A_592, %dma_wait3A_593] : memref<100000x16xf32, #tpu.memory_space<hbm>> -> memref<100000x16xf32, #tpu.memory_space<hbm>>
      tpu.wait_indirect_dma semaphore(%arg31 : memref<!tpu.dma_semaphore, #tpu.memory_space<semaphore_mem>>) src(%dma_wait3A_594 : memref<100000x16xf32, #tpu.memory_space<hbm>>) dst(%dma_wait3A_589 : memref<128x16xf32, #tpu.memory_space<vmem>>)
      %dma_wait3A_595 = arith.constant 6 : i32
      %dma_wait3A_596 = arith.constant 0 : i32
      %dma_wait3A_597 = arith.constant 0 : i32
      %dma_wait3A_598 = tpu.memref_slice %arg21[%dma_wait3A_595, %dma_wait3A_596, %dma_wait3A_597] : memref<8x128x16xf32, #tpu.memory_space<vmem>> -> memref<1x128x16xf32, #tpu.memory_space<vmem>>
      %dma_wait3A_599 = tpu.memref_squeeze %dma_wait3A_598 : memref<1x128x16xf32, #tpu.memory_space<vmem>> -> memref<128x16xf32, #tpu.memory_space<vmem>>
      %dma_wait3A_600 = arith.constant 768 : i32
      %dma_wait3A_601 = tpu.memref_slice %arg15[%dma_wait3A_600] : memref<1024xi32, #tpu.memory_space<vmem>> -> memref<128xi32, #tpu.memory_space<vmem>>
      %dma_wait3A_602 = arith.constant 0 : i32
      %dma_wait3A_603 = arith.constant 0 : i32
      %dma_wait3A_604 = tpu.memref_slice %arg2[%dma_wait3A_602, %dma_wait3A_603] : memref<100000x16xf32, #tpu.memory_space<hbm>> -> memref<100000x16xf32, #tpu.memory_space<hbm>>
      tpu.wait_indirect_dma semaphore(%arg31 : memref<!tpu.dma_semaphore, #tpu.memory_space<semaphore_mem>>) src(%dma_wait3A_604 : memref<100000x16xf32, #tpu.memory_space<hbm>>) dst(%dma_wait3A_599 : memref<128x16xf32, #tpu.memory_space<vmem>>)
      %dma_wait3A_605 = arith.constant 7 : i32
      %dma_wait3A_606 = arith.constant 0 : i32
      %dma_wait3A_607 = arith.constant 0 : i32
      %dma_wait3A_608 = tpu.memref_slice %arg20[%dma_wait3A_605, %dma_wait3A_606, %dma_wait3A_607] : memref<8x128x16xf32, #tpu.memory_space<vmem>> -> memref<1x128x16xf32, #tpu.memory_space<vmem>>
      %dma_wait3A_609 = tpu.memref_squeeze %dma_wait3A_608 : memref<1x128x16xf32, #tpu.memory_space<vmem>> -> memref<128x16xf32, #tpu.memory_space<vmem>>
      %dma_wait3A_610 = arith.constant 896 : i32
      %dma_wait3A_611 = tpu.memref_slice %arg16[%dma_wait3A_610] : memref<1024xi32, #tpu.memory_space<vmem>> -> memref<128xi32, #tpu.memory_space<vmem>>
      %dma_wait3A_612 = arith.constant 0 : i32
      %dma_wait3A_613 = arith.constant 0 : i32
      %dma_wait3A_614 = tpu.memref_slice %arg2[%dma_wait3A_612, %dma_wait3A_613] : memref<100000x16xf32, #tpu.memory_space<hbm>> -> memref<100000x16xf32, #tpu.memory_space<hbm>>
      tpu.wait_indirect_dma semaphore(%arg31 : memref<!tpu.dma_semaphore, #tpu.memory_space<semaphore_mem>>) src(%dma_wait3A_614 : memref<100000x16xf32, #tpu.memory_space<hbm>>) dst(%dma_wait3A_609 : memref<128x16xf32, #tpu.memory_space<vmem>>)
      %dma_wait3A_615 = arith.constant 7 : i32
      %dma_wait3A_616 = arith.constant 0 : i32
      %dma_wait3A_617 = arith.constant 0 : i32
      %dma_wait3A_618 = tpu.memref_slice %arg21[%dma_wait3A_615, %dma_wait3A_616, %dma_wait3A_617] : memref<8x128x16xf32, #tpu.memory_space<vmem>> -> memref<1x128x16xf32, #tpu.memory_space<vmem>>
      %dma_wait3A_619 = tpu.memref_squeeze %dma_wait3A_618 : memref<1x128x16xf32, #tpu.memory_space<vmem>> -> memref<128x16xf32, #tpu.memory_space<vmem>>
      %dma_wait3A_620 = arith.constant 896 : i32
      %dma_wait3A_621 = tpu.memref_slice %arg15[%dma_wait3A_620] : memref<1024xi32, #tpu.memory_space<vmem>> -> memref<128xi32, #tpu.memory_space<vmem>>
      %dma_wait3A_622 = arith.constant 0 : i32
      %dma_wait3A_623 = arith.constant 0 : i32
      %dma_wait3A_624 = tpu.memref_slice %arg2[%dma_wait3A_622, %dma_wait3A_623] : memref<100000x16xf32, #tpu.memory_space<hbm>> -> memref<100000x16xf32, #tpu.memory_space<hbm>>
      tpu.wait_indirect_dma semaphore(%arg31 : memref<!tpu.dma_semaphore, #tpu.memory_space<semaphore_mem>>) src(%dma_wait3A_624 : memref<100000x16xf32, #tpu.memory_space<hbm>>) dst(%dma_wait3A_619 : memref<128x16xf32, #tpu.memory_space<vmem>>)
      %gt3A = arith.constant 0 : i32
      %gt3A_625 = arith.cmpi sgt, %scan3A_295, %gt3A : i32
      %convert_element_type3A = arith.extui %gt3A_625 : i1 to i32
      %cond3A = arith.constant 0 : i32
      %cond3A_626 = arith.cmpi ne, %convert_element_type3A, %cond3A : i32
      scf.if %cond3A_626 {
        %dma_wait3A_946 = arith.constant 0 : i32
        %dma_wait3A_947 = arith.constant 0 : i32
        %dma_wait3A_948 = tpu.memref_slice %arg22[%dma_wait3A_946, %dma_wait3A_947] : memref<7x1024xf32, #tpu.memory_space<vmem>> -> memref<1x1024xf32, #tpu.memory_space<vmem>>
        %dma_wait3A_949 = tpu.memref_squeeze %dma_wait3A_948 : memref<1x1024xf32, #tpu.memory_space<vmem>> -> memref<1024xf32, #tpu.memory_space<vmem>>
        %dma_wait3A_950 = tpu.memref_slice %arg8[%mul3A_2] : memref<6400000xf32, #tpu.memory_space<hbm>> -> memref<1024xf32, #tpu.memory_space<hbm>>
        %dma_wait3A_951 = tpu.memref_slice %arg8[%mul3A_2] : memref<6400000xf32, #tpu.memory_space<hbm>> -> memref<1024xf32, #tpu.memory_space<hbm>>
        %dma_wait3A_952 = arith.constant 0 : i32
        %dma_wait3A_953 = tpu.memref_slice %arg22[%dma_wait3A_946, %dma_wait3A_952] : memref<7x1024xf32, #tpu.memory_space<vmem>> -> memref<1x1024xf32, #tpu.memory_space<vmem>>
        %dma_wait3A_954 = tpu.memref_squeeze %dma_wait3A_953 : memref<1x1024xf32, #tpu.memory_space<vmem>> -> memref<1024xf32, #tpu.memory_space<vmem>>
        tpu.wait_dma2 semaphore(%arg33 : memref<!tpu.dma_semaphore, #tpu.memory_space<semaphore_mem>>) src(%dma_wait3A_954 : memref<1024xf32, #tpu.memory_space<vmem>>) dst(%dma_wait3A_951 : memref<1024xf32, #tpu.memory_space<hbm>>)
        %dma_wait3A_955 = arith.constant 1 : i32
        %dma_wait3A_956 = arith.constant 0 : i32
        %dma_wait3A_957 = tpu.memref_slice %arg22[%dma_wait3A_955, %dma_wait3A_956] : memref<7x1024xf32, #tpu.memory_space<vmem>> -> memref<1x1024xf32, #tpu.memory_space<vmem>>
        %dma_wait3A_958 = tpu.memref_squeeze %dma_wait3A_957 : memref<1x1024xf32, #tpu.memory_space<vmem>> -> memref<1024xf32, #tpu.memory_space<vmem>>
        %dma_wait3A_959 = tpu.memref_slice %arg9[%mul3A_2] : memref<6400000xf32, #tpu.memory_space<hbm>> -> memref<1024xf32, #tpu.memory_space<hbm>>
        %dma_wait3A_960 = tpu.memref_slice %arg9[%mul3A_2] : memref<6400000xf32, #tpu.memory_space<hbm>> -> memref<1024xf32, #tpu.memory_space<hbm>>
        %dma_wait3A_961 = arith.constant 0 : i32
        %dma_wait3A_962 = tpu.memref_slice %arg22[%dma_wait3A_955, %dma_wait3A_961] : memref<7x1024xf32, #tpu.memory_space<vmem>> -> memref<1x1024xf32, #tpu.memory_space<vmem>>
        %dma_wait3A_963 = tpu.memref_squeeze %dma_wait3A_962 : memref<1x1024xf32, #tpu.memory_space<vmem>> -> memref<1024xf32, #tpu.memory_space<vmem>>
        tpu.wait_dma2 semaphore(%arg33 : memref<!tpu.dma_semaphore, #tpu.memory_space<semaphore_mem>>) src(%dma_wait3A_963 : memref<1024xf32, #tpu.memory_space<vmem>>) dst(%dma_wait3A_960 : memref<1024xf32, #tpu.memory_space<hbm>>)
        %dma_wait3A_964 = arith.constant 2 : i32
        %dma_wait3A_965 = arith.constant 0 : i32
        %dma_wait3A_966 = tpu.memref_slice %arg22[%dma_wait3A_964, %dma_wait3A_965] : memref<7x1024xf32, #tpu.memory_space<vmem>> -> memref<1x1024xf32, #tpu.memory_space<vmem>>
        %dma_wait3A_967 = tpu.memref_squeeze %dma_wait3A_966 : memref<1x1024xf32, #tpu.memory_space<vmem>> -> memref<1024xf32, #tpu.memory_space<vmem>>
        %dma_wait3A_968 = tpu.memref_slice %arg10[%mul3A_2] : memref<6400000xf32, #tpu.memory_space<hbm>> -> memref<1024xf32, #tpu.memory_space<hbm>>
        %dma_wait3A_969 = tpu.memref_slice %arg10[%mul3A_2] : memref<6400000xf32, #tpu.memory_space<hbm>> -> memref<1024xf32, #tpu.memory_space<hbm>>
        %dma_wait3A_970 = arith.constant 0 : i32
        %dma_wait3A_971 = tpu.memref_slice %arg22[%dma_wait3A_964, %dma_wait3A_970] : memref<7x1024xf32, #tpu.memory_space<vmem>> -> memref<1x1024xf32, #tpu.memory_space<vmem>>
        %dma_wait3A_972 = tpu.memref_squeeze %dma_wait3A_971 : memref<1x1024xf32, #tpu.memory_space<vmem>> -> memref<1024xf32, #tpu.memory_space<vmem>>
        tpu.wait_dma2 semaphore(%arg33 : memref<!tpu.dma_semaphore, #tpu.memory_space<semaphore_mem>>) src(%dma_wait3A_972 : memref<1024xf32, #tpu.memory_space<vmem>>) dst(%dma_wait3A_969 : memref<1024xf32, #tpu.memory_space<hbm>>)
        %dma_wait3A_973 = arith.constant 3 : i32
        %dma_wait3A_974 = arith.constant 0 : i32
        %dma_wait3A_975 = tpu.memref_slice %arg22[%dma_wait3A_973, %dma_wait3A_974] : memref<7x1024xf32, #tpu.memory_space<vmem>> -> memref<1x1024xf32, #tpu.memory_space<vmem>>
        %dma_wait3A_976 = tpu.memref_squeeze %dma_wait3A_975 : memref<1x1024xf32, #tpu.memory_space<vmem>> -> memref<1024xf32, #tpu.memory_space<vmem>>
        %dma_wait3A_977 = tpu.memref_slice %arg11[%mul3A_2] : memref<6400000xf32, #tpu.memory_space<hbm>> -> memref<1024xf32, #tpu.memory_space<hbm>>
        %dma_wait3A_978 = tpu.memref_slice %arg11[%mul3A_2] : memref<6400000xf32, #tpu.memory_space<hbm>> -> memref<1024xf32, #tpu.memory_space<hbm>>
        %dma_wait3A_979 = arith.constant 0 : i32
        %dma_wait3A_980 = tpu.memref_slice %arg22[%dma_wait3A_973, %dma_wait3A_979] : memref<7x1024xf32, #tpu.memory_space<vmem>> -> memref<1x1024xf32, #tpu.memory_space<vmem>>
        %dma_wait3A_981 = tpu.memref_squeeze %dma_wait3A_980 : memref<1x1024xf32, #tpu.memory_space<vmem>> -> memref<1024xf32, #tpu.memory_space<vmem>>
        tpu.wait_dma2 semaphore(%arg33 : memref<!tpu.dma_semaphore, #tpu.memory_space<semaphore_mem>>) src(%dma_wait3A_981 : memref<1024xf32, #tpu.memory_space<vmem>>) dst(%dma_wait3A_978 : memref<1024xf32, #tpu.memory_space<hbm>>)
        %dma_wait3A_982 = arith.constant 4 : i32
        %dma_wait3A_983 = arith.constant 0 : i32
        %dma_wait3A_984 = tpu.memref_slice %arg22[%dma_wait3A_982, %dma_wait3A_983] : memref<7x1024xf32, #tpu.memory_space<vmem>> -> memref<1x1024xf32, #tpu.memory_space<vmem>>
        %dma_wait3A_985 = tpu.memref_squeeze %dma_wait3A_984 : memref<1x1024xf32, #tpu.memory_space<vmem>> -> memref<1024xf32, #tpu.memory_space<vmem>>
        %dma_wait3A_986 = tpu.memref_slice %arg12[%mul3A_2] : memref<6400000xf32, #tpu.memory_space<hbm>> -> memref<1024xf32, #tpu.memory_space<hbm>>
        %dma_wait3A_987 = tpu.memref_slice %arg12[%mul3A_2] : memref<6400000xf32, #tpu.memory_space<hbm>> -> memref<1024xf32, #tpu.memory_space<hbm>>
        %dma_wait3A_988 = arith.constant 0 : i32
        %dma_wait3A_989 = tpu.memref_slice %arg22[%dma_wait3A_982, %dma_wait3A_988] : memref<7x1024xf32, #tpu.memory_space<vmem>> -> memref<1x1024xf32, #tpu.memory_space<vmem>>
        %dma_wait3A_990 = tpu.memref_squeeze %dma_wait3A_989 : memref<1x1024xf32, #tpu.memory_space<vmem>> -> memref<1024xf32, #tpu.memory_space<vmem>>
        tpu.wait_dma2 semaphore(%arg33 : memref<!tpu.dma_semaphore, #tpu.memory_space<semaphore_mem>>) src(%dma_wait3A_990 : memref<1024xf32, #tpu.memory_space<vmem>>) dst(%dma_wait3A_987 : memref<1024xf32, #tpu.memory_space<hbm>>)
        %dma_wait3A_991 = arith.constant 5 : i32
        %dma_wait3A_992 = arith.constant 0 : i32
        %dma_wait3A_993 = tpu.memref_slice %arg22[%dma_wait3A_991, %dma_wait3A_992] : memref<7x1024xf32, #tpu.memory_space<vmem>> -> memref<1x1024xf32, #tpu.memory_space<vmem>>
        %dma_wait3A_994 = tpu.memref_squeeze %dma_wait3A_993 : memref<1x1024xf32, #tpu.memory_space<vmem>> -> memref<1024xf32, #tpu.memory_space<vmem>>
        %dma_wait3A_995 = tpu.memref_slice %arg13[%mul3A_2] : memref<6400000xf32, #tpu.memory_space<hbm>> -> memref<1024xf32, #tpu.memory_space<hbm>>
        %dma_wait3A_996 = tpu.memref_slice %arg13[%mul3A_2] : memref<6400000xf32, #tpu.memory_space<hbm>> -> memref<1024xf32, #tpu.memory_space<hbm>>
        %dma_wait3A_997 = arith.constant 0 : i32
        %dma_wait3A_998 = tpu.memref_slice %arg22[%dma_wait3A_991, %dma_wait3A_997] : memref<7x1024xf32, #tpu.memory_space<vmem>> -> memref<1x1024xf32, #tpu.memory_space<vmem>>
        %dma_wait3A_999 = tpu.memref_squeeze %dma_wait3A_998 : memref<1x1024xf32, #tpu.memory_space<vmem>> -> memref<1024xf32, #tpu.memory_space<vmem>>
        tpu.wait_dma2 semaphore(%arg33 : memref<!tpu.dma_semaphore, #tpu.memory_space<semaphore_mem>>) src(%dma_wait3A_999 : memref<1024xf32, #tpu.memory_space<vmem>>) dst(%dma_wait3A_996 : memref<1024xf32, #tpu.memory_space<hbm>>)
        %dma_wait3A_1000 = arith.constant 6 : i32
        %dma_wait3A_1001 = arith.constant 0 : i32
        %dma_wait3A_1002 = tpu.memref_slice %arg22[%dma_wait3A_1000, %dma_wait3A_1001] : memref<7x1024xf32, #tpu.memory_space<vmem>> -> memref<1x1024xf32, #tpu.memory_space<vmem>>
        %dma_wait3A_1003 = tpu.memref_squeeze %dma_wait3A_1002 : memref<1x1024xf32, #tpu.memory_space<vmem>> -> memref<1024xf32, #tpu.memory_space<vmem>>
        %dma_wait3A_1004 = tpu.memref_slice %arg14[%mul3A_2] : memref<6400000xf32, #tpu.memory_space<hbm>> -> memref<1024xf32, #tpu.memory_space<hbm>>
        %dma_wait3A_1005 = tpu.memref_slice %arg14[%mul3A_2] : memref<6400000xf32, #tpu.memory_space<hbm>> -> memref<1024xf32, #tpu.memory_space<hbm>>
        %dma_wait3A_1006 = arith.constant 0 : i32
        %dma_wait3A_1007 = tpu.memref_slice %arg22[%dma_wait3A_1000, %dma_wait3A_1006] : memref<7x1024xf32, #tpu.memory_space<vmem>> -> memref<1x1024xf32, #tpu.memory_space<vmem>>
        %dma_wait3A_1008 = tpu.memref_squeeze %dma_wait3A_1007 : memref<1x1024xf32, #tpu.memory_space<vmem>> -> memref<1024xf32, #tpu.memory_space<vmem>>
        tpu.wait_dma2 semaphore(%arg33 : memref<!tpu.dma_semaphore, #tpu.memory_space<semaphore_mem>>) src(%dma_wait3A_1008 : memref<1024xf32, #tpu.memory_space<vmem>>) dst(%dma_wait3A_1005 : memref<1024xf32, #tpu.memory_space<hbm>>)
      } else {
      }
      %scan3A_627 = arith.constant 0 : i32
      %scan3A_628 = arith.constant 0 : i32
      %scan3A_629 = arith.constant 64 : i32
      %scan3A_630 = arith.addi %scan3A_628, %scan3A_629 : i32
      %scan3A_631 = arith.constant 1 : i32
      scf.for %scan3A_946 = %scan3A_628 to %scan3A_630 step %scan3A_631  : i32 {
        %mul3A_947 = arith.constant 16 : i32
        %mul3A_948 = arith.muli %scan3A_946, %mul3A_947 : i32
        %add3A_949 = vector.broadcast %mul3A_948 : i32 to vector<16xi32>
        %add3A_950 = arith.addi %add3A_949, %iota3A : vector<16xi32>
        %shift_right_arithmetic3A = arith.constant 7 : i32
        %shift_right_arithmetic3A_951 = vector.broadcast %shift_right_arithmetic3A : i32 to vector<16xi32>
        %shift_right_arithmetic3A_952 = arith.shrsi %add3A_950, %shift_right_arithmetic3A_951 : vector<16xi32>
        %and3A = arith.constant 127 : i32
        %and3A_953 = vector.broadcast %and3A : i32 to vector<16xi32>
        %and3A_954 = arith.andi %add3A_950, %and3A_953 : vector<16xi32>
        %get3A = arith.index_cast %mul3A_948 : i32 to index
        %get3A_955 = tpu.vector_load %arg17[%get3A] {strides = array<i32>} : memref<1024xf32, #tpu.memory_space<vmem>>, vector<16xf32>,
        %get3A_956 = arith.index_cast %mul3A_948 : i32 to index
        %get3A_957 = tpu.vector_load %arg18[%get3A_956] {strides = array<i32>} : memref<1024xf32, #tpu.memory_space<vmem>>, vector<16xf32>,
        %get3A_958 = arith.index_cast %mul3A_948 : i32 to index
        %get3A_959 = tpu.vector_load %arg19[%get3A_958] {strides = array<i32>} : memref<1024xf32, #tpu.memory_space<vmem>>, vector<16xf32>,
        %broadcast_in_dim3A = arith.constant 0 : i32
        %broadcast_in_dim3A_960 = vector.broadcast %broadcast_in_dim3A : i32 to vector<16xi32>
        %gather3A = tpu.vector_load_idx %arg21[%shift_right_arithmetic3A_952, %and3A_954, %broadcast_in_dim3A_960] : memref<8x128x16xf32, #tpu.memory_space<vmem>>[vector<16xi32>, vector<16xi32>, vector<16xi32>], vector<16xf32>,
        %broadcast_in_dim3A_961 = arith.constant 0 : i32
        %broadcast_in_dim3A_962 = vector.broadcast %broadcast_in_dim3A_961 : i32 to vector<16xi32>
        %gather3A_963 = tpu.vector_load_idx %arg20[%shift_right_arithmetic3A_952, %and3A_954, %broadcast_in_dim3A_962] : memref<8x128x16xf32, #tpu.memory_space<vmem>>[vector<16xi32>, vector<16xi32>, vector<16xi32>], vector<16xf32>,
        %broadcast_in_dim3A_964 = arith.constant 3 : i32
        %broadcast_in_dim3A_965 = vector.broadcast %broadcast_in_dim3A_964 : i32 to vector<16xi32>
        %gather3A_966 = tpu.vector_load_idx %arg20[%shift_right_arithmetic3A_952, %and3A_954, %broadcast_in_dim3A_965] : memref<8x128x16xf32, #tpu.memory_space<vmem>>[vector<16xi32>, vector<16xi32>, vector<16xi32>], vector<16xf32>,
        %broadcast_in_dim3A_967 = arith.constant 6 : i32
        %broadcast_in_dim3A_968 = vector.broadcast %broadcast_in_dim3A_967 : i32 to vector<16xi32>
        %gather3A_969 = tpu.vector_load_idx %arg20[%shift_right_arithmetic3A_952, %and3A_954, %broadcast_in_dim3A_968] : memref<8x128x16xf32, #tpu.memory_space<vmem>>[vector<16xi32>, vector<16xi32>, vector<16xi32>], vector<16xf32>,
        %broadcast_in_dim3A_970 = arith.constant 9 : i32
        %broadcast_in_dim3A_971 = vector.broadcast %broadcast_in_dim3A_970 : i32 to vector<16xi32>
        %gather3A_972 = tpu.vector_load_idx %arg20[%shift_right_arithmetic3A_952, %and3A_954, %broadcast_in_dim3A_971] : memref<8x128x16xf32, #tpu.memory_space<vmem>>[vector<16xi32>, vector<16xi32>, vector<16xi32>], vector<16xf32>,
        %sub3A = arith.subf %gather3A, %gather3A_963 : vector<16xf32>
        %mul3A_973 = arith.mulf %get3A_955, %gather3A_966 : vector<16xf32>
        %add3A_974 = arith.addf %sub3A, %mul3A_973 : vector<16xf32>
        %mul3A_975 = arith.mulf %get3A_957, %gather3A_969 : vector<16xf32>
        %add3A_976 = arith.addf %add3A_974, %mul3A_975 : vector<16xf32>
        %mul3A_977 = arith.mulf %get3A_959, %gather3A_972 : vector<16xf32>
        %add3A_978 = arith.addf %add3A_976, %mul3A_977 : vector<16xf32>
        %broadcast_in_dim3A_979 = arith.constant 1 : i32
        %broadcast_in_dim3A_980 = vector.broadcast %broadcast_in_dim3A_979 : i32 to vector<16xi32>
        %gather3A_981 = tpu.vector_load_idx %arg21[%shift_right_arithmetic3A_952, %and3A_954, %broadcast_in_dim3A_980] : memref<8x128x16xf32, #tpu.memory_space<vmem>>[vector<16xi32>, vector<16xi32>, vector<16xi32>], vector<16xf32>,
        %broadcast_in_dim3A_982 = arith.constant 1 : i32
        %broadcast_in_dim3A_983 = vector.broadcast %broadcast_in_dim3A_982 : i32 to vector<16xi32>
        %gather3A_984 = tpu.vector_load_idx %arg20[%shift_right_arithmetic3A_952, %and3A_954, %broadcast_in_dim3A_983] : memref<8x128x16xf32, #tpu.memory_space<vmem>>[vector<16xi32>, vector<16xi32>, vector<16xi32>], vector<16xf32>,
        %broadcast_in_dim3A_985 = arith.constant 4 : i32
        %broadcast_in_dim3A_986 = vector.broadcast %broadcast_in_dim3A_985 : i32 to vector<16xi32>
        %gather3A_987 = tpu.vector_load_idx %arg20[%shift_right_arithmetic3A_952, %and3A_954, %broadcast_in_dim3A_986] : memref<8x128x16xf32, #tpu.memory_space<vmem>>[vector<16xi32>, vector<16xi32>, vector<16xi32>], vector<16xf32>,
        %broadcast_in_dim3A_988 = arith.constant 7 : i32
        %broadcast_in_dim3A_989 = vector.broadcast %broadcast_in_dim3A_988 : i32 to vector<16xi32>
        %gather3A_990 = tpu.vector_load_idx %arg20[%shift_right_arithmetic3A_952, %and3A_954, %broadcast_in_dim3A_989] : memref<8x128x16xf32, #tpu.memory_space<vmem>>[vector<16xi32>, vector<16xi32>, vector<16xi32>], vector<16xf32>,
        %broadcast_in_dim3A_991 = arith.constant 10 : i32
        %broadcast_in_dim3A_992 = vector.broadcast %broadcast_in_dim3A_991 : i32 to vector<16xi32>
        %gather3A_993 = tpu.vector_load_idx %arg20[%shift_right_arithmetic3A_952, %and3A_954, %broadcast_in_dim3A_992] : memref<8x128x16xf32, #tpu.memory_space<vmem>>[vector<16xi32>, vector<16xi32>, vector<16xi32>], vector<16xf32>,
        %sub3A_994 = arith.subf %gather3A_981, %gather3A_984 : vector<16xf32>
        %mul3A_995 = arith.mulf %get3A_955, %gather3A_987 : vector<16xf32>
        %add3A_996 = arith.addf %sub3A_994, %mul3A_995 : vector<16xf32>
        %mul3A_997 = arith.mulf %get3A_957, %gather3A_990 : vector<16xf32>
        %add3A_998 = arith.addf %add3A_996, %mul3A_997 : vector<16xf32>
        %mul3A_999 = arith.mulf %get3A_959, %gather3A_993 : vector<16xf32>
        %add3A_1000 = arith.addf %add3A_998, %mul3A_999 : vector<16xf32>
        %broadcast_in_dim3A_1001 = arith.constant 2 : i32
        %broadcast_in_dim3A_1002 = vector.broadcast %broadcast_in_dim3A_1001 : i32 to vector<16xi32>
        %gather3A_1003 = tpu.vector_load_idx %arg21[%shift_right_arithmetic3A_952, %and3A_954, %broadcast_in_dim3A_1002] : memref<8x128x16xf32, #tpu.memory_space<vmem>>[vector<16xi32>, vector<16xi32>, vector<16xi32>], vector<16xf32>,
        %broadcast_in_dim3A_1004 = arith.constant 2 : i32
        %broadcast_in_dim3A_1005 = vector.broadcast %broadcast_in_dim3A_1004 : i32 to vector<16xi32>
        %gather3A_1006 = tpu.vector_load_idx %arg20[%shift_right_arithmetic3A_952, %and3A_954, %broadcast_in_dim3A_1005] : memref<8x128x16xf32, #tpu.memory_space<vmem>>[vector<16xi32>, vector<16xi32>, vector<16xi32>], vector<16xf32>,
        %broadcast_in_dim3A_1007 = arith.constant 5 : i32
        %broadcast_in_dim3A_1008 = vector.broadcast %broadcast_in_dim3A_1007 : i32 to vector<16xi32>
        %gather3A_1009 = tpu.vector_load_idx %arg20[%shift_right_arithmetic3A_952, %and3A_954, %broadcast_in_dim3A_1008] : memref<8x128x16xf32, #tpu.memory_space<vmem>>[vector<16xi32>, vector<16xi32>, vector<16xi32>], vector<16xf32>,
        %broadcast_in_dim3A_1010 = arith.constant 8 : i32
        %broadcast_in_dim3A_1011 = vector.broadcast %broadcast_in_dim3A_1010 : i32 to vector<16xi32>
        %gather3A_1012 = tpu.vector_load_idx %arg20[%shift_right_arithmetic3A_952, %and3A_954, %broadcast_in_dim3A_1011] : memref<8x128x16xf32, #tpu.memory_space<vmem>>[vector<16xi32>, vector<16xi32>, vector<16xi32>], vector<16xf32>,
        %broadcast_in_dim3A_1013 = arith.constant 11 : i32
        %broadcast_in_dim3A_1014 = vector.broadcast %broadcast_in_dim3A_1013 : i32 to vector<16xi32>
        %gather3A_1015 = tpu.vector_load_idx %arg20[%shift_right_arithmetic3A_952, %and3A_954, %broadcast_in_dim3A_1014] : memref<8x128x16xf32, #tpu.memory_space<vmem>>[vector<16xi32>, vector<16xi32>, vector<16xi32>], vector<16xf32>,
        %sub3A_1016 = arith.subf %gather3A_1003, %gather3A_1006 : vector<16xf32>
        %mul3A_1017 = arith.mulf %get3A_955, %gather3A_1009 : vector<16xf32>
        %add3A_1018 = arith.addf %sub3A_1016, %mul3A_1017 : vector<16xf32>
        %mul3A_1019 = arith.mulf %get3A_957, %gather3A_1012 : vector<16xf32>
        %add3A_1020 = arith.addf %add3A_1018, %mul3A_1019 : vector<16xf32>
        %mul3A_1021 = arith.mulf %get3A_959, %gather3A_1015 : vector<16xf32>
        %add3A_1022 = arith.addf %add3A_1020, %mul3A_1021 : vector<16xf32>
        %mul3A_1023 = arith.mulf %add3A_978, %add3A_978 : vector<16xf32>
        %mul3A_1024 = arith.mulf %add3A_1000, %add3A_1000 : vector<16xf32>
        %add3A_1025 = arith.addf %mul3A_1023, %mul3A_1024 : vector<16xf32>
        %mul3A_1026 = arith.mulf %add3A_1022, %add3A_1022 : vector<16xf32>
        %add3A_1027 = arith.addf %add3A_1025, %mul3A_1026 : vector<16xf32>
        %bitcast3A = vector.bitcast %add3A_1027 : vector<16xf32> to vector<16xi32>
        %shift_right_arithmetic3A_1028 = arith.constant 1 : i32
        %shift_right_arithmetic3A_1029 = vector.broadcast %shift_right_arithmetic3A_1028 : i32 to vector<16xi32>
        %shift_right_arithmetic3A_1030 = arith.shrsi %bitcast3A, %shift_right_arithmetic3A_1029 : vector<16xi32>
        %sub3A_1031 = arith.constant 1597463007 : i32
        %sub3A_1032 = vector.broadcast %sub3A_1031 : i32 to vector<16xi32>
        %sub3A_1033 = arith.subi %sub3A_1032, %shift_right_arithmetic3A_1030 : vector<16xi32>
        %bitcast3A_1034 = vector.bitcast %sub3A_1033 : vector<16xi32> to vector<16xf32>
        %mul3A_1035 = arith.constant 5.000000e-01 : f32
        %mul3A_1036 = vector.broadcast %mul3A_1035 : f32 to vector<16xf32>
        %mul3A_1037 = arith.mulf %mul3A_1036, %add3A_1027 : vector<16xf32>
        %mul3A_1038 = arith.mulf %mul3A_1037, %bitcast3A_1034 : vector<16xf32>
        %mul3A_1039 = arith.mulf %mul3A_1038, %bitcast3A_1034 : vector<16xf32>
        %sub3A_1040 = arith.constant 1.500000e+00 : f32
        %sub3A_1041 = vector.broadcast %sub3A_1040 : f32 to vector<16xf32>
        %sub3A_1042 = arith.subf %sub3A_1041, %mul3A_1039 : vector<16xf32>
        %mul3A_1043 = arith.mulf %bitcast3A_1034, %sub3A_1042 : vector<16xf32>
        %mul3A_1044 = arith.constant 5.000000e-01 : f32
        %mul3A_1045 = vector.broadcast %mul3A_1044 : f32 to vector<16xf32>
        %mul3A_1046 = arith.mulf %mul3A_1045, %add3A_1027 : vector<16xf32>
        %mul3A_1047 = arith.mulf %mul3A_1046, %mul3A_1043 : vector<16xf32>
        %mul3A_1048 = arith.mulf %mul3A_1047, %mul3A_1043 : vector<16xf32>
        %sub3A_1049 = arith.constant 1.500000e+00 : f32
        %sub3A_1050 = vector.broadcast %sub3A_1049 : f32 to vector<16xf32>
        %sub3A_1051 = arith.subf %sub3A_1050, %mul3A_1048 : vector<16xf32>
        %mul3A_1052 = arith.mulf %mul3A_1043, %sub3A_1051 : vector<16xf32>
        %mul3A_1053 = arith.constant 5.000000e-01 : f32
        %mul3A_1054 = vector.broadcast %mul3A_1053 : f32 to vector<16xf32>
        %mul3A_1055 = arith.mulf %mul3A_1054, %add3A_1027 : vector<16xf32>
        %mul3A_1056 = arith.mulf %mul3A_1055, %mul3A_1052 : vector<16xf32>
        %mul3A_1057 = arith.mulf %mul3A_1056, %mul3A_1052 : vector<16xf32>
        %sub3A_1058 = arith.constant 1.500000e+00 : f32
        %sub3A_1059 = vector.broadcast %sub3A_1058 : f32 to vector<16xf32>
        %sub3A_1060 = arith.subf %sub3A_1059, %mul3A_1057 : vector<16xf32>
        %mul3A_1061 = arith.mulf %mul3A_1052, %sub3A_1060 : vector<16xf32>
        %mul3A_1062 = arith.mulf %add3A_1027, %mul3A_1061 : vector<16xf32>
        %swap3A = arith.constant 0 : i32
        %swap3A_1063 = arith.index_cast %swap3A : i32 to index
        %swap3A_1064 = arith.index_cast %mul3A_948 : i32 to index
        %swap3A_1065 = tpu.vector_load %arg22[%swap3A_1063, %swap3A_1064] {strides = array<i32>} : memref<7x1024xf32, #tpu.memory_space<vmem>>, vector<16xf32>,
        tpu.vector_store %arg22[%swap3A_1063, %swap3A_1064], %mul3A_1062 {strides = array<i32>} : memref<7x1024xf32, #tpu.memory_space<vmem>>, vector<16xf32>,
        %swap3A_1066 = arith.constant 1 : i32
        %swap3A_1067 = arith.index_cast %swap3A_1066 : i32 to index
        %swap3A_1068 = arith.index_cast %mul3A_948 : i32 to index
        %swap3A_1069 = tpu.vector_load %arg22[%swap3A_1067, %swap3A_1068] {strides = array<i32>} : memref<7x1024xf32, #tpu.memory_space<vmem>>, vector<16xf32>,
        tpu.vector_store %arg22[%swap3A_1067, %swap3A_1068], %add3A_978 {strides = array<i32>} : memref<7x1024xf32, #tpu.memory_space<vmem>>, vector<16xf32>,
        %mul3A_1070 = arith.mulf %add3A_978, %mul3A_1061 : vector<16xf32>
        %swap3A_1071 = arith.constant 4 : i32
        %swap3A_1072 = arith.index_cast %swap3A_1071 : i32 to index
        %swap3A_1073 = arith.index_cast %mul3A_948 : i32 to index
        %swap3A_1074 = tpu.vector_load %arg22[%swap3A_1072, %swap3A_1073] {strides = array<i32>} : memref<7x1024xf32, #tpu.memory_space<vmem>>, vector<16xf32>,
        tpu.vector_store %arg22[%swap3A_1072, %swap3A_1073], %mul3A_1070 {strides = array<i32>} : memref<7x1024xf32, #tpu.memory_space<vmem>>, vector<16xf32>,
        %swap3A_1075 = arith.constant 2 : i32
        %swap3A_1076 = arith.index_cast %swap3A_1075 : i32 to index
        %swap3A_1077 = arith.index_cast %mul3A_948 : i32 to index
        %swap3A_1078 = tpu.vector_load %arg22[%swap3A_1076, %swap3A_1077] {strides = array<i32>} : memref<7x1024xf32, #tpu.memory_space<vmem>>, vector<16xf32>,
        tpu.vector_store %arg22[%swap3A_1076, %swap3A_1077], %add3A_1000 {strides = array<i32>} : memref<7x1024xf32, #tpu.memory_space<vmem>>, vector<16xf32>,
        %mul3A_1079 = arith.mulf %add3A_1000, %mul3A_1061 : vector<16xf32>
        %swap3A_1080 = arith.constant 5 : i32
        %swap3A_1081 = arith.index_cast %swap3A_1080 : i32 to index
        %swap3A_1082 = arith.index_cast %mul3A_948 : i32 to index
        %swap3A_1083 = tpu.vector_load %arg22[%swap3A_1081, %swap3A_1082] {strides = array<i32>} : memref<7x1024xf32, #tpu.memory_space<vmem>>, vector<16xf32>,
        tpu.vector_store %arg22[%swap3A_1081, %swap3A_1082], %mul3A_1079 {strides = array<i32>} : memref<7x1024xf32, #tpu.memory_space<vmem>>, vector<16xf32>,
        %swap3A_1084 = arith.constant 3 : i32
        %swap3A_1085 = arith.index_cast %swap3A_1084 : i32 to index
        %swap3A_1086 = arith.index_cast %mul3A_948 : i32 to index
        %swap3A_1087 = tpu.vector_load %arg22[%swap3A_1085, %swap3A_1086] {strides = array<i32>} : memref<7x1024xf32, #tpu.memory_space<vmem>>, vector<16xf32>,
        tpu.vector_store %arg22[%swap3A_1085, %swap3A_1086], %add3A_1022 {strides = array<i32>} : memref<7x1024xf32, #tpu.memory_space<vmem>>, vector<16xf32>,
        %mul3A_1088 = arith.mulf %add3A_1022, %mul3A_1061 : vector<16xf32>
        %swap3A_1089 = arith.constant 6 : i32
        %swap3A_1090 = arith.index_cast %swap3A_1089 : i32 to index
        %swap3A_1091 = arith.index_cast %mul3A_948 : i32 to index
        %swap3A_1092 = tpu.vector_load %arg22[%swap3A_1090, %swap3A_1091] {strides = array<i32>} : memref<7x1024xf32, #tpu.memory_space<vmem>>, vector<16xf32>,
        tpu.vector_store %arg22[%swap3A_1090, %swap3A_1091], %mul3A_1088 {strides = array<i32>} : memref<7x1024xf32, #tpu.memory_space<vmem>>, vector<16xf32>,
      }
      %scan3A_632 = arith.constant 64 : i32
      %mul3A_633 = arith.constant 1024 : i32
      %mul3A_634 = arith.muli %mul3A_297, %mul3A_633 : i32
      %min3A_635 = arith.constant 198976 : i32
      %min3A_636 = arith.minsi %mul3A_634, %min3A_635 : i32
      %add3A_637 = arith.addi %mul3A_2, %min3A_636 : i32
      %dma_start3A_638 = arith.constant 0 : i32
      %dma_start3A_639 = arith.constant 0 : i32
      %dma_start3A_640 = tpu.memref_slice %arg22[%dma_start3A_638, %dma_start3A_639] : memref<7x1024xf32, #tpu.memory_space<vmem>> -> memref<1x1024xf32, #tpu.memory_space<vmem>>
      %dma_start3A_641 = tpu.memref_squeeze %dma_start3A_640 : memref<1x1024xf32, #tpu.memory_space<vmem>> -> memref<1024xf32, #tpu.memory_space<vmem>>
      %dma_start3A_642 = tpu.memref_slice %arg8[%add3A_637] : memref<6400000xf32, #tpu.memory_space<hbm>> -> memref<1024xf32, #tpu.memory_space<hbm>>
      %dma_start3A_643 = tpu.memref_slice %arg8[%add3A_637] : memref<6400000xf32, #tpu.memory_space<hbm>> -> memref<1024xf32, #tpu.memory_space<hbm>>
      %dma_start3A_644 = arith.constant 0 : i32
      %dma_start3A_645 = tpu.memref_slice %arg22[%dma_start3A_638, %dma_start3A_644] : memref<7x1024xf32, #tpu.memory_space<vmem>> -> memref<1x1024xf32, #tpu.memory_space<vmem>>
      %dma_start3A_646 = tpu.memref_squeeze %dma_start3A_645 : memref<1x1024xf32, #tpu.memory_space<vmem>> -> memref<1024xf32, #tpu.memory_space<vmem>>
      tpu.enqueue_dma source(%dma_start3A_646 : memref<1024xf32, #tpu.memory_space<vmem>>) target(%dma_start3A_643 : memref<1024xf32, #tpu.memory_space<hbm>>) target_semaphore(%arg33 : memref<!tpu.dma_semaphore, #tpu.memory_space<semaphore_mem>>)
      %dma_start3A_647 = arith.constant 1 : i32
      %dma_start3A_648 = arith.constant 0 : i32
      %dma_start3A_649 = tpu.memref_slice %arg22[%dma_start3A_647, %dma_start3A_648] : memref<7x1024xf32, #tpu.memory_space<vmem>> -> memref<1x1024xf32, #tpu.memory_space<vmem>>
      %dma_start3A_650 = tpu.memref_squeeze %dma_start3A_649 : memref<1x1024xf32, #tpu.memory_space<vmem>> -> memref<1024xf32, #tpu.memory_space<vmem>>
      %dma_start3A_651 = tpu.memref_slice %arg9[%add3A_637] : memref<6400000xf32, #tpu.memory_space<hbm>> -> memref<1024xf32, #tpu.memory_space<hbm>>
      %dma_start3A_652 = tpu.memref_slice %arg9[%add3A_637] : memref<6400000xf32, #tpu.memory_space<hbm>> -> memref<1024xf32, #tpu.memory_space<hbm>>
      %dma_start3A_653 = arith.constant 0 : i32
      %dma_start3A_654 = tpu.memref_slice %arg22[%dma_start3A_647, %dma_start3A_653] : memref<7x1024xf32, #tpu.memory_space<vmem>> -> memref<1x1024xf32, #tpu.memory_space<vmem>>
      %dma_start3A_655 = tpu.memref_squeeze %dma_start3A_654 : memref<1x1024xf32, #tpu.memory_space<vmem>> -> memref<1024xf32, #tpu.memory_space<vmem>>
      tpu.enqueue_dma source(%dma_start3A_655 : memref<1024xf32, #tpu.memory_space<vmem>>) target(%dma_start3A_652 : memref<1024xf32, #tpu.memory_space<hbm>>) target_semaphore(%arg33 : memref<!tpu.dma_semaphore, #tpu.memory_space<semaphore_mem>>)
      %dma_start3A_656 = arith.constant 2 : i32
      %dma_start3A_657 = arith.constant 0 : i32
      %dma_start3A_658 = tpu.memref_slice %arg22[%dma_start3A_656, %dma_start3A_657] : memref<7x1024xf32, #tpu.memory_space<vmem>> -> memref<1x1024xf32, #tpu.memory_space<vmem>>
      %dma_start3A_659 = tpu.memref_squeeze %dma_start3A_658 : memref<1x1024xf32, #tpu.memory_space<vmem>> -> memref<1024xf32, #tpu.memory_space<vmem>>
      %dma_start3A_660 = tpu.memref_slice %arg10[%add3A_637] : memref<6400000xf32, #tpu.memory_space<hbm>> -> memref<1024xf32, #tpu.memory_space<hbm>>
      %dma_start3A_661 = tpu.memref_slice %arg10[%add3A_637] : memref<6400000xf32, #tpu.memory_space<hbm>> -> memref<1024xf32, #tpu.memory_space<hbm>>
      %dma_start3A_662 = arith.constant 0 : i32
      %dma_start3A_663 = tpu.memref_slice %arg22[%dma_start3A_656, %dma_start3A_662] : memref<7x1024xf32, #tpu.memory_space<vmem>> -> memref<1x1024xf32, #tpu.memory_space<vmem>>
      %dma_start3A_664 = tpu.memref_squeeze %dma_start3A_663 : memref<1x1024xf32, #tpu.memory_space<vmem>> -> memref<1024xf32, #tpu.memory_space<vmem>>
      tpu.enqueue_dma source(%dma_start3A_664 : memref<1024xf32, #tpu.memory_space<vmem>>) target(%dma_start3A_661 : memref<1024xf32, #tpu.memory_space<hbm>>) target_semaphore(%arg33 : memref<!tpu.dma_semaphore, #tpu.memory_space<semaphore_mem>>)
      %dma_start3A_665 = arith.constant 3 : i32
      %dma_start3A_666 = arith.constant 0 : i32
      %dma_start3A_667 = tpu.memref_slice %arg22[%dma_start3A_665, %dma_start3A_666] : memref<7x1024xf32, #tpu.memory_space<vmem>> -> memref<1x1024xf32, #tpu.memory_space<vmem>>
      %dma_start3A_668 = tpu.memref_squeeze %dma_start3A_667 : memref<1x1024xf32, #tpu.memory_space<vmem>> -> memref<1024xf32, #tpu.memory_space<vmem>>
      %dma_start3A_669 = tpu.memref_slice %arg11[%add3A_637] : memref<6400000xf32, #tpu.memory_space<hbm>> -> memref<1024xf32, #tpu.memory_space<hbm>>
      %dma_start3A_670 = tpu.memref_slice %arg11[%add3A_637] : memref<6400000xf32, #tpu.memory_space<hbm>> -> memref<1024xf32, #tpu.memory_space<hbm>>
      %dma_start3A_671 = arith.constant 0 : i32
      %dma_start3A_672 = tpu.memref_slice %arg22[%dma_start3A_665, %dma_start3A_671] : memref<7x1024xf32, #tpu.memory_space<vmem>> -> memref<1x1024xf32, #tpu.memory_space<vmem>>
      %dma_start3A_673 = tpu.memref_squeeze %dma_start3A_672 : memref<1x1024xf32, #tpu.memory_space<vmem>> -> memref<1024xf32, #tpu.memory_space<vmem>>
      tpu.enqueue_dma source(%dma_start3A_673 : memref<1024xf32, #tpu.memory_space<vmem>>) target(%dma_start3A_670 : memref<1024xf32, #tpu.memory_space<hbm>>) target_semaphore(%arg33 : memref<!tpu.dma_semaphore, #tpu.memory_space<semaphore_mem>>)
      %dma_start3A_674 = arith.constant 4 : i32
      %dma_start3A_675 = arith.constant 0 : i32
      %dma_start3A_676 = tpu.memref_slice %arg22[%dma_start3A_674, %dma_start3A_675] : memref<7x1024xf32, #tpu.memory_space<vmem>> -> memref<1x1024xf32, #tpu.memory_space<vmem>>
      %dma_start3A_677 = tpu.memref_squeeze %dma_start3A_676 : memref<1x1024xf32, #tpu.memory_space<vmem>> -> memref<1024xf32, #tpu.memory_space<vmem>>
      %dma_start3A_678 = tpu.memref_slice %arg12[%add3A_637] : memref<6400000xf32, #tpu.memory_space<hbm>> -> memref<1024xf32, #tpu.memory_space<hbm>>
      %dma_start3A_679 = tpu.memref_slice %arg12[%add3A_637] : memref<6400000xf32, #tpu.memory_space<hbm>> -> memref<1024xf32, #tpu.memory_space<hbm>>
      %dma_start3A_680 = arith.constant 0 : i32
      %dma_start3A_681 = tpu.memref_slice %arg22[%dma_start3A_674, %dma_start3A_680] : memref<7x1024xf32, #tpu.memory_space<vmem>> -> memref<1x1024xf32, #tpu.memory_space<vmem>>
      %dma_start3A_682 = tpu.memref_squeeze %dma_start3A_681 : memref<1x1024xf32, #tpu.memory_space<vmem>> -> memref<1024xf32, #tpu.memory_space<vmem>>
      tpu.enqueue_dma source(%dma_start3A_682 : memref<1024xf32, #tpu.memory_space<vmem>>) target(%dma_start3A_679 : memref<1024xf32, #tpu.memory_space<hbm>>) target_semaphore(%arg33 : memref<!tpu.dma_semaphore, #tpu.memory_space<semaphore_mem>>)
      %dma_start3A_683 = arith.constant 5 : i32
      %dma_start3A_684 = arith.constant 0 : i32
      %dma_start3A_685 = tpu.memref_slice %arg22[%dma_start3A_683, %dma_start3A_684] : memref<7x1024xf32, #tpu.memory_space<vmem>> -> memref<1x1024xf32, #tpu.memory_space<vmem>>
      %dma_start3A_686 = tpu.memref_squeeze %dma_start3A_685 : memref<1x1024xf32, #tpu.memory_space<vmem>> -> memref<1024xf32, #tpu.memory_space<vmem>>
      %dma_start3A_687 = tpu.memref_slice %arg13[%add3A_637] : memref<6400000xf32, #tpu.memory_space<hbm>> -> memref<1024xf32, #tpu.memory_space<hbm>>
      %dma_start3A_688 = tpu.memref_slice %arg13[%add3A_637] : memref<6400000xf32, #tpu.memory_space<hbm>> -> memref<1024xf32, #tpu.memory_space<hbm>>
      %dma_start3A_689 = arith.constant 0 : i32
      %dma_start3A_690 = tpu.memref_slice %arg22[%dma_start3A_683, %dma_start3A_689] : memref<7x1024xf32, #tpu.memory_space<vmem>> -> memref<1x1024xf32, #tpu.memory_space<vmem>>
      %dma_start3A_691 = tpu.memref_squeeze %dma_start3A_690 : memref<1x1024xf32, #tpu.memory_space<vmem>> -> memref<1024xf32, #tpu.memory_space<vmem>>
      tpu.enqueue_dma source(%dma_start3A_691 : memref<1024xf32, #tpu.memory_space<vmem>>) target(%dma_start3A_688 : memref<1024xf32, #tpu.memory_space<hbm>>) target_semaphore(%arg33 : memref<!tpu.dma_semaphore, #tpu.memory_space<semaphore_mem>>)
      %dma_start3A_692 = arith.constant 6 : i32
      %dma_start3A_693 = arith.constant 0 : i32
      %dma_start3A_694 = tpu.memref_slice %arg22[%dma_start3A_692, %dma_start3A_693] : memref<7x1024xf32, #tpu.memory_space<vmem>> -> memref<1x1024xf32, #tpu.memory_space<vmem>>
      %dma_start3A_695 = tpu.memref_squeeze %dma_start3A_694 : memref<1x1024xf32, #tpu.memory_space<vmem>> -> memref<1024xf32, #tpu.memory_space<vmem>>
      %dma_start3A_696 = tpu.memref_slice %arg14[%add3A_637] : memref<6400000xf32, #tpu.memory_space<hbm>> -> memref<1024xf32, #tpu.memory_space<hbm>>
      %dma_start3A_697 = tpu.memref_slice %arg14[%add3A_637] : memref<6400000xf32, #tpu.memory_space<hbm>> -> memref<1024xf32, #tpu.memory_space<hbm>>
      %dma_start3A_698 = arith.constant 0 : i32
      %dma_start3A_699 = tpu.memref_slice %arg22[%dma_start3A_692, %dma_start3A_698] : memref<7x1024xf32, #tpu.memory_space<vmem>> -> memref<1x1024xf32, #tpu.memory_space<vmem>>
      %dma_start3A_700 = tpu.memref_squeeze %dma_start3A_699 : memref<1x1024xf32, #tpu.memory_space<vmem>> -> memref<1024xf32, #tpu.memory_space<vmem>>
      tpu.enqueue_dma source(%dma_start3A_700 : memref<1024xf32, #tpu.memory_space<vmem>>) target(%dma_start3A_697 : memref<1024xf32, #tpu.memory_space<hbm>>) target_semaphore(%arg33 : memref<!tpu.dma_semaphore, #tpu.memory_space<semaphore_mem>>)
      %add3A_701 = arith.constant 1 : i32
      %add3A_702 = arith.addi %scan3A_295, %add3A_701 : i32
      %lt3A = arith.constant 98 : i32
      %lt3A_703 = arith.cmpi slt, %add3A_702, %lt3A : i32
      %convert_element_type3A_704 = arith.extui %lt3A_703 : i1 to i32
      %cond3A_705 = arith.constant 0 : i32
      %cond3A_706 = arith.cmpi ne, %convert_element_type3A_704, %cond3A_705 : i32
      scf.if %cond3A_706 {
        %add3A_946 = arith.constant 2 : i32
        %add3A_947 = arith.addi %mul3A_297, %add3A_946 : i32
        %mul3A_948 = arith.constant 1024 : i32
        %mul3A_949 = arith.muli %add3A_947, %mul3A_948 : i32
        %min3A_950 = arith.constant 198976 : i32
        %min3A_951 = arith.minsi %mul3A_949, %min3A_950 : i32
        %add3A_952 = arith.addi %mul3A_2, %min3A_951 : i32
        "tpu.region"() ({
          %run_scoped3A = tpu.sem_alloc : memref<!tpu.dma_semaphore, #tpu.memory_space<semaphore_mem>>
          %dma_start3A_1113 = tpu.memref_slice %arg3[%add3A_952] : memref<6400000xi32, #tpu.memory_space<hbm>> -> memref<1024xi32, #tpu.memory_space<hbm>>
          %dma_start3A_1114 = tpu.memref_slice %arg3[%add3A_952] : memref<6400000xi32, #tpu.memory_space<hbm>> -> memref<1024xi32, #tpu.memory_space<hbm>>
          tpu.enqueue_dma source(%dma_start3A_1114 : memref<1024xi32, #tpu.memory_space<hbm>>) target(%arg15 : memref<1024xi32, #tpu.memory_space<vmem>>) target_semaphore(%run_scoped3A : memref<!tpu.dma_semaphore, #tpu.memory_space<semaphore_mem>>)
          %dma_wait3A_1115 = tpu.memref_slice %arg3[%add3A_952] : memref<6400000xi32, #tpu.memory_space<hbm>> -> memref<1024xi32, #tpu.memory_space<hbm>>
          %dma_wait3A_1116 = tpu.memref_slice %arg3[%add3A_952] : memref<6400000xi32, #tpu.memory_space<hbm>> -> memref<1024xi32, #tpu.memory_space<hbm>>
          tpu.wait_dma2 semaphore(%run_scoped3A : memref<!tpu.dma_semaphore, #tpu.memory_space<semaphore_mem>>) src(%dma_wait3A_1116 : memref<1024xi32, #tpu.memory_space<hbm>>) dst(%arg15 : memref<1024xi32, #tpu.memory_space<vmem>>)
          tpu.yield
        }) : () -> ()
        "tpu.region"() ({
          %run_scoped3A = tpu.sem_alloc : memref<!tpu.dma_semaphore, #tpu.memory_space<semaphore_mem>>
          %dma_start3A_1113 = tpu.memref_slice %arg4[%add3A_952] : memref<6400000xi32, #tpu.memory_space<hbm>> -> memref<1024xi32, #tpu.memory_space<hbm>>
          %dma_start3A_1114 = tpu.memref_slice %arg4[%add3A_952] : memref<6400000xi32, #tpu.memory_space<hbm>> -> memref<1024xi32, #tpu.memory_space<hbm>>
          tpu.enqueue_dma source(%dma_start3A_1114 : memref<1024xi32, #tpu.memory_space<hbm>>) target(%arg16 : memref<1024xi32, #tpu.memory_space<vmem>>) target_semaphore(%run_scoped3A : memref<!tpu.dma_semaphore, #tpu.memory_space<semaphore_mem>>)
          %dma_wait3A_1115 = tpu.memref_slice %arg4[%add3A_952] : memref<6400000xi32, #tpu.memory_space<hbm>> -> memref<1024xi32, #tpu.memory_space<hbm>>
          %dma_wait3A_1116 = tpu.memref_slice %arg4[%add3A_952] : memref<6400000xi32, #tpu.memory_space<hbm>> -> memref<1024xi32, #tpu.memory_space<hbm>>
          tpu.wait_dma2 semaphore(%run_scoped3A : memref<!tpu.dma_semaphore, #tpu.memory_space<semaphore_mem>>) src(%dma_wait3A_1116 : memref<1024xi32, #tpu.memory_space<hbm>>) dst(%arg16 : memref<1024xi32, #tpu.memory_space<vmem>>)
          tpu.yield
        }) : () -> ()
        "tpu.region"() ({
          %run_scoped3A = tpu.sem_alloc : memref<!tpu.dma_semaphore, #tpu.memory_space<semaphore_mem>>
          %dma_start3A_1113 = tpu.memref_slice %arg5[%add3A_952] : memref<6400000xf32, #tpu.memory_space<hbm>> -> memref<1024xf32, #tpu.memory_space<hbm>>
          %dma_start3A_1114 = tpu.memref_slice %arg5[%add3A_952] : memref<6400000xf32, #tpu.memory_space<hbm>> -> memref<1024xf32, #tpu.memory_space<hbm>>
          tpu.enqueue_dma source(%dma_start3A_1114 : memref<1024xf32, #tpu.memory_space<hbm>>) target(%arg17 : memref<1024xf32, #tpu.memory_space<vmem>>) target_semaphore(%run_scoped3A : memref<!tpu.dma_semaphore, #tpu.memory_space<semaphore_mem>>)
          %dma_wait3A_1115 = tpu.memref_slice %arg5[%add3A_952] : memref<6400000xf32, #tpu.memory_space<hbm>> -> memref<1024xf32, #tpu.memory_space<hbm>>
          %dma_wait3A_1116 = tpu.memref_slice %arg5[%add3A_952] : memref<6400000xf32, #tpu.memory_space<hbm>> -> memref<1024xf32, #tpu.memory_space<hbm>>
          tpu.wait_dma2 semaphore(%run_scoped3A : memref<!tpu.dma_semaphore, #tpu.memory_space<semaphore_mem>>) src(%dma_wait3A_1116 : memref<1024xf32, #tpu.memory_space<hbm>>) dst(%arg17 : memref<1024xf32, #tpu.memory_space<vmem>>)
          tpu.yield
        }) : () -> ()
        "tpu.region"() ({
          %run_scoped3A = tpu.sem_alloc : memref<!tpu.dma_semaphore, #tpu.memory_space<semaphore_mem>>
          %dma_start3A_1113 = tpu.memref_slice %arg6[%add3A_952] : memref<6400000xf32, #tpu.memory_space<hbm>> -> memref<1024xf32, #tpu.memory_space<hbm>>
          %dma_start3A_1114 = tpu.memref_slice %arg6[%add3A_952] : memref<6400000xf32, #tpu.memory_space<hbm>> -> memref<1024xf32, #tpu.memory_space<hbm>>
          tpu.enqueue_dma source(%dma_start3A_1114 : memref<1024xf32, #tpu.memory_space<hbm>>) target(%arg18 : memref<1024xf32, #tpu.memory_space<vmem>>) target_semaphore(%run_scoped3A : memref<!tpu.dma_semaphore, #tpu.memory_space<semaphore_mem>>)
          %dma_wait3A_1115 = tpu.memref_slice %arg6[%add3A_952] : memref<6400000xf32, #tpu.memory_space<hbm>> -> memref<1024xf32, #tpu.memory_space<hbm>>
          %dma_wait3A_1116 = tpu.memref_slice %arg6[%add3A_952] : memref<6400000xf32, #tpu.memory_space<hbm>> -> memref<1024xf32, #tpu.memory_space<hbm>>
          tpu.wait_dma2 semaphore(%run_scoped3A : memref<!tpu.dma_semaphore, #tpu.memory_space<semaphore_mem>>) src(%dma_wait3A_1116 : memref<1024xf32, #tpu.memory_space<hbm>>) dst(%arg18 : memref<1024xf32, #tpu.memory_space<vmem>>)
          tpu.yield
        }) : () -> ()
        "tpu.region"() ({
          %run_scoped3A = tpu.sem_alloc : memref<!tpu.dma_semaphore, #tpu.memory_space<semaphore_mem>>
          %dma_start3A_1113 = tpu.memref_slice %arg7[%add3A_952] : memref<6400000xf32, #tpu.memory_space<hbm>> -> memref<1024xf32, #tpu.memory_space<hbm>>
          %dma_start3A_1114 = tpu.memref_slice %arg7[%add3A_952] : memref<6400000xf32, #tpu.memory_space<hbm>> -> memref<1024xf32, #tpu.memory_space<hbm>>
          tpu.enqueue_dma source(%dma_start3A_1114 : memref<1024xf32, #tpu.memory_space<hbm>>) target(%arg19 : memref<1024xf32, #tpu.memory_space<vmem>>) target_semaphore(%run_scoped3A : memref<!tpu.dma_semaphore, #tpu.memory_space<semaphore_mem>>)
          %dma_wait3A_1115 = tpu.memref_slice %arg7[%add3A_952] : memref<6400000xf32, #tpu.memory_space<hbm>> -> memref<1024xf32, #tpu.memory_space<hbm>>
          %dma_wait3A_1116 = tpu.memref_slice %arg7[%add3A_952] : memref<6400000xf32, #tpu.memory_space<hbm>> -> memref<1024xf32, #tpu.memory_space<hbm>>
          tpu.wait_dma2 semaphore(%run_scoped3A : memref<!tpu.dma_semaphore, #tpu.memory_space<semaphore_mem>>) src(%dma_wait3A_1116 : memref<1024xf32, #tpu.memory_space<hbm>>) dst(%arg19 : memref<1024xf32, #tpu.memory_space<vmem>>)
          tpu.yield
        }) : () -> ()
        %dma_start3A_953 = arith.constant 0 : i32
        %dma_start3A_954 = arith.constant 0 : i32
        %dma_start3A_955 = arith.constant 0 : i32
        %dma_start3A_956 = tpu.memref_slice %arg20[%dma_start3A_953, %dma_start3A_954, %dma_start3A_955] : memref<8x128x16xf32, #tpu.memory_space<vmem>> -> memref<1x128x16xf32, #tpu.memory_space<vmem>>
        %dma_start3A_957 = tpu.memref_squeeze %dma_start3A_956 : memref<1x128x16xf32, #tpu.memory_space<vmem>> -> memref<128x16xf32, #tpu.memory_space<vmem>>
        %dma_start3A_958 = arith.constant 0 : i32
        %dma_start3A_959 = tpu.memref_slice %arg16[%dma_start3A_958] : memref<1024xi32, #tpu.memory_space<vmem>> -> memref<128xi32, #tpu.memory_space<vmem>>
        %dma_start3A_960 = arith.constant 0 : i32
        %dma_start3A_961 = arith.constant 0 : i32
        %dma_start3A_962 = tpu.memref_slice %arg2[%dma_start3A_960, %dma_start3A_961] : memref<100000x16xf32, #tpu.memory_space<hbm>> -> memref<100000x16xf32, #tpu.memory_space<hbm>>
        tpu.enqueue_indirect_dma source(%dma_start3A_962 : memref<100000x16xf32, #tpu.memory_space<hbm>>) target(%dma_start3A_957 : memref<128x16xf32, #tpu.memory_space<vmem>>) offsets(%dma_start3A_959 : memref<128xi32, #tpu.memory_space<vmem>>) semaphore(%arg31 : memref<!tpu.dma_semaphore, #tpu.memory_space<semaphore_mem>>)
        %dma_start3A_963 = arith.constant 0 : i32
        %dma_start3A_964 = arith.constant 0 : i32
        %dma_start3A_965 = arith.constant 0 : i32
        %dma_start3A_966 = tpu.memref_slice %arg21[%dma_start3A_963, %dma_start3A_964, %dma_start3A_965] : memref<8x128x16xf32, #tpu.memory_space<vmem>> -> memref<1x128x16xf32, #tpu.memory_space<vmem>>
        %dma_start3A_967 = tpu.memref_squeeze %dma_start3A_966 : memref<1x128x16xf32, #tpu.memory_space<vmem>> -> memref<128x16xf32, #tpu.memory_space<vmem>>
        %dma_start3A_968 = arith.constant 0 : i32
        %dma_start3A_969 = tpu.memref_slice %arg15[%dma_start3A_968] : memref<1024xi32, #tpu.memory_space<vmem>> -> memref<128xi32, #tpu.memory_space<vmem>>
        %dma_start3A_970 = arith.constant 0 : i32
        %dma_start3A_971 = arith.constant 0 : i32
        %dma_start3A_972 = tpu.memref_slice %arg2[%dma_start3A_970, %dma_start3A_971] : memref<100000x16xf32, #tpu.memory_space<hbm>> -> memref<100000x16xf32, #tpu.memory_space<hbm>>
        tpu.enqueue_indirect_dma source(%dma_start3A_972 : memref<100000x16xf32, #tpu.memory_space<hbm>>) target(%dma_start3A_967 : memref<128x16xf32, #tpu.memory_space<vmem>>) offsets(%dma_start3A_969 : memref<128xi32, #tpu.memory_space<vmem>>) semaphore(%arg31 : memref<!tpu.dma_semaphore, #tpu.memory_space<semaphore_mem>>)
        %dma_start3A_973 = arith.constant 1 : i32
        %dma_start3A_974 = arith.constant 0 : i32
        %dma_start3A_975 = arith.constant 0 : i32
        %dma_start3A_976 = tpu.memref_slice %arg20[%dma_start3A_973, %dma_start3A_974, %dma_start3A_975] : memref<8x128x16xf32, #tpu.memory_space<vmem>> -> memref<1x128x16xf32, #tpu.memory_space<vmem>>
        %dma_start3A_977 = tpu.memref_squeeze %dma_start3A_976 : memref<1x128x16xf32, #tpu.memory_space<vmem>> -> memref<128x16xf32, #tpu.memory_space<vmem>>
        %dma_start3A_978 = arith.constant 128 : i32
        %dma_start3A_979 = tpu.memref_slice %arg16[%dma_start3A_978] : memref<1024xi32, #tpu.memory_space<vmem>> -> memref<128xi32, #tpu.memory_space<vmem>>
        %dma_start3A_980 = arith.constant 0 : i32
        %dma_start3A_981 = arith.constant 0 : i32
        %dma_start3A_982 = tpu.memref_slice %arg2[%dma_start3A_980, %dma_start3A_981] : memref<100000x16xf32, #tpu.memory_space<hbm>> -> memref<100000x16xf32, #tpu.memory_space<hbm>>
        tpu.enqueue_indirect_dma source(%dma_start3A_982 : memref<100000x16xf32, #tpu.memory_space<hbm>>) target(%dma_start3A_977 : memref<128x16xf32, #tpu.memory_space<vmem>>) offsets(%dma_start3A_979 : memref<128xi32, #tpu.memory_space<vmem>>) semaphore(%arg31 : memref<!tpu.dma_semaphore, #tpu.memory_space<semaphore_mem>>)
        %dma_start3A_983 = arith.constant 1 : i32
        %dma_start3A_984 = arith.constant 0 : i32
        %dma_start3A_985 = arith.constant 0 : i32
        %dma_start3A_986 = tpu.memref_slice %arg21[%dma_start3A_983, %dma_start3A_984, %dma_start3A_985] : memref<8x128x16xf32, #tpu.memory_space<vmem>> -> memref<1x128x16xf32, #tpu.memory_space<vmem>>
        %dma_start3A_987 = tpu.memref_squeeze %dma_start3A_986 : memref<1x128x16xf32, #tpu.memory_space<vmem>> -> memref<128x16xf32, #tpu.memory_space<vmem>>
        %dma_start3A_988 = arith.constant 128 : i32
        %dma_start3A_989 = tpu.memref_slice %arg15[%dma_start3A_988] : memref<1024xi32, #tpu.memory_space<vmem>> -> memref<128xi32, #tpu.memory_space<vmem>>
        %dma_start3A_990 = arith.constant 0 : i32
        %dma_start3A_991 = arith.constant 0 : i32
        %dma_start3A_992 = tpu.memref_slice %arg2[%dma_start3A_990, %dma_start3A_991] : memref<100000x16xf32, #tpu.memory_space<hbm>> -> memref<100000x16xf32, #tpu.memory_space<hbm>>
        tpu.enqueue_indirect_dma source(%dma_start3A_992 : memref<100000x16xf32, #tpu.memory_space<hbm>>) target(%dma_start3A_987 : memref<128x16xf32, #tpu.memory_space<vmem>>) offsets(%dma_start3A_989 : memref<128xi32, #tpu.memory_space<vmem>>) semaphore(%arg31 : memref<!tpu.dma_semaphore, #tpu.memory_space<semaphore_mem>>)
        %dma_start3A_993 = arith.constant 2 : i32
        %dma_start3A_994 = arith.constant 0 : i32
        %dma_start3A_995 = arith.constant 0 : i32
        %dma_start3A_996 = tpu.memref_slice %arg20[%dma_start3A_993, %dma_start3A_994, %dma_start3A_995] : memref<8x128x16xf32, #tpu.memory_space<vmem>> -> memref<1x128x16xf32, #tpu.memory_space<vmem>>
        %dma_start3A_997 = tpu.memref_squeeze %dma_start3A_996 : memref<1x128x16xf32, #tpu.memory_space<vmem>> -> memref<128x16xf32, #tpu.memory_space<vmem>>
        %dma_start3A_998 = arith.constant 256 : i32
        %dma_start3A_999 = tpu.memref_slice %arg16[%dma_start3A_998] : memref<1024xi32, #tpu.memory_space<vmem>> -> memref<128xi32, #tpu.memory_space<vmem>>
        %dma_start3A_1000 = arith.constant 0 : i32
        %dma_start3A_1001 = arith.constant 0 : i32
        %dma_start3A_1002 = tpu.memref_slice %arg2[%dma_start3A_1000, %dma_start3A_1001] : memref<100000x16xf32, #tpu.memory_space<hbm>> -> memref<100000x16xf32, #tpu.memory_space<hbm>>
        tpu.enqueue_indirect_dma source(%dma_start3A_1002 : memref<100000x16xf32, #tpu.memory_space<hbm>>) target(%dma_start3A_997 : memref<128x16xf32, #tpu.memory_space<vmem>>) offsets(%dma_start3A_999 : memref<128xi32, #tpu.memory_space<vmem>>) semaphore(%arg31 : memref<!tpu.dma_semaphore, #tpu.memory_space<semaphore_mem>>)
        %dma_start3A_1003 = arith.constant 2 : i32
        %dma_start3A_1004 = arith.constant 0 : i32
        %dma_start3A_1005 = arith.constant 0 : i32
        %dma_start3A_1006 = tpu.memref_slice %arg21[%dma_start3A_1003, %dma_start3A_1004, %dma_start3A_1005] : memref<8x128x16xf32, #tpu.memory_space<vmem>> -> memref<1x128x16xf32, #tpu.memory_space<vmem>>
        %dma_start3A_1007 = tpu.memref_squeeze %dma_start3A_1006 : memref<1x128x16xf32, #tpu.memory_space<vmem>> -> memref<128x16xf32, #tpu.memory_space<vmem>>
        %dma_start3A_1008 = arith.constant 256 : i32
        %dma_start3A_1009 = tpu.memref_slice %arg15[%dma_start3A_1008] : memref<1024xi32, #tpu.memory_space<vmem>> -> memref<128xi32, #tpu.memory_space<vmem>>
        %dma_start3A_1010 = arith.constant 0 : i32
        %dma_start3A_1011 = arith.constant 0 : i32
        %dma_start3A_1012 = tpu.memref_slice %arg2[%dma_start3A_1010, %dma_start3A_1011] : memref<100000x16xf32, #tpu.memory_space<hbm>> -> memref<100000x16xf32, #tpu.memory_space<hbm>>
        tpu.enqueue_indirect_dma source(%dma_start3A_1012 : memref<100000x16xf32, #tpu.memory_space<hbm>>) target(%dma_start3A_1007 : memref<128x16xf32, #tpu.memory_space<vmem>>) offsets(%dma_start3A_1009 : memref<128xi32, #tpu.memory_space<vmem>>) semaphore(%arg31 : memref<!tpu.dma_semaphore, #tpu.memory_space<semaphore_mem>>)
        %dma_start3A_1013 = arith.constant 3 : i32
        %dma_start3A_1014 = arith.constant 0 : i32
        %dma_start3A_1015 = arith.constant 0 : i32
        %dma_start3A_1016 = tpu.memref_slice %arg20[%dma_start3A_1013, %dma_start3A_1014, %dma_start3A_1015] : memref<8x128x16xf32, #tpu.memory_space<vmem>> -> memref<1x128x16xf32, #tpu.memory_space<vmem>>
        %dma_start3A_1017 = tpu.memref_squeeze %dma_start3A_1016 : memref<1x128x16xf32, #tpu.memory_space<vmem>> -> memref<128x16xf32, #tpu.memory_space<vmem>>
        %dma_start3A_1018 = arith.constant 384 : i32
        %dma_start3A_1019 = tpu.memref_slice %arg16[%dma_start3A_1018] : memref<1024xi32, #tpu.memory_space<vmem>> -> memref<128xi32, #tpu.memory_space<vmem>>
        %dma_start3A_1020 = arith.constant 0 : i32
        %dma_start3A_1021 = arith.constant 0 : i32
        %dma_start3A_1022 = tpu.memref_slice %arg2[%dma_start3A_1020, %dma_start3A_1021] : memref<100000x16xf32, #tpu.memory_space<hbm>> -> memref<100000x16xf32, #tpu.memory_space<hbm>>
        tpu.enqueue_indirect_dma source(%dma_start3A_1022 : memref<100000x16xf32, #tpu.memory_space<hbm>>) target(%dma_start3A_1017 : memref<128x16xf32, #tpu.memory_space<vmem>>) offsets(%dma_start3A_1019 : memref<128xi32, #tpu.memory_space<vmem>>) semaphore(%arg31 : memref<!tpu.dma_semaphore, #tpu.memory_space<semaphore_mem>>)
        %dma_start3A_1023 = arith.constant 3 : i32
        %dma_start3A_1024 = arith.constant 0 : i32
        %dma_start3A_1025 = arith.constant 0 : i32
        %dma_start3A_1026 = tpu.memref_slice %arg21[%dma_start3A_1023, %dma_start3A_1024, %dma_start3A_1025] : memref<8x128x16xf32, #tpu.memory_space<vmem>> -> memref<1x128x16xf32, #tpu.memory_space<vmem>>
        %dma_start3A_1027 = tpu.memref_squeeze %dma_start3A_1026 : memref<1x128x16xf32, #tpu.memory_space<vmem>> -> memref<128x16xf32, #tpu.memory_space<vmem>>
        %dma_start3A_1028 = arith.constant 384 : i32
        %dma_start3A_1029 = tpu.memref_slice %arg15[%dma_start3A_1028] : memref<1024xi32, #tpu.memory_space<vmem>> -> memref<128xi32, #tpu.memory_space<vmem>>
        %dma_start3A_1030 = arith.constant 0 : i32
        %dma_start3A_1031 = arith.constant 0 : i32
        %dma_start3A_1032 = tpu.memref_slice %arg2[%dma_start3A_1030, %dma_start3A_1031] : memref<100000x16xf32, #tpu.memory_space<hbm>> -> memref<100000x16xf32, #tpu.memory_space<hbm>>
        tpu.enqueue_indirect_dma source(%dma_start3A_1032 : memref<100000x16xf32, #tpu.memory_space<hbm>>) target(%dma_start3A_1027 : memref<128x16xf32, #tpu.memory_space<vmem>>) offsets(%dma_start3A_1029 : memref<128xi32, #tpu.memory_space<vmem>>) semaphore(%arg31 : memref<!tpu.dma_semaphore, #tpu.memory_space<semaphore_mem>>)
        %dma_start3A_1033 = arith.constant 4 : i32
        %dma_start3A_1034 = arith.constant 0 : i32
        %dma_start3A_1035 = arith.constant 0 : i32
        %dma_start3A_1036 = tpu.memref_slice %arg20[%dma_start3A_1033, %dma_start3A_1034, %dma_start3A_1035] : memref<8x128x16xf32, #tpu.memory_space<vmem>> -> memref<1x128x16xf32, #tpu.memory_space<vmem>>
        %dma_start3A_1037 = tpu.memref_squeeze %dma_start3A_1036 : memref<1x128x16xf32, #tpu.memory_space<vmem>> -> memref<128x16xf32, #tpu.memory_space<vmem>>
        %dma_start3A_1038 = arith.constant 512 : i32
        %dma_start3A_1039 = tpu.memref_slice %arg16[%dma_start3A_1038] : memref<1024xi32, #tpu.memory_space<vmem>> -> memref<128xi32, #tpu.memory_space<vmem>>
        %dma_start3A_1040 = arith.constant 0 : i32
        %dma_start3A_1041 = arith.constant 0 : i32
        %dma_start3A_1042 = tpu.memref_slice %arg2[%dma_start3A_1040, %dma_start3A_1041] : memref<100000x16xf32, #tpu.memory_space<hbm>> -> memref<100000x16xf32, #tpu.memory_space<hbm>>
        tpu.enqueue_indirect_dma source(%dma_start3A_1042 : memref<100000x16xf32, #tpu.memory_space<hbm>>) target(%dma_start3A_1037 : memref<128x16xf32, #tpu.memory_space<vmem>>) offsets(%dma_start3A_1039 : memref<128xi32, #tpu.memory_space<vmem>>) semaphore(%arg31 : memref<!tpu.dma_semaphore, #tpu.memory_space<semaphore_mem>>)
        %dma_start3A_1043 = arith.constant 4 : i32
        %dma_start3A_1044 = arith.constant 0 : i32
        %dma_start3A_1045 = arith.constant 0 : i32
        %dma_start3A_1046 = tpu.memref_slice %arg21[%dma_start3A_1043, %dma_start3A_1044, %dma_start3A_1045] : memref<8x128x16xf32, #tpu.memory_space<vmem>> -> memref<1x128x16xf32, #tpu.memory_space<vmem>>
        %dma_start3A_1047 = tpu.memref_squeeze %dma_start3A_1046 : memref<1x128x16xf32, #tpu.memory_space<vmem>> -> memref<128x16xf32, #tpu.memory_space<vmem>>
        %dma_start3A_1048 = arith.constant 512 : i32
        %dma_start3A_1049 = tpu.memref_slice %arg15[%dma_start3A_1048] : memref<1024xi32, #tpu.memory_space<vmem>> -> memref<128xi32, #tpu.memory_space<vmem>>
        %dma_start3A_1050 = arith.constant 0 : i32
        %dma_start3A_1051 = arith.constant 0 : i32
        %dma_start3A_1052 = tpu.memref_slice %arg2[%dma_start3A_1050, %dma_start3A_1051] : memref<100000x16xf32, #tpu.memory_space<hbm>> -> memref<100000x16xf32, #tpu.memory_space<hbm>>
        tpu.enqueue_indirect_dma source(%dma_start3A_1052 : memref<100000x16xf32, #tpu.memory_space<hbm>>) target(%dma_start3A_1047 : memref<128x16xf32, #tpu.memory_space<vmem>>) offsets(%dma_start3A_1049 : memref<128xi32, #tpu.memory_space<vmem>>) semaphore(%arg31 : memref<!tpu.dma_semaphore, #tpu.memory_space<semaphore_mem>>)
        %dma_start3A_1053 = arith.constant 5 : i32
        %dma_start3A_1054 = arith.constant 0 : i32
        %dma_start3A_1055 = arith.constant 0 : i32
        %dma_start3A_1056 = tpu.memref_slice %arg20[%dma_start3A_1053, %dma_start3A_1054, %dma_start3A_1055] : memref<8x128x16xf32, #tpu.memory_space<vmem>> -> memref<1x128x16xf32, #tpu.memory_space<vmem>>
        %dma_start3A_1057 = tpu.memref_squeeze %dma_start3A_1056 : memref<1x128x16xf32, #tpu.memory_space<vmem>> -> memref<128x16xf32, #tpu.memory_space<vmem>>
        %dma_start3A_1058 = arith.constant 640 : i32
        %dma_start3A_1059 = tpu.memref_slice %arg16[%dma_start3A_1058] : memref<1024xi32, #tpu.memory_space<vmem>> -> memref<128xi32, #tpu.memory_space<vmem>>
        %dma_start3A_1060 = arith.constant 0 : i32
        %dma_start3A_1061 = arith.constant 0 : i32
        %dma_start3A_1062 = tpu.memref_slice %arg2[%dma_start3A_1060, %dma_start3A_1061] : memref<100000x16xf32, #tpu.memory_space<hbm>> -> memref<100000x16xf32, #tpu.memory_space<hbm>>
        tpu.enqueue_indirect_dma source(%dma_start3A_1062 : memref<100000x16xf32, #tpu.memory_space<hbm>>) target(%dma_start3A_1057 : memref<128x16xf32, #tpu.memory_space<vmem>>) offsets(%dma_start3A_1059 : memref<128xi32, #tpu.memory_space<vmem>>) semaphore(%arg31 : memref<!tpu.dma_semaphore, #tpu.memory_space<semaphore_mem>>)
        %dma_start3A_1063 = arith.constant 5 : i32
        %dma_start3A_1064 = arith.constant 0 : i32
        %dma_start3A_1065 = arith.constant 0 : i32
        %dma_start3A_1066 = tpu.memref_slice %arg21[%dma_start3A_1063, %dma_start3A_1064, %dma_start3A_1065] : memref<8x128x16xf32, #tpu.memory_space<vmem>> -> memref<1x128x16xf32, #tpu.memory_space<vmem>>
        %dma_start3A_1067 = tpu.memref_squeeze %dma_start3A_1066 : memref<1x128x16xf32, #tpu.memory_space<vmem>> -> memref<128x16xf32, #tpu.memory_space<vmem>>
        %dma_start3A_1068 = arith.constant 640 : i32
        %dma_start3A_1069 = tpu.memref_slice %arg15[%dma_start3A_1068] : memref<1024xi32, #tpu.memory_space<vmem>> -> memref<128xi32, #tpu.memory_space<vmem>>
        %dma_start3A_1070 = arith.constant 0 : i32
        %dma_start3A_1071 = arith.constant 0 : i32
        %dma_start3A_1072 = tpu.memref_slice %arg2[%dma_start3A_1070, %dma_start3A_1071] : memref<100000x16xf32, #tpu.memory_space<hbm>> -> memref<100000x16xf32, #tpu.memory_space<hbm>>
        tpu.enqueue_indirect_dma source(%dma_start3A_1072 : memref<100000x16xf32, #tpu.memory_space<hbm>>) target(%dma_start3A_1067 : memref<128x16xf32, #tpu.memory_space<vmem>>) offsets(%dma_start3A_1069 : memref<128xi32, #tpu.memory_space<vmem>>) semaphore(%arg31 : memref<!tpu.dma_semaphore, #tpu.memory_space<semaphore_mem>>)
        %dma_start3A_1073 = arith.constant 6 : i32
        %dma_start3A_1074 = arith.constant 0 : i32
        %dma_start3A_1075 = arith.constant 0 : i32
        %dma_start3A_1076 = tpu.memref_slice %arg20[%dma_start3A_1073, %dma_start3A_1074, %dma_start3A_1075] : memref<8x128x16xf32, #tpu.memory_space<vmem>> -> memref<1x128x16xf32, #tpu.memory_space<vmem>>
        %dma_start3A_1077 = tpu.memref_squeeze %dma_start3A_1076 : memref<1x128x16xf32, #tpu.memory_space<vmem>> -> memref<128x16xf32, #tpu.memory_space<vmem>>
        %dma_start3A_1078 = arith.constant 768 : i32
        %dma_start3A_1079 = tpu.memref_slice %arg16[%dma_start3A_1078] : memref<1024xi32, #tpu.memory_space<vmem>> -> memref<128xi32, #tpu.memory_space<vmem>>
        %dma_start3A_1080 = arith.constant 0 : i32
        %dma_start3A_1081 = arith.constant 0 : i32
        %dma_start3A_1082 = tpu.memref_slice %arg2[%dma_start3A_1080, %dma_start3A_1081] : memref<100000x16xf32, #tpu.memory_space<hbm>> -> memref<100000x16xf32, #tpu.memory_space<hbm>>
        tpu.enqueue_indirect_dma source(%dma_start3A_1082 : memref<100000x16xf32, #tpu.memory_space<hbm>>) target(%dma_start3A_1077 : memref<128x16xf32, #tpu.memory_space<vmem>>) offsets(%dma_start3A_1079 : memref<128xi32, #tpu.memory_space<vmem>>) semaphore(%arg31 : memref<!tpu.dma_semaphore, #tpu.memory_space<semaphore_mem>>)
        %dma_start3A_1083 = arith.constant 6 : i32
        %dma_start3A_1084 = arith.constant 0 : i32
        %dma_start3A_1085 = arith.constant 0 : i32
        %dma_start3A_1086 = tpu.memref_slice %arg21[%dma_start3A_1083, %dma_start3A_1084, %dma_start3A_1085] : memref<8x128x16xf32, #tpu.memory_space<vmem>> -> memref<1x128x16xf32, #tpu.memory_space<vmem>>
        %dma_start3A_1087 = tpu.memref_squeeze %dma_start3A_1086 : memref<1x128x16xf32, #tpu.memory_space<vmem>> -> memref<128x16xf32, #tpu.memory_space<vmem>>
        %dma_start3A_1088 = arith.constant 768 : i32
        %dma_start3A_1089 = tpu.memref_slice %arg15[%dma_start3A_1088] : memref<1024xi32, #tpu.memory_space<vmem>> -> memref<128xi32, #tpu.memory_space<vmem>>
        %dma_start3A_1090 = arith.constant 0 : i32
        %dma_start3A_1091 = arith.constant 0 : i32
        %dma_start3A_1092 = tpu.memref_slice %arg2[%dma_start3A_1090, %dma_start3A_1091] : memref<100000x16xf32, #tpu.memory_space<hbm>> -> memref<100000x16xf32, #tpu.memory_space<hbm>>
        tpu.enqueue_indirect_dma source(%dma_start3A_1092 : memref<100000x16xf32, #tpu.memory_space<hbm>>) target(%dma_start3A_1087 : memref<128x16xf32, #tpu.memory_space<vmem>>) offsets(%dma_start3A_1089 : memref<128xi32, #tpu.memory_space<vmem>>) semaphore(%arg31 : memref<!tpu.dma_semaphore, #tpu.memory_space<semaphore_mem>>)
        %dma_start3A_1093 = arith.constant 7 : i32
        %dma_start3A_1094 = arith.constant 0 : i32
        %dma_start3A_1095 = arith.constant 0 : i32
        %dma_start3A_1096 = tpu.memref_slice %arg20[%dma_start3A_1093, %dma_start3A_1094, %dma_start3A_1095] : memref<8x128x16xf32, #tpu.memory_space<vmem>> -> memref<1x128x16xf32, #tpu.memory_space<vmem>>
        %dma_start3A_1097 = tpu.memref_squeeze %dma_start3A_1096 : memref<1x128x16xf32, #tpu.memory_space<vmem>> -> memref<128x16xf32, #tpu.memory_space<vmem>>
        %dma_start3A_1098 = arith.constant 896 : i32
        %dma_start3A_1099 = tpu.memref_slice %arg16[%dma_start3A_1098] : memref<1024xi32, #tpu.memory_space<vmem>> -> memref<128xi32, #tpu.memory_space<vmem>>
        %dma_start3A_1100 = arith.constant 0 : i32
        %dma_start3A_1101 = arith.constant 0 : i32
        %dma_start3A_1102 = tpu.memref_slice %arg2[%dma_start3A_1100, %dma_start3A_1101] : memref<100000x16xf32, #tpu.memory_space<hbm>> -> memref<100000x16xf32, #tpu.memory_space<hbm>>
        tpu.enqueue_indirect_dma source(%dma_start3A_1102 : memref<100000x16xf32, #tpu.memory_space<hbm>>) target(%dma_start3A_1097 : memref<128x16xf32, #tpu.memory_space<vmem>>) offsets(%dma_start3A_1099 : memref<128xi32, #tpu.memory_space<vmem>>) semaphore(%arg31 : memref<!tpu.dma_semaphore, #tpu.memory_space<semaphore_mem>>)
        %dma_start3A_1103 = arith.constant 7 : i32
        %dma_start3A_1104 = arith.constant 0 : i32
        %dma_start3A_1105 = arith.constant 0 : i32
        %dma_start3A_1106 = tpu.memref_slice %arg21[%dma_start3A_1103, %dma_start3A_1104, %dma_start3A_1105] : memref<8x128x16xf32, #tpu.memory_space<vmem>> -> memref<1x128x16xf32, #tpu.memory_space<vmem>>
        %dma_start3A_1107 = tpu.memref_squeeze %dma_start3A_1106 : memref<1x128x16xf32, #tpu.memory_space<vmem>> -> memref<128x16xf32, #tpu.memory_space<vmem>>
        %dma_start3A_1108 = arith.constant 896 : i32
        %dma_start3A_1109 = tpu.memref_slice %arg15[%dma_start3A_1108] : memref<1024xi32, #tpu.memory_space<vmem>> -> memref<128xi32, #tpu.memory_space<vmem>>
        %dma_start3A_1110 = arith.constant 0 : i32
        %dma_start3A_1111 = arith.constant 0 : i32
        %dma_start3A_1112 = tpu.memref_slice %arg2[%dma_start3A_1110, %dma_start3A_1111] : memref<100000x16xf32, #tpu.memory_space<hbm>> -> memref<100000x16xf32, #tpu.memory_space<hbm>>
        tpu.enqueue_indirect_dma source(%dma_start3A_1112 : memref<100000x16xf32, #tpu.memory_space<hbm>>) target(%dma_start3A_1107 : memref<128x16xf32, #tpu.memory_space<vmem>>) offsets(%dma_start3A_1109 : memref<128xi32, #tpu.memory_space<vmem>>) semaphore(%arg31 : memref<!tpu.dma_semaphore, #tpu.memory_space<semaphore_mem>>)
      } else {
      }
      %dma_wait3A_707 = arith.constant 0 : i32
      %dma_wait3A_708 = arith.constant 0 : i32
      %dma_wait3A_709 = arith.constant 0 : i32
      %dma_wait3A_710 = tpu.memref_slice %arg28[%dma_wait3A_707, %dma_wait3A_708, %dma_wait3A_709] : memref<8x128x16xf32, #tpu.memory_space<vmem>> -> memref<1x128x16xf32, #tpu.memory_space<vmem>>
      %dma_wait3A_711 = tpu.memref_squeeze %dma_wait3A_710 : memref<1x128x16xf32, #tpu.memory_space<vmem>> -> memref<128x16xf32, #tpu.memory_space<vmem>>
      %dma_wait3A_712 = arith.constant 0 : i32
      %dma_wait3A_713 = tpu.memref_slice %arg24[%dma_wait3A_712] : memref<1024xi32, #tpu.memory_space<vmem>> -> memref<128xi32, #tpu.memory_space<vmem>>
      %dma_wait3A_714 = arith.constant 0 : i32
      %dma_wait3A_715 = arith.constant 0 : i32
      %dma_wait3A_716 = tpu.memref_slice %arg2[%dma_wait3A_714, %dma_wait3A_715] : memref<100000x16xf32, #tpu.memory_space<hbm>> -> memref<100000x16xf32, #tpu.memory_space<hbm>>
      tpu.wait_indirect_dma semaphore(%arg32 : memref<!tpu.dma_semaphore, #tpu.memory_space<semaphore_mem>>) src(%dma_wait3A_716 : memref<100000x16xf32, #tpu.memory_space<hbm>>) dst(%dma_wait3A_711 : memref<128x16xf32, #tpu.memory_space<vmem>>)
      %dma_wait3A_717 = arith.constant 0 : i32
      %dma_wait3A_718 = arith.constant 0 : i32
      %dma_wait3A_719 = arith.constant 0 : i32
      %dma_wait3A_720 = tpu.memref_slice %arg29[%dma_wait3A_717, %dma_wait3A_718, %dma_wait3A_719] : memref<8x128x16xf32, #tpu.memory_space<vmem>> -> memref<1x128x16xf32, #tpu.memory_space<vmem>>
      %dma_wait3A_721 = tpu.memref_squeeze %dma_wait3A_720 : memref<1x128x16xf32, #tpu.memory_space<vmem>> -> memref<128x16xf32, #tpu.memory_space<vmem>>
      %dma_wait3A_722 = arith.constant 0 : i32
      %dma_wait3A_723 = tpu.memref_slice %arg23[%dma_wait3A_722] : memref<1024xi32, #tpu.memory_space<vmem>> -> memref<128xi32, #tpu.memory_space<vmem>>
      %dma_wait3A_724 = arith.constant 0 : i32
      %dma_wait3A_725 = arith.constant 0 : i32
      %dma_wait3A_726 = tpu.memref_slice %arg2[%dma_wait3A_724, %dma_wait3A_725] : memref<100000x16xf32, #tpu.memory_space<hbm>> -> memref<100000x16xf32, #tpu.memory_space<hbm>>
      tpu.wait_indirect_dma semaphore(%arg32 : memref<!tpu.dma_semaphore, #tpu.memory_space<semaphore_mem>>) src(%dma_wait3A_726 : memref<100000x16xf32, #tpu.memory_space<hbm>>) dst(%dma_wait3A_721 : memref<128x16xf32, #tpu.memory_space<vmem>>)
      %dma_wait3A_727 = arith.constant 1 : i32
      %dma_wait3A_728 = arith.constant 0 : i32
      %dma_wait3A_729 = arith.constant 0 : i32
      %dma_wait3A_730 = tpu.memref_slice %arg28[%dma_wait3A_727, %dma_wait3A_728, %dma_wait3A_729] : memref<8x128x16xf32, #tpu.memory_space<vmem>> -> memref<1x128x16xf32, #tpu.memory_space<vmem>>
      %dma_wait3A_731 = tpu.memref_squeeze %dma_wait3A_730 : memref<1x128x16xf32, #tpu.memory_space<vmem>> -> memref<128x16xf32, #tpu.memory_space<vmem>>
      %dma_wait3A_732 = arith.constant 128 : i32
      %dma_wait3A_733 = tpu.memref_slice %arg24[%dma_wait3A_732] : memref<1024xi32, #tpu.memory_space<vmem>> -> memref<128xi32, #tpu.memory_space<vmem>>
      %dma_wait3A_734 = arith.constant 0 : i32
      %dma_wait3A_735 = arith.constant 0 : i32
      %dma_wait3A_736 = tpu.memref_slice %arg2[%dma_wait3A_734, %dma_wait3A_735] : memref<100000x16xf32, #tpu.memory_space<hbm>> -> memref<100000x16xf32, #tpu.memory_space<hbm>>
      tpu.wait_indirect_dma semaphore(%arg32 : memref<!tpu.dma_semaphore, #tpu.memory_space<semaphore_mem>>) src(%dma_wait3A_736 : memref<100000x16xf32, #tpu.memory_space<hbm>>) dst(%dma_wait3A_731 : memref<128x16xf32, #tpu.memory_space<vmem>>)
      %dma_wait3A_737 = arith.constant 1 : i32
      %dma_wait3A_738 = arith.constant 0 : i32
      %dma_wait3A_739 = arith.constant 0 : i32
      %dma_wait3A_740 = tpu.memref_slice %arg29[%dma_wait3A_737, %dma_wait3A_738, %dma_wait3A_739] : memref<8x128x16xf32, #tpu.memory_space<vmem>> -> memref<1x128x16xf32, #tpu.memory_space<vmem>>
      %dma_wait3A_741 = tpu.memref_squeeze %dma_wait3A_740 : memref<1x128x16xf32, #tpu.memory_space<vmem>> -> memref<128x16xf32, #tpu.memory_space<vmem>>
      %dma_wait3A_742 = arith.constant 128 : i32
      %dma_wait3A_743 = tpu.memref_slice %arg23[%dma_wait3A_742] : memref<1024xi32, #tpu.memory_space<vmem>> -> memref<128xi32, #tpu.memory_space<vmem>>
      %dma_wait3A_744 = arith.constant 0 : i32
      %dma_wait3A_745 = arith.constant 0 : i32
      %dma_wait3A_746 = tpu.memref_slice %arg2[%dma_wait3A_744, %dma_wait3A_745] : memref<100000x16xf32, #tpu.memory_space<hbm>> -> memref<100000x16xf32, #tpu.memory_space<hbm>>
      tpu.wait_indirect_dma semaphore(%arg32 : memref<!tpu.dma_semaphore, #tpu.memory_space<semaphore_mem>>) src(%dma_wait3A_746 : memref<100000x16xf32, #tpu.memory_space<hbm>>) dst(%dma_wait3A_741 : memref<128x16xf32, #tpu.memory_space<vmem>>)
      %dma_wait3A_747 = arith.constant 2 : i32
      %dma_wait3A_748 = arith.constant 0 : i32
      %dma_wait3A_749 = arith.constant 0 : i32
      %dma_wait3A_750 = tpu.memref_slice %arg28[%dma_wait3A_747, %dma_wait3A_748, %dma_wait3A_749] : memref<8x128x16xf32, #tpu.memory_space<vmem>> -> memref<1x128x16xf32, #tpu.memory_space<vmem>>
      %dma_wait3A_751 = tpu.memref_squeeze %dma_wait3A_750 : memref<1x128x16xf32, #tpu.memory_space<vmem>> -> memref<128x16xf32, #tpu.memory_space<vmem>>
      %dma_wait3A_752 = arith.constant 256 : i32
      %dma_wait3A_753 = tpu.memref_slice %arg24[%dma_wait3A_752] : memref<1024xi32, #tpu.memory_space<vmem>> -> memref<128xi32, #tpu.memory_space<vmem>>
      %dma_wait3A_754 = arith.constant 0 : i32
      %dma_wait3A_755 = arith.constant 0 : i32
      %dma_wait3A_756 = tpu.memref_slice %arg2[%dma_wait3A_754, %dma_wait3A_755] : memref<100000x16xf32, #tpu.memory_space<hbm>> -> memref<100000x16xf32, #tpu.memory_space<hbm>>
      tpu.wait_indirect_dma semaphore(%arg32 : memref<!tpu.dma_semaphore, #tpu.memory_space<semaphore_mem>>) src(%dma_wait3A_756 : memref<100000x16xf32, #tpu.memory_space<hbm>>) dst(%dma_wait3A_751 : memref<128x16xf32, #tpu.memory_space<vmem>>)
      %dma_wait3A_757 = arith.constant 2 : i32
      %dma_wait3A_758 = arith.constant 0 : i32
      %dma_wait3A_759 = arith.constant 0 : i32
      %dma_wait3A_760 = tpu.memref_slice %arg29[%dma_wait3A_757, %dma_wait3A_758, %dma_wait3A_759] : memref<8x128x16xf32, #tpu.memory_space<vmem>> -> memref<1x128x16xf32, #tpu.memory_space<vmem>>
      %dma_wait3A_761 = tpu.memref_squeeze %dma_wait3A_760 : memref<1x128x16xf32, #tpu.memory_space<vmem>> -> memref<128x16xf32, #tpu.memory_space<vmem>>
      %dma_wait3A_762 = arith.constant 256 : i32
      %dma_wait3A_763 = tpu.memref_slice %arg23[%dma_wait3A_762] : memref<1024xi32, #tpu.memory_space<vmem>> -> memref<128xi32, #tpu.memory_space<vmem>>
      %dma_wait3A_764 = arith.constant 0 : i32
      %dma_wait3A_765 = arith.constant 0 : i32
      %dma_wait3A_766 = tpu.memref_slice %arg2[%dma_wait3A_764, %dma_wait3A_765] : memref<100000x16xf32, #tpu.memory_space<hbm>> -> memref<100000x16xf32, #tpu.memory_space<hbm>>
      tpu.wait_indirect_dma semaphore(%arg32 : memref<!tpu.dma_semaphore, #tpu.memory_space<semaphore_mem>>) src(%dma_wait3A_766 : memref<100000x16xf32, #tpu.memory_space<hbm>>) dst(%dma_wait3A_761 : memref<128x16xf32, #tpu.memory_space<vmem>>)
      %dma_wait3A_767 = arith.constant 3 : i32
      %dma_wait3A_768 = arith.constant 0 : i32
      %dma_wait3A_769 = arith.constant 0 : i32
      %dma_wait3A_770 = tpu.memref_slice %arg28[%dma_wait3A_767, %dma_wait3A_768, %dma_wait3A_769] : memref<8x128x16xf32, #tpu.memory_space<vmem>> -> memref<1x128x16xf32, #tpu.memory_space<vmem>>
      %dma_wait3A_771 = tpu.memref_squeeze %dma_wait3A_770 : memref<1x128x16xf32, #tpu.memory_space<vmem>> -> memref<128x16xf32, #tpu.memory_space<vmem>>
      %dma_wait3A_772 = arith.constant 384 : i32
      %dma_wait3A_773 = tpu.memref_slice %arg24[%dma_wait3A_772] : memref<1024xi32, #tpu.memory_space<vmem>> -> memref<128xi32, #tpu.memory_space<vmem>>
      %dma_wait3A_774 = arith.constant 0 : i32
      %dma_wait3A_775 = arith.constant 0 : i32
      %dma_wait3A_776 = tpu.memref_slice %arg2[%dma_wait3A_774, %dma_wait3A_775] : memref<100000x16xf32, #tpu.memory_space<hbm>> -> memref<100000x16xf32, #tpu.memory_space<hbm>>
      tpu.wait_indirect_dma semaphore(%arg32 : memref<!tpu.dma_semaphore, #tpu.memory_space<semaphore_mem>>) src(%dma_wait3A_776 : memref<100000x16xf32, #tpu.memory_space<hbm>>) dst(%dma_wait3A_771 : memref<128x16xf32, #tpu.memory_space<vmem>>)
      %dma_wait3A_777 = arith.constant 3 : i32
      %dma_wait3A_778 = arith.constant 0 : i32
      %dma_wait3A_779 = arith.constant 0 : i32
      %dma_wait3A_780 = tpu.memref_slice %arg29[%dma_wait3A_777, %dma_wait3A_778, %dma_wait3A_779] : memref<8x128x16xf32, #tpu.memory_space<vmem>> -> memref<1x128x16xf32, #tpu.memory_space<vmem>>
      %dma_wait3A_781 = tpu.memref_squeeze %dma_wait3A_780 : memref<1x128x16xf32, #tpu.memory_space<vmem>> -> memref<128x16xf32, #tpu.memory_space<vmem>>
      %dma_wait3A_782 = arith.constant 384 : i32
      %dma_wait3A_783 = tpu.memref_slice %arg23[%dma_wait3A_782] : memref<1024xi32, #tpu.memory_space<vmem>> -> memref<128xi32, #tpu.memory_space<vmem>>
      %dma_wait3A_784 = arith.constant 0 : i32
      %dma_wait3A_785 = arith.constant 0 : i32
      %dma_wait3A_786 = tpu.memref_slice %arg2[%dma_wait3A_784, %dma_wait3A_785] : memref<100000x16xf32, #tpu.memory_space<hbm>> -> memref<100000x16xf32, #tpu.memory_space<hbm>>
      tpu.wait_indirect_dma semaphore(%arg32 : memref<!tpu.dma_semaphore, #tpu.memory_space<semaphore_mem>>) src(%dma_wait3A_786 : memref<100000x16xf32, #tpu.memory_space<hbm>>) dst(%dma_wait3A_781 : memref<128x16xf32, #tpu.memory_space<vmem>>)
      %dma_wait3A_787 = arith.constant 4 : i32
      %dma_wait3A_788 = arith.constant 0 : i32
      %dma_wait3A_789 = arith.constant 0 : i32
      %dma_wait3A_790 = tpu.memref_slice %arg28[%dma_wait3A_787, %dma_wait3A_788, %dma_wait3A_789] : memref<8x128x16xf32, #tpu.memory_space<vmem>> -> memref<1x128x16xf32, #tpu.memory_space<vmem>>
      %dma_wait3A_791 = tpu.memref_squeeze %dma_wait3A_790 : memref<1x128x16xf32, #tpu.memory_space<vmem>> -> memref<128x16xf32, #tpu.memory_space<vmem>>
      %dma_wait3A_792 = arith.constant 512 : i32
      %dma_wait3A_793 = tpu.memref_slice %arg24[%dma_wait3A_792] : memref<1024xi32, #tpu.memory_space<vmem>> -> memref<128xi32, #tpu.memory_space<vmem>>
      %dma_wait3A_794 = arith.constant 0 : i32
      %dma_wait3A_795 = arith.constant 0 : i32
      %dma_wait3A_796 = tpu.memref_slice %arg2[%dma_wait3A_794, %dma_wait3A_795] : memref<100000x16xf32, #tpu.memory_space<hbm>> -> memref<100000x16xf32, #tpu.memory_space<hbm>>
      tpu.wait_indirect_dma semaphore(%arg32 : memref<!tpu.dma_semaphore, #tpu.memory_space<semaphore_mem>>) src(%dma_wait3A_796 : memref<100000x16xf32, #tpu.memory_space<hbm>>) dst(%dma_wait3A_791 : memref<128x16xf32, #tpu.memory_space<vmem>>)
      %dma_wait3A_797 = arith.constant 4 : i32
      %dma_wait3A_798 = arith.constant 0 : i32
      %dma_wait3A_799 = arith.constant 0 : i32
      %dma_wait3A_800 = tpu.memref_slice %arg29[%dma_wait3A_797, %dma_wait3A_798, %dma_wait3A_799] : memref<8x128x16xf32, #tpu.memory_space<vmem>> -> memref<1x128x16xf32, #tpu.memory_space<vmem>>
      %dma_wait3A_801 = tpu.memref_squeeze %dma_wait3A_800 : memref<1x128x16xf32, #tpu.memory_space<vmem>> -> memref<128x16xf32, #tpu.memory_space<vmem>>
      %dma_wait3A_802 = arith.constant 512 : i32
      %dma_wait3A_803 = tpu.memref_slice %arg23[%dma_wait3A_802] : memref<1024xi32, #tpu.memory_space<vmem>> -> memref<128xi32, #tpu.memory_space<vmem>>
      %dma_wait3A_804 = arith.constant 0 : i32
      %dma_wait3A_805 = arith.constant 0 : i32
      %dma_wait3A_806 = tpu.memref_slice %arg2[%dma_wait3A_804, %dma_wait3A_805] : memref<100000x16xf32, #tpu.memory_space<hbm>> -> memref<100000x16xf32, #tpu.memory_space<hbm>>
      tpu.wait_indirect_dma semaphore(%arg32 : memref<!tpu.dma_semaphore, #tpu.memory_space<semaphore_mem>>) src(%dma_wait3A_806 : memref<100000x16xf32, #tpu.memory_space<hbm>>) dst(%dma_wait3A_801 : memref<128x16xf32, #tpu.memory_space<vmem>>)
      %dma_wait3A_807 = arith.constant 5 : i32
      %dma_wait3A_808 = arith.constant 0 : i32
      %dma_wait3A_809 = arith.constant 0 : i32
      %dma_wait3A_810 = tpu.memref_slice %arg28[%dma_wait3A_807, %dma_wait3A_808, %dma_wait3A_809] : memref<8x128x16xf32, #tpu.memory_space<vmem>> -> memref<1x128x16xf32, #tpu.memory_space<vmem>>
      %dma_wait3A_811 = tpu.memref_squeeze %dma_wait3A_810 : memref<1x128x16xf32, #tpu.memory_space<vmem>> -> memref<128x16xf32, #tpu.memory_space<vmem>>
      %dma_wait3A_812 = arith.constant 640 : i32
      %dma_wait3A_813 = tpu.memref_slice %arg24[%dma_wait3A_812] : memref<1024xi32, #tpu.memory_space<vmem>> -> memref<128xi32, #tpu.memory_space<vmem>>
      %dma_wait3A_814 = arith.constant 0 : i32
      %dma_wait3A_815 = arith.constant 0 : i32
      %dma_wait3A_816 = tpu.memref_slice %arg2[%dma_wait3A_814, %dma_wait3A_815] : memref<100000x16xf32, #tpu.memory_space<hbm>> -> memref<100000x16xf32, #tpu.memory_space<hbm>>
      tpu.wait_indirect_dma semaphore(%arg32 : memref<!tpu.dma_semaphore, #tpu.memory_space<semaphore_mem>>) src(%dma_wait3A_816 : memref<100000x16xf32, #tpu.memory_space<hbm>>) dst(%dma_wait3A_811 : memref<128x16xf32, #tpu.memory_space<vmem>>)
      %dma_wait3A_817 = arith.constant 5 : i32
      %dma_wait3A_818 = arith.constant 0 : i32
      %dma_wait3A_819 = arith.constant 0 : i32
      %dma_wait3A_820 = tpu.memref_slice %arg29[%dma_wait3A_817, %dma_wait3A_818, %dma_wait3A_819] : memref<8x128x16xf32, #tpu.memory_space<vmem>> -> memref<1x128x16xf32, #tpu.memory_space<vmem>>
      %dma_wait3A_821 = tpu.memref_squeeze %dma_wait3A_820 : memref<1x128x16xf32, #tpu.memory_space<vmem>> -> memref<128x16xf32, #tpu.memory_space<vmem>>
      %dma_wait3A_822 = arith.constant 640 : i32
      %dma_wait3A_823 = tpu.memref_slice %arg23[%dma_wait3A_822] : memref<1024xi32, #tpu.memory_space<vmem>> -> memref<128xi32, #tpu.memory_space<vmem>>
      %dma_wait3A_824 = arith.constant 0 : i32
      %dma_wait3A_825 = arith.constant 0 : i32
      %dma_wait3A_826 = tpu.memref_slice %arg2[%dma_wait3A_824, %dma_wait3A_825] : memref<100000x16xf32, #tpu.memory_space<hbm>> -> memref<100000x16xf32, #tpu.memory_space<hbm>>
      tpu.wait_indirect_dma semaphore(%arg32 : memref<!tpu.dma_semaphore, #tpu.memory_space<semaphore_mem>>) src(%dma_wait3A_826 : memref<100000x16xf32, #tpu.memory_space<hbm>>) dst(%dma_wait3A_821 : memref<128x16xf32, #tpu.memory_space<vmem>>)
      %dma_wait3A_827 = arith.constant 6 : i32
      %dma_wait3A_828 = arith.constant 0 : i32
      %dma_wait3A_829 = arith.constant 0 : i32
      %dma_wait3A_830 = tpu.memref_slice %arg28[%dma_wait3A_827, %dma_wait3A_828, %dma_wait3A_829] : memref<8x128x16xf32, #tpu.memory_space<vmem>> -> memref<1x128x16xf32, #tpu.memory_space<vmem>>
      %dma_wait3A_831 = tpu.memref_squeeze %dma_wait3A_830 : memref<1x128x16xf32, #tpu.memory_space<vmem>> -> memref<128x16xf32, #tpu.memory_space<vmem>>
      %dma_wait3A_832 = arith.constant 768 : i32
      %dma_wait3A_833 = tpu.memref_slice %arg24[%dma_wait3A_832] : memref<1024xi32, #tpu.memory_space<vmem>> -> memref<128xi32, #tpu.memory_space<vmem>>
      %dma_wait3A_834 = arith.constant 0 : i32
      %dma_wait3A_835 = arith.constant 0 : i32
      %dma_wait3A_836 = tpu.memref_slice %arg2[%dma_wait3A_834, %dma_wait3A_835] : memref<100000x16xf32, #tpu.memory_space<hbm>> -> memref<100000x16xf32, #tpu.memory_space<hbm>>
      tpu.wait_indirect_dma semaphore(%arg32 : memref<!tpu.dma_semaphore, #tpu.memory_space<semaphore_mem>>) src(%dma_wait3A_836 : memref<100000x16xf32, #tpu.memory_space<hbm>>) dst(%dma_wait3A_831 : memref<128x16xf32, #tpu.memory_space<vmem>>)
      %dma_wait3A_837 = arith.constant 6 : i32
      %dma_wait3A_838 = arith.constant 0 : i32
      %dma_wait3A_839 = arith.constant 0 : i32
      %dma_wait3A_840 = tpu.memref_slice %arg29[%dma_wait3A_837, %dma_wait3A_838, %dma_wait3A_839] : memref<8x128x16xf32, #tpu.memory_space<vmem>> -> memref<1x128x16xf32, #tpu.memory_space<vmem>>
      %dma_wait3A_841 = tpu.memref_squeeze %dma_wait3A_840 : memref<1x128x16xf32, #tpu.memory_space<vmem>> -> memref<128x16xf32, #tpu.memory_space<vmem>>
      %dma_wait3A_842 = arith.constant 768 : i32
      %dma_wait3A_843 = tpu.memref_slice %arg23[%dma_wait3A_842] : memref<1024xi32, #tpu.memory_space<vmem>> -> memref<128xi32, #tpu.memory_space<vmem>>
      %dma_wait3A_844 = arith.constant 0 : i32
      %dma_wait3A_845 = arith.constant 0 : i32
      %dma_wait3A_846 = tpu.memref_slice %arg2[%dma_wait3A_844, %dma_wait3A_845] : memref<100000x16xf32, #tpu.memory_space<hbm>> -> memref<100000x16xf32, #tpu.memory_space<hbm>>
      tpu.wait_indirect_dma semaphore(%arg32 : memref<!tpu.dma_semaphore, #tpu.memory_space<semaphore_mem>>) src(%dma_wait3A_846 : memref<100000x16xf32, #tpu.memory_space<hbm>>) dst(%dma_wait3A_841 : memref<128x16xf32, #tpu.memory_space<vmem>>)
      %dma_wait3A_847 = arith.constant 7 : i32
      %dma_wait3A_848 = arith.constant 0 : i32
      %dma_wait3A_849 = arith.constant 0 : i32
      %dma_wait3A_850 = tpu.memref_slice %arg28[%dma_wait3A_847, %dma_wait3A_848, %dma_wait3A_849] : memref<8x128x16xf32, #tpu.memory_space<vmem>> -> memref<1x128x16xf32, #tpu.memory_space<vmem>>
      %dma_wait3A_851 = tpu.memref_squeeze %dma_wait3A_850 : memref<1x128x16xf32, #tpu.memory_space<vmem>> -> memref<128x16xf32, #tpu.memory_space<vmem>>
      %dma_wait3A_852 = arith.constant 896 : i32
      %dma_wait3A_853 = tpu.memref_slice %arg24[%dma_wait3A_852] : memref<1024xi32, #tpu.memory_space<vmem>> -> memref<128xi32, #tpu.memory_space<vmem>>
      %dma_wait3A_854 = arith.constant 0 : i32
      %dma_wait3A_855 = arith.constant 0 : i32
      %dma_wait3A_856 = tpu.memref_slice %arg2[%dma_wait3A_854, %dma_wait3A_855] : memref<100000x16xf32, #tpu.memory_space<hbm>> -> memref<100000x16xf32, #tpu.memory_space<hbm>>
      tpu.wait_indirect_dma semaphore(%arg32 : memref<!tpu.dma_semaphore, #tpu.memory_space<semaphore_mem>>) src(%dma_wait3A_856 : memref<100000x16xf32, #tpu.memory_space<hbm>>) dst(%dma_wait3A_851 : memref<128x16xf32, #tpu.memory_space<vmem>>)
      %dma_wait3A_857 = arith.constant 7 : i32
      %dma_wait3A_858 = arith.constant 0 : i32
      %dma_wait3A_859 = arith.constant 0 : i32
      %dma_wait3A_860 = tpu.memref_slice %arg29[%dma_wait3A_857, %dma_wait3A_858, %dma_wait3A_859] : memref<8x128x16xf32, #tpu.memory_space<vmem>> -> memref<1x128x16xf32, #tpu.memory_space<vmem>>
      %dma_wait3A_861 = tpu.memref_squeeze %dma_wait3A_860 : memref<1x128x16xf32, #tpu.memory_space<vmem>> -> memref<128x16xf32, #tpu.memory_space<vmem>>
      %dma_wait3A_862 = arith.constant 896 : i32
      %dma_wait3A_863 = tpu.memref_slice %arg23[%dma_wait3A_862] : memref<1024xi32, #tpu.memory_space<vmem>> -> memref<128xi32, #tpu.memory_space<vmem>>
      %dma_wait3A_864 = arith.constant 0 : i32
      %dma_wait3A_865 = arith.constant 0 : i32
      %dma_wait3A_866 = tpu.memref_slice %arg2[%dma_wait3A_864, %dma_wait3A_865] : memref<100000x16xf32, #tpu.memory_space<hbm>> -> memref<100000x16xf32, #tpu.memory_space<hbm>>
      tpu.wait_indirect_dma semaphore(%arg32 : memref<!tpu.dma_semaphore, #tpu.memory_space<semaphore_mem>>) src(%dma_wait3A_866 : memref<100000x16xf32, #tpu.memory_space<hbm>>) dst(%dma_wait3A_861 : memref<128x16xf32, #tpu.memory_space<vmem>>)
      %gt3A_867 = arith.constant 0 : i32
      %gt3A_868 = arith.cmpi sgt, %scan3A_295, %gt3A_867 : i32
      %convert_element_type3A_869 = arith.extui %gt3A_868 : i1 to i32
      %cond3A_870 = arith.constant 0 : i32
      %cond3A_871 = arith.cmpi ne, %convert_element_type3A_869, %cond3A_870 : i32
      scf.if %cond3A_871 {
        %dma_wait3A_946 = arith.constant 0 : i32
        %dma_wait3A_947 = arith.constant 0 : i32
        %dma_wait3A_948 = tpu.memref_slice %arg30[%dma_wait3A_946, %dma_wait3A_947] : memref<7x1024xf32, #tpu.memory_space<vmem>> -> memref<1x1024xf32, #tpu.memory_space<vmem>>
        %dma_wait3A_949 = tpu.memref_squeeze %dma_wait3A_948 : memref<1x1024xf32, #tpu.memory_space<vmem>> -> memref<1024xf32, #tpu.memory_space<vmem>>
        %dma_wait3A_950 = tpu.memref_slice %arg8[%mul3A_2] : memref<6400000xf32, #tpu.memory_space<hbm>> -> memref<1024xf32, #tpu.memory_space<hbm>>
        %dma_wait3A_951 = tpu.memref_slice %arg8[%mul3A_2] : memref<6400000xf32, #tpu.memory_space<hbm>> -> memref<1024xf32, #tpu.memory_space<hbm>>
        %dma_wait3A_952 = arith.constant 0 : i32
        %dma_wait3A_953 = tpu.memref_slice %arg30[%dma_wait3A_946, %dma_wait3A_952] : memref<7x1024xf32, #tpu.memory_space<vmem>> -> memref<1x1024xf32, #tpu.memory_space<vmem>>
        %dma_wait3A_954 = tpu.memref_squeeze %dma_wait3A_953 : memref<1x1024xf32, #tpu.memory_space<vmem>> -> memref<1024xf32, #tpu.memory_space<vmem>>
        tpu.wait_dma2 semaphore(%arg34 : memref<!tpu.dma_semaphore, #tpu.memory_space<semaphore_mem>>) src(%dma_wait3A_954 : memref<1024xf32, #tpu.memory_space<vmem>>) dst(%dma_wait3A_951 : memref<1024xf32, #tpu.memory_space<hbm>>)
        %dma_wait3A_955 = arith.constant 1 : i32
        %dma_wait3A_956 = arith.constant 0 : i32
        %dma_wait3A_957 = tpu.memref_slice %arg30[%dma_wait3A_955, %dma_wait3A_956] : memref<7x1024xf32, #tpu.memory_space<vmem>> -> memref<1x1024xf32, #tpu.memory_space<vmem>>
        %dma_wait3A_958 = tpu.memref_squeeze %dma_wait3A_957 : memref<1x1024xf32, #tpu.memory_space<vmem>> -> memref<1024xf32, #tpu.memory_space<vmem>>
        %dma_wait3A_959 = tpu.memref_slice %arg9[%mul3A_2] : memref<6400000xf32, #tpu.memory_space<hbm>> -> memref<1024xf32, #tpu.memory_space<hbm>>
        %dma_wait3A_960 = tpu.memref_slice %arg9[%mul3A_2] : memref<6400000xf32, #tpu.memory_space<hbm>> -> memref<1024xf32, #tpu.memory_space<hbm>>
        %dma_wait3A_961 = arith.constant 0 : i32
        %dma_wait3A_962 = tpu.memref_slice %arg30[%dma_wait3A_955, %dma_wait3A_961] : memref<7x1024xf32, #tpu.memory_space<vmem>> -> memref<1x1024xf32, #tpu.memory_space<vmem>>
        %dma_wait3A_963 = tpu.memref_squeeze %dma_wait3A_962 : memref<1x1024xf32, #tpu.memory_space<vmem>> -> memref<1024xf32, #tpu.memory_space<vmem>>
        tpu.wait_dma2 semaphore(%arg34 : memref<!tpu.dma_semaphore, #tpu.memory_space<semaphore_mem>>) src(%dma_wait3A_963 : memref<1024xf32, #tpu.memory_space<vmem>>) dst(%dma_wait3A_960 : memref<1024xf32, #tpu.memory_space<hbm>>)
        %dma_wait3A_964 = arith.constant 2 : i32
        %dma_wait3A_965 = arith.constant 0 : i32
        %dma_wait3A_966 = tpu.memref_slice %arg30[%dma_wait3A_964, %dma_wait3A_965] : memref<7x1024xf32, #tpu.memory_space<vmem>> -> memref<1x1024xf32, #tpu.memory_space<vmem>>
        %dma_wait3A_967 = tpu.memref_squeeze %dma_wait3A_966 : memref<1x1024xf32, #tpu.memory_space<vmem>> -> memref<1024xf32, #tpu.memory_space<vmem>>
        %dma_wait3A_968 = tpu.memref_slice %arg10[%mul3A_2] : memref<6400000xf32, #tpu.memory_space<hbm>> -> memref<1024xf32, #tpu.memory_space<hbm>>
        %dma_wait3A_969 = tpu.memref_slice %arg10[%mul3A_2] : memref<6400000xf32, #tpu.memory_space<hbm>> -> memref<1024xf32, #tpu.memory_space<hbm>>
        %dma_wait3A_970 = arith.constant 0 : i32
        %dma_wait3A_971 = tpu.memref_slice %arg30[%dma_wait3A_964, %dma_wait3A_970] : memref<7x1024xf32, #tpu.memory_space<vmem>> -> memref<1x1024xf32, #tpu.memory_space<vmem>>
        %dma_wait3A_972 = tpu.memref_squeeze %dma_wait3A_971 : memref<1x1024xf32, #tpu.memory_space<vmem>> -> memref<1024xf32, #tpu.memory_space<vmem>>
        tpu.wait_dma2 semaphore(%arg34 : memref<!tpu.dma_semaphore, #tpu.memory_space<semaphore_mem>>) src(%dma_wait3A_972 : memref<1024xf32, #tpu.memory_space<vmem>>) dst(%dma_wait3A_969 : memref<1024xf32, #tpu.memory_space<hbm>>)
        %dma_wait3A_973 = arith.constant 3 : i32
        %dma_wait3A_974 = arith.constant 0 : i32
        %dma_wait3A_975 = tpu.memref_slice %arg30[%dma_wait3A_973, %dma_wait3A_974] : memref<7x1024xf32, #tpu.memory_space<vmem>> -> memref<1x1024xf32, #tpu.memory_space<vmem>>
        %dma_wait3A_976 = tpu.memref_squeeze %dma_wait3A_975 : memref<1x1024xf32, #tpu.memory_space<vmem>> -> memref<1024xf32, #tpu.memory_space<vmem>>
        %dma_wait3A_977 = tpu.memref_slice %arg11[%mul3A_2] : memref<6400000xf32, #tpu.memory_space<hbm>> -> memref<1024xf32, #tpu.memory_space<hbm>>
        %dma_wait3A_978 = tpu.memref_slice %arg11[%mul3A_2] : memref<6400000xf32, #tpu.memory_space<hbm>> -> memref<1024xf32, #tpu.memory_space<hbm>>
        %dma_wait3A_979 = arith.constant 0 : i32
        %dma_wait3A_980 = tpu.memref_slice %arg30[%dma_wait3A_973, %dma_wait3A_979] : memref<7x1024xf32, #tpu.memory_space<vmem>> -> memref<1x1024xf32, #tpu.memory_space<vmem>>
        %dma_wait3A_981 = tpu.memref_squeeze %dma_wait3A_980 : memref<1x1024xf32, #tpu.memory_space<vmem>> -> memref<1024xf32, #tpu.memory_space<vmem>>
        tpu.wait_dma2 semaphore(%arg34 : memref<!tpu.dma_semaphore, #tpu.memory_space<semaphore_mem>>) src(%dma_wait3A_981 : memref<1024xf32, #tpu.memory_space<vmem>>) dst(%dma_wait3A_978 : memref<1024xf32, #tpu.memory_space<hbm>>)
        %dma_wait3A_982 = arith.constant 4 : i32
        %dma_wait3A_983 = arith.constant 0 : i32
        %dma_wait3A_984 = tpu.memref_slice %arg30[%dma_wait3A_982, %dma_wait3A_983] : memref<7x1024xf32, #tpu.memory_space<vmem>> -> memref<1x1024xf32, #tpu.memory_space<vmem>>
        %dma_wait3A_985 = tpu.memref_squeeze %dma_wait3A_984 : memref<1x1024xf32, #tpu.memory_space<vmem>> -> memref<1024xf32, #tpu.memory_space<vmem>>
        %dma_wait3A_986 = tpu.memref_slice %arg12[%mul3A_2] : memref<6400000xf32, #tpu.memory_space<hbm>> -> memref<1024xf32, #tpu.memory_space<hbm>>
        %dma_wait3A_987 = tpu.memref_slice %arg12[%mul3A_2] : memref<6400000xf32, #tpu.memory_space<hbm>> -> memref<1024xf32, #tpu.memory_space<hbm>>
        %dma_wait3A_988 = arith.constant 0 : i32
        %dma_wait3A_989 = tpu.memref_slice %arg30[%dma_wait3A_982, %dma_wait3A_988] : memref<7x1024xf32, #tpu.memory_space<vmem>> -> memref<1x1024xf32, #tpu.memory_space<vmem>>
        %dma_wait3A_990 = tpu.memref_squeeze %dma_wait3A_989 : memref<1x1024xf32, #tpu.memory_space<vmem>> -> memref<1024xf32, #tpu.memory_space<vmem>>
        tpu.wait_dma2 semaphore(%arg34 : memref<!tpu.dma_semaphore, #tpu.memory_space<semaphore_mem>>) src(%dma_wait3A_990 : memref<1024xf32, #tpu.memory_space<vmem>>) dst(%dma_wait3A_987 : memref<1024xf32, #tpu.memory_space<hbm>>)
        %dma_wait3A_991 = arith.constant 5 : i32
        %dma_wait3A_992 = arith.constant 0 : i32
        %dma_wait3A_993 = tpu.memref_slice %arg30[%dma_wait3A_991, %dma_wait3A_992] : memref<7x1024xf32, #tpu.memory_space<vmem>> -> memref<1x1024xf32, #tpu.memory_space<vmem>>
        %dma_wait3A_994 = tpu.memref_squeeze %dma_wait3A_993 : memref<1x1024xf32, #tpu.memory_space<vmem>> -> memref<1024xf32, #tpu.memory_space<vmem>>
        %dma_wait3A_995 = tpu.memref_slice %arg13[%mul3A_2] : memref<6400000xf32, #tpu.memory_space<hbm>> -> memref<1024xf32, #tpu.memory_space<hbm>>
        %dma_wait3A_996 = tpu.memref_slice %arg13[%mul3A_2] : memref<6400000xf32, #tpu.memory_space<hbm>> -> memref<1024xf32, #tpu.memory_space<hbm>>
        %dma_wait3A_997 = arith.constant 0 : i32
        %dma_wait3A_998 = tpu.memref_slice %arg30[%dma_wait3A_991, %dma_wait3A_997] : memref<7x1024xf32, #tpu.memory_space<vmem>> -> memref<1x1024xf32, #tpu.memory_space<vmem>>
        %dma_wait3A_999 = tpu.memref_squeeze %dma_wait3A_998 : memref<1x1024xf32, #tpu.memory_space<vmem>> -> memref<1024xf32, #tpu.memory_space<vmem>>
        tpu.wait_dma2 semaphore(%arg34 : memref<!tpu.dma_semaphore, #tpu.memory_space<semaphore_mem>>) src(%dma_wait3A_999 : memref<1024xf32, #tpu.memory_space<vmem>>) dst(%dma_wait3A_996 : memref<1024xf32, #tpu.memory_space<hbm>>)
        %dma_wait3A_1000 = arith.constant 6 : i32
        %dma_wait3A_1001 = arith.constant 0 : i32
        %dma_wait3A_1002 = tpu.memref_slice %arg30[%dma_wait3A_1000, %dma_wait3A_1001] : memref<7x1024xf32, #tpu.memory_space<vmem>> -> memref<1x1024xf32, #tpu.memory_space<vmem>>
        %dma_wait3A_1003 = tpu.memref_squeeze %dma_wait3A_1002 : memref<1x1024xf32, #tpu.memory_space<vmem>> -> memref<1024xf32, #tpu.memory_space<vmem>>
        %dma_wait3A_1004 = tpu.memref_slice %arg14[%mul3A_2] : memref<6400000xf32, #tpu.memory_space<hbm>> -> memref<1024xf32, #tpu.memory_space<hbm>>
        %dma_wait3A_1005 = tpu.memref_slice %arg14[%mul3A_2] : memref<6400000xf32, #tpu.memory_space<hbm>> -> memref<1024xf32, #tpu.memory_space<hbm>>
        %dma_wait3A_1006 = arith.constant 0 : i32
        %dma_wait3A_1007 = tpu.memref_slice %arg30[%dma_wait3A_1000, %dma_wait3A_1006] : memref<7x1024xf32, #tpu.memory_space<vmem>> -> memref<1x1024xf32, #tpu.memory_space<vmem>>
        %dma_wait3A_1008 = tpu.memref_squeeze %dma_wait3A_1007 : memref<1x1024xf32, #tpu.memory_space<vmem>> -> memref<1024xf32, #tpu.memory_space<vmem>>
        tpu.wait_dma2 semaphore(%arg34 : memref<!tpu.dma_semaphore, #tpu.memory_space<semaphore_mem>>) src(%dma_wait3A_1008 : memref<1024xf32, #tpu.memory_space<vmem>>) dst(%dma_wait3A_1005 : memref<1024xf32, #tpu.memory_space<hbm>>)
      } else {
      }
      %scan3A_872 = arith.constant 0 : i32
      %scan3A_873 = arith.constant 0 : i32
      %scan3A_874 = arith.constant 64 : i32
      %scan3A_875 = arith.addi %scan3A_873, %scan3A_874 : i32
      %scan3A_876 = arith.constant 1 : i32
      scf.for %scan3A_946 = %scan3A_873 to %scan3A_875 step %scan3A_876  : i32 {
        %mul3A_947 = arith.constant 16 : i32
        %mul3A_948 = arith.muli %scan3A_946, %mul3A_947 : i32
        %add3A_949 = vector.broadcast %mul3A_948 : i32 to vector<16xi32>
        %add3A_950 = arith.addi %add3A_949, %iota3A : vector<16xi32>
        %shift_right_arithmetic3A = arith.constant 7 : i32
        %shift_right_arithmetic3A_951 = vector.broadcast %shift_right_arithmetic3A : i32 to vector<16xi32>
        %shift_right_arithmetic3A_952 = arith.shrsi %add3A_950, %shift_right_arithmetic3A_951 : vector<16xi32>
        %and3A = arith.constant 127 : i32
        %and3A_953 = vector.broadcast %and3A : i32 to vector<16xi32>
        %and3A_954 = arith.andi %add3A_950, %and3A_953 : vector<16xi32>
        %get3A = arith.index_cast %mul3A_948 : i32 to index
        %get3A_955 = tpu.vector_load %arg25[%get3A] {strides = array<i32>} : memref<1024xf32, #tpu.memory_space<vmem>>, vector<16xf32>,
        %get3A_956 = arith.index_cast %mul3A_948 : i32 to index
        %get3A_957 = tpu.vector_load %arg26[%get3A_956] {strides = array<i32>} : memref<1024xf32, #tpu.memory_space<vmem>>, vector<16xf32>,
        %get3A_958 = arith.index_cast %mul3A_948 : i32 to index
        %get3A_959 = tpu.vector_load %arg27[%get3A_958] {strides = array<i32>} : memref<1024xf32, #tpu.memory_space<vmem>>, vector<16xf32>,
        %broadcast_in_dim3A = arith.constant 0 : i32
        %broadcast_in_dim3A_960 = vector.broadcast %broadcast_in_dim3A : i32 to vector<16xi32>
        %gather3A = tpu.vector_load_idx %arg29[%shift_right_arithmetic3A_952, %and3A_954, %broadcast_in_dim3A_960] : memref<8x128x16xf32, #tpu.memory_space<vmem>>[vector<16xi32>, vector<16xi32>, vector<16xi32>], vector<16xf32>,
        %broadcast_in_dim3A_961 = arith.constant 0 : i32
        %broadcast_in_dim3A_962 = vector.broadcast %broadcast_in_dim3A_961 : i32 to vector<16xi32>
        %gather3A_963 = tpu.vector_load_idx %arg28[%shift_right_arithmetic3A_952, %and3A_954, %broadcast_in_dim3A_962] : memref<8x128x16xf32, #tpu.memory_space<vmem>>[vector<16xi32>, vector<16xi32>, vector<16xi32>], vector<16xf32>,
        %broadcast_in_dim3A_964 = arith.constant 3 : i32
        %broadcast_in_dim3A_965 = vector.broadcast %broadcast_in_dim3A_964 : i32 to vector<16xi32>
        %gather3A_966 = tpu.vector_load_idx %arg28[%shift_right_arithmetic3A_952, %and3A_954, %broadcast_in_dim3A_965] : memref<8x128x16xf32, #tpu.memory_space<vmem>>[vector<16xi32>, vector<16xi32>, vector<16xi32>], vector<16xf32>,
        %broadcast_in_dim3A_967 = arith.constant 6 : i32
        %broadcast_in_dim3A_968 = vector.broadcast %broadcast_in_dim3A_967 : i32 to vector<16xi32>
        %gather3A_969 = tpu.vector_load_idx %arg28[%shift_right_arithmetic3A_952, %and3A_954, %broadcast_in_dim3A_968] : memref<8x128x16xf32, #tpu.memory_space<vmem>>[vector<16xi32>, vector<16xi32>, vector<16xi32>], vector<16xf32>,
        %broadcast_in_dim3A_970 = arith.constant 9 : i32
        %broadcast_in_dim3A_971 = vector.broadcast %broadcast_in_dim3A_970 : i32 to vector<16xi32>
        %gather3A_972 = tpu.vector_load_idx %arg28[%shift_right_arithmetic3A_952, %and3A_954, %broadcast_in_dim3A_971] : memref<8x128x16xf32, #tpu.memory_space<vmem>>[vector<16xi32>, vector<16xi32>, vector<16xi32>], vector<16xf32>,
        %sub3A = arith.subf %gather3A, %gather3A_963 : vector<16xf32>
        %mul3A_973 = arith.mulf %get3A_955, %gather3A_966 : vector<16xf32>
        %add3A_974 = arith.addf %sub3A, %mul3A_973 : vector<16xf32>
        %mul3A_975 = arith.mulf %get3A_957, %gather3A_969 : vector<16xf32>
        %add3A_976 = arith.addf %add3A_974, %mul3A_975 : vector<16xf32>
        %mul3A_977 = arith.mulf %get3A_959, %gather3A_972 : vector<16xf32>
        %add3A_978 = arith.addf %add3A_976, %mul3A_977 : vector<16xf32>
        %broadcast_in_dim3A_979 = arith.constant 1 : i32
        %broadcast_in_dim3A_980 = vector.broadcast %broadcast_in_dim3A_979 : i32 to vector<16xi32>
        %gather3A_981 = tpu.vector_load_idx %arg29[%shift_right_arithmetic3A_952, %and3A_954, %broadcast_in_dim3A_980] : memref<8x128x16xf32, #tpu.memory_space<vmem>>[vector<16xi32>, vector<16xi32>, vector<16xi32>], vector<16xf32>,
        %broadcast_in_dim3A_982 = arith.constant 1 : i32
        %broadcast_in_dim3A_983 = vector.broadcast %broadcast_in_dim3A_982 : i32 to vector<16xi32>
        %gather3A_984 = tpu.vector_load_idx %arg28[%shift_right_arithmetic3A_952, %and3A_954, %broadcast_in_dim3A_983] : memref<8x128x16xf32, #tpu.memory_space<vmem>>[vector<16xi32>, vector<16xi32>, vector<16xi32>], vector<16xf32>,
        %broadcast_in_dim3A_985 = arith.constant 4 : i32
        %broadcast_in_dim3A_986 = vector.broadcast %broadcast_in_dim3A_985 : i32 to vector<16xi32>
        %gather3A_987 = tpu.vector_load_idx %arg28[%shift_right_arithmetic3A_952, %and3A_954, %broadcast_in_dim3A_986] : memref<8x128x16xf32, #tpu.memory_space<vmem>>[vector<16xi32>, vector<16xi32>, vector<16xi32>], vector<16xf32>,
        %broadcast_in_dim3A_988 = arith.constant 7 : i32
        %broadcast_in_dim3A_989 = vector.broadcast %broadcast_in_dim3A_988 : i32 to vector<16xi32>
        %gather3A_990 = tpu.vector_load_idx %arg28[%shift_right_arithmetic3A_952, %and3A_954, %broadcast_in_dim3A_989] : memref<8x128x16xf32, #tpu.memory_space<vmem>>[vector<16xi32>, vector<16xi32>, vector<16xi32>], vector<16xf32>,
        %broadcast_in_dim3A_991 = arith.constant 10 : i32
        %broadcast_in_dim3A_992 = vector.broadcast %broadcast_in_dim3A_991 : i32 to vector<16xi32>
        %gather3A_993 = tpu.vector_load_idx %arg28[%shift_right_arithmetic3A_952, %and3A_954, %broadcast_in_dim3A_992] : memref<8x128x16xf32, #tpu.memory_space<vmem>>[vector<16xi32>, vector<16xi32>, vector<16xi32>], vector<16xf32>,
        %sub3A_994 = arith.subf %gather3A_981, %gather3A_984 : vector<16xf32>
        %mul3A_995 = arith.mulf %get3A_955, %gather3A_987 : vector<16xf32>
        %add3A_996 = arith.addf %sub3A_994, %mul3A_995 : vector<16xf32>
        %mul3A_997 = arith.mulf %get3A_957, %gather3A_990 : vector<16xf32>
        %add3A_998 = arith.addf %add3A_996, %mul3A_997 : vector<16xf32>
        %mul3A_999 = arith.mulf %get3A_959, %gather3A_993 : vector<16xf32>
        %add3A_1000 = arith.addf %add3A_998, %mul3A_999 : vector<16xf32>
        %broadcast_in_dim3A_1001 = arith.constant 2 : i32
        %broadcast_in_dim3A_1002 = vector.broadcast %broadcast_in_dim3A_1001 : i32 to vector<16xi32>
        %gather3A_1003 = tpu.vector_load_idx %arg29[%shift_right_arithmetic3A_952, %and3A_954, %broadcast_in_dim3A_1002] : memref<8x128x16xf32, #tpu.memory_space<vmem>>[vector<16xi32>, vector<16xi32>, vector<16xi32>], vector<16xf32>,
        %broadcast_in_dim3A_1004 = arith.constant 2 : i32
        %broadcast_in_dim3A_1005 = vector.broadcast %broadcast_in_dim3A_1004 : i32 to vector<16xi32>
        %gather3A_1006 = tpu.vector_load_idx %arg28[%shift_right_arithmetic3A_952, %and3A_954, %broadcast_in_dim3A_1005] : memref<8x128x16xf32, #tpu.memory_space<vmem>>[vector<16xi32>, vector<16xi32>, vector<16xi32>], vector<16xf32>,
        %broadcast_in_dim3A_1007 = arith.constant 5 : i32
        %broadcast_in_dim3A_1008 = vector.broadcast %broadcast_in_dim3A_1007 : i32 to vector<16xi32>
        %gather3A_1009 = tpu.vector_load_idx %arg28[%shift_right_arithmetic3A_952, %and3A_954, %broadcast_in_dim3A_1008] : memref<8x128x16xf32, #tpu.memory_space<vmem>>[vector<16xi32>, vector<16xi32>, vector<16xi32>], vector<16xf32>,
        %broadcast_in_dim3A_1010 = arith.constant 8 : i32
        %broadcast_in_dim3A_1011 = vector.broadcast %broadcast_in_dim3A_1010 : i32 to vector<16xi32>
        %gather3A_1012 = tpu.vector_load_idx %arg28[%shift_right_arithmetic3A_952, %and3A_954, %broadcast_in_dim3A_1011] : memref<8x128x16xf32, #tpu.memory_space<vmem>>[vector<16xi32>, vector<16xi32>, vector<16xi32>], vector<16xf32>,
        %broadcast_in_dim3A_1013 = arith.constant 11 : i32
        %broadcast_in_dim3A_1014 = vector.broadcast %broadcast_in_dim3A_1013 : i32 to vector<16xi32>
        %gather3A_1015 = tpu.vector_load_idx %arg28[%shift_right_arithmetic3A_952, %and3A_954, %broadcast_in_dim3A_1014] : memref<8x128x16xf32, #tpu.memory_space<vmem>>[vector<16xi32>, vector<16xi32>, vector<16xi32>], vector<16xf32>,
        %sub3A_1016 = arith.subf %gather3A_1003, %gather3A_1006 : vector<16xf32>
        %mul3A_1017 = arith.mulf %get3A_955, %gather3A_1009 : vector<16xf32>
        %add3A_1018 = arith.addf %sub3A_1016, %mul3A_1017 : vector<16xf32>
        %mul3A_1019 = arith.mulf %get3A_957, %gather3A_1012 : vector<16xf32>
        %add3A_1020 = arith.addf %add3A_1018, %mul3A_1019 : vector<16xf32>
        %mul3A_1021 = arith.mulf %get3A_959, %gather3A_1015 : vector<16xf32>
        %add3A_1022 = arith.addf %add3A_1020, %mul3A_1021 : vector<16xf32>
        %mul3A_1023 = arith.mulf %add3A_978, %add3A_978 : vector<16xf32>
        %mul3A_1024 = arith.mulf %add3A_1000, %add3A_1000 : vector<16xf32>
        %add3A_1025 = arith.addf %mul3A_1023, %mul3A_1024 : vector<16xf32>
        %mul3A_1026 = arith.mulf %add3A_1022, %add3A_1022 : vector<16xf32>
        %add3A_1027 = arith.addf %add3A_1025, %mul3A_1026 : vector<16xf32>
        %bitcast3A = vector.bitcast %add3A_1027 : vector<16xf32> to vector<16xi32>
        %shift_right_arithmetic3A_1028 = arith.constant 1 : i32
        %shift_right_arithmetic3A_1029 = vector.broadcast %shift_right_arithmetic3A_1028 : i32 to vector<16xi32>
        %shift_right_arithmetic3A_1030 = arith.shrsi %bitcast3A, %shift_right_arithmetic3A_1029 : vector<16xi32>
        %sub3A_1031 = arith.constant 1597463007 : i32
        %sub3A_1032 = vector.broadcast %sub3A_1031 : i32 to vector<16xi32>
        %sub3A_1033 = arith.subi %sub3A_1032, %shift_right_arithmetic3A_1030 : vector<16xi32>
        %bitcast3A_1034 = vector.bitcast %sub3A_1033 : vector<16xi32> to vector<16xf32>
        %mul3A_1035 = arith.constant 5.000000e-01 : f32
        %mul3A_1036 = vector.broadcast %mul3A_1035 : f32 to vector<16xf32>
        %mul3A_1037 = arith.mulf %mul3A_1036, %add3A_1027 : vector<16xf32>
        %mul3A_1038 = arith.mulf %mul3A_1037, %bitcast3A_1034 : vector<16xf32>
        %mul3A_1039 = arith.mulf %mul3A_1038, %bitcast3A_1034 : vector<16xf32>
        %sub3A_1040 = arith.constant 1.500000e+00 : f32
        %sub3A_1041 = vector.broadcast %sub3A_1040 : f32 to vector<16xf32>
        %sub3A_1042 = arith.subf %sub3A_1041, %mul3A_1039 : vector<16xf32>
        %mul3A_1043 = arith.mulf %bitcast3A_1034, %sub3A_1042 : vector<16xf32>
        %mul3A_1044 = arith.constant 5.000000e-01 : f32
        %mul3A_1045 = vector.broadcast %mul3A_1044 : f32 to vector<16xf32>
        %mul3A_1046 = arith.mulf %mul3A_1045, %add3A_1027 : vector<16xf32>
        %mul3A_1047 = arith.mulf %mul3A_1046, %mul3A_1043 : vector<16xf32>
        %mul3A_1048 = arith.mulf %mul3A_1047, %mul3A_1043 : vector<16xf32>
        %sub3A_1049 = arith.constant 1.500000e+00 : f32
        %sub3A_1050 = vector.broadcast %sub3A_1049 : f32 to vector<16xf32>
        %sub3A_1051 = arith.subf %sub3A_1050, %mul3A_1048 : vector<16xf32>
        %mul3A_1052 = arith.mulf %mul3A_1043, %sub3A_1051 : vector<16xf32>
        %mul3A_1053 = arith.constant 5.000000e-01 : f32
        %mul3A_1054 = vector.broadcast %mul3A_1053 : f32 to vector<16xf32>
        %mul3A_1055 = arith.mulf %mul3A_1054, %add3A_1027 : vector<16xf32>
        %mul3A_1056 = arith.mulf %mul3A_1055, %mul3A_1052 : vector<16xf32>
        %mul3A_1057 = arith.mulf %mul3A_1056, %mul3A_1052 : vector<16xf32>
        %sub3A_1058 = arith.constant 1.500000e+00 : f32
        %sub3A_1059 = vector.broadcast %sub3A_1058 : f32 to vector<16xf32>
        %sub3A_1060 = arith.subf %sub3A_1059, %mul3A_1057 : vector<16xf32>
        %mul3A_1061 = arith.mulf %mul3A_1052, %sub3A_1060 : vector<16xf32>
        %mul3A_1062 = arith.mulf %add3A_1027, %mul3A_1061 : vector<16xf32>
        %swap3A = arith.constant 0 : i32
        %swap3A_1063 = arith.index_cast %swap3A : i32 to index
        %swap3A_1064 = arith.index_cast %mul3A_948 : i32 to index
        %swap3A_1065 = tpu.vector_load %arg30[%swap3A_1063, %swap3A_1064] {strides = array<i32>} : memref<7x1024xf32, #tpu.memory_space<vmem>>, vector<16xf32>,
        tpu.vector_store %arg30[%swap3A_1063, %swap3A_1064], %mul3A_1062 {strides = array<i32>} : memref<7x1024xf32, #tpu.memory_space<vmem>>, vector<16xf32>,
        %swap3A_1066 = arith.constant 1 : i32
        %swap3A_1067 = arith.index_cast %swap3A_1066 : i32 to index
        %swap3A_1068 = arith.index_cast %mul3A_948 : i32 to index
        %swap3A_1069 = tpu.vector_load %arg30[%swap3A_1067, %swap3A_1068] {strides = array<i32>} : memref<7x1024xf32, #tpu.memory_space<vmem>>, vector<16xf32>,
        tpu.vector_store %arg30[%swap3A_1067, %swap3A_1068], %add3A_978 {strides = array<i32>} : memref<7x1024xf32, #tpu.memory_space<vmem>>, vector<16xf32>,
        %mul3A_1070 = arith.mulf %add3A_978, %mul3A_1061 : vector<16xf32>
        %swap3A_1071 = arith.constant 4 : i32
        %swap3A_1072 = arith.index_cast %swap3A_1071 : i32 to index
        %swap3A_1073 = arith.index_cast %mul3A_948 : i32 to index
        %swap3A_1074 = tpu.vector_load %arg30[%swap3A_1072, %swap3A_1073] {strides = array<i32>} : memref<7x1024xf32, #tpu.memory_space<vmem>>, vector<16xf32>,
        tpu.vector_store %arg30[%swap3A_1072, %swap3A_1073], %mul3A_1070 {strides = array<i32>} : memref<7x1024xf32, #tpu.memory_space<vmem>>, vector<16xf32>,
        %swap3A_1075 = arith.constant 2 : i32
        %swap3A_1076 = arith.index_cast %swap3A_1075 : i32 to index
        %swap3A_1077 = arith.index_cast %mul3A_948 : i32 to index
        %swap3A_1078 = tpu.vector_load %arg30[%swap3A_1076, %swap3A_1077] {strides = array<i32>} : memref<7x1024xf32, #tpu.memory_space<vmem>>, vector<16xf32>,
        tpu.vector_store %arg30[%swap3A_1076, %swap3A_1077], %add3A_1000 {strides = array<i32>} : memref<7x1024xf32, #tpu.memory_space<vmem>>, vector<16xf32>,
        %mul3A_1079 = arith.mulf %add3A_1000, %mul3A_1061 : vector<16xf32>
        %swap3A_1080 = arith.constant 5 : i32
        %swap3A_1081 = arith.index_cast %swap3A_1080 : i32 to index
        %swap3A_1082 = arith.index_cast %mul3A_948 : i32 to index
        %swap3A_1083 = tpu.vector_load %arg30[%swap3A_1081, %swap3A_1082] {strides = array<i32>} : memref<7x1024xf32, #tpu.memory_space<vmem>>, vector<16xf32>,
        tpu.vector_store %arg30[%swap3A_1081, %swap3A_1082], %mul3A_1079 {strides = array<i32>} : memref<7x1024xf32, #tpu.memory_space<vmem>>, vector<16xf32>,
        %swap3A_1084 = arith.constant 3 : i32
        %swap3A_1085 = arith.index_cast %swap3A_1084 : i32 to index
        %swap3A_1086 = arith.index_cast %mul3A_948 : i32 to index
        %swap3A_1087 = tpu.vector_load %arg30[%swap3A_1085, %swap3A_1086] {strides = array<i32>} : memref<7x1024xf32, #tpu.memory_space<vmem>>, vector<16xf32>,
        tpu.vector_store %arg30[%swap3A_1085, %swap3A_1086], %add3A_1022 {strides = array<i32>} : memref<7x1024xf32, #tpu.memory_space<vmem>>, vector<16xf32>,
        %mul3A_1088 = arith.mulf %add3A_1022, %mul3A_1061 : vector<16xf32>
        %swap3A_1089 = arith.constant 6 : i32
        %swap3A_1090 = arith.index_cast %swap3A_1089 : i32 to index
        %swap3A_1091 = arith.index_cast %mul3A_948 : i32 to index
        %swap3A_1092 = tpu.vector_load %arg30[%swap3A_1090, %swap3A_1091] {strides = array<i32>} : memref<7x1024xf32, #tpu.memory_space<vmem>>, vector<16xf32>,
        tpu.vector_store %arg30[%swap3A_1090, %swap3A_1091], %mul3A_1088 {strides = array<i32>} : memref<7x1024xf32, #tpu.memory_space<vmem>>, vector<16xf32>,
      }
      %scan3A_877 = arith.constant 64 : i32
      %mul3A_878 = arith.constant 1024 : i32
      %mul3A_879 = arith.muli %add3A_299, %mul3A_878 : i32
      %min3A_880 = arith.constant 198976 : i32
      %min3A_881 = arith.minsi %mul3A_879, %min3A_880 : i32
      %add3A_882 = arith.addi %mul3A_2, %min3A_881 : i32
      %dma_start3A_883 = arith.constant 0 : i32
      %dma_start3A_884 = arith.constant 0 : i32
      %dma_start3A_885 = tpu.memref_slice %arg30[%dma_start3A_883, %dma_start3A_884] : memref<7x1024xf32, #tpu.memory_space<vmem>> -> memref<1x1024xf32, #tpu.memory_space<vmem>>
      %dma_start3A_886 = tpu.memref_squeeze %dma_start3A_885 : memref<1x1024xf32, #tpu.memory_space<vmem>> -> memref<1024xf32, #tpu.memory_space<vmem>>
      %dma_start3A_887 = tpu.memref_slice %arg8[%add3A_882] : memref<6400000xf32, #tpu.memory_space<hbm>> -> memref<1024xf32, #tpu.memory_space<hbm>>
      %dma_start3A_888 = tpu.memref_slice %arg8[%add3A_882] : memref<6400000xf32, #tpu.memory_space<hbm>> -> memref<1024xf32, #tpu.memory_space<hbm>>
      %dma_start3A_889 = arith.constant 0 : i32
      %dma_start3A_890 = tpu.memref_slice %arg30[%dma_start3A_883, %dma_start3A_889] : memref<7x1024xf32, #tpu.memory_space<vmem>> -> memref<1x1024xf32, #tpu.memory_space<vmem>>
      %dma_start3A_891 = tpu.memref_squeeze %dma_start3A_890 : memref<1x1024xf32, #tpu.memory_space<vmem>> -> memref<1024xf32, #tpu.memory_space<vmem>>
      tpu.enqueue_dma source(%dma_start3A_891 : memref<1024xf32, #tpu.memory_space<vmem>>) target(%dma_start3A_888 : memref<1024xf32, #tpu.memory_space<hbm>>) target_semaphore(%arg34 : memref<!tpu.dma_semaphore, #tpu.memory_space<semaphore_mem>>)
      %dma_start3A_892 = arith.constant 1 : i32
      %dma_start3A_893 = arith.constant 0 : i32
      %dma_start3A_894 = tpu.memref_slice %arg30[%dma_start3A_892, %dma_start3A_893] : memref<7x1024xf32, #tpu.memory_space<vmem>> -> memref<1x1024xf32, #tpu.memory_space<vmem>>
      %dma_start3A_895 = tpu.memref_squeeze %dma_start3A_894 : memref<1x1024xf32, #tpu.memory_space<vmem>> -> memref<1024xf32, #tpu.memory_space<vmem>>
      %dma_start3A_896 = tpu.memref_slice %arg9[%add3A_882] : memref<6400000xf32, #tpu.memory_space<hbm>> -> memref<1024xf32, #tpu.memory_space<hbm>>
      %dma_start3A_897 = tpu.memref_slice %arg9[%add3A_882] : memref<6400000xf32, #tpu.memory_space<hbm>> -> memref<1024xf32, #tpu.memory_space<hbm>>
      %dma_start3A_898 = arith.constant 0 : i32
      %dma_start3A_899 = tpu.memref_slice %arg30[%dma_start3A_892, %dma_start3A_898] : memref<7x1024xf32, #tpu.memory_space<vmem>> -> memref<1x1024xf32, #tpu.memory_space<vmem>>
      %dma_start3A_900 = tpu.memref_squeeze %dma_start3A_899 : memref<1x1024xf32, #tpu.memory_space<vmem>> -> memref<1024xf32, #tpu.memory_space<vmem>>
      tpu.enqueue_dma source(%dma_start3A_900 : memref<1024xf32, #tpu.memory_space<vmem>>) target(%dma_start3A_897 : memref<1024xf32, #tpu.memory_space<hbm>>) target_semaphore(%arg34 : memref<!tpu.dma_semaphore, #tpu.memory_space<semaphore_mem>>)
      %dma_start3A_901 = arith.constant 2 : i32
      %dma_start3A_902 = arith.constant 0 : i32
      %dma_start3A_903 = tpu.memref_slice %arg30[%dma_start3A_901, %dma_start3A_902] : memref<7x1024xf32, #tpu.memory_space<vmem>> -> memref<1x1024xf32, #tpu.memory_space<vmem>>
      %dma_start3A_904 = tpu.memref_squeeze %dma_start3A_903 : memref<1x1024xf32, #tpu.memory_space<vmem>> -> memref<1024xf32, #tpu.memory_space<vmem>>
      %dma_start3A_905 = tpu.memref_slice %arg10[%add3A_882] : memref<6400000xf32, #tpu.memory_space<hbm>> -> memref<1024xf32, #tpu.memory_space<hbm>>
      %dma_start3A_906 = tpu.memref_slice %arg10[%add3A_882] : memref<6400000xf32, #tpu.memory_space<hbm>> -> memref<1024xf32, #tpu.memory_space<hbm>>
      %dma_start3A_907 = arith.constant 0 : i32
      %dma_start3A_908 = tpu.memref_slice %arg30[%dma_start3A_901, %dma_start3A_907] : memref<7x1024xf32, #tpu.memory_space<vmem>> -> memref<1x1024xf32, #tpu.memory_space<vmem>>
      %dma_start3A_909 = tpu.memref_squeeze %dma_start3A_908 : memref<1x1024xf32, #tpu.memory_space<vmem>> -> memref<1024xf32, #tpu.memory_space<vmem>>
      tpu.enqueue_dma source(%dma_start3A_909 : memref<1024xf32, #tpu.memory_space<vmem>>) target(%dma_start3A_906 : memref<1024xf32, #tpu.memory_space<hbm>>) target_semaphore(%arg34 : memref<!tpu.dma_semaphore, #tpu.memory_space<semaphore_mem>>)
      %dma_start3A_910 = arith.constant 3 : i32
      %dma_start3A_911 = arith.constant 0 : i32
      %dma_start3A_912 = tpu.memref_slice %arg30[%dma_start3A_910, %dma_start3A_911] : memref<7x1024xf32, #tpu.memory_space<vmem>> -> memref<1x1024xf32, #tpu.memory_space<vmem>>
      %dma_start3A_913 = tpu.memref_squeeze %dma_start3A_912 : memref<1x1024xf32, #tpu.memory_space<vmem>> -> memref<1024xf32, #tpu.memory_space<vmem>>
      %dma_start3A_914 = tpu.memref_slice %arg11[%add3A_882] : memref<6400000xf32, #tpu.memory_space<hbm>> -> memref<1024xf32, #tpu.memory_space<hbm>>
      %dma_start3A_915 = tpu.memref_slice %arg11[%add3A_882] : memref<6400000xf32, #tpu.memory_space<hbm>> -> memref<1024xf32, #tpu.memory_space<hbm>>
      %dma_start3A_916 = arith.constant 0 : i32
      %dma_start3A_917 = tpu.memref_slice %arg30[%dma_start3A_910, %dma_start3A_916] : memref<7x1024xf32, #tpu.memory_space<vmem>> -> memref<1x1024xf32, #tpu.memory_space<vmem>>
      %dma_start3A_918 = tpu.memref_squeeze %dma_start3A_917 : memref<1x1024xf32, #tpu.memory_space<vmem>> -> memref<1024xf32, #tpu.memory_space<vmem>>
      tpu.enqueue_dma source(%dma_start3A_918 : memref<1024xf32, #tpu.memory_space<vmem>>) target(%dma_start3A_915 : memref<1024xf32, #tpu.memory_space<hbm>>) target_semaphore(%arg34 : memref<!tpu.dma_semaphore, #tpu.memory_space<semaphore_mem>>)
      %dma_start3A_919 = arith.constant 4 : i32
      %dma_start3A_920 = arith.constant 0 : i32
      %dma_start3A_921 = tpu.memref_slice %arg30[%dma_start3A_919, %dma_start3A_920] : memref<7x1024xf32, #tpu.memory_space<vmem>> -> memref<1x1024xf32, #tpu.memory_space<vmem>>
      %dma_start3A_922 = tpu.memref_squeeze %dma_start3A_921 : memref<1x1024xf32, #tpu.memory_space<vmem>> -> memref<1024xf32, #tpu.memory_space<vmem>>
      %dma_start3A_923 = tpu.memref_slice %arg12[%add3A_882] : memref<6400000xf32, #tpu.memory_space<hbm>> -> memref<1024xf32, #tpu.memory_space<hbm>>
      %dma_start3A_924 = tpu.memref_slice %arg12[%add3A_882] : memref<6400000xf32, #tpu.memory_space<hbm>> -> memref<1024xf32, #tpu.memory_space<hbm>>
      %dma_start3A_925 = arith.constant 0 : i32
      %dma_start3A_926 = tpu.memref_slice %arg30[%dma_start3A_919, %dma_start3A_925] : memref<7x1024xf32, #tpu.memory_space<vmem>> -> memref<1x1024xf32, #tpu.memory_space<vmem>>
      %dma_start3A_927 = tpu.memref_squeeze %dma_start3A_926 : memref<1x1024xf32, #tpu.memory_space<vmem>> -> memref<1024xf32, #tpu.memory_space<vmem>>
      tpu.enqueue_dma source(%dma_start3A_927 : memref<1024xf32, #tpu.memory_space<vmem>>) target(%dma_start3A_924 : memref<1024xf32, #tpu.memory_space<hbm>>) target_semaphore(%arg34 : memref<!tpu.dma_semaphore, #tpu.memory_space<semaphore_mem>>)
      %dma_start3A_928 = arith.constant 5 : i32
      %dma_start3A_929 = arith.constant 0 : i32
      %dma_start3A_930 = tpu.memref_slice %arg30[%dma_start3A_928, %dma_start3A_929] : memref<7x1024xf32, #tpu.memory_space<vmem>> -> memref<1x1024xf32, #tpu.memory_space<vmem>>
      %dma_start3A_931 = tpu.memref_squeeze %dma_start3A_930 : memref<1x1024xf32, #tpu.memory_space<vmem>> -> memref<1024xf32, #tpu.memory_space<vmem>>
      %dma_start3A_932 = tpu.memref_slice %arg13[%add3A_882] : memref<6400000xf32, #tpu.memory_space<hbm>> -> memref<1024xf32, #tpu.memory_space<hbm>>
      %dma_start3A_933 = tpu.memref_slice %arg13[%add3A_882] : memref<6400000xf32, #tpu.memory_space<hbm>> -> memref<1024xf32, #tpu.memory_space<hbm>>
      %dma_start3A_934 = arith.constant 0 : i32
      %dma_start3A_935 = tpu.memref_slice %arg30[%dma_start3A_928, %dma_start3A_934] : memref<7x1024xf32, #tpu.memory_space<vmem>> -> memref<1x1024xf32, #tpu.memory_space<vmem>>
      %dma_start3A_936 = tpu.memref_squeeze %dma_start3A_935 : memref<1x1024xf32, #tpu.memory_space<vmem>> -> memref<1024xf32, #tpu.memory_space<vmem>>
      tpu.enqueue_dma source(%dma_start3A_936 : memref<1024xf32, #tpu.memory_space<vmem>>) target(%dma_start3A_933 : memref<1024xf32, #tpu.memory_space<hbm>>) target_semaphore(%arg34 : memref<!tpu.dma_semaphore, #tpu.memory_space<semaphore_mem>>)
      %dma_start3A_937 = arith.constant 6 : i32
      %dma_start3A_938 = arith.constant 0 : i32
      %dma_start3A_939 = tpu.memref_slice %arg30[%dma_start3A_937, %dma_start3A_938] : memref<7x1024xf32, #tpu.memory_space<vmem>> -> memref<1x1024xf32, #tpu.memory_space<vmem>>
      %dma_start3A_940 = tpu.memref_squeeze %dma_start3A_939 : memref<1x1024xf32, #tpu.memory_space<vmem>> -> memref<1024xf32, #tpu.memory_space<vmem>>
      %dma_start3A_941 = tpu.memref_slice %arg14[%add3A_882] : memref<6400000xf32, #tpu.memory_space<hbm>> -> memref<1024xf32, #tpu.memory_space<hbm>>
      %dma_start3A_942 = tpu.memref_slice %arg14[%add3A_882] : memref<6400000xf32, #tpu.memory_space<hbm>> -> memref<1024xf32, #tpu.memory_space<hbm>>
      %dma_start3A_943 = arith.constant 0 : i32
      %dma_start3A_944 = tpu.memref_slice %arg30[%dma_start3A_937, %dma_start3A_943] : memref<7x1024xf32, #tpu.memory_space<vmem>> -> memref<1x1024xf32, #tpu.memory_space<vmem>>
      %dma_start3A_945 = tpu.memref_squeeze %dma_start3A_944 : memref<1x1024xf32, #tpu.memory_space<vmem>> -> memref<1024xf32, #tpu.memory_space<vmem>>
      tpu.enqueue_dma source(%dma_start3A_945 : memref<1024xf32, #tpu.memory_space<vmem>>) target(%dma_start3A_942 : memref<1024xf32, #tpu.memory_space<hbm>>) target_semaphore(%arg34 : memref<!tpu.dma_semaphore, #tpu.memory_space<semaphore_mem>>)
    }
    %scan3A_169 = arith.constant 98 : i32
    %dma_wait3A = arith.constant 0 : i32
    %dma_wait3A_170 = arith.constant 0 : i32
    %dma_wait3A_171 = tpu.memref_slice %arg22[%dma_wait3A, %dma_wait3A_170] : memref<7x1024xf32, #tpu.memory_space<vmem>> -> memref<1x1024xf32, #tpu.memory_space<vmem>>
    %dma_wait3A_172 = tpu.memref_squeeze %dma_wait3A_171 : memref<1x1024xf32, #tpu.memory_space<vmem>> -> memref<1024xf32, #tpu.memory_space<vmem>>
    %dma_wait3A_173 = tpu.memref_slice %arg8[%mul3A_2] : memref<6400000xf32, #tpu.memory_space<hbm>> -> memref<1024xf32, #tpu.memory_space<hbm>>
    %dma_wait3A_174 = tpu.memref_slice %arg8[%mul3A_2] : memref<6400000xf32, #tpu.memory_space<hbm>> -> memref<1024xf32, #tpu.memory_space<hbm>>
    %dma_wait3A_175 = arith.constant 0 : i32
    %dma_wait3A_176 = tpu.memref_slice %arg22[%dma_wait3A, %dma_wait3A_175] : memref<7x1024xf32, #tpu.memory_space<vmem>> -> memref<1x1024xf32, #tpu.memory_space<vmem>>
    %dma_wait3A_177 = tpu.memref_squeeze %dma_wait3A_176 : memref<1x1024xf32, #tpu.memory_space<vmem>> -> memref<1024xf32, #tpu.memory_space<vmem>>
    tpu.wait_dma2 semaphore(%arg33 : memref<!tpu.dma_semaphore, #tpu.memory_space<semaphore_mem>>) src(%dma_wait3A_177 : memref<1024xf32, #tpu.memory_space<vmem>>) dst(%dma_wait3A_174 : memref<1024xf32, #tpu.memory_space<hbm>>)
    %dma_wait3A_178 = arith.constant 1 : i32
    %dma_wait3A_179 = arith.constant 0 : i32
    %dma_wait3A_180 = tpu.memref_slice %arg22[%dma_wait3A_178, %dma_wait3A_179] : memref<7x1024xf32, #tpu.memory_space<vmem>> -> memref<1x1024xf32, #tpu.memory_space<vmem>>
    %dma_wait3A_181 = tpu.memref_squeeze %dma_wait3A_180 : memref<1x1024xf32, #tpu.memory_space<vmem>> -> memref<1024xf32, #tpu.memory_space<vmem>>
    %dma_wait3A_182 = tpu.memref_slice %arg9[%mul3A_2] : memref<6400000xf32, #tpu.memory_space<hbm>> -> memref<1024xf32, #tpu.memory_space<hbm>>
    %dma_wait3A_183 = tpu.memref_slice %arg9[%mul3A_2] : memref<6400000xf32, #tpu.memory_space<hbm>> -> memref<1024xf32, #tpu.memory_space<hbm>>
    %dma_wait3A_184 = arith.constant 0 : i32
    %dma_wait3A_185 = tpu.memref_slice %arg22[%dma_wait3A_178, %dma_wait3A_184] : memref<7x1024xf32, #tpu.memory_space<vmem>> -> memref<1x1024xf32, #tpu.memory_space<vmem>>
    %dma_wait3A_186 = tpu.memref_squeeze %dma_wait3A_185 : memref<1x1024xf32, #tpu.memory_space<vmem>> -> memref<1024xf32, #tpu.memory_space<vmem>>
    tpu.wait_dma2 semaphore(%arg33 : memref<!tpu.dma_semaphore, #tpu.memory_space<semaphore_mem>>) src(%dma_wait3A_186 : memref<1024xf32, #tpu.memory_space<vmem>>) dst(%dma_wait3A_183 : memref<1024xf32, #tpu.memory_space<hbm>>)
    %dma_wait3A_187 = arith.constant 2 : i32
    %dma_wait3A_188 = arith.constant 0 : i32
    %dma_wait3A_189 = tpu.memref_slice %arg22[%dma_wait3A_187, %dma_wait3A_188] : memref<7x1024xf32, #tpu.memory_space<vmem>> -> memref<1x1024xf32, #tpu.memory_space<vmem>>
    %dma_wait3A_190 = tpu.memref_squeeze %dma_wait3A_189 : memref<1x1024xf32, #tpu.memory_space<vmem>> -> memref<1024xf32, #tpu.memory_space<vmem>>
    %dma_wait3A_191 = tpu.memref_slice %arg10[%mul3A_2] : memref<6400000xf32, #tpu.memory_space<hbm>> -> memref<1024xf32, #tpu.memory_space<hbm>>
    %dma_wait3A_192 = tpu.memref_slice %arg10[%mul3A_2] : memref<6400000xf32, #tpu.memory_space<hbm>> -> memref<1024xf32, #tpu.memory_space<hbm>>
    %dma_wait3A_193 = arith.constant 0 : i32
    %dma_wait3A_194 = tpu.memref_slice %arg22[%dma_wait3A_187, %dma_wait3A_193] : memref<7x1024xf32, #tpu.memory_space<vmem>> -> memref<1x1024xf32, #tpu.memory_space<vmem>>
    %dma_wait3A_195 = tpu.memref_squeeze %dma_wait3A_194 : memref<1x1024xf32, #tpu.memory_space<vmem>> -> memref<1024xf32, #tpu.memory_space<vmem>>
    tpu.wait_dma2 semaphore(%arg33 : memref<!tpu.dma_semaphore, #tpu.memory_space<semaphore_mem>>) src(%dma_wait3A_195 : memref<1024xf32, #tpu.memory_space<vmem>>) dst(%dma_wait3A_192 : memref<1024xf32, #tpu.memory_space<hbm>>)
    %dma_wait3A_196 = arith.constant 3 : i32
    %dma_wait3A_197 = arith.constant 0 : i32
    %dma_wait3A_198 = tpu.memref_slice %arg22[%dma_wait3A_196, %dma_wait3A_197] : memref<7x1024xf32, #tpu.memory_space<vmem>> -> memref<1x1024xf32, #tpu.memory_space<vmem>>
    %dma_wait3A_199 = tpu.memref_squeeze %dma_wait3A_198 : memref<1x1024xf32, #tpu.memory_space<vmem>> -> memref<1024xf32, #tpu.memory_space<vmem>>
    %dma_wait3A_200 = tpu.memref_slice %arg11[%mul3A_2] : memref<6400000xf32, #tpu.memory_space<hbm>> -> memref<1024xf32, #tpu.memory_space<hbm>>
    %dma_wait3A_201 = tpu.memref_slice %arg11[%mul3A_2] : memref<6400000xf32, #tpu.memory_space<hbm>> -> memref<1024xf32, #tpu.memory_space<hbm>>
    %dma_wait3A_202 = arith.constant 0 : i32
    %dma_wait3A_203 = tpu.memref_slice %arg22[%dma_wait3A_196, %dma_wait3A_202] : memref<7x1024xf32, #tpu.memory_space<vmem>> -> memref<1x1024xf32, #tpu.memory_space<vmem>>
    %dma_wait3A_204 = tpu.memref_squeeze %dma_wait3A_203 : memref<1x1024xf32, #tpu.memory_space<vmem>> -> memref<1024xf32, #tpu.memory_space<vmem>>
    tpu.wait_dma2 semaphore(%arg33 : memref<!tpu.dma_semaphore, #tpu.memory_space<semaphore_mem>>) src(%dma_wait3A_204 : memref<1024xf32, #tpu.memory_space<vmem>>) dst(%dma_wait3A_201 : memref<1024xf32, #tpu.memory_space<hbm>>)
    %dma_wait3A_205 = arith.constant 4 : i32
    %dma_wait3A_206 = arith.constant 0 : i32
    %dma_wait3A_207 = tpu.memref_slice %arg22[%dma_wait3A_205, %dma_wait3A_206] : memref<7x1024xf32, #tpu.memory_space<vmem>> -> memref<1x1024xf32, #tpu.memory_space<vmem>>
    %dma_wait3A_208 = tpu.memref_squeeze %dma_wait3A_207 : memref<1x1024xf32, #tpu.memory_space<vmem>> -> memref<1024xf32, #tpu.memory_space<vmem>>
    %dma_wait3A_209 = tpu.memref_slice %arg12[%mul3A_2] : memref<6400000xf32, #tpu.memory_space<hbm>> -> memref<1024xf32, #tpu.memory_space<hbm>>
    %dma_wait3A_210 = tpu.memref_slice %arg12[%mul3A_2] : memref<6400000xf32, #tpu.memory_space<hbm>> -> memref<1024xf32, #tpu.memory_space<hbm>>
    %dma_wait3A_211 = arith.constant 0 : i32
    %dma_wait3A_212 = tpu.memref_slice %arg22[%dma_wait3A_205, %dma_wait3A_211] : memref<7x1024xf32, #tpu.memory_space<vmem>> -> memref<1x1024xf32, #tpu.memory_space<vmem>>
    %dma_wait3A_213 = tpu.memref_squeeze %dma_wait3A_212 : memref<1x1024xf32, #tpu.memory_space<vmem>> -> memref<1024xf32, #tpu.memory_space<vmem>>
    tpu.wait_dma2 semaphore(%arg33 : memref<!tpu.dma_semaphore, #tpu.memory_space<semaphore_mem>>) src(%dma_wait3A_213 : memref<1024xf32, #tpu.memory_space<vmem>>) dst(%dma_wait3A_210 : memref<1024xf32, #tpu.memory_space<hbm>>)
    %dma_wait3A_214 = arith.constant 5 : i32
    %dma_wait3A_215 = arith.constant 0 : i32
    %dma_wait3A_216 = tpu.memref_slice %arg22[%dma_wait3A_214, %dma_wait3A_215] : memref<7x1024xf32, #tpu.memory_space<vmem>> -> memref<1x1024xf32, #tpu.memory_space<vmem>>
    %dma_wait3A_217 = tpu.memref_squeeze %dma_wait3A_216 : memref<1x1024xf32, #tpu.memory_space<vmem>> -> memref<1024xf32, #tpu.memory_space<vmem>>
    %dma_wait3A_218 = tpu.memref_slice %arg13[%mul3A_2] : memref<6400000xf32, #tpu.memory_space<hbm>> -> memref<1024xf32, #tpu.memory_space<hbm>>
    %dma_wait3A_219 = tpu.memref_slice %arg13[%mul3A_2] : memref<6400000xf32, #tpu.memory_space<hbm>> -> memref<1024xf32, #tpu.memory_space<hbm>>
    %dma_wait3A_220 = arith.constant 0 : i32
    %dma_wait3A_221 = tpu.memref_slice %arg22[%dma_wait3A_214, %dma_wait3A_220] : memref<7x1024xf32, #tpu.memory_space<vmem>> -> memref<1x1024xf32, #tpu.memory_space<vmem>>
    %dma_wait3A_222 = tpu.memref_squeeze %dma_wait3A_221 : memref<1x1024xf32, #tpu.memory_space<vmem>> -> memref<1024xf32, #tpu.memory_space<vmem>>
    tpu.wait_dma2 semaphore(%arg33 : memref<!tpu.dma_semaphore, #tpu.memory_space<semaphore_mem>>) src(%dma_wait3A_222 : memref<1024xf32, #tpu.memory_space<vmem>>) dst(%dma_wait3A_219 : memref<1024xf32, #tpu.memory_space<hbm>>)
    %dma_wait3A_223 = arith.constant 6 : i32
    %dma_wait3A_224 = arith.constant 0 : i32
    %dma_wait3A_225 = tpu.memref_slice %arg22[%dma_wait3A_223, %dma_wait3A_224] : memref<7x1024xf32, #tpu.memory_space<vmem>> -> memref<1x1024xf32, #tpu.memory_space<vmem>>
    %dma_wait3A_226 = tpu.memref_squeeze %dma_wait3A_225 : memref<1x1024xf32, #tpu.memory_space<vmem>> -> memref<1024xf32, #tpu.memory_space<vmem>>
    %dma_wait3A_227 = tpu.memref_slice %arg14[%mul3A_2] : memref<6400000xf32, #tpu.memory_space<hbm>> -> memref<1024xf32, #tpu.memory_space<hbm>>
    %dma_wait3A_228 = tpu.memref_slice %arg14[%mul3A_2] : memref<6400000xf32, #tpu.memory_space<hbm>> -> memref<1024xf32, #tpu.memory_space<hbm>>
    %dma_wait3A_229 = arith.constant 0 : i32
    %dma_wait3A_230 = tpu.memref_slice %arg22[%dma_wait3A_223, %dma_wait3A_229] : memref<7x1024xf32, #tpu.memory_space<vmem>> -> memref<1x1024xf32, #tpu.memory_space<vmem>>
    %dma_wait3A_231 = tpu.memref_squeeze %dma_wait3A_230 : memref<1x1024xf32, #tpu.memory_space<vmem>> -> memref<1024xf32, #tpu.memory_space<vmem>>
    tpu.wait_dma2 semaphore(%arg33 : memref<!tpu.dma_semaphore, #tpu.memory_space<semaphore_mem>>) src(%dma_wait3A_231 : memref<1024xf32, #tpu.memory_space<vmem>>) dst(%dma_wait3A_228 : memref<1024xf32, #tpu.memory_space<hbm>>)
    %dma_wait3A_232 = arith.constant 0 : i32
    %dma_wait3A_233 = arith.constant 0 : i32
    %dma_wait3A_234 = tpu.memref_slice %arg30[%dma_wait3A_232, %dma_wait3A_233] : memref<7x1024xf32, #tpu.memory_space<vmem>> -> memref<1x1024xf32, #tpu.memory_space<vmem>>
    %dma_wait3A_235 = tpu.memref_squeeze %dma_wait3A_234 : memref<1x1024xf32, #tpu.memory_space<vmem>> -> memref<1024xf32, #tpu.memory_space<vmem>>
    %dma_wait3A_236 = tpu.memref_slice %arg8[%mul3A_2] : memref<6400000xf32, #tpu.memory_space<hbm>> -> memref<1024xf32, #tpu.memory_space<hbm>>
    %dma_wait3A_237 = tpu.memref_slice %arg8[%mul3A_2] : memref<6400000xf32, #tpu.memory_space<hbm>> -> memref<1024xf32, #tpu.memory_space<hbm>>
    %dma_wait3A_238 = arith.constant 0 : i32
    %dma_wait3A_239 = tpu.memref_slice %arg30[%dma_wait3A_232, %dma_wait3A_238] : memref<7x1024xf32, #tpu.memory_space<vmem>> -> memref<1x1024xf32, #tpu.memory_space<vmem>>
    %dma_wait3A_240 = tpu.memref_squeeze %dma_wait3A_239 : memref<1x1024xf32, #tpu.memory_space<vmem>> -> memref<1024xf32, #tpu.memory_space<vmem>>
    tpu.wait_dma2 semaphore(%arg34 : memref<!tpu.dma_semaphore, #tpu.memory_space<semaphore_mem>>) src(%dma_wait3A_240 : memref<1024xf32, #tpu.memory_space<vmem>>) dst(%dma_wait3A_237 : memref<1024xf32, #tpu.memory_space<hbm>>)
    %dma_wait3A_241 = arith.constant 1 : i32
    %dma_wait3A_242 = arith.constant 0 : i32
    %dma_wait3A_243 = tpu.memref_slice %arg30[%dma_wait3A_241, %dma_wait3A_242] : memref<7x1024xf32, #tpu.memory_space<vmem>> -> memref<1x1024xf32, #tpu.memory_space<vmem>>
    %dma_wait3A_244 = tpu.memref_squeeze %dma_wait3A_243 : memref<1x1024xf32, #tpu.memory_space<vmem>> -> memref<1024xf32, #tpu.memory_space<vmem>>
    %dma_wait3A_245 = tpu.memref_slice %arg9[%mul3A_2] : memref<6400000xf32, #tpu.memory_space<hbm>> -> memref<1024xf32, #tpu.memory_space<hbm>>
    %dma_wait3A_246 = tpu.memref_slice %arg9[%mul3A_2] : memref<6400000xf32, #tpu.memory_space<hbm>> -> memref<1024xf32, #tpu.memory_space<hbm>>
    %dma_wait3A_247 = arith.constant 0 : i32
    %dma_wait3A_248 = tpu.memref_slice %arg30[%dma_wait3A_241, %dma_wait3A_247] : memref<7x1024xf32, #tpu.memory_space<vmem>> -> memref<1x1024xf32, #tpu.memory_space<vmem>>
    %dma_wait3A_249 = tpu.memref_squeeze %dma_wait3A_248 : memref<1x1024xf32, #tpu.memory_space<vmem>> -> memref<1024xf32, #tpu.memory_space<vmem>>
    tpu.wait_dma2 semaphore(%arg34 : memref<!tpu.dma_semaphore, #tpu.memory_space<semaphore_mem>>) src(%dma_wait3A_249 : memref<1024xf32, #tpu.memory_space<vmem>>) dst(%dma_wait3A_246 : memref<1024xf32, #tpu.memory_space<hbm>>)
    %dma_wait3A_250 = arith.constant 2 : i32
    %dma_wait3A_251 = arith.constant 0 : i32
    %dma_wait3A_252 = tpu.memref_slice %arg30[%dma_wait3A_250, %dma_wait3A_251] : memref<7x1024xf32, #tpu.memory_space<vmem>> -> memref<1x1024xf32, #tpu.memory_space<vmem>>
    %dma_wait3A_253 = tpu.memref_squeeze %dma_wait3A_252 : memref<1x1024xf32, #tpu.memory_space<vmem>> -> memref<1024xf32, #tpu.memory_space<vmem>>
    %dma_wait3A_254 = tpu.memref_slice %arg10[%mul3A_2] : memref<6400000xf32, #tpu.memory_space<hbm>> -> memref<1024xf32, #tpu.memory_space<hbm>>
    %dma_wait3A_255 = tpu.memref_slice %arg10[%mul3A_2] : memref<6400000xf32, #tpu.memory_space<hbm>> -> memref<1024xf32, #tpu.memory_space<hbm>>
    %dma_wait3A_256 = arith.constant 0 : i32
    %dma_wait3A_257 = tpu.memref_slice %arg30[%dma_wait3A_250, %dma_wait3A_256] : memref<7x1024xf32, #tpu.memory_space<vmem>> -> memref<1x1024xf32, #tpu.memory_space<vmem>>
    %dma_wait3A_258 = tpu.memref_squeeze %dma_wait3A_257 : memref<1x1024xf32, #tpu.memory_space<vmem>> -> memref<1024xf32, #tpu.memory_space<vmem>>
    tpu.wait_dma2 semaphore(%arg34 : memref<!tpu.dma_semaphore, #tpu.memory_space<semaphore_mem>>) src(%dma_wait3A_258 : memref<1024xf32, #tpu.memory_space<vmem>>) dst(%dma_wait3A_255 : memref<1024xf32, #tpu.memory_space<hbm>>)
    %dma_wait3A_259 = arith.constant 3 : i32
    %dma_wait3A_260 = arith.constant 0 : i32
    %dma_wait3A_261 = tpu.memref_slice %arg30[%dma_wait3A_259, %dma_wait3A_260] : memref<7x1024xf32, #tpu.memory_space<vmem>> -> memref<1x1024xf32, #tpu.memory_space<vmem>>
    %dma_wait3A_262 = tpu.memref_squeeze %dma_wait3A_261 : memref<1x1024xf32, #tpu.memory_space<vmem>> -> memref<1024xf32, #tpu.memory_space<vmem>>
    %dma_wait3A_263 = tpu.memref_slice %arg11[%mul3A_2] : memref<6400000xf32, #tpu.memory_space<hbm>> -> memref<1024xf32, #tpu.memory_space<hbm>>
    %dma_wait3A_264 = tpu.memref_slice %arg11[%mul3A_2] : memref<6400000xf32, #tpu.memory_space<hbm>> -> memref<1024xf32, #tpu.memory_space<hbm>>
    %dma_wait3A_265 = arith.constant 0 : i32
    %dma_wait3A_266 = tpu.memref_slice %arg30[%dma_wait3A_259, %dma_wait3A_265] : memref<7x1024xf32, #tpu.memory_space<vmem>> -> memref<1x1024xf32, #tpu.memory_space<vmem>>
    %dma_wait3A_267 = tpu.memref_squeeze %dma_wait3A_266 : memref<1x1024xf32, #tpu.memory_space<vmem>> -> memref<1024xf32, #tpu.memory_space<vmem>>
    tpu.wait_dma2 semaphore(%arg34 : memref<!tpu.dma_semaphore, #tpu.memory_space<semaphore_mem>>) src(%dma_wait3A_267 : memref<1024xf32, #tpu.memory_space<vmem>>) dst(%dma_wait3A_264 : memref<1024xf32, #tpu.memory_space<hbm>>)
    %dma_wait3A_268 = arith.constant 4 : i32
    %dma_wait3A_269 = arith.constant 0 : i32
    %dma_wait3A_270 = tpu.memref_slice %arg30[%dma_wait3A_268, %dma_wait3A_269] : memref<7x1024xf32, #tpu.memory_space<vmem>> -> memref<1x1024xf32, #tpu.memory_space<vmem>>
    %dma_wait3A_271 = tpu.memref_squeeze %dma_wait3A_270 : memref<1x1024xf32, #tpu.memory_space<vmem>> -> memref<1024xf32, #tpu.memory_space<vmem>>
    %dma_wait3A_272 = tpu.memref_slice %arg12[%mul3A_2] : memref<6400000xf32, #tpu.memory_space<hbm>> -> memref<1024xf32, #tpu.memory_space<hbm>>
    %dma_wait3A_273 = tpu.memref_slice %arg12[%mul3A_2] : memref<6400000xf32, #tpu.memory_space<hbm>> -> memref<1024xf32, #tpu.memory_space<hbm>>
    %dma_wait3A_274 = arith.constant 0 : i32
    %dma_wait3A_275 = tpu.memref_slice %arg30[%dma_wait3A_268, %dma_wait3A_274] : memref<7x1024xf32, #tpu.memory_space<vmem>> -> memref<1x1024xf32, #tpu.memory_space<vmem>>
    %dma_wait3A_276 = tpu.memref_squeeze %dma_wait3A_275 : memref<1x1024xf32, #tpu.memory_space<vmem>> -> memref<1024xf32, #tpu.memory_space<vmem>>
    tpu.wait_dma2 semaphore(%arg34 : memref<!tpu.dma_semaphore, #tpu.memory_space<semaphore_mem>>) src(%dma_wait3A_276 : memref<1024xf32, #tpu.memory_space<vmem>>) dst(%dma_wait3A_273 : memref<1024xf32, #tpu.memory_space<hbm>>)
    %dma_wait3A_277 = arith.constant 5 : i32
    %dma_wait3A_278 = arith.constant 0 : i32
    %dma_wait3A_279 = tpu.memref_slice %arg30[%dma_wait3A_277, %dma_wait3A_278] : memref<7x1024xf32, #tpu.memory_space<vmem>> -> memref<1x1024xf32, #tpu.memory_space<vmem>>
    %dma_wait3A_280 = tpu.memref_squeeze %dma_wait3A_279 : memref<1x1024xf32, #tpu.memory_space<vmem>> -> memref<1024xf32, #tpu.memory_space<vmem>>
    %dma_wait3A_281 = tpu.memref_slice %arg13[%mul3A_2] : memref<6400000xf32, #tpu.memory_space<hbm>> -> memref<1024xf32, #tpu.memory_space<hbm>>
    %dma_wait3A_282 = tpu.memref_slice %arg13[%mul3A_2] : memref<6400000xf32, #tpu.memory_space<hbm>> -> memref<1024xf32, #tpu.memory_space<hbm>>
    %dma_wait3A_283 = arith.constant 0 : i32
    %dma_wait3A_284 = tpu.memref_slice %arg30[%dma_wait3A_277, %dma_wait3A_283] : memref<7x1024xf32, #tpu.memory_space<vmem>> -> memref<1x1024xf32, #tpu.memory_space<vmem>>
    %dma_wait3A_285 = tpu.memref_squeeze %dma_wait3A_284 : memref<1x1024xf32, #tpu.memory_space<vmem>> -> memref<1024xf32, #tpu.memory_space<vmem>>
    tpu.wait_dma2 semaphore(%arg34 : memref<!tpu.dma_semaphore, #tpu.memory_space<semaphore_mem>>) src(%dma_wait3A_285 : memref<1024xf32, #tpu.memory_space<vmem>>) dst(%dma_wait3A_282 : memref<1024xf32, #tpu.memory_space<hbm>>)
    %dma_wait3A_286 = arith.constant 6 : i32
    %dma_wait3A_287 = arith.constant 0 : i32
    %dma_wait3A_288 = tpu.memref_slice %arg30[%dma_wait3A_286, %dma_wait3A_287] : memref<7x1024xf32, #tpu.memory_space<vmem>> -> memref<1x1024xf32, #tpu.memory_space<vmem>>
    %dma_wait3A_289 = tpu.memref_squeeze %dma_wait3A_288 : memref<1x1024xf32, #tpu.memory_space<vmem>> -> memref<1024xf32, #tpu.memory_space<vmem>>
    %dma_wait3A_290 = tpu.memref_slice %arg14[%mul3A_2] : memref<6400000xf32, #tpu.memory_space<hbm>> -> memref<1024xf32, #tpu.memory_space<hbm>>
    %dma_wait3A_291 = tpu.memref_slice %arg14[%mul3A_2] : memref<6400000xf32, #tpu.memory_space<hbm>> -> memref<1024xf32, #tpu.memory_space<hbm>>
    %dma_wait3A_292 = arith.constant 0 : i32
    %dma_wait3A_293 = tpu.memref_slice %arg30[%dma_wait3A_286, %dma_wait3A_292] : memref<7x1024xf32, #tpu.memory_space<vmem>> -> memref<1x1024xf32, #tpu.memory_space<vmem>>
    %dma_wait3A_294 = tpu.memref_squeeze %dma_wait3A_293 : memref<1x1024xf32, #tpu.memory_space<vmem>> -> memref<1024xf32, #tpu.memory_space<vmem>>
    tpu.wait_dma2 semaphore(%arg34 : memref<!tpu.dma_semaphore, #tpu.memory_space<semaphore_mem>>) src(%dma_wait3A_294 : memref<1024xf32, #tpu.memory_space<vmem>>) dst(%dma_wait3A_291 : memref<1024xf32, #tpu.memory_space<hbm>>)
    return
  }
}

</mosaic_0001>

<sc_bundles>
// kernel: kernel.4.cloned.1.call-start
scs
__scs_entry_jumppad:
0x0: {  	(pc) =	sbr.rel $0x88, $3  }
0x1: {  	(tag) =	ssettag $0x0;
	lr =	simm.s32 $0x1  }
0x2: {  	[smem:$0x3F9C] =	sst lr;
	_ =	strace $0xD0000000  }
0x3: {  	_ = 	snop  }
0x4: {  	_ = 	snop  }
0x5: {  	_ = 	snop  }
0x6: {  	_ = 	snop  }
0x7: {  	_ = 	snop  }
__scs_overlays_trampoline_lowered:
0x8: {  	[smem:$0x3FAB] =	sst s0  }
0x9: {  	[smem:$0x3FAC] =	sst s1  }
0xa: {  	[smem:$0x3FAD] =	sst s2  }
0xb: {  	[smem:$0x3FAE] =	sst s3  }
0xc: {  	[smem:$0x3FAF] =	sst s4  }
0xd: {  	[smem:$0x3FB0] =	sst s5  }
0xe: {  	[smem:$0x3FB1] =	sst s6  }
0xf: {  	[smem:$0x3FB2] =	sst s7  }
0x10: {  	[smem:$0x3FB3] =	sst s8  }
0x11: {  	[smem:$0x3FB4] =	sst s9;
	s0 =	simm.s32 @!p0 $0x0  }
0x12: {  	s1 =	sld [smem:$0x3F9A];
	s0 =	simm.s32 @p0 $0x1  }
0x13: {  	[smem:$0x3FB5] =	sst s0;
	s0 =	simm.s32 @!p1 $0x0  }
0x14: {  	s2 =	sld [smem:$0x3F99];
	s0 =	simm.s32 @p1 $0x1  }
0x15: {  	[smem:$0x3FB6] =	sst s0;
	s0 =	simm.s32 @!p2 $0x0  }
0x16: {  	s3 =	sld [smem:$0x3FDB];
	s0 =	simm.s32 @p2 $0x1  }
0x17: {  	s4 =	simm.s32 $0x1BF5;
	[smem:$0x3FB8] =	sst s0  }
0x18: {  	s0 =	sld [smem:$0x3F9B];
	_ =	swait.ge [sflag:s4], $0x0  }
0x19: {  	s7 =	sld [smem:$0x3F9C]  }
0x1a: {  	s8 =	sadd.s32 $0xFFFFE003, lr  }
0x1b: {  	s9 =	sadd.s32 $0xFFFFFEF7, lr;
	s5 =	simm.s32 $0xFFFFFFFF;
	p2 =	slt.u32 s8, $0xFFFFF086  }
0x1c: {  	p1 =	slt.u32 s9, $0xF7A;
	s5 =	simm.s32 @!p2 $0x0  }
0x1d: {  	s5 =	simm.s32 @p1 $0x1;
	p0 =	seq.s32 s7, s2  }
0x1e: {  	s7 =	smul.u32 @!p0 $0xF7A, s2;
	p2 =	seq.s32 @!p0 s5, $0x0  }
0x1f: {  	s9 =	smul.u32 $0xF7A, s1;
	s8 =	simm.s32 @!p0 $0x1BF5;
	p2 =	por !p2, p0  }
0x20: {  	[sflag:s8] =	ssyncset.s32 @!p0 $0xFFFFF086;
	s6 =	sadd.s32 @!p0 s3, s7;
	s7 =	simm.s32 @!p0 $0x108  }
0x21: {  	s3 =	sadd.s32 s3, s9;
	s6 =	sadd.s32 @!p0 $0x88, s6;
	s7 =	simm.s32 @p2 $0x1082  }
0x22: {  	[simem:s7], [sflag:s8] =	dma.local @!p0 [hbm:s6], $0xF7A  }
0x23: {  	s9 =	sor.u32 $0xD0000000, s2;
	s6 =	simm.s32 $0x108;
	_ =	swait.ge @!p0 [sflag:s8], $0x0  }
0x24: {  	s3 =	sadd.s32 $0x88, s3;
	s6 =	simm.s32 @!p1 $0x1082;
	[sflag:s4] =	ssyncset.s32 $0xFFFFF086  }
0x25: {  	[simem:s6], [sflag:s4] =	dma.local [hbm:s3], $0xF7A  }
0x26: {  	[smem:$0x3F9C] =	sst s1;
	(tag) =	ssettag s2;
	_ =	strace s9  }
0x27: {  	s1 =	sld [smem:$0x3FAC]  }
0x28: {  	s2 =	sld [smem:$0x3FAD]  }
0x29: {  	s4 =	sld [smem:$0x3FAF]  }
0x2a: {  	p0 =	seq.s32 s5, $0x0;
	s5 =	sld [smem:$0x3FB0]  }
0x2b: {  	s6 =	sld [smem:$0x3FB1]  }
0x2c: {  	s7 =	sld [smem:$0x3FB2]  }
0x2d: {  	s3 =	simm.s32 $0x108;
	s8 =	sld [smem:$0x3FB3]  }
0x2e: {  	s3 =	simm.s32 @!p0 $0x1082;
	s9 =	sld [smem:$0x3FB4]  }
0x2f: {  	lr =	sadd.s32 s0, s3;
	s0 =	sld [smem:$0x3FAB]  }
0x30: {  	s3 =	sld [smem:$0x3FAE]  }
0x31: {  	[smem:$0x3FB7] =	sst s10  }
0x32: {  	s10 =	sld [smem:$0x3FB5];
	_ =	sdelay $0x3  }
0x33: {  	p0 =	seq.s32 s10, $0x1;
	s10 =	sld [smem:$0x3FB7];
	_ =	sdelay $0x3  }
0x34: {  	[smem:$0x3FB7] =	sst s10  }
0x35: {  	s10 =	sld [smem:$0x3FB6];
	_ =	sdelay $0x3  }
0x36: {  	p1 =	seq.s32 s10, $0x1;
	s10 =	sld [smem:$0x3FB7];
	_ =	sdelay $0x3  }
0x37: {  	[smem:$0x3FB7] =	sst s10  }
0x38: {  	s10 =	sld [smem:$0x3FB8]  }
0x39: {  	_ = 	snop;
	(pc) =	sbr.ind lr, $3  }
0x3a: {  	_ = 	snop  }
0x3b: {  	_ = 	snop  }
0x3c: {  	p2 =	seq.s32 s10, $0x1;
	s10 =	sld [smem:$0x3FB7]  }
0x3d: {  	_ =	shalt  }
0x3e: {  	_ =	shalt  }
0x3f: {  	_ =	shalt  }
0x40: {  	_ =	shalt  }
0x41: {  	_ =	shalt  }
0x42: {  	_ =	shalt  }
0x43: {  	_ =	shalt  }
0x44: {  	_ =	shalt  }
0x45: {  	_ =	shalt  }
0x46: {  	_ =	shalt  }
0x47: {  	_ =	shalt  }
0x48: {  	_ =	shalt  }
0x49: {  	_ =	shalt  }
0x4a: {  	_ =	shalt  }
0x4b: {  	_ =	shalt  }
0x4c: {  	_ =	shalt  }
0x4d: {  	_ =	shalt  }
0x4e: {  	_ =	shalt  }
0x4f: {  	_ =	shalt  }
0x50: {  	_ =	shalt  }
0x51: {  	_ =	shalt  }
0x52: {  	_ =	shalt  }
0x53: {  	_ =	shalt  }
0x54: {  	_ =	shalt  }
0x55: {  	_ =	shalt  }
0x56: {  	_ =	shalt  }
0x57: {  	_ =	shalt  }
0x58: {  	_ =	shalt  }
0x59: {  	_ =	shalt  }
0x5a: {  	_ =	shalt  }
0x5b: {  	_ =	shalt  }
0x5c: {  	_ =	shalt  }
0x5d: {  	_ =	shalt  }
0x5e: {  	_ =	shalt  }
0x5f: {  	_ =	shalt  }
0x60: {  	_ =	shalt  }
0x61: {  	_ =	shalt  }
0x62: {  	_ =	shalt  }
0x63: {  	_ =	shalt  }
0x64: {  	_ =	shalt  }
0x65: {  	_ =	shalt  }
0x66: {  	_ =	shalt  }
0x67: {  	_ =	shalt  }
0x68: {  	_ =	shalt  }
0x69: {  	_ =	shalt  }
0x6a: {  	_ =	shalt  }
0x6b: {  	_ =	shalt  }
0x6c: {  	_ =	shalt  }
0x6d: {  	_ =	shalt  }
0x6e: {  	_ =	shalt  }
0x6f: {  	_ =	shalt  }
0x70: {  	_ =	shalt  }
0x71: {  	_ =	shalt  }
0x72: {  	_ =	shalt  }
0x73: {  	_ =	shalt  }
0x74: {  	_ =	shalt  }
0x75: {  	_ =	shalt  }
0x76: {  	_ =	shalt  }
0x77: {  	_ =	shalt  }
0x78: {  	_ =	shalt  }
0x79: {  	_ =	shalt  }
0x7a: {  	_ =	shalt  }
0x7b: {  	_ =	shalt  }
0x7c: {  	_ =	shalt  }
0x7d: {  	_ =	shalt  }
0x7e: {  	_ =	shalt  }
0x7f: {  	_ =	shalt  }
0x80: {  	_ =	shalt  }
0x81: {  	_ =	shalt  }
0x82: {  	_ =	shalt  }
0x83: {  	_ =	shalt  }
0x84: {  	_ =	shalt  }
0x85: {  	_ =	shalt  }
0x86: {  	_ =	shalt  }
0x87: {  	_ =	shalt  }
.Lfunc_end0:
.L_simem_size_0:
called_computation_lowered:
.L_overlay_start_0:
0x88: {  	s2 =	sld [smem:$0x3FD9]  }
0x89: {  	s3 =	sld [smem:$0x3FFE];
	_ =	sdelay $0x1  }
0x8a: {  	s1 =	srdreg.scid  }
0x8b: {  	s0 =	sand.u32 $0x1, s1  }
0x8c: {  	s14 =	sshll.u32 s0, $0xA;
	s2 =	sadd.s32 s3, s2  }
0x8d: {  	s2 =	sadd.s32 s2, s14  }
0x8e: {  	[smem:$0x3FC3] =	sst s2  }
0x8f: {  	_ = 	snop  }
0x90: {  	s2 =	sld [smem:$0x3FD0];
	_ =	sdelay $0x2  }
0x91: {  	s4 =	simm.s32 $0xA;
	s5 =	simm.s32 $0x10;
	s15 =	sld [smem:$0x3FC5]  }
0x92: {  	[smem:s5], [sflag:s4] =	dma.local [hbm:s2], $0x1  }
0x93: {  	_ =	swait.eq [sflag:s4], $0x1  }
0x94: {  	[sflag:s4] =	ssyncset.done $0x0  }
0x95: {  	[sflag:s4] =	ssyncadd.s32 $0xFFFFFFFF  }
0x96: {  	s16 =	sld [smem:$0x10];
	(tm) =	ssettm $0x1  }
0x97: {  	s17 =	sld [smem:$0x3FFB];
	_ =	sdelay $0x3  }
0x98: {  	_ =	strace s17  }
0x99: {  	s4 =	sld [smem:$0x3FFC];
	_ =	sdelay $0x3  }
0x9a: {  	_ =	strace s4  }
0x9b: {  	s4 =	sld [smem:$0x3FFD];
	_ =	sdelay $0x3  }
0x9c: {  	_ =	strace s4  }
0x9d: {  	_ =	strace $0x8FFFFFFF  }
0x9e: {  	s18 =	sld [smem:$0x3FDB];
	_ =	sdelay $0x1  }
0x9f: {  	s19 =	simm.s32 $_scs_section_size  }
0xa0: {  	s6 =	simm.s32 $_size__tile_overlayer_lowered;
	s7 =	simm.s32 $_tile_overlayer_lowered  }
0xa1: {  	s22 =	simm.s32 $0x1BFF;
	s21 =	sshll.u32 s7, $0x1;
	s4 =	sadd.s32 s19, s18  }
0xa2: {  	s8 =	simm.s32 $0x0;
	s20 =	sshll.u32 s6, $0x1;
	s6 =	sadd.s32 s21, s4  }
0xa3: {  	[timem:s8], [sflag:s22] =	dma.local [hbm:s6], s20  }
0xa4: {  	_ =	swait.ge [sflag:s22], s20  }
0xa5: {  	s5 =	ssub.s32 $0x0, s20;
	[sflag:s22] =	ssyncset.done $0x0  }
0xa6: {  	[sflag:s22] =	ssyncadd.s32 s5;
	_ =	sdelay $0x1  }
0xa7: {  	s23 =	simm.s32 $0x1B8B  }
0xa8: {  	_ =	swait.ge [sflag:s23], $0x1  }
0xa9: {  	[sflag:s23] =	ssyncset.done $0x0  }
0xaa: {  	s25 =	simm.s32 $0x1B8E;
	s24 =	sld [smem:$0x3FFE];
	[sflag:s23] =	ssyncadd.s32 $0xFFFFFFFF  }
0xab: {  	s26 =	simm.s32 $execute0_lowered;
	[smem:$0x3FD2] =	sst s25  }
0xac: {  	s6 =	sshll.u32 s26, $0x1;
	_ =	strace $0x80000046;
	[dreg:$0x1] =	wrdreg $0xFFFFFFFF  }
0xad: {  	s28 =	simm.s32 $_size_execute0_lowered;
	s4 =	sadd.s32 s4, s6;
	[dreg:$0x0] =	wrdreg $0x0  }
0xae: {  	s6 =	sshll.u32 s28, $0x1;
	[dreg:$0x2] =	wrdreg s4  }
0xaf: {  	[dreg:$0x3] =	wrdreg s6  }
0xb0: {  	[dreg:$0x4] =	wrdreg $0xC0  }
0xb1: {  	_ =	task [dreg:s8], $0x5FFFF  }
0xb2: {  	[dreg:$0x1] =	wrdreg $0xFFFFFFFF  }
0xb3: {  	[dreg:$0x0] =	wrdreg $0x60  }
0xb4: {  	[dreg:$0x2] =	wrdreg s16  }
0xb5: {  	[dreg:$0x3] =	wrdreg s15  }
0xb6: {  	[dreg:$0x4] =	wrdreg s24  }
0xb7: {  	[dreg:$0x5] =	wrdreg $0x9  }
0xb8: {  	_ =	task.clear_ibuf [dreg:s8], $0x6FFFF;
	_ =	strace $0x90000046  }
0xb9: {  	s29 =	simm.s32 $0x9;
	_ =	strace $0x80000048  }
0xba: {  	_ =	swait.ge [sflag:s29], $0x1  }
0xbb: {  	[sflag:s29] =	ssyncadd.s32 $0xFFFFFFFF  }
0xbc: {  	_ =	strace $0x90000048  }
0xbd: {  	_ =	sfence  }
0xbe: {  	s30 =	sld [smem:$0x0];
	_ =	sdelay $0x2  }
0xbf: {  	s31 =	sshll.u32 s1, $0xD;
	s1 =	sshrl.u32 s1, $0x2  }
0xc0: {  	s3 =	sand.u32 $0x4000, s31;
	s1 =	sadd.s32 s1, s30  }
0xc1: {  	s0 =	sor.u32 s3, s0;
	s1 =	sshll.u32 s1, $0x11  }
0xc2: {  	s0 =	sor.u32 s1, s0  }
0xc3: {  	s0 =	sadd.s32 $0x8F2B, s0  }
0xc4: {  	[sflag:s0] =	ssyncadd.remote.s32 $0x1  }
0xc5: {  	_ =	sfence.sel $0xFFFF  }
0xc6: {  	[dreg:$0x0] =	wrdreg $0xFFFFFFFF;
	(pc) =	sbr.abs _section_cstart, $3  }
0xc7: {  	[dreg:$0x1] =	wrdreg $0xFFFFFFFF  }
0xc8: {  	_ =	task.clear_ibuf [dreg:s8], $0x2FFFF;
	_ =	strace $0x9FFFFFFF  }
0xc9: {  	(tm) =	ssettm $0x7FFFFFFF  }
tec
execute0_lowered:
.L_overlay_start_1:
0x0: {  	(tag) =	ssettag $0x1  }
0x1: {  	s1 =	srdreg.scid;
	s0 =	stileid.u32  }
0x2: {  	s4 =	rddreg [dreg:$0x0];
	s5 =	sand.u32 $0x1, s1;
	s30 =	sshll.u32 s0, $0x1  }
0x3: {  	s6 =	rddreg [dreg:$0x1];
	s1 =	sor.u32 s5, s30  }
0x4: {  	s7 =	rddreg [dreg:$0x2];
	s2 =	simm.s32 $0x0;
	s3 =	smul.u32 $0xC40, s1  }
0x5: {  	s11 =	simm.s32 $0x0;
	[smem:$0x7FF] =	sst s2;
	s5 =	ssub.s32 $0x2, s5  }
0x6: {  	s1 =	rddreg [dreg:$0x3];
	_ =	strace $0x80000047;
	s8 =	smin.u32 s3, $0x17A60  }
0x7: {  	s31 =	sshrl.u32 s5, $0x1;
	s3 =	sadd.s32 $0x1200, s7;
	s9 =	sshll.u32 s8, $0x1  }
0x8: {  	s10 =	smul.u32 $0x3, s8;
	s8 =	sshrl.u32 s8, $0x3;
	s7 =	sadd.s32 s9, s7  }
0x9: {  	s9 =	ssub.s32 s5, s31;
	s5 =	sadd.s32 s6, s8;
	s8 =	simm.s32 $0x1  }
0xa: {  	s10 =	sshrl.u32 s10, $0x3;
	s6 =	sadd.s32 $0x1400, s7;
	s7 =	smax.u32 s9, $0x1  }
0xb: {  	v0 =	vlaneseq.u32;
	s9 =	simm.s32 $0x3100;
	s4 =	sadd.s32 s4, s10;
	s10 =	simm.s32 $0x3340  }
.LBB2_1:
0xc: {  	[tilespmem:s2], [sflag:$0x1] =	stream.linear.gather [hbm4b:s4+s2], $0x24C0, $0x38;
	[tilespmem:$0xF740] =	vst v63  }
0xd: {  	_ =	swait.ge [sflag:s8], $0x24C0  }
0xe: {  	[sflag:s8] =	ssyncset.done $0x0  }
0xf: {  	s12 =	simm.s32 $0x24C0;
	[sflag:s8] =	ssyncadd.s32 $0xFFFFDB40  }
0x10: {  	[tilespmem:s12], [sflag:$0x1] =	stream.linear.gather [hbm4b:s5+s2], $0xC40, $0x38;
	[tilespmem:$0xF740] =	vst v63  }
0x11: {  	v1 =	vor.u32 s2, v0;
	_ =	swait.ge [sflag:s8], $0xC40  }
0x12: {  	v2 =	vmul.u32 $0x3, v1;
	[sflag:s8] =	ssyncset.done $0x0  }
0x13: {  	[sflag:s8] =	ssyncadd.s32 $0xFFFFF3C0  }
0x14: {  	[tilespmem:s9], [sflag:$0x1] =	stream.linear.gather [hbm4b:s3+s2], $0x240, $0x38;
	[tilespmem:$0xF740] =	vst v63  }
0x15: {  	_ =	swait.ge [sflag:s8], $0x240  }
0x16: {  	[sflag:s8] =	ssyncset.done $0x0  }
0x17: {  	[sflag:s8] =	ssyncadd.s32 $0xFFFFFDC0  }
0x18: {  	v1 =	vshll.u32 v1, $0x4;
	v3 =	vld.idx.msk [tilespmem:v2+s2+$0x0], $0xffff  }
0x19: {  	v4 =	vadd.s32 $0x1, v2;
	_ =	sdelay $0x2  }
0x1a: {  	v5 =	vld [tilespmem:s12+$0x0]  }
0x1b: {  	[tilespmem:v1+s10+$0x0] =	vst.idx.msk $0xffff, v3  }
0x1c: {  	v3 =	vld.idx.msk [tilespmem:v4+s2+$0x0], $0xffff;
	v4 =	vor.u32 $0x1, v1  }
0x1d: {  	v2 =	vadd.s32 $0x2, v2;
	_ =	sdelay $0x1  }
0x1e: {  	vm0 =	vgt.s32 v5, $0x0  }
0x1f: {  	v5 =	vnsel vm0, $0x0, v5  }
0x20: {  	v5 =	vmin.u32 v5, $0x3F;
	[tilespmem:v4+s10+$0x0] =	vst.idx.msk $0xffff, v3  }
0x21: {  	v3 =	vmul.u32 $0x9, v5;
	v4 =	vor.u32 $0x2, v1;
	v2 =	vld.idx.msk [tilespmem:v2+s2+$0x0], $0xffff;
	_ =	sdelay $0x4  }
0x22: {  	[tilespmem:v4+s10+$0x0] =	vst.idx.msk $0xffff, v2  }
0x23: {  	v4 =	vor.u32 $0x3, v1;
	v2 =	vld.idx.msk [tilespmem:v3+s9+$0x0], $0xffff  }
0x24: {  	v5 =	vadd.s32 $0x1, v3;
	_ =	sdelay $0x3  }
0x25: {  	[tilespmem:v4+s10+$0x0] =	vst.idx.msk $0xffff, v2  }
0x26: {  	v4 =	vor.u32 $0x4, v1;
	v2 =	vld.idx.msk [tilespmem:v5+s9+$0x0], $0xffff  }
0x27: {  	v5 =	vadd.s32 $0x2, v3;
	_ =	sdelay $0x3  }
0x28: {  	[tilespmem:v4+s10+$0x0] =	vst.idx.msk $0xffff, v2  }
0x29: {  	v4 =	vor.u32 $0x5, v1;
	v2 =	vld.idx.msk [tilespmem:v5+s9+$0x0], $0xffff  }
0x2a: {  	v5 =	vadd.s32 $0x3, v3;
	_ =	sdelay $0x3  }
0x2b: {  	[tilespmem:v4+s10+$0x0] =	vst.idx.msk $0xffff, v2  }
0x2c: {  	v4 =	vor.u32 $0x6, v1;
	v2 =	vld.idx.msk [tilespmem:v5+s9+$0x0], $0xffff  }
0x2d: {  	v5 =	vadd.s32 $0x4, v3;
	_ =	sdelay $0x3  }
0x2e: {  	[tilespmem:v4+s10+$0x0] =	vst.idx.msk $0xffff, v2  }
0x2f: {  	v4 =	vor.u32 $0x7, v1;
	v2 =	vld.idx.msk [tilespmem:v5+s9+$0x0], $0xffff  }
0x30: {  	v5 =	vadd.s32 $0x5, v3;
	_ =	sdelay $0x3  }
0x31: {  	[tilespmem:v4+s10+$0x0] =	vst.idx.msk $0xffff, v2  }
0x32: {  	v4 =	vor.u32 $0x8, v1;
	v2 =	vld.idx.msk [tilespmem:v5+s9+$0x0], $0xffff  }
0x33: {  	v5 =	vadd.s32 $0x6, v3;
	_ =	sdelay $0x3  }
0x34: {  	[tilespmem:v4+s10+$0x0] =	vst.idx.msk $0xffff, v2  }
0x35: {  	v4 =	vor.u32 $0x9, v1;
	v2 =	vld.idx.msk [tilespmem:v5+s9+$0x0], $0xffff  }
0x36: {  	v5 =	vadd.s32 $0x7, v3;
	_ =	sdelay $0x3  }
0x37: {  	v6 =	vadd.s32 $0x8, v3;
	[tilespmem:v4+s10+$0x0] =	vst.idx.msk $0xffff, v2  }
0x38: {  	v3 =	vand.u32 $0x7, v3;
	v2 =	vand.u32 $0x7F8, v6;
	v4 =	vld.idx.msk [tilespmem:v5+s9+$0x0], $0xffff;
	v5 =	vor.u32 $0xA, v1  }
0x39: {  	v2 =	vor.u32 v3, v2;
	_ =	sdelay $0x2  }
0x3a: {  	s13 =	simm.s32 $0x10  }
0x3b: {  	v3 =	vor.u32 s13, v0;
	[tilespmem:v5+s10+$0x0] =	vst.idx.msk $0xffff, v4  }
0x3c: {  	s13 =	simm.s32 $0x20;
	v1 =	vor.u32 $0xB, v1;
	v4 =	vld.idx.msk [tilespmem:v2+s9+$0x0], $0xffff;
	v2 =	vmul.u32 $0x3, v3  }
.LBB2_2:
0x3d: {  	_ =	sdelay $0x2  }
0x3e: {  	p0 =	sne.s32 s13, $0xC30  }
0x3f: {  	s12 =	sadd.s32 $0x10, s12;
	s14 =	smov.u32 s13;
	s13 =	sadd.s32 $0x10, s13;
	[tilespmem:v1+s10+$0x0] =	vst.idx.msk $0xffff, v4  }
0x40: {  	v4 =	vld.idx.msk [tilespmem:v2+s2+$0x0], $0xffff  }
0x41: {  	v1 =	vshll.u32 v3, $0x4  }
0x42: {  	v3 =	vadd.s32 $0x1, v2;
	_ =	sdelay $0x2  }
0x43: {  	v5 =	vld [tilespmem:s12+$0x0]  }
0x44: {  	[tilespmem:v1+s10+$0x0] =	vst.idx.msk $0xffff, v4  }
0x45: {  	v3 =	vld.idx.msk [tilespmem:v3+s2+$0x0], $0xffff  }
0x46: {  	v4 =	vor.u32 $0x1, v1  }
0x47: {  	v2 =	vadd.s32 $0x2, v2  }
0x48: {  	vm0 =	vgt.s32 v5, $0x0  }
0x49: {  	v5 =	vnsel vm0, $0x0, v5  }
0x4a: {  	v5 =	vmin.u32 v5, $0x3F  }
0x4b: {  	[tilespmem:v4+s10+$0x0] =	vst.idx.msk $0xffff, v3  }
0x4c: {  	v2 =	vld.idx.msk [tilespmem:v2+s2+$0x0], $0xffff  }
0x4d: {  	v3 =	vmul.u32 $0x9, v5;
	v4 =	vor.u32 $0x2, v1;
	_ =	sdelay $0x1  }
0x4e: {  	v5 =	vadd.s32 $0x8, v3  }
0x4f: {  	v5 =	vand.u32 $0x7F8, v5;
	_ =	sdelay $0x1  }
0x50: {  	[tilespmem:v4+s10+$0x0] =	vst.idx.msk $0xffff, v2  }
0x51: {  	v2 =	vld.idx.msk [tilespmem:v3+s9+$0x0], $0xffff  }
0x52: {  	v4 =	vor.u32 $0x3, v1  }
0x53: {  	v6 =	vadd.s32 $0x1, v3;
	_ =	sdelay $0x3  }
0x54: {  	[tilespmem:v4+s10+$0x0] =	vst.idx.msk $0xffff, v2  }
0x55: {  	v2 =	vld.idx.msk [tilespmem:v6+s9+$0x0], $0xffff  }
0x56: {  	v4 =	vor.u32 $0x4, v1  }
0x57: {  	v6 =	vadd.s32 $0x2, v3;
	_ =	sdelay $0x3  }
0x58: {  	[tilespmem:v4+s10+$0x0] =	vst.idx.msk $0xffff, v2  }
0x59: {  	v2 =	vld.idx.msk [tilespmem:v6+s9+$0x0], $0xffff  }
0x5a: {  	v4 =	vor.u32 $0x5, v1  }
0x5b: {  	v6 =	vadd.s32 $0x3, v3;
	_ =	sdelay $0x3  }
0x5c: {  	[tilespmem:v4+s10+$0x0] =	vst.idx.msk $0xffff, v2  }
0x5d: {  	v2 =	vld.idx.msk [tilespmem:v6+s9+$0x0], $0xffff  }
0x5e: {  	v4 =	vor.u32 $0x6, v1  }
0x5f: {  	v6 =	vadd.s32 $0x4, v3;
	_ =	sdelay $0x3  }
0x60: {  	[tilespmem:v4+s10+$0x0] =	vst.idx.msk $0xffff, v2  }
0x61: {  	v2 =	vld.idx.msk [tilespmem:v6+s9+$0x0], $0xffff  }
0x62: {  	v4 =	vor.u32 $0x7, v1  }
0x63: {  	v6 =	vadd.s32 $0x5, v3;
	_ =	sdelay $0x3  }
0x64: {  	[tilespmem:v4+s10+$0x0] =	vst.idx.msk $0xffff, v2  }
0x65: {  	v2 =	vld.idx.msk [tilespmem:v6+s9+$0x0], $0xffff  }
0x66: {  	v4 =	vor.u32 $0x8, v1  }
0x67: {  	v6 =	vadd.s32 $0x6, v3;
	_ =	sdelay $0x3  }
0x68: {  	[tilespmem:v4+s10+$0x0] =	vst.idx.msk $0xffff, v2  }
0x69: {  	v2 =	vld.idx.msk [tilespmem:v6+s9+$0x0], $0xffff  }
0x6a: {  	v4 =	vor.u32 $0x9, v1  }
0x6b: {  	v6 =	vadd.s32 $0x7, v3;
	_ =	sdelay $0x3  }
0x6c: {  	[tilespmem:v4+s10+$0x0] =	vst.idx.msk $0xffff, v2  }
0x6d: {  	v2 =	vld.idx.msk [tilespmem:v6+s9+$0x0], $0xffff  }
0x6e: {  	v3 =	vand.u32 $0x7, v3;
	v4 =	vor.u32 $0xA, v1  }
0x6f: {  	v5 =	vor.u32 v3, v5;
	_ =	sdelay $0x1  }
.Ltmp0:
0x70: {  	(pc) =	sbr.rel @p0 .LBB2_2-.Ltmp0, $4  }
0x71: {  	_ = 	snop  }
0x72: {  	[tilespmem:v4+s10+$0x0] =	vst.idx.msk $0xffff, v2  }
0x73: {  	v3 =	vor.u32 s14, v0;
	v4 =	vld.idx.msk [tilespmem:v5+s9+$0x0], $0xffff  }
0x74: {  	v1 =	vor.u32 $0xB, v1;
	v2 =	vmul.u32 $0x3, v3  }
0x75: {  	_ =	sdelay $0x3  }
0x76: {  	[tilespmem:v1+s10+$0x0] =	vst.idx.msk $0xffff, v4  }
0x77: {  	v3 =	vshll.u32 v3, $0x4;
	v1 =	vld.idx.msk [tilespmem:v2+s2+$0x0], $0xffff  }
0x78: {  	v47 =	vadd.s32 $0x1, v2;
	_ =	sdelay $0x1  }
0x79: {  	s12 =	sadd.s32 $0x10, s12  }
0x7a: {  	v5 =	vld [tilespmem:s12+$0x0]  }
0x7b: {  	[tilespmem:v3+s10+$0x0] =	vst.idx.msk $0xffff, v1  }
0x7c: {  	v48 =	vor.u32 $0x1, v3;
	v1 =	vld.idx.msk [tilespmem:v47+s2+$0x0], $0xffff  }
0x7d: {  	v2 =	vadd.s32 $0x2, v2;
	_ =	sdelay $0x1  }
0x7e: {  	vm0 =	vgt.s32 v5, $0x0  }
0x7f: {  	v5 =	vnsel vm0, $0x0, v5  }
0x80: {  	v5 =	vmin.u32 v5, $0x3F;
	[tilespmem:v48+s10+$0x0] =	vst.idx.msk $0xffff, v1  }
0x81: {  	v49 =	vor.u32 $0x2, v3;
	v1 =	vld.idx.msk [tilespmem:v2+s2+$0x0], $0xffff;
	v2 =	vmul.u32 $0x9, v5;
	_ =	sdelay $0x4  }
0x82: {  	[tilespmem:v49+s10+$0x0] =	vst.idx.msk $0xffff, v1  }
0x83: {  	v50 =	vor.u32 $0x3, v3;
	v1 =	vld.idx.msk [tilespmem:v2+s9+$0x0], $0xffff  }
0x84: {  	v5 =	vadd.s32 $0x1, v2;
	_ =	sdelay $0x3  }
0x85: {  	[tilespmem:v50+s10+$0x0] =	vst.idx.msk $0xffff, v1  }
0x86: {  	v51 =	vor.u32 $0x4, v3;
	v1 =	vld.idx.msk [tilespmem:v5+s9+$0x0], $0xffff  }
0x87: {  	v52 =	vadd.s32 $0x2, v2;
	_ =	sdelay $0x3  }
0x88: {  	[tilespmem:v51+s10+$0x0] =	vst.idx.msk $0xffff, v1  }
0x89: {  	v53 =	vor.u32 $0x5, v3;
	v1 =	vld.idx.msk [tilespmem:v52+s9+$0x0], $0xffff  }
0x8a: {  	v54 =	vadd.s32 $0x3, v2;
	_ =	sdelay $0x3  }
0x8b: {  	[tilespmem:v53+s10+$0x0] =	vst.idx.msk $0xffff, v1  }
0x8c: {  	v55 =	vor.u32 $0x6, v3;
	v1 =	vld.idx.msk [tilespmem:v54+s9+$0x0], $0xffff  }
0x8d: {  	v56 =	vadd.s32 $0x4, v2;
	_ =	sdelay $0x3  }
0x8e: {  	[tilespmem:v55+s10+$0x0] =	vst.idx.msk $0xffff, v1  }
0x8f: {  	v57 =	vor.u32 $0x7, v3;
	v1 =	vld.idx.msk [tilespmem:v56+s9+$0x0], $0xffff  }
0x90: {  	v58 =	vadd.s32 $0x5, v2;
	_ =	sdelay $0x3  }
0x91: {  	[tilespmem:v57+s10+$0x0] =	vst.idx.msk $0xffff, v1  }
0x92: {  	v59 =	vor.u32 $0x8, v3;
	v1 =	vld.idx.msk [tilespmem:v58+s9+$0x0], $0xffff  }
0x93: {  	v60 =	vadd.s32 $0x6, v2;
	_ =	sdelay $0x3  }
0x94: {  	[tilespmem:v59+s10+$0x0] =	vst.idx.msk $0xffff, v1  }
0x95: {  	v61 =	vor.u32 $0x9, v3;
	v1 =	vld.idx.msk [tilespmem:v60+s9+$0x0], $0xffff  }
0x96: {  	v62 =	vadd.s32 $0x7, v2;
	_ =	sdelay $0x3  }
0x97: {  	v6 =	vadd.s32 $0x8, v2;
	[tilespmem:v61+s10+$0x0] =	vst.idx.msk $0xffff, v1  }
0x98: {  	v63 =	vor.u32 $0xA, v3;
	v2 =	vand.u32 $0x7, v2;
	v1 =	vand.u32 $0x7F8, v6;
	v4 =	vld.idx.msk [tilespmem:v62+s9+$0x0], $0xffff  }
0x99: {  	v1 =	vor.u32 v2, v1;
	_ =	sdelay $0x3  }
0x9a: {  	[tilespmem:v63+s10+$0x0] =	vst.idx.msk $0xffff, v4  }
0x9b: {  	v2 =	vor.u32 $0xB, v3;
	v1 =	vld.idx.msk [tilespmem:v1+s9+$0x0], $0xffff;
	_ =	sdelay $0x2  }
0x9c: {  	s11 =	sadd.s32 $0x1, s11  }
0x9d: {  	p0 =	sne.s32 s11, s7  }
.Ltmp1:
0x9e: {  	[tilespmem:v2+s10+$0x0] =	vst.idx.msk $0xffff, v1;
	(pc) =	sbr.rel @p0 .LBB2_1-.Ltmp1, $4  }
0x9f: {  	[hbm4b:s6+s2] =	stream.linear.scatter [tilespmem:s10], [sflag:$0x1], $0xC400, $0x38;
	[tilespmem:$0xF740] =	vst v63  }
0xa0: {  	_ =	swait.ge [sflag:s8], $0xC400  }
0xa1: {  	[sflag:s8] =	ssyncset.done $0x0  }
0xa2: {  	[sflag:s8] =	ssyncadd.s32 $0xFFFF3C00  }
0xa3: {  	_ =	sfence.sel $0x180000  }
0xa4: {  	[bflag:$0x0] =	sbarrier.arrive $0xFFFF  }
0xa5: {  	p0 =	sne.s32 s0, $0x0;
	_ =	strace $0x90000047  }
0xa6: {  	s0 =	sadd.s32 @!p0 $0x100000, s1;
	[bflag:$0x2] =	sbarrier.arrive $0xFFFF  }
0xa7: {  	[sflag:s0] =	ssyncadd.tile.s32 @!p0 $0x1;
	_ =	shalt  }
.Lfunc_end2:
_tile_overlayer_lowered:
.L_overlay_start_2:
0xa8: {  	(tag) =	ssettag $0x2  }
0xa9: {  	s0 =	rddreg [dreg:$0x0];
	s2 =	stileid.u32  }
0xaa: {  	s1 =	rddreg [dreg:$0x1];
	p0 =	sne.s32 s2, $0x0  }
0xab: {  	s3 =	rddreg [dreg:$0x2];
	[bflag:$0x3] =	sbarrier.arrive $0xFFFF;
	s2 =	simm.s32 @!p0 $0x1C01  }
0xac: {  	[timem:s3], [sflag:s2] =	dma.local @!p0 [hbm:s0], s1  }
0xad: {  	s0 =	simm.s32 @!p0 $0x1  }
0xae: {  	_ =	swait.ge @!p0 [sflag:s0], s1  }
0xaf: {  	s1 =	ssub.s32 @!p0 $0x0, s1;
	[sflag:s0] =	ssyncset.done @!p0 $0x0  }
0xb0: {  	[sflag:s0] =	ssyncadd.s32 @!p0 s1  }
0xb1: {  	[bflag:$0x3] =	sbarrier.arrive $0xFFFF  }
0xb2: {  	_ =	shalt  }

// kernel: kernel.7.cloned.1.call-start
scs
__scs_entry_jumppad:
0x0: {  	(pc) =	sbr.rel $0x88, $3  }
0x1: {  	(tag) =	ssettag $0x0;
	lr =	simm.s32 $0x1  }
0x2: {  	[smem:$0x3F9C] =	sst lr;
	_ =	strace $0xD0000000  }
0x3: {  	_ = 	snop  }
0x4: {  	_ = 	snop  }
0x5: {  	_ = 	snop  }
0x6: {  	_ = 	snop  }
0x7: {  	_ = 	snop  }
__scs_overlays_trampoline_lowered:
0x8: {  	[smem:$0x3FAB] =	sst s0  }
0x9: {  	[smem:$0x3FAC] =	sst s1  }
0xa: {  	[smem:$0x3FAD] =	sst s2  }
0xb: {  	[smem:$0x3FAE] =	sst s3  }
0xc: {  	[smem:$0x3FAF] =	sst s4  }
0xd: {  	[smem:$0x3FB0] =	sst s5  }
0xe: {  	[smem:$0x3FB1] =	sst s6  }
0xf: {  	[smem:$0x3FB2] =	sst s7  }
0x10: {  	[smem:$0x3FB3] =	sst s8  }
0x11: {  	[smem:$0x3FB4] =	sst s9;
	s0 =	simm.s32 @!p0 $0x0  }
0x12: {  	s1 =	sld [smem:$0x3F9A];
	s0 =	simm.s32 @p0 $0x1  }
0x13: {  	[smem:$0x3FB5] =	sst s0;
	s0 =	simm.s32 @!p1 $0x0  }
0x14: {  	s2 =	sld [smem:$0x3F99];
	s0 =	simm.s32 @p1 $0x1  }
0x15: {  	[smem:$0x3FB6] =	sst s0;
	s0 =	simm.s32 @!p2 $0x0  }
0x16: {  	s3 =	sld [smem:$0x3FDB];
	s0 =	simm.s32 @p2 $0x1  }
0x17: {  	s4 =	simm.s32 $0x1BF5;
	[smem:$0x3FB8] =	sst s0  }
0x18: {  	s0 =	sld [smem:$0x3F9B];
	_ =	swait.ge [sflag:s4], $0x0  }
0x19: {  	s7 =	sld [smem:$0x3F9C]  }
0x1a: {  	s8 =	sadd.s32 $0xFFFFE003, lr  }
0x1b: {  	s9 =	sadd.s32 $0xFFFFFEF7, lr;
	s5 =	simm.s32 $0xFFFFFFFF;
	p2 =	slt.u32 s8, $0xFFFFF086  }
0x1c: {  	p1 =	slt.u32 s9, $0xF7A;
	s5 =	simm.s32 @!p2 $0x0  }
0x1d: {  	s5 =	simm.s32 @p1 $0x1;
	p0 =	seq.s32 s7, s2  }
0x1e: {  	s7 =	smul.u32 @!p0 $0xF7A, s2;
	p2 =	seq.s32 @!p0 s5, $0x0  }
0x1f: {  	s9 =	smul.u32 $0xF7A, s1;
	s8 =	simm.s32 @!p0 $0x1BF5;
	p2 =	por !p2, p0  }
0x20: {  	[sflag:s8] =	ssyncset.s32 @!p0 $0xFFFFF086;
	s6 =	sadd.s32 @!p0 s3, s7;
	s7 =	simm.s32 @!p0 $0x108  }
0x21: {  	s3 =	sadd.s32 s3, s9;
	s6 =	sadd.s32 @!p0 $0x88, s6;
	s7 =	simm.s32 @p2 $0x1082  }
0x22: {  	[simem:s7], [sflag:s8] =	dma.local @!p0 [hbm:s6], $0xF7A  }
0x23: {  	s9 =	sor.u32 $0xD0000000, s2;
	s6 =	simm.s32 $0x108;
	_ =	swait.ge @!p0 [sflag:s8], $0x0  }
0x24: {  	s3 =	sadd.s32 $0x88, s3;
	s6 =	simm.s32 @!p1 $0x1082;
	[sflag:s4] =	ssyncset.s32 $0xFFFFF086  }
0x25: {  	[simem:s6], [sflag:s4] =	dma.local [hbm:s3], $0xF7A  }
0x26: {  	[smem:$0x3F9C] =	sst s1;
	(tag) =	ssettag s2;
	_ =	strace s9  }
0x27: {  	s1 =	sld [smem:$0x3FAC]  }
0x28: {  	s2 =	sld [smem:$0x3FAD]  }
0x29: {  	s4 =	sld [smem:$0x3FAF]  }
0x2a: {  	p0 =	seq.s32 s5, $0x0;
	s5 =	sld [smem:$0x3FB0]  }
0x2b: {  	s6 =	sld [smem:$0x3FB1]  }
0x2c: {  	s7 =	sld [smem:$0x3FB2]  }
0x2d: {  	s3 =	simm.s32 $0x108;
	s8 =	sld [smem:$0x3FB3]  }
0x2e: {  	s3 =	simm.s32 @!p0 $0x1082;
	s9 =	sld [smem:$0x3FB4]  }
0x2f: {  	lr =	sadd.s32 s0, s3;
	s0 =	sld [smem:$0x3FAB]  }
0x30: {  	s3 =	sld [smem:$0x3FAE]  }
0x31: {  	[smem:$0x3FB7] =	sst s10  }
0x32: {  	s10 =	sld [smem:$0x3FB5];
	_ =	sdelay $0x3  }
0x33: {  	p0 =	seq.s32 s10, $0x1;
	s10 =	sld [smem:$0x3FB7];
	_ =	sdelay $0x3  }
0x34: {  	[smem:$0x3FB7] =	sst s10  }
0x35: {  	s10 =	sld [smem:$0x3FB6];
	_ =	sdelay $0x3  }
0x36: {  	p1 =	seq.s32 s10, $0x1;
	s10 =	sld [smem:$0x3FB7];
	_ =	sdelay $0x3  }
0x37: {  	[smem:$0x3FB7] =	sst s10  }
0x38: {  	s10 =	sld [smem:$0x3FB8]  }
0x39: {  	_ = 	snop;
	(pc) =	sbr.ind lr, $3  }
0x3a: {  	_ = 	snop  }
0x3b: {  	_ = 	snop  }
0x3c: {  	p2 =	seq.s32 s10, $0x1;
	s10 =	sld [smem:$0x3FB7]  }
0x3d: {  	_ =	shalt  }
0x3e: {  	_ =	shalt  }
0x3f: {  	_ =	shalt  }
0x40: {  	_ =	shalt  }
0x41: {  	_ =	shalt  }
0x42: {  	_ =	shalt  }
0x43: {  	_ =	shalt  }
0x44: {  	_ =	shalt  }
0x45: {  	_ =	shalt  }
0x46: {  	_ =	shalt  }
0x47: {  	_ =	shalt  }
0x48: {  	_ =	shalt  }
0x49: {  	_ =	shalt  }
0x4a: {  	_ =	shalt  }
0x4b: {  	_ =	shalt  }
0x4c: {  	_ =	shalt  }
0x4d: {  	_ =	shalt  }
0x4e: {  	_ =	shalt  }
0x4f: {  	_ =	shalt  }
0x50: {  	_ =	shalt  }
0x51: {  	_ =	shalt  }
0x52: {  	_ =	shalt  }
0x53: {  	_ =	shalt  }
0x54: {  	_ =	shalt  }
0x55: {  	_ =	shalt  }
0x56: {  	_ =	shalt  }
0x57: {  	_ =	shalt  }
0x58: {  	_ =	shalt  }
0x59: {  	_ =	shalt  }
0x5a: {  	_ =	shalt  }
0x5b: {  	_ =	shalt  }
0x5c: {  	_ =	shalt  }
0x5d: {  	_ =	shalt  }
0x5e: {  	_ =	shalt  }
0x5f: {  	_ =	shalt  }
0x60: {  	_ =	shalt  }
0x61: {  	_ =	shalt  }
0x62: {  	_ =	shalt  }
0x63: {  	_ =	shalt  }
0x64: {  	_ =	shalt  }
0x65: {  	_ =	shalt  }
0x66: {  	_ =	shalt  }
0x67: {  	_ =	shalt  }
0x68: {  	_ =	shalt  }
0x69: {  	_ =	shalt  }
0x6a: {  	_ =	shalt  }
0x6b: {  	_ =	shalt  }
0x6c: {  	_ =	shalt  }
0x6d: {  	_ =	shalt  }
0x6e: {  	_ =	shalt  }
0x6f: {  	_ =	shalt  }
0x70: {  	_ =	shalt  }
0x71: {  	_ =	shalt  }
0x72: {  	_ =	shalt  }
0x73: {  	_ =	shalt  }
0x74: {  	_ =	shalt  }
0x75: {  	_ =	shalt  }
0x76: {  	_ =	shalt  }
0x77: {  	_ =	shalt  }
0x78: {  	_ =	shalt  }
0x79: {  	_ =	shalt  }
0x7a: {  	_ =	shalt  }
0x7b: {  	_ =	shalt  }
0x7c: {  	_ =	shalt  }
0x7d: {  	_ =	shalt  }
0x7e: {  	_ =	shalt  }
0x7f: {  	_ =	shalt  }
0x80: {  	_ =	shalt  }
0x81: {  	_ =	shalt  }
0x82: {  	_ =	shalt  }
0x83: {  	_ =	shalt  }
0x84: {  	_ =	shalt  }
0x85: {  	_ =	shalt  }
0x86: {  	_ =	shalt  }
0x87: {  	_ =	shalt  }
.Lfunc_end0:
.L_simem_size_0:
called_computation.1_lowered:
.L_overlay_start_0:
0x88: {  	s2 =	sld [smem:$0x3FD9]  }
0x89: {  	s3 =	sld [smem:$0x3FFE];
	_ =	sdelay $0x1  }
0x8a: {  	s1 =	srdreg.scid  }
0x8b: {  	s0 =	sand.u32 $0x1, s1  }
0x8c: {  	s14 =	sshll.u32 s0, $0xA;
	s2 =	sadd.s32 s3, s2  }
0x8d: {  	s2 =	sadd.s32 s2, s14  }
0x8e: {  	[smem:$0x3FC3] =	sst s2  }
0x8f: {  	_ = 	snop  }
0x90: {  	s2 =	sld [smem:$0x3FD0];
	_ =	sdelay $0x2  }
0x91: {  	s15 =	simm.s32 $0xA;
	s4 =	simm.s32 $0x10  }
0x92: {  	[smem:s4], [sflag:s15] =	dma.local [hbm:s2], $0x1  }
0x93: {  	_ =	swait.eq [sflag:s15], $0x1  }
0x94: {  	s16 =	sld [smem:$0x10];
	[sflag:s15] =	ssyncset.done $0x0  }
0x95: {  	s17 =	sld [smem:$0x11];
	[sflag:s15] =	ssyncadd.s32 $0xFFFFFFFF  }
0x96: {  	s18 =	sld [smem:$0x12];
	(tm) =	ssettm $0x1  }
0x97: {  	s5 =	sld [smem:$0x3FFB];
	_ =	sdelay $0x3  }
0x98: {  	_ =	strace s5  }
0x99: {  	s5 =	sld [smem:$0x3FFC];
	_ =	sdelay $0x3  }
0x9a: {  	_ =	strace s5  }
0x9b: {  	s5 =	sld [smem:$0x3FFD];
	_ =	sdelay $0x3  }
0x9c: {  	_ =	strace s5  }
0x9d: {  	_ =	strace $0x8FFFFFFF  }
0x9e: {  	s19 =	sld [smem:$0x3FDB];
	_ =	sdelay $0x1  }
0x9f: {  	s6 =	simm.s32 $_scs_section_size  }
0xa0: {  	s7 =	simm.s32 $_size__tile_overlayer_lowered;
	s8 =	simm.s32 $_tile_overlayer_lowered  }
0xa1: {  	s22 =	simm.s32 $0x1BFF;
	s21 =	sshll.u32 s8, $0x1;
	s5 =	sadd.s32 s6, s19  }
0xa2: {  	s9 =	simm.s32 $0x0;
	s20 =	sshll.u32 s7, $0x1;
	s7 =	sadd.s32 s21, s5  }
0xa3: {  	[timem:s9], [sflag:s22] =	dma.local [hbm:s7], s20  }
0xa4: {  	_ =	swait.ge [sflag:s22], s20  }
0xa5: {  	s6 =	ssub.s32 $0x0, s20;
	[sflag:s22] =	ssyncset.done $0x0  }
0xa6: {  	[sflag:s22] =	ssyncadd.s32 s6;
	_ =	sdelay $0x1  }
0xa7: {  	s23 =	simm.s32 $0x1B8B  }
0xa8: {  	_ =	swait.ge [sflag:s23], $0x1  }
0xa9: {  	[sflag:s23] =	ssyncset.done $0x0  }
0xaa: {  	s25 =	simm.s32 $0x1B8E;
	s24 =	sld [smem:$0x3FFE];
	[sflag:s23] =	ssyncadd.s32 $0xFFFFFFFF  }
0xab: {  	s26 =	simm.s32 $execute0_lowered;
	[smem:$0x3FD2] =	sst s25  }
0xac: {  	s7 =	sshll.u32 s26, $0x1;
	_ =	strace $0x80000049;
	[dreg:$0x1] =	wrdreg $0xFFFFFFFF  }
0xad: {  	s28 =	simm.s32 $_size_execute0_lowered;
	s5 =	sadd.s32 s5, s7;
	[dreg:$0x0] =	wrdreg $0x0  }
0xae: {  	s7 =	sshll.u32 s28, $0x1;
	[dreg:$0x2] =	wrdreg s5  }
0xaf: {  	[dreg:$0x3] =	wrdreg s7  }
0xb0: {  	[dreg:$0x4] =	wrdreg $0xC0  }
0xb1: {  	_ =	task [dreg:s9], $0x5FFFF  }
0xb2: {  	[dreg:$0x1] =	wrdreg $0xFFFFFFFF  }
0xb3: {  	[dreg:$0x0] =	wrdreg $0x60  }
0xb4: {  	[dreg:$0x2] =	wrdreg s24  }
0xb5: {  	[dreg:$0x3] =	wrdreg s17  }
0xb6: {  	[dreg:$0x4] =	wrdreg s18  }
0xb7: {  	[dreg:$0x5] =	wrdreg s16  }
0xb8: {  	[dreg:$0x6] =	wrdreg $0x9  }
0xb9: {  	_ =	task.clear_ibuf [dreg:s9], $0x7FFFF;
	_ =	strace $0x90000049  }
0xba: {  	s29 =	simm.s32 $0x9;
	_ =	strace $0x8000004B  }
0xbb: {  	_ =	swait.ge [sflag:s29], $0x1  }
0xbc: {  	[sflag:s29] =	ssyncadd.s32 $0xFFFFFFFF  }
0xbd: {  	_ =	strace $0x9000004B  }
0xbe: {  	_ =	sfence  }
0xbf: {  	s30 =	sld [smem:$0x0];
	_ =	sdelay $0x2  }
0xc0: {  	s31 =	sshll.u32 s1, $0xD;
	s1 =	sshrl.u32 s1, $0x2  }
0xc1: {  	s3 =	sand.u32 $0x4000, s31;
	s1 =	sadd.s32 s1, s30  }
0xc2: {  	s0 =	sor.u32 s3, s0;
	s1 =	sshll.u32 s1, $0x11  }
0xc3: {  	s0 =	sor.u32 s1, s0  }
0xc4: {  	s0 =	sadd.s32 $0x8F2B, s0  }
0xc5: {  	[sflag:s0] =	ssyncadd.remote.s32 $0x1  }
0xc6: {  	_ =	sfence.sel $0xFFFF  }
0xc7: {  	[dreg:$0x0] =	wrdreg $0xFFFFFFFF;
	(pc) =	sbr.abs _section_cstart, $3  }
0xc8: {  	[dreg:$0x1] =	wrdreg $0xFFFFFFFF  }
0xc9: {  	_ =	task.clear_ibuf [dreg:s9], $0x2FFFF;
	_ =	strace $0x9FFFFFFF  }
0xca: {  	(tm) =	ssettm $0x7FFFFFFF  }
0xcb: {  	_ =	shalt  }
tec
execute0_lowered:
.L_overlay_start_1:
0x0: {  	(tag) =	ssettag $0x1  }
0x1: {  	s0 =	rddreg [dreg:$0x0]  }
0x2: {  	s3 =	rddreg [dreg:$0x1]  }
0x3: {  	s5 =	rddreg [dreg:$0x2]  }
0x4: {  	s28 =	rddreg [dreg:$0x3];
	s4 =	simm.s32 $0x0  }
0x5: {  	s1 =	srdreg.scid;
	s2 =	stileid.u32;
	s30 =	simm.s32 $0x80  }
0x6: {  	s31 =	simm.s32 $0x1400;
	[smem:$0x7FF] =	sst s4;
	s6 =	sadd.s32 $0x1400, s0  }
0x7: {  	s7 =	sadd.s32 $0x1B8E00, s0;
	s8 =	sadd.s32 $0xF5800, s0;
	s9 =	sadd.s32 $0x32200, s0  }
0x8: {  	s1 =	sand.u32 $0x1, s1;
	s2 =	sshll.u32 s2, $0x1;
	s10 =	sadd.s32 $0x27C400, s0  }
0x9: {  	s11 =	sadd.s32 $0x33FA00, s0;
	s12 =	sadd.s32 $0x403000, s0;
	s2 =	sor.u32 s1, s2  }
0xa: {  	s14 =	sadd.s32 $0x4C6600, s0;
	s1 =	ssub.s32 $0x2, s1;
	s13 =	smul.u32 $0x30D40, s2  }
0xb: {  	s15 =	sadd.s32 $0x589C00, s0;
	s16 =	sadd.s32 $0x64D200, s0;
	s20 =	sshrl.u32 s1, $0x1  }
0xc: {  	_ =	strace $0x8000004A;
	s21 =	ssub.s32 s1, s20;
	s29 =	sadd.s32 $0x800, s13  }
0xd: {  	s22 =	sshrl.u32 s13, $0x3;
	s0 =	smax.u32 s21, $0x1;
	[dreg:$0xa] =	wrdreg s29  }
0xe: {  	s18 =	simm.s32 $0xC400;
	s23 =	sadd.s32 s3, s22;
	[dreg:$0xb] =	wrdreg s0  }
0xf: {  	s19 =	simm.s32 $0x10400;
	s24 =	sadd.s32 s5, s22;
	[dreg:$0x5] =	wrdreg s23  }
0x10: {  	s17 =	simm.s32 $0x1;
	s25 =	sadd.s32 s7, s22;
	[dreg:$0x6] =	wrdreg s24  }
0x11: {  	s20 =	simm.s32 $0x2;
	s26 =	sadd.s32 s8, s22;
	[dreg:$0x7] =	wrdreg s25  }
0x12: {  	v0 =	vlaneseq.u32;
	s1 =	sadd.s32 s9, s22;
	s0 =	simm.s32 $0x5400;
	[dreg:$0x8] =	wrdreg s26  }
0x13: {  	v0 =	vmul.u32 $0x10, v0;
	s3 =	simm.s32 $0x0;
	[dreg:$0x9] =	wrdreg s1;
	s24 =	simm.s32 $0x5  }
.LBB2_1:
0x14: {  	[dreg:$0xc] =	wrdreg s3  }
0x15: {  	s1 =	rddreg [dreg:$0x5]  }
0x16: {  	[tilespmem:s4], [sflag:$0x5] =	stream.linear.gather [hbm4b:s1+s4], $0x400, $0x38;
	[tilespmem:$0x16000] =	vst v63  }
0x17: {  	_ =	swait.ge [sflag:s24], $0x400  }
0x18: {  	[sflag:s24] =	ssyncset.done $0x0  }
0x19: {  	s2 =	simm.s32 $0x400;
	s29 =	rddreg [dreg:$0x6];
	[sflag:s24] =	ssyncadd.s32 $0xFFFFFC00  }
0x1a: {  	[tilespmem:s2], [sflag:$0x5] =	stream.linear.gather [hbm4b:s29+s4], $0x400, $0x38;
	[tilespmem:$0x16000] =	vst v63  }
0x1b: {  	_ =	swait.ge [sflag:s24], $0x400  }
0x1c: {  	[sflag:s24] =	ssyncset.done $0x0  }
0x1d: {  	s5 =	simm.s32 $0x800;
	s3 =	rddreg [dreg:$0x7];
	[sflag:s24] =	ssyncadd.s32 $0xFFFFFC00  }
0x1e: {  	[tilespmem:s5], [sflag:$0x5] =	stream.linear.gather [hbm4b:s3+s4], $0x400, $0x38;
	[tilespmem:$0x16000] =	vst v63  }
0x1f: {  	_ =	swait.ge [sflag:s24], $0x400  }
0x20: {  	[sflag:s24] =	ssyncset.done $0x0  }
0x21: {  	s22 =	simm.s32 $0xC00;
	s21 =	rddreg [dreg:$0x8];
	[sflag:s24] =	ssyncadd.s32 $0xFFFFFC00  }
0x22: {  	[tilespmem:s22], [sflag:$0x5] =	stream.linear.gather [hbm4b:s21+s4], $0x400, $0x38;
	[tilespmem:$0x16000] =	vst v63  }
0x23: {  	_ =	swait.ge [sflag:s24], $0x400  }
0x24: {  	[sflag:s24] =	ssyncset.done $0x0  }
0x25: {  	s25 =	simm.s32 $0x1000;
	s23 =	rddreg [dreg:$0x9];
	[sflag:s24] =	ssyncadd.s32 $0xFFFFFC00  }
0x26: {  	[tilespmem:s25], [sflag:$0x5] =	stream.linear.gather [hbm4b:s23+s4], $0x400, $0x38;
	[tilespmem:$0x16000] =	vst v63  }
0x27: {  	_ =	swait.ge [sflag:s24], $0x400  }
0x28: {  	[sflag:s24] =	ssyncset.done $0x0  }
0x29: {  	[sflag:s24] =	ssyncadd.s32 $0xFFFFFC00  }
0x2a: {  	[tilespmem:s31], [sflag:$0x1] =	stream.indirect.gather [hbm4b:s6+s30], $0x10, s2, s30, $0xb8;
	[tilespmem:$0x16000] =	vst v63  }
0x2b: {  	_ = 	snop  }
0x2c: {  	[tilespmem:s0], [sflag:$0x1] =	stream.indirect.gather [hbm4b:s6+s30], $0x10, s4, s30, $0xb8;
	[tilespmem:$0x16000] =	vst v63  }
0x2d: {  	s26 =	simm.s32 $0x480;
	s29 =	simm.s32 $0x1C00  }
0x2e: {  	[tilespmem:s29], [sflag:$0x1] =	stream.indirect.gather [hbm4b:s6+s30], $0x10, s26, s30, $0xb8;
	[tilespmem:$0x16000] =	vst v63  }
0x2f: {  	s2 =	simm.s32 $0x5C00  }
0x30: {  	[tilespmem:s2], [sflag:$0x1] =	stream.indirect.gather [hbm4b:s6+s30], $0x10, s30, s30, $0xb8;
	[tilespmem:$0x16000] =	vst v63  }
0x31: {  	s3 =	simm.s32 $0x500;
	s5 =	simm.s32 $0x2400  }
0x32: {  	[tilespmem:s5], [sflag:$0x1] =	stream.indirect.gather [hbm4b:s6+s30], $0x10, s3, s30, $0xb8;
	[tilespmem:$0x16000] =	vst v63  }
0x33: {  	s21 =	simm.s32 $0x100;
	s22 =	simm.s32 $0x6400  }
0x34: {  	[tilespmem:s22], [sflag:$0x1] =	stream.indirect.gather [hbm4b:s6+s30], $0x10, s21, s30, $0xb8;
	[tilespmem:$0x16000] =	vst v63  }
0x35: {  	s23 =	simm.s32 $0x580;
	s25 =	simm.s32 $0x2C00  }
0x36: {  	[tilespmem:s25], [sflag:$0x1] =	stream.indirect.gather [hbm4b:s6+s30], $0x10, s23, s30, $0xb8;
	[tilespmem:$0x16000] =	vst v63  }
0x37: {  	s26 =	simm.s32 $0x180;
	s29 =	simm.s32 $0x6C00  }
0x38: {  	[tilespmem:s29], [sflag:$0x1] =	stream.indirect.gather [hbm4b:s6+s30], $0x10, s26, s30, $0xb8;
	[tilespmem:$0x16000] =	vst v63  }
0x39: {  	s3 =	simm.s32 $0x600;
	s5 =	simm.s32 $0x3400  }
0x3a: {  	[tilespmem:s5], [sflag:$0x1] =	stream.indirect.gather [hbm4b:s6+s30], $0x10, s3, s30, $0xb8;
	[tilespmem:$0x16000] =	vst v63  }
0x3b: {  	s21 =	simm.s32 $0x200;
	s22 =	simm.s32 $0x7400  }
0x3c: {  	[tilespmem:s22], [sflag:$0x1] =	stream.indirect.gather [hbm4b:s6+s30], $0x10, s21, s30, $0xb8;
	[tilespmem:$0x16000] =	vst v63  }
0x3d: {  	s23 =	simm.s32 $0x680;
	s25 =	simm.s32 $0x3C00  }
0x3e: {  	[tilespmem:s25], [sflag:$0x1] =	stream.indirect.gather [hbm4b:s6+s30], $0x10, s23, s30, $0xb8;
	[tilespmem:$0x16000] =	vst v63  }
0x3f: {  	s26 =	simm.s32 $0x280;
	s29 =	simm.s32 $0x7C00  }
0x40: {  	[tilespmem:s29], [sflag:$0x1] =	stream.indirect.gather [hbm4b:s6+s30], $0x10, s26, s30, $0xb8;
	[tilespmem:$0x16000] =	vst v63  }
0x41: {  	s3 =	simm.s32 $0x700;
	s5 =	simm.s32 $0x4400  }
0x42: {  	[tilespmem:s5], [sflag:$0x1] =	stream.indirect.gather [hbm4b:s6+s30], $0x10, s3, s30, $0xb8;
	[tilespmem:$0x16000] =	vst v63  }
0x43: {  	s21 =	simm.s32 $0x300;
	s22 =	simm.s32 $0x8400  }
0x44: {  	[tilespmem:s22], [sflag:$0x1] =	stream.indirect.gather [hbm4b:s6+s30], $0x10, s21, s30, $0xb8;
	[tilespmem:$0x16000] =	vst v63  }
0x45: {  	s23 =	simm.s32 $0x780;
	s25 =	simm.s32 $0x4C00  }
0x46: {  	[tilespmem:s25], [sflag:$0x1] =	stream.indirect.gather [hbm4b:s6+s30], $0x10, s23, s30, $0xb8;
	[tilespmem:$0x16000] =	vst v63  }
0x47: {  	s26 =	simm.s32 $0x380;
	s29 =	simm.s32 $0x8C00;
	s23 =	simm.s32 $0x0  }
0x48: {  	[tilespmem:s29], [sflag:$0x1] =	stream.indirect.gather [hbm4b:s6+s30], $0x10, s26, s30, $0xb8;
	[tilespmem:$0x16000] =	vst v63  }
.LBB2_2:
0x49: {  	s22 =	sshll.u32 s23, $0xB  }
0x4a: {  	s1 =	sor.u32 $0x400, s22  }
0x4b: {  	s1 =	smin.u32 s1, $0x30940  }
0x4c: {  	s1 =	sadd.s32 s13, s1  }
0x4d: {  	s5 =	rddreg [dreg:$0x1];
	s25 =	sshrl.u32 s1, $0x3  }
0x4e: {  	s2 =	simm.s32 $0xB000;
	s1 =	sadd.s32 s5, s25  }
0x4f: {  	[tilespmem:s2], [sflag:$0x5] =	stream.linear.gather [hbm4b:s1+s4], $0x400, $0x38;
	[tilespmem:$0x16000] =	vst v63  }
0x50: {  	_ =	swait.ge [sflag:s24], $0x400  }
0x51: {  	[sflag:s24] =	ssyncset.done $0x0  }
0x52: {  	[sflag:s24] =	ssyncadd.s32 $0xFFFFFC00  }
0x53: {  	s21 =	rddreg [dreg:$0x2]  }
0x54: {  	s3 =	simm.s32 $0xB400;
	s1 =	sadd.s32 s21, s25  }
0x55: {  	[tilespmem:s3], [sflag:$0x5] =	stream.linear.gather [hbm4b:s1+s4], $0x400, $0x38;
	[tilespmem:$0x16000] =	vst v63  }
0x56: {  	_ =	swait.ge [sflag:s24], $0x400  }
0x57: {  	[sflag:s24] =	ssyncset.done $0x0  }
0x58: {  	s26 =	sadd.s32 s7, s25;
	s5 =	simm.s32 $0xB800;
	[sflag:s24] =	ssyncadd.s32 $0xFFFFFC00  }
0x59: {  	[tilespmem:s5], [sflag:$0x5] =	stream.linear.gather [hbm4b:s26+s4], $0x400, $0x38;
	[tilespmem:$0x16000] =	vst v63  }
0x5a: {  	_ =	swait.ge [sflag:s24], $0x400  }
0x5b: {  	[sflag:s24] =	ssyncset.done $0x0  }
0x5c: {  	s21 =	sadd.s32 s8, s25;
	s26 =	simm.s32 $0xBC00;
	[sflag:s24] =	ssyncadd.s32 $0xFFFFFC00  }
0x5d: {  	[tilespmem:s26], [sflag:$0x5] =	stream.linear.gather [hbm4b:s21+s4], $0x400, $0x38;
	[tilespmem:$0x16000] =	vst v63  }
0x5e: {  	_ =	swait.ge [sflag:s24], $0x400  }
0x5f: {  	[sflag:s24] =	ssyncset.done $0x0  }
0x60: {  	s21 =	sadd.s32 s9, s25;
	s26 =	simm.s32 $0xC000;
	[sflag:s24] =	ssyncadd.s32 $0xFFFFFC00  }
0x61: {  	[tilespmem:s26], [sflag:$0x5] =	stream.linear.gather [hbm4b:s21+s4], $0x400, $0x38;
	[tilespmem:$0x16000] =	vst v63  }
0x62: {  	_ =	swait.ge [sflag:s24], $0x400  }
0x63: {  	[sflag:s24] =	ssyncset.done $0x0  }
0x64: {  	[sflag:s24] =	ssyncadd.s32 $0xFFFFFC00  }
0x65: {  	[tilespmem:s18], [sflag:$0x2] =	stream.indirect.gather [hbm4b:s6+s30], $0x10, s3, s30, $0xb8;
	[tilespmem:$0x16000] =	vst v63  }
0x66: {  	_ = 	snop  }
0x67: {  	[tilespmem:s19], [sflag:$0x2] =	stream.indirect.gather [hbm4b:s6+s30], $0x10, s2, s30, $0xb8;
	[tilespmem:$0x16000] =	vst v63  }
0x68: {  	s5 =	simm.s32 $0xCC00;
	s3 =	simm.s32 $0xB480  }
0x69: {  	[tilespmem:s5], [sflag:$0x2] =	stream.indirect.gather [hbm4b:s6+s30], $0x10, s3, s30, $0xb8;
	[tilespmem:$0x16000] =	vst v63  }
0x6a: {  	s21 =	simm.s32 $0xB080;
	s26 =	simm.s32 $0x10C00  }
0x6b: {  	[tilespmem:s26], [sflag:$0x2] =	stream.indirect.gather [hbm4b:s6+s30], $0x10, s21, s30, $0xb8;
	[tilespmem:$0x16000] =	vst v63  }
0x6c: {  	s3 =	simm.s32 $0xB500;
	s5 =	simm.s32 $0xD400  }
0x6d: {  	[tilespmem:s5], [sflag:$0x2] =	stream.indirect.gather [hbm4b:s6+s30], $0x10, s3, s30, $0xb8;
	[tilespmem:$0x16000] =	vst v63  }
0x6e: {  	s21 =	simm.s32 $0xB100;
	s26 =	simm.s32 $0x11400  }
0x6f: {  	[tilespmem:s26], [sflag:$0x2] =	stream.indirect.gather [hbm4b:s6+s30], $0x10, s21, s30, $0xb8;
	[tilespmem:$0x16000] =	vst v63  }
0x70: {  	s3 =	simm.s32 $0xB580;
	s5 =	simm.s32 $0xDC00  }
0x71: {  	[tilespmem:s5], [sflag:$0x2] =	stream.indirect.gather [hbm4b:s6+s30], $0x10, s3, s30, $0xb8;
	[tilespmem:$0x16000] =	vst v63  }
0x72: {  	s21 =	simm.s32 $0xB180;
	s26 =	simm.s32 $0x11C00  }
0x73: {  	[tilespmem:s26], [sflag:$0x2] =	stream.indirect.gather [hbm4b:s6+s30], $0x10, s21, s30, $0xb8;
	[tilespmem:$0x16000] =	vst v63  }
0x74: {  	s3 =	simm.s32 $0xB600;
	s5 =	simm.s32 $0xE400  }
0x75: {  	[tilespmem:s5], [sflag:$0x2] =	stream.indirect.gather [hbm4b:s6+s30], $0x10, s3, s30, $0xb8;
	[tilespmem:$0x16000] =	vst v63  }
0x76: {  	s21 =	simm.s32 $0xB200;
	s26 =	simm.s32 $0x12400  }
0x77: {  	[tilespmem:s26], [sflag:$0x2] =	stream.indirect.gather [hbm4b:s6+s30], $0x10, s21, s30, $0xb8;
	[tilespmem:$0x16000] =	vst v63  }
0x78: {  	s3 =	simm.s32 $0xB680;
	s5 =	simm.s32 $0xEC00  }
0x79: {  	[tilespmem:s5], [sflag:$0x2] =	stream.indirect.gather [hbm4b:s6+s30], $0x10, s3, s30, $0xb8;
	[tilespmem:$0x16000] =	vst v63  }
0x7a: {  	s21 =	simm.s32 $0xB280;
	s26 =	simm.s32 $0x12C00  }
0x7b: {  	[tilespmem:s26], [sflag:$0x2] =	stream.indirect.gather [hbm4b:s6+s30], $0x10, s21, s30, $0xb8;
	[tilespmem:$0x16000] =	vst v63  }
0x7c: {  	s3 =	simm.s32 $0xB700;
	s5 =	simm.s32 $0xF400  }
0x7d: {  	[tilespmem:s5], [sflag:$0x2] =	stream.indirect.gather [hbm4b:s6+s30], $0x10, s3, s30, $0xb8;
	[tilespmem:$0x16000] =	vst v63  }
0x7e: {  	s21 =	simm.s32 $0xB300;
	s26 =	simm.s32 $0x13400  }
0x7f: {  	[tilespmem:s26], [sflag:$0x2] =	stream.indirect.gather [hbm4b:s6+s30], $0x10, s21, s30, $0xb8;
	[tilespmem:$0x16000] =	vst v63  }
0x80: {  	s2 =	simm.s32 $0xB780;
	s3 =	simm.s32 $0xFC00  }
0x81: {  	[tilespmem:s3], [sflag:$0x2] =	stream.indirect.gather [hbm4b:s6+s30], $0x10, s2, s30, $0xb8;
	[tilespmem:$0x16000] =	vst v63  }
0x82: {  	s5 =	simm.s32 $0xB380;
	s21 =	simm.s32 $0x13C00  }
0x83: {  	[tilespmem:s21], [sflag:$0x2] =	stream.indirect.gather [hbm4b:s6+s30], $0x10, s5, s30, $0xb8;
	[tilespmem:$0x16000] =	vst v63  }
0x84: {  	_ =	swait.ge [sflag:s17], $0x800  }
0x85: {  	[sflag:s17] =	ssyncset.done $0x0  }
0x86: {  	[sflag:s17] =	ssyncadd.s32 $0xFFFFF800  }
0x87: {  	_ =	swait.ge [sflag:s17], $0x800  }
0x88: {  	[sflag:s17] =	ssyncset.done $0x0  }
0x89: {  	[sflag:s17] =	ssyncadd.s32 $0xFFFFF800  }
0x8a: {  	_ =	swait.ge [sflag:s17], $0x800  }
0x8b: {  	[sflag:s17] =	ssyncset.done $0x0  }
0x8c: {  	[sflag:s17] =	ssyncadd.s32 $0xFFFFF800  }
0x8d: {  	_ =	swait.ge [sflag:s17], $0x800  }
0x8e: {  	[sflag:s17] =	ssyncset.done $0x0  }
0x8f: {  	[sflag:s17] =	ssyncadd.s32 $0xFFFFF800  }
0x90: {  	_ =	swait.ge [sflag:s17], $0x800  }
0x91: {  	[sflag:s17] =	ssyncset.done $0x0  }
0x92: {  	[sflag:s17] =	ssyncadd.s32 $0xFFFFF800  }
0x93: {  	_ =	swait.ge [sflag:s17], $0x800  }
0x94: {  	[sflag:s17] =	ssyncset.done $0x0  }
0x95: {  	[sflag:s17] =	ssyncadd.s32 $0xFFFFF800  }
0x96: {  	_ =	swait.ge [sflag:s17], $0x800  }
0x97: {  	[sflag:s17] =	ssyncset.done $0x0  }
0x98: {  	[sflag:s17] =	ssyncadd.s32 $0xFFFFF800  }
0x99: {  	_ =	swait.ge [sflag:s17], $0x800  }
0x9a: {  	[sflag:s17] =	ssyncset.done $0x0  }
0x9b: {  	[sflag:s17] =	ssyncadd.s32 $0xFFFFF800  }
0x9c: {  	_ =	swait.ge [sflag:s17], $0x800  }
0x9d: {  	[sflag:s17] =	ssyncset.done $0x0  }
0x9e: {  	[sflag:s17] =	ssyncadd.s32 $0xFFFFF800  }
0x9f: {  	_ =	swait.ge [sflag:s17], $0x800  }
0xa0: {  	[sflag:s17] =	ssyncset.done $0x0  }
0xa1: {  	[sflag:s17] =	ssyncadd.s32 $0xFFFFF800  }
0xa2: {  	_ =	swait.ge [sflag:s17], $0x800  }
0xa3: {  	[sflag:s17] =	ssyncset.done $0x0  }
0xa4: {  	[sflag:s17] =	ssyncadd.s32 $0xFFFFF800  }
0xa5: {  	_ =	swait.ge [sflag:s17], $0x800  }
0xa6: {  	[sflag:s17] =	ssyncset.done $0x0  }
0xa7: {  	[sflag:s17] =	ssyncadd.s32 $0xFFFFF800  }
0xa8: {  	_ =	swait.ge [sflag:s17], $0x800  }
0xa9: {  	[sflag:s17] =	ssyncset.done $0x0  }
0xaa: {  	[sflag:s17] =	ssyncadd.s32 $0xFFFFF800  }
0xab: {  	_ =	swait.ge [sflag:s17], $0x800  }
0xac: {  	[sflag:s17] =	ssyncset.done $0x0  }
0xad: {  	[sflag:s17] =	ssyncadd.s32 $0xFFFFF800  }
0xae: {  	_ =	swait.ge [sflag:s17], $0x800  }
0xaf: {  	[sflag:s17] =	ssyncset.done $0x0  }
0xb0: {  	[sflag:s17] =	ssyncadd.s32 $0xFFFFF800  }
0xb1: {  	_ =	swait.ge [sflag:s17], $0x800  }
0xb2: {  	p0 =	seq.s32 s23, $0x0;
	[sflag:s17] =	ssyncset.done $0x0  }
0xb3: {  	s1 =	simm.s32 @!p0 $0x3;
	[sflag:s17] =	ssyncadd.s32 $0xFFFFF800  }
0xb4: {  	_ =	swait.ge @!p0 [sflag:s1], $0x400  }
0xb5: {  	[sflag:s1] =	ssyncset.done @!p0 $0x0  }
0xb6: {  	[sflag:s1] =	ssyncadd.s32 @!p0 $0xFFFFFC00  }
0xb7: {  	_ =	swait.ge @!p0 [sflag:s1], $0x400  }
0xb8: {  	[sflag:s1] =	ssyncset.done @!p0 $0x0  }
0xb9: {  	[sflag:s1] =	ssyncadd.s32 @!p0 $0xFFFFFC00  }
0xba: {  	_ =	swait.ge @!p0 [sflag:s1], $0x400  }
0xbb: {  	[sflag:s1] =	ssyncset.done @!p0 $0x0  }
0xbc: {  	[sflag:s1] =	ssyncadd.s32 @!p0 $0xFFFFFC00  }
0xbd: {  	_ =	swait.ge @!p0 [sflag:s1], $0x400  }
0xbe: {  	[sflag:s1] =	ssyncset.done @!p0 $0x0  }
0xbf: {  	[sflag:s1] =	ssyncadd.s32 @!p0 $0xFFFFFC00  }
0xc0: {  	s26 =	simm.s32 $0x0;
	_ =	swait.ge @!p0 [sflag:s1], $0x400  }
0xc1: {  	v1 =	vmov s26;
	[sflag:s1] =	ssyncset.done @!p0 $0x0  }
0xc2: {  	v1 =	vshll.u32 v1, $0x4;
	[sflag:s1] =	ssyncadd.s32 @!p0 $0xFFFFFC00  }
0xc3: {  	v2 =	vor.u32 v0, v1;
	_ =	swait.ge @!p0 [sflag:s1], $0x400  }
0xc4: {  	v1 =	vand.u32 $0x3800, v1;
	v2 =	vand.u32 $0x7F0, v2;
	[sflag:s1] =	ssyncset.done @!p0 $0x0  }
0xc5: {  	v1 =	vor.u32 v1, v2;
	[sflag:s1] =	ssyncadd.s32 @!p0 $0xFFFFFC00  }
0xc6: {  	v2 =	vor.u32 $0x3, v1;
	_ =	swait.ge @!p0 [sflag:s1], $0x400  }
0xc7: {  	[sflag:s1] =	ssyncset.done @!p0 $0x0  }
0xc8: {  	s29 =	simm.s32 $0xC00;
	[sflag:s1] =	ssyncadd.s32 @!p0 $0xFFFFFC00  }
0xc9: {  	s5 =	simm.s32 $0x800;
	v3 =	vor.u32 $0x5, v1;
	v4 =	vld [tilespmem:s29+$0x0]  }
0xca: {  	v5 =	vor.u32 $0x8, v1;
	v6 =	vld [tilespmem:s5+$0x0]  }
0xcb: {  	v7 =	vor.u32 $0x7, v1;
	v2 =	vld.idx.msk [tilespmem:v2+s31+$0x0], $0xffff  }
0xcc: {  	v8 =	vor.u32 $0x1, v1;
	v9 =	vld.idx.msk [tilespmem:v1+s31+$0x0], $0xffff  }
0xcd: {  	v10 =	vor.u32 $0x6, v1;
	v11 =	vld.idx.msk [tilespmem:v1+s0+$0x0], $0xffff  }
0xce: {  	v12 =	vor.u32 $0x2, v1;
	v3 =	vld.idx.msk [tilespmem:v3+s31+$0x0], $0xffff  }
0xcf: {  	v13 =	vor.u32 $0x4, v1;
	v5 =	vld.idx.msk [tilespmem:v5+s31+$0x0], $0xffff  }
0xd0: {  	v7 =	vld.idx.msk [tilespmem:v7+s31+$0x0], $0xffff  }
0xd1: {  	v14 =	vld.idx.msk [tilespmem:v8+s31+$0x0], $0xffff  }
0xd2: {  	v15 =	vor.u32 $0x9, v1;
	v10 =	vld.idx.msk [tilespmem:v10+s31+$0x0], $0xffff  }
0xd3: {  	v16 =	vld.idx.msk [tilespmem:v12+s0+$0x0], $0xffff  }
0xd4: {  	v17 =	vor.u32 $0xA, v1;
	v13 =	vld.idx.msk [tilespmem:v13+s31+$0x0], $0xffff  }
0xd5: {  	v8 =	vld.idx.msk [tilespmem:v8+s0+$0x0], $0xffff  }
0xd6: {  	v1 =	vor.u32 $0xB, v1;
	v12 =	vld.idx.msk [tilespmem:v12+s31+$0x0], $0xffff  }
0xd7: {  	s21 =	simm.s32 $0x1000;
	v15 =	vld.idx.msk [tilespmem:v15+s31+$0x0], $0xffff  }
0xd8: {  	v18 =	vld [tilespmem:s21+$0x0]  }
0xd9: {  	v17 =	vld.idx.msk [tilespmem:v17+s31+$0x0], $0xffff;
	v9 =	vsub.f32 v11, v9;
	v2 =	vmul.f32 v2, v6  }
0xda: {  	v62 =	vmul.f32 v13, v6;
	v8 =	vsub.f32 v8, v14  }
0xdb: {  	v7 =	vmul.f32 v7, v4;
	v10 =	vmul.f32 v10, v4;
	v63 =	vld.idx.msk [tilespmem:v1+s31+$0x0], $0xffff;
	v1 =	vadd.f32 v2, v9  }
0xdc: {  	v2 =	vmul.f32 v3, v6;
	v3 =	vsub.f32 v16, v12;
	v6 =	vadd.f32 v62, v8  }
0xdd: {  	v4 =	vmul.f32 v5, v4;
	v5 =	vmul.f32 v15, v18;
	v1 =	vadd.f32 v10, v1  }
0xde: {  	v8 =	vmul.f32 v17, v18;
	v2 =	vadd.f32 v2, v3;
	v3 =	vadd.f32 v7, v6  }
0xdf: {  	v1 =	vadd.f32 v5, v1  }
0xe0: {  	v4 =	vadd.f32 v4, v2;
	v5 =	vmul.f32 v63, v18;
	v2 =	vadd.f32 v8, v3;
	_ =	sdelay $0x1  }
0xe1: {  	v3 =	vadd.f32 v5, v4;
	v4 =	vmul.f32 v1, v1;
	v5 =	vmul.f32 v2, v2;
	_ =	sdelay $0x1  }
0xe2: {  	v6 =	vmul.f32 v3, v3;
	v4 =	vadd.f32 v5, v4;
	_ =	sdelay $0x1  }
0xe3: {  	v4 =	vadd.f32 v6, v4;
	_ =	sdelay $0x1  }
0xe4: {  	v6 =	vshra.s32 v4, $0x1;
	v5 =	vmul.f32 $5.000000000e-01, v4  }
0xe5: {  	v6 =	vsub.s32 $0x5F3759DF, v6  }
0xe6: {  	v7 =	vmul.f32 v6, v5;
	_ =	sdelay $0x1  }
0xe7: {  	v7 =	vmul.f32 v6, v7;
	_ =	sdelay $0x1  }
0xe8: {  	v7 =	vsub.f32 $1.500000000e+00, v7;
	_ =	sdelay $0x1  }
0xe9: {  	v6 =	vmul.f32 v6, v7;
	_ =	sdelay $0x1  }
0xea: {  	v7 =	vmul.f32 v6, v5;
	_ =	sdelay $0x1  }
0xeb: {  	v7 =	vmul.f32 v7, v6  }
0xec: {  	s1 =	simm.s32 $0xA000  }
0xed: {  	[tilespmem:s1+$0xFFFFF800] =	vst v1;
	v7 =	vsub.f32 $1.500000000e+00, v7  }
0xee: {  	[tilespmem:s1+$0xFFFFFC00] =	vst v2  }
0xef: {  	s2 =	simm.s32 $0x10;
	s3 =	simm.s32 $0xA010;
	[tilespmem:s1+$0x0] =	vst v3;
	v6 =	vmul.f32 v7, v6  }
.LBB2_3:
0xf0: {  	s5 =	sadd.s32 $0x10, s5;
	s29 =	sadd.s32 $0x10, s29;
	s21 =	sadd.s32 $0x10, s21  }
0xf1: {  	p1 =	sne.s32 s2, $0x3F0;
	s26 =	smov.u32 s2;
	s2 =	sadd.s32 $0x10, s2;
	v5 =	vmul.f32 v6, v5  }
0xf2: {  	_ = 	snop  }
0xf3: {  	v5 =	vmul.f32 v5, v6;
	_ =	sdelay $0x1  }
0xf4: {  	v5 =	vsub.f32 $1.500000000e+00, v5;
	_ =	sdelay $0x1  }
0xf5: {  	v7 =	vmov s26;
	v5 =	vmul.f32 v5, v6  }
0xf6: {  	v6 =	vshll.u32 v7, $0x4  }
0xf7: {  	v7 =	vor.u32 v0, v6;
	v4 =	vmul.f32 v5, v4;
	v1 =	vmul.f32 v5, v1  }
0xf8: {  	v6 =	vand.u32 $0x3800, v6;
	v7 =	vand.u32 $0x7F0, v7;
	v2 =	vmul.f32 v5, v2  }
0xf9: {  	v3 =	vmul.f32 v5, v3;
	v6 =	vor.u32 v6, v7;
	[tilespmem:s1+$0xFFFFF400] =	vst v4  }
0xfa: {  	v4 =	vor.u32 $0x3, v6;
	v5 =	vor.u32 $0x1, v6;
	v7 =	vor.u32 $0x5, v6;
	[tilespmem:s1+$0x400] =	vst v1  }
0xfb: {  	v8 =	vor.u32 $0x7, v6;
	v9 =	vor.u32 $0xA, v6;
	v1 =	vor.u32 $0x6, v6;
	[tilespmem:s1+$0xC00] =	vst v3  }
0xfc: {  	v10 =	vor.u32 $0x4, v6;
	v3 =	vor.u32 $0x8, v6;
	[tilespmem:s1+$0x800] =	vst v2;
	s1 =	smov.u32 s3  }
0xfd: {  	v2 =	vld [tilespmem:s29+$0x0]  }
0xfe: {  	v11 =	vld [tilespmem:s5+$0x0]  }
0xff: {  	v12 =	vor.u32 $0x2, v6;
	v4 =	vld.idx.msk [tilespmem:v4+s31+$0x0], $0xffff  }
0x100: {  	v9 =	vld.idx.msk [tilespmem:v9+s31+$0x0], $0xffff  }
0x101: {  	v13 =	vld.idx.msk [tilespmem:v6+s31+$0x0], $0xffff  }
0x102: {  	v14 =	vld.idx.msk [tilespmem:v6+s0+$0x0], $0xffff  }
0x103: {  	v7 =	vld.idx.msk [tilespmem:v7+s31+$0x0], $0xffff  }
0x104: {  	v3 =	vld.idx.msk [tilespmem:v3+s31+$0x0], $0xffff  }
0x105: {  	v8 =	vld.idx.msk [tilespmem:v8+s31+$0x0], $0xffff  }
0x106: {  	v15 =	vld.idx.msk [tilespmem:v5+s31+$0x0], $0xffff  }
0x107: {  	v16 =	vor.u32 $0x9, v6;
	v1 =	vld.idx.msk [tilespmem:v1+s31+$0x0], $0xffff  }
0x108: {  	v17 =	vld.idx.msk [tilespmem:v12+s0+$0x0], $0xffff  }
0x109: {  	v10 =	vld.idx.msk [tilespmem:v10+s31+$0x0], $0xffff  }
0x10a: {  	v6 =	vor.u32 $0xB, v6;
	v5 =	vld.idx.msk [tilespmem:v5+s0+$0x0], $0xffff  }
0x10b: {  	v8 =	vmul.f32 v8, v2;
	v12 =	vld.idx.msk [tilespmem:v12+s31+$0x0], $0xffff  }
0x10c: {  	v7 =	vmul.f32 v7, v11;
	v16 =	vld.idx.msk [tilespmem:v16+s31+$0x0], $0xffff  }
0x10d: {  	v13 =	vsub.f32 v14, v13;
	v18 =	vld [tilespmem:s21+$0x0]  }
0x10e: {  	v4 =	vmul.f32 v4, v11;
	v3 =	vmul.f32 v3, v2  }
0x10f: {  	v1 =	vmul.f32 v1, v2;
	v2 =	vmul.f32 v10, v11;
	v6 =	vld.idx.msk [tilespmem:v6+s31+$0x0], $0xffff  }
0x110: {  	v4 =	vadd.f32 v4, v13;
	v5 =	vsub.f32 v5, v15  }
0x111: {  	v10 =	vsub.f32 v17, v12  }
0x112: {  	v1 =	vadd.f32 v1, v4;
	v2 =	vadd.f32 v2, v5;
	v4 =	vmul.f32 v16, v18  }
0x113: {  	v5 =	vmul.f32 v9, v18;
	v7 =	vadd.f32 v7, v10  }
0x114: {  	v2 =	vadd.f32 v8, v2;
	v1 =	vadd.f32 v4, v1  }
0x115: {  	v3 =	vadd.f32 v3, v7;
	v4 =	vmul.f32 v6, v18  }
0x116: {  	v2 =	vadd.f32 v5, v2;
	[tilespmem:s3+$0xFFFFF800] =	vst v1  }
0x117: {  	v3 =	vadd.f32 v4, v3;
	v4 =	vmul.f32 v1, v1  }
0x118: {  	v5 =	vmul.f32 v2, v2;
	[tilespmem:s3+$0xFFFFFC00] =	vst v2  }
0x119: {  	v6 =	vmul.f32 v3, v3;
	[tilespmem:s3+$0x0] =	vst v3  }
0x11a: {  	v4 =	vadd.f32 v5, v4;
	_ =	sdelay $0x1  }
0x11b: {  	v4 =	vadd.f32 v6, v4;
	_ =	sdelay $0x1  }
0x11c: {  	v6 =	vshra.s32 v4, $0x1;
	v5 =	vmul.f32 $5.000000000e-01, v4  }
0x11d: {  	v6 =	vsub.s32 $0x5F3759DF, v6  }
0x11e: {  	v7 =	vmul.f32 v6, v5;
	_ =	sdelay $0x1  }
0x11f: {  	v7 =	vmul.f32 v6, v7;
	_ =	sdelay $0x1  }
0x120: {  	v7 =	vsub.f32 $1.500000000e+00, v7;
	_ =	sdelay $0x1  }
0x121: {  	v6 =	vmul.f32 v6, v7;
	_ =	sdelay $0x1  }
0x122: {  	v7 =	vmul.f32 v6, v5;
	_ =	sdelay $0x1  }
.Ltmp0:
0x123: {  	v7 =	vmul.f32 v7, v6;
	(pc) =	sbr.rel @p1 .LBB2_3-.Ltmp0, $3  }
0x124: {  	_ = 	snop  }
0x125: {  	v7 =	vsub.f32 $1.500000000e+00, v7;
	_ =	sdelay $0x1  }
0x126: {  	s3 =	sadd.s32 $0x10, s3;
	v6 =	vmul.f32 v7, v6  }
0x127: {  	_ = 	snop  }
0x128: {  	v5 =	vmul.f32 v6, v5;
	_ =	sdelay $0x1  }
0x129: {  	v5 =	vmul.f32 v5, v6;
	_ =	sdelay $0x1  }
0x12a: {  	v5 =	vsub.f32 $1.500000000e+00, v5;
	_ =	sdelay $0x1  }
0x12b: {  	v5 =	vmul.f32 v5, v6;
	_ =	sdelay $0x1  }
0x12c: {  	v4 =	vmul.f32 v5, v4  }
0x12d: {  	v1 =	vmul.f32 v5, v1  }
0x12e: {  	v3 =	vmul.f32 v5, v3;
	[tilespmem:s1+$0xFFFFF400] =	vst v4  }
0x12f: {  	s2 =	sadd.s32 s13, s22;
	v2 =	vmul.f32 v5, v2;
	[tilespmem:s1+$0x400] =	vst v1  }
0x130: {  	s2 =	sshrl.u32 s2, $0x3;
	[tilespmem:s1+$0xC00] =	vst v3  }
0x131: {  	s3 =	simm.s32 $0x9400;
	s29 =	sadd.s32 s28, s2;
	[tilespmem:s1+$0x800] =	vst v2  }
0x132: {  	[hbm4b:s29+s4] =	stream.linear.scatter [tilespmem:s3], [sflag:$0x3], $0x400, $0x38;
	[tilespmem:$0x16000] =	vst v63  }
0x133: {  	s21 =	simm.s32 $0x9800;
	s5 =	sadd.s32 s10, s2  }
0x134: {  	[hbm4b:s5+s4] =	stream.linear.scatter [tilespmem:s21], [sflag:$0x3], $0x400, $0x38;
	[tilespmem:$0x16000] =	vst v63  }
0x135: {  	s26 =	sadd.s32 s11, s2;
	s29 =	simm.s32 $0x9C00  }
0x136: {  	[hbm4b:s26+s4] =	stream.linear.scatter [tilespmem:s29], [sflag:$0x3], $0x400, $0x38;
	[tilespmem:$0x16000] =	vst v63  }
0x137: {  	s5 =	sadd.s32 s12, s2;
	s21 =	simm.s32 $0xA000  }
0x138: {  	[hbm4b:s5+s4] =	stream.linear.scatter [tilespmem:s21], [sflag:$0x3], $0x400, $0x38;
	[tilespmem:$0x16000] =	vst v63  }
0x139: {  	p1 =	seq.s32 s23, $0x61;
	s26 =	sadd.s32 s14, s2;
	s29 =	simm.s32 $0xA400  }
0x13a: {  	[hbm4b:s26+s4] =	stream.linear.scatter [tilespmem:s29], [sflag:$0x3], $0x400, $0x38;
	[tilespmem:$0x16000] =	vst v63  }
.Ltmp1:
0x13b: {  	_ = 	snop;
	(pc) =	sbr.rel @p1 .LBB2_6-.Ltmp1, $4  }
0x13c: {  	s5 =	sadd.s32 s15, s2;
	s21 =	simm.s32 $0xA800  }
0x13d: {  	[hbm4b:s5+s4] =	stream.linear.scatter [tilespmem:s21], [sflag:$0x3], $0x400, $0x38;
	[tilespmem:$0x16000] =	vst v63  }
0x13e: {  	s26 =	sadd.s32 s16, s2;
	s29 =	simm.s32 $0xAC00  }
0x13f: {  	[hbm4b:s26+s4] =	stream.linear.scatter [tilespmem:s29], [sflag:$0x3], $0x400, $0x38;
	[tilespmem:$0x16000] =	vst v63  }
0x140: {  	s1 =	smin.u32 s22, $0x30140;
	s2 =	rddreg [dreg:$0xa]  }
0x141: {  	s1 =	sadd.s32 s1, s2  }
0x142: {  	s22 =	rddreg [dreg:$0x1];
	s1 =	sshrl.u32 s1, $0x3  }
0x143: {  	s2 =	sadd.s32 s22, s1  }
0x144: {  	[tilespmem:s4], [sflag:$0x5] =	stream.linear.gather [hbm4b:s2+s4], $0x400, $0x38;
	[tilespmem:$0x16000] =	vst v63  }
0x145: {  	_ =	swait.ge [sflag:s24], $0x400  }
0x146: {  	[sflag:s24] =	ssyncset.done $0x0  }
0x147: {  	[sflag:s24] =	ssyncadd.s32 $0xFFFFFC00  }
0x148: {  	s26 =	rddreg [dreg:$0x2]  }
0x149: {  	s3 =	simm.s32 $0x400;
	s2 =	sadd.s32 s26, s1  }
0x14a: {  	[tilespmem:s3], [sflag:$0x5] =	stream.linear.gather [hbm4b:s2+s4], $0x400, $0x38;
	[tilespmem:$0x16000] =	vst v63  }
0x14b: {  	_ =	swait.ge [sflag:s24], $0x400  }
0x14c: {  	[sflag:s24] =	ssyncset.done $0x0  }
0x14d: {  	s5 =	simm.s32 $0x800;
	s29 =	sadd.s32 s7, s1;
	[sflag:s24] =	ssyncadd.s32 $0xFFFFFC00  }
0x14e: {  	[tilespmem:s5], [sflag:$0x5] =	stream.linear.gather [hbm4b:s29+s4], $0x400, $0x38;
	[tilespmem:$0x16000] =	vst v63  }
0x14f: {  	_ =	swait.ge [sflag:s24], $0x400  }
0x150: {  	[sflag:s24] =	ssyncset.done $0x0  }
0x151: {  	s21 =	simm.s32 $0xC00;
	s5 =	sadd.s32 s8, s1;
	[sflag:s24] =	ssyncadd.s32 $0xFFFFFC00  }
0x152: {  	[tilespmem:s21], [sflag:$0x5] =	stream.linear.gather [hbm4b:s5+s4], $0x400, $0x38;
	[tilespmem:$0x16000] =	vst v63  }
0x153: {  	_ =	swait.ge [sflag:s24], $0x400  }
0x154: {  	[sflag:s24] =	ssyncset.done $0x0  }
0x155: {  	s22 =	simm.s32 $0x1000;
	s1 =	sadd.s32 s9, s1;
	[sflag:s24] =	ssyncadd.s32 $0xFFFFFC00  }
0x156: {  	[tilespmem:s22], [sflag:$0x5] =	stream.linear.gather [hbm4b:s1+s4], $0x400, $0x38;
	[tilespmem:$0x16000] =	vst v63  }
0x157: {  	_ =	swait.ge [sflag:s24], $0x400  }
0x158: {  	[sflag:s24] =	ssyncset.done $0x0  }
0x159: {  	[sflag:s24] =	ssyncadd.s32 $0xFFFFFC00  }
0x15a: {  	[tilespmem:s31], [sflag:$0x1] =	stream.indirect.gather [hbm4b:s6+s30], $0x10, s3, s30, $0xb8;
	[tilespmem:$0x16000] =	vst v63  }
0x15b: {  	_ = 	snop  }
0x15c: {  	[tilespmem:s0], [sflag:$0x1] =	stream.indirect.gather [hbm4b:s6+s30], $0x10, s4, s30, $0xb8;
	[tilespmem:$0x16000] =	vst v63  }
0x15d: {  	s26 =	simm.s32 $0x480;
	s29 =	simm.s32 $0x1C00  }
0x15e: {  	[tilespmem:s29], [sflag:$0x1] =	stream.indirect.gather [hbm4b:s6+s30], $0x10, s26, s30, $0xb8;
	[tilespmem:$0x16000] =	vst v63  }
0x15f: {  	s2 =	simm.s32 $0x5C00  }
0x160: {  	[tilespmem:s2], [sflag:$0x1] =	stream.indirect.gather [hbm4b:s6+s30], $0x10, s30, s30, $0xb8;
	[tilespmem:$0x16000] =	vst v63  }
0x161: {  	s5 =	simm.s32 $0x2400;
	s3 =	simm.s32 $0x500  }
0x162: {  	[tilespmem:s5], [sflag:$0x1] =	stream.indirect.gather [hbm4b:s6+s30], $0x10, s3, s30, $0xb8;
	[tilespmem:$0x16000] =	vst v63  }
0x163: {  	s21 =	simm.s32 $0x100;
	s22 =	simm.s32 $0x6400  }
0x164: {  	[tilespmem:s22], [sflag:$0x1] =	stream.indirect.gather [hbm4b:s6+s30], $0x10, s21, s30, $0xb8;
	[tilespmem:$0x16000] =	vst v63  }
0x165: {  	s26 =	simm.s32 $0x580;
	s29 =	simm.s32 $0x2C00  }
0x166: {  	[tilespmem:s29], [sflag:$0x1] =	stream.indirect.gather [hbm4b:s6+s30], $0x10, s26, s30, $0xb8;
	[tilespmem:$0x16000] =	vst v63  }
0x167: {  	s3 =	simm.s32 $0x180;
	s5 =	simm.s32 $0x6C00  }
0x168: {  	[tilespmem:s5], [sflag:$0x1] =	stream.indirect.gather [hbm4b:s6+s30], $0x10, s3, s30, $0xb8;
	[tilespmem:$0x16000] =	vst v63  }
0x169: {  	s21 =	simm.s32 $0x600;
	s22 =	simm.s32 $0x3400  }
0x16a: {  	[tilespmem:s22], [sflag:$0x1] =	stream.indirect.gather [hbm4b:s6+s30], $0x10, s21, s30, $0xb8;
	[tilespmem:$0x16000] =	vst v63  }
0x16b: {  	s26 =	simm.s32 $0x200;
	s29 =	simm.s32 $0x7400  }
0x16c: {  	[tilespmem:s29], [sflag:$0x1] =	stream.indirect.gather [hbm4b:s6+s30], $0x10, s26, s30, $0xb8;
	[tilespmem:$0x16000] =	vst v63  }
0x16d: {  	s3 =	simm.s32 $0x680;
	s5 =	simm.s32 $0x3C00  }
0x16e: {  	[tilespmem:s5], [sflag:$0x1] =	stream.indirect.gather [hbm4b:s6+s30], $0x10, s3, s30, $0xb8;
	[tilespmem:$0x16000] =	vst v63  }
0x16f: {  	s21 =	simm.s32 $0x280;
	s22 =	simm.s32 $0x7C00  }
0x170: {  	[tilespmem:s22], [sflag:$0x1] =	stream.indirect.gather [hbm4b:s6+s30], $0x10, s21, s30, $0xb8;
	[tilespmem:$0x16000] =	vst v63  }
0x171: {  	s26 =	simm.s32 $0x700;
	s29 =	simm.s32 $0x4400  }
0x172: {  	[tilespmem:s29], [sflag:$0x1] =	stream.indirect.gather [hbm4b:s6+s30], $0x10, s26, s30, $0xb8;
	[tilespmem:$0x16000] =	vst v63  }
0x173: {  	s3 =	simm.s32 $0x300;
	s5 =	simm.s32 $0x8400  }
0x174: {  	[tilespmem:s5], [sflag:$0x1] =	stream.indirect.gather [hbm4b:s6+s30], $0x10, s3, s30, $0xb8;
	[tilespmem:$0x16000] =	vst v63  }
0x175: {  	s21 =	simm.s32 $0x780;
	s22 =	simm.s32 $0x4C00  }
0x176: {  	[tilespmem:s22], [sflag:$0x1] =	stream.indirect.gather [hbm4b:s6+s30], $0x10, s21, s30, $0xb8;
	[tilespmem:$0x16000] =	vst v63  }
0x177: {  	s26 =	simm.s32 $0x380;
	s29 =	simm.s32 $0x8C00  }
0x178: {  	[tilespmem:s29], [sflag:$0x1] =	stream.indirect.gather [hbm4b:s6+s30], $0x10, s26, s30, $0xb8;
	[tilespmem:$0x16000] =	vst v63  }
.LBB2_6:
0x179: {  	_ =	swait.ge [sflag:s20], $0x800  }
0x17a: {  	[sflag:s20] =	ssyncset.done $0x0  }
0x17b: {  	[sflag:s20] =	ssyncadd.s32 $0xFFFFF800  }
0x17c: {  	_ =	swait.ge [sflag:s20], $0x800  }
0x17d: {  	[sflag:s20] =	ssyncset.done $0x0  }
0x17e: {  	[sflag:s20] =	ssyncadd.s32 $0xFFFFF800  }
0x17f: {  	_ =	swait.ge [sflag:s20], $0x800  }
0x180: {  	[sflag:s20] =	ssyncset.done $0x0  }
0x181: {  	[sflag:s20] =	ssyncadd.s32 $0xFFFFF800  }
0x182: {  	_ =	swait.ge [sflag:s20], $0x800  }
0x183: {  	[sflag:s20] =	ssyncset.done $0x0  }
0x184: {  	[sflag:s20] =	ssyncadd.s32 $0xFFFFF800  }
0x185: {  	_ =	swait.ge [sflag:s20], $0x800  }
0x186: {  	[sflag:s20] =	ssyncset.done $0x0  }
0x187: {  	[sflag:s20] =	ssyncadd.s32 $0xFFFFF800  }
0x188: {  	_ =	swait.ge [sflag:s20], $0x800  }
0x189: {  	[sflag:s20] =	ssyncset.done $0x0  }
0x18a: {  	[sflag:s20] =	ssyncadd.s32 $0xFFFFF800  }
0x18b: {  	_ =	swait.ge [sflag:s20], $0x800  }
0x18c: {  	[sflag:s20] =	ssyncset.done $0x0  }
0x18d: {  	[sflag:s20] =	ssyncadd.s32 $0xFFFFF800  }
0x18e: {  	_ =	swait.ge [sflag:s20], $0x800  }
0x18f: {  	[sflag:s20] =	ssyncset.done $0x0  }
0x190: {  	[sflag:s20] =	ssyncadd.s32 $0xFFFFF800  }
0x191: {  	_ =	swait.ge [sflag:s20], $0x800  }
0x192: {  	[sflag:s20] =	ssyncset.done $0x0  }
0x193: {  	[sflag:s20] =	ssyncadd.s32 $0xFFFFF800  }
0x194: {  	_ =	swait.ge [sflag:s20], $0x800  }
0x195: {  	[sflag:s20] =	ssyncset.done $0x0  }
0x196: {  	[sflag:s20] =	ssyncadd.s32 $0xFFFFF800  }
0x197: {  	_ =	swait.ge [sflag:s20], $0x800  }
0x198: {  	[sflag:s20] =	ssyncset.done $0x0  }
0x199: {  	[sflag:s20] =	ssyncadd.s32 $0xFFFFF800  }
0x19a: {  	_ =	swait.ge [sflag:s20], $0x800  }
0x19b: {  	[sflag:s20] =	ssyncset.done $0x0  }
0x19c: {  	[sflag:s20] =	ssyncadd.s32 $0xFFFFF800  }
0x19d: {  	_ =	swait.ge [sflag:s20], $0x800  }
0x19e: {  	[sflag:s20] =	ssyncset.done $0x0  }
0x19f: {  	[sflag:s20] =	ssyncadd.s32 $0xFFFFF800  }
0x1a0: {  	_ =	swait.ge [sflag:s20], $0x800  }
0x1a1: {  	[sflag:s20] =	ssyncset.done $0x0  }
0x1a2: {  	[sflag:s20] =	ssyncadd.s32 $0xFFFFF800  }
0x1a3: {  	_ =	swait.ge [sflag:s20], $0x800  }
0x1a4: {  	[sflag:s20] =	ssyncset.done $0x0  }
0x1a5: {  	[sflag:s20] =	ssyncadd.s32 $0xFFFFF800  }
0x1a6: {  	_ =	swait.ge [sflag:s20], $0x800  }
0x1a7: {  	[sflag:s20] =	ssyncset.done $0x0  }
0x1a8: {  	s1 =	simm.s32 @!p0 $0x4;
	[sflag:s20] =	ssyncadd.s32 $0xFFFFF800  }
0x1a9: {  	_ =	swait.ge @!p0 [sflag:s1], $0x400  }
0x1aa: {  	[sflag:s1] =	ssyncset.done @!p0 $0x0  }
0x1ab: {  	[sflag:s1] =	ssyncadd.s32 @!p0 $0xFFFFFC00  }
0x1ac: {  	_ =	swait.ge @!p0 [sflag:s1], $0x400  }
0x1ad: {  	[sflag:s1] =	ssyncset.done @!p0 $0x0  }
0x1ae: {  	[sflag:s1] =	ssyncadd.s32 @!p0 $0xFFFFFC00  }
0x1af: {  	_ =	swait.ge @!p0 [sflag:s1], $0x400  }
0x1b0: {  	[sflag:s1] =	ssyncset.done @!p0 $0x0  }
0x1b1: {  	[sflag:s1] =	ssyncadd.s32 @!p0 $0xFFFFFC00  }
0x1b2: {  	_ =	swait.ge @!p0 [sflag:s1], $0x400  }
0x1b3: {  	[sflag:s1] =	ssyncset.done @!p0 $0x0  }
0x1b4: {  	[sflag:s1] =	ssyncadd.s32 @!p0 $0xFFFFFC00  }
0x1b5: {  	s2 =	simm.s32 $0x0;
	_ =	swait.ge @!p0 [sflag:s1], $0x400  }
0x1b6: {  	v1 =	vmov s2;
	[sflag:s1] =	ssyncset.done @!p0 $0x0  }
0x1b7: {  	v1 =	vshll.u32 v1, $0x4;
	[sflag:s1] =	ssyncadd.s32 @!p0 $0xFFFFFC00  }
0x1b8: {  	v2 =	vor.u32 v0, v1;
	_ =	swait.ge @!p0 [sflag:s1], $0x400  }
0x1b9: {  	v1 =	vand.u32 $0x3800, v1;
	v2 =	vand.u32 $0x7F0, v2;
	[sflag:s1] =	ssyncset.done @!p0 $0x0  }
0x1ba: {  	v1 =	vor.u32 v1, v2;
	[sflag:s1] =	ssyncadd.s32 @!p0 $0xFFFFFC00  }
0x1bb: {  	v2 =	vor.u32 $0x3, v1;
	_ =	swait.ge @!p0 [sflag:s1], $0x400  }
0x1bc: {  	[sflag:s1] =	ssyncset.done @!p0 $0x0  }
0x1bd: {  	s22 =	simm.s32 $0xBC00;
	[sflag:s1] =	ssyncadd.s32 @!p0 $0xFFFFFC00  }
0x1be: {  	s29 =	simm.s32 $0xB800;
	v3 =	vor.u32 $0x5, v1;
	v4 =	vld [tilespmem:s22+$0x0]  }
0x1bf: {  	v5 =	vor.u32 $0x8, v1;
	v6 =	vld [tilespmem:s29+$0x0]  }
0x1c0: {  	v7 =	vor.u32 $0x7, v1;
	v2 =	vld.idx.msk [tilespmem:v2+s18+$0x0], $0xffff  }
0x1c1: {  	v8 =	vor.u32 $0x1, v1;
	v9 =	vld.idx.msk [tilespmem:v1+s18+$0x0], $0xffff  }
0x1c2: {  	v10 =	vor.u32 $0x6, v1;
	v11 =	vld.idx.msk [tilespmem:v1+s19+$0x0], $0xffff  }
0x1c3: {  	v12 =	vor.u32 $0x2, v1;
	v3 =	vld.idx.msk [tilespmem:v3+s18+$0x0], $0xffff  }
0x1c4: {  	v13 =	vor.u32 $0x4, v1;
	v5 =	vld.idx.msk [tilespmem:v5+s18+$0x0], $0xffff  }
0x1c5: {  	v7 =	vld.idx.msk [tilespmem:v7+s18+$0x0], $0xffff  }
0x1c6: {  	v14 =	vld.idx.msk [tilespmem:v8+s18+$0x0], $0xffff  }
0x1c7: {  	v15 =	vor.u32 $0x9, v1;
	v10 =	vld.idx.msk [tilespmem:v10+s18+$0x0], $0xffff  }
0x1c8: {  	v16 =	vld.idx.msk [tilespmem:v12+s19+$0x0], $0xffff  }
0x1c9: {  	v17 =	vor.u32 $0xA, v1;
	v13 =	vld.idx.msk [tilespmem:v13+s18+$0x0], $0xffff  }
0x1ca: {  	v8 =	vld.idx.msk [tilespmem:v8+s19+$0x0], $0xffff  }
0x1cb: {  	v1 =	vor.u32 $0xB, v1;
	v12 =	vld.idx.msk [tilespmem:v12+s18+$0x0], $0xffff  }
0x1cc: {  	s5 =	simm.s32 $0xC000;
	v15 =	vld.idx.msk [tilespmem:v15+s18+$0x0], $0xffff  }
0x1cd: {  	v18 =	vld [tilespmem:s5+$0x0]  }
0x1ce: {  	v17 =	vld.idx.msk [tilespmem:v17+s18+$0x0], $0xffff;
	v9 =	vsub.f32 v11, v9;
	v2 =	vmul.f32 v2, v6  }
0x1cf: {  	v62 =	vmul.f32 v13, v6;
	v8 =	vsub.f32 v8, v14  }
0x1d0: {  	v7 =	vmul.f32 v7, v4;
	v10 =	vmul.f32 v10, v4;
	v63 =	vld.idx.msk [tilespmem:v1+s18+$0x0], $0xffff;
	v1 =	vadd.f32 v2, v9  }
0x1d1: {  	v2 =	vmul.f32 v3, v6;
	v3 =	vsub.f32 v16, v12;
	v6 =	vadd.f32 v62, v8  }
0x1d2: {  	v4 =	vmul.f32 v5, v4;
	v5 =	vmul.f32 v15, v18;
	v1 =	vadd.f32 v10, v1  }
0x1d3: {  	v8 =	vmul.f32 v17, v18;
	v2 =	vadd.f32 v2, v3;
	v3 =	vadd.f32 v7, v6  }
0x1d4: {  	v1 =	vadd.f32 v5, v1  }
0x1d5: {  	v4 =	vadd.f32 v4, v2;
	v5 =	vmul.f32 v63, v18;
	v2 =	vadd.f32 v8, v3;
	_ =	sdelay $0x1  }
0x1d6: {  	v3 =	vadd.f32 v5, v4;
	v4 =	vmul.f32 v1, v1;
	v5 =	vmul.f32 v2, v2;
	_ =	sdelay $0x1  }
0x1d7: {  	v6 =	vmul.f32 v3, v3;
	v4 =	vadd.f32 v5, v4;
	_ =	sdelay $0x1  }
0x1d8: {  	v4 =	vadd.f32 v6, v4;
	_ =	sdelay $0x1  }
0x1d9: {  	v6 =	vshra.s32 v4, $0x1;
	v5 =	vmul.f32 $5.000000000e-01, v4  }
0x1da: {  	v6 =	vsub.s32 $0x5F3759DF, v6  }
0x1db: {  	v7 =	vmul.f32 v6, v5;
	_ =	sdelay $0x1  }
0x1dc: {  	v7 =	vmul.f32 v6, v7;
	_ =	sdelay $0x1  }
0x1dd: {  	v7 =	vsub.f32 $1.500000000e+00, v7;
	_ =	sdelay $0x1  }
0x1de: {  	v6 =	vmul.f32 v6, v7;
	_ =	sdelay $0x1  }
0x1df: {  	v7 =	vmul.f32 v6, v5;
	_ =	sdelay $0x1  }
0x1e0: {  	v7 =	vmul.f32 v7, v6  }
0x1e1: {  	s1 =	simm.s32 $0x15000  }
0x1e2: {  	[tilespmem:s1+$0xFFFFF800] =	vst v1;
	v7 =	vsub.f32 $1.500000000e+00, v7  }
0x1e3: {  	[tilespmem:s1+$0xFFFFFC00] =	vst v2  }
0x1e4: {  	s23 =	sadd.s32 $0x1, s23;
	s3 =	simm.s32 $0x15010;
	s2 =	simm.s32 $0x10;
	[tilespmem:s1+$0x0] =	vst v3;
	v6 =	vmul.f32 v7, v6  }
.LBB2_7:
0x1e5: {  	s29 =	sadd.s32 $0x10, s29;
	s22 =	sadd.s32 $0x10, s22;
	s5 =	sadd.s32 $0x10, s5  }
0x1e6: {  	p0 =	sne.s32 s2, $0x3F0;
	s21 =	smov.u32 s2;
	s2 =	sadd.s32 $0x10, s2;
	v5 =	vmul.f32 v6, v5  }
0x1e7: {  	_ = 	snop  }
0x1e8: {  	v5 =	vmul.f32 v5, v6;
	_ =	sdelay $0x1  }
0x1e9: {  	v5 =	vsub.f32 $1.500000000e+00, v5;
	_ =	sdelay $0x1  }
0x1ea: {  	v7 =	vmov s21;
	v5 =	vmul.f32 v5, v6  }
0x1eb: {  	v6 =	vshll.u32 v7, $0x4  }
0x1ec: {  	v7 =	vor.u32 v0, v6;
	v4 =	vmul.f32 v5, v4;
	v1 =	vmul.f32 v5, v1  }
0x1ed: {  	v6 =	vand.u32 $0x3800, v6;
	v7 =	vand.u32 $0x7F0, v7;
	v2 =	vmul.f32 v5, v2  }
0x1ee: {  	v3 =	vmul.f32 v5, v3;
	v6 =	vor.u32 v6, v7;
	[tilespmem:s1+$0xFFFFF400] =	vst v4  }
0x1ef: {  	v4 =	vor.u32 $0x3, v6;
	v5 =	vor.u32 $0x1, v6;
	v7 =	vor.u32 $0x5, v6;
	[tilespmem:s1+$0x400] =	vst v1  }
0x1f0: {  	v8 =	vor.u32 $0x7, v6;
	v9 =	vor.u32 $0xA, v6;
	v1 =	vor.u32 $0x6, v6;
	[tilespmem:s1+$0xC00] =	vst v3  }
0x1f1: {  	v10 =	vor.u32 $0x4, v6;
	v3 =	vor.u32 $0x8, v6;
	[tilespmem:s1+$0x800] =	vst v2;
	s1 =	smov.u32 s3  }
0x1f2: {  	v2 =	vld [tilespmem:s22+$0x0]  }
0x1f3: {  	v11 =	vld [tilespmem:s29+$0x0]  }
0x1f4: {  	v12 =	vor.u32 $0x2, v6;
	v4 =	vld.idx.msk [tilespmem:v4+s18+$0x0], $0xffff  }
0x1f5: {  	v9 =	vld.idx.msk [tilespmem:v9+s18+$0x0], $0xffff  }
0x1f6: {  	v13 =	vld.idx.msk [tilespmem:v6+s18+$0x0], $0xffff  }
0x1f7: {  	v14 =	vld.idx.msk [tilespmem:v6+s19+$0x0], $0xffff  }
0x1f8: {  	v7 =	vld.idx.msk [tilespmem:v7+s18+$0x0], $0xffff  }
0x1f9: {  	v3 =	vld.idx.msk [tilespmem:v3+s18+$0x0], $0xffff  }
0x1fa: {  	v8 =	vld.idx.msk [tilespmem:v8+s18+$0x0], $0xffff  }
0x1fb: {  	v15 =	vld.idx.msk [tilespmem:v5+s18+$0x0], $0xffff  }
0x1fc: {  	v16 =	vor.u32 $0x9, v6;
	v1 =	vld.idx.msk [tilespmem:v1+s18+$0x0], $0xffff  }
0x1fd: {  	v17 =	vld.idx.msk [tilespmem:v12+s19+$0x0], $0xffff  }
0x1fe: {  	v10 =	vld.idx.msk [tilespmem:v10+s18+$0x0], $0xffff  }
0x1ff: {  	v6 =	vor.u32 $0xB, v6;
	v5 =	vld.idx.msk [tilespmem:v5+s19+$0x0], $0xffff  }
0x200: {  	v8 =	vmul.f32 v8, v2;
	v12 =	vld.idx.msk [tilespmem:v12+s18+$0x0], $0xffff  }
0x201: {  	v7 =	vmul.f32 v7, v11;
	v16 =	vld.idx.msk [tilespmem:v16+s18+$0x0], $0xffff  }
0x202: {  	v13 =	vsub.f32 v14, v13;
	v18 =	vld [tilespmem:s5+$0x0]  }
0x203: {  	v4 =	vmul.f32 v4, v11;
	v3 =	vmul.f32 v3, v2  }
0x204: {  	v1 =	vmul.f32 v1, v2;
	v2 =	vmul.f32 v10, v11;
	v6 =	vld.idx.msk [tilespmem:v6+s18+$0x0], $0xffff  }
0x205: {  	v4 =	vadd.f32 v4, v13;
	v5 =	vsub.f32 v5, v15  }
0x206: {  	v10 =	vsub.f32 v17, v12  }
0x207: {  	v1 =	vadd.f32 v1, v4;
	v2 =	vadd.f32 v2, v5;
	v4 =	vmul.f32 v16, v18  }
0x208: {  	v5 =	vmul.f32 v9, v18;
	v7 =	vadd.f32 v7, v10  }
0x209: {  	v2 =	vadd.f32 v8, v2;
	v1 =	vadd.f32 v4, v1  }
0x20a: {  	v3 =	vadd.f32 v3, v7;
	v4 =	vmul.f32 v6, v18  }
0x20b: {  	v2 =	vadd.f32 v5, v2;
	[tilespmem:s3+$0xFFFFF800] =	vst v1  }
0x20c: {  	v3 =	vadd.f32 v4, v3;
	v4 =	vmul.f32 v1, v1  }
0x20d: {  	v5 =	vmul.f32 v2, v2;
	[tilespmem:s3+$0xFFFFFC00] =	vst v2  }
0x20e: {  	v6 =	vmul.f32 v3, v3;
	[tilespmem:s3+$0x0] =	vst v3  }
0x20f: {  	v4 =	vadd.f32 v5, v4;
	_ =	sdelay $0x1  }
0x210: {  	v4 =	vadd.f32 v6, v4;
	_ =	sdelay $0x1  }
0x211: {  	v6 =	vshra.s32 v4, $0x1;
	v5 =	vmul.f32 $5.000000000e-01, v4  }
0x212: {  	v6 =	vsub.s32 $0x5F3759DF, v6  }
0x213: {  	v7 =	vmul.f32 v6, v5;
	_ =	sdelay $0x1  }
0x214: {  	v7 =	vmul.f32 v6, v7;
	_ =	sdelay $0x1  }
0x215: {  	v7 =	vsub.f32 $1.500000000e+00, v7;
	_ =	sdelay $0x1  }
0x216: {  	v6 =	vmul.f32 v6, v7;
	_ =	sdelay $0x1  }
0x217: {  	v7 =	vmul.f32 v6, v5;
	_ =	sdelay $0x1  }
.Ltmp2:
0x218: {  	v7 =	vmul.f32 v7, v6;
	(pc) =	sbr.rel @p0 .LBB2_7-.Ltmp2, $3  }
0x219: {  	_ = 	snop  }
0x21a: {  	v7 =	vsub.f32 $1.500000000e+00, v7;
	_ =	sdelay $0x1  }
0x21b: {  	s3 =	sadd.s32 $0x10, s3;
	v6 =	vmul.f32 v7, v6  }
0x21c: {  	_ = 	snop  }
0x21d: {  	v5 =	vmul.f32 v6, v5;
	_ =	sdelay $0x1  }
0x21e: {  	v5 =	vmul.f32 v5, v6;
	_ =	sdelay $0x1  }
0x21f: {  	v5 =	vsub.f32 $1.500000000e+00, v5;
	_ =	sdelay $0x1  }
0x220: {  	v5 =	vmul.f32 v5, v6;
	_ =	sdelay $0x1  }
0x221: {  	v4 =	vmul.f32 v5, v4  }
0x222: {  	v1 =	vmul.f32 v5, v1  }
0x223: {  	v3 =	vmul.f32 v5, v3;
	[tilespmem:s1+$0xFFFFF400] =	vst v4  }
0x224: {  	v2 =	vmul.f32 v5, v2;
	[tilespmem:s1+$0x400] =	vst v1  }
0x225: {  	[tilespmem:s1+$0xC00] =	vst v3  }
0x226: {  	s29 =	sadd.s32 s28, s25;
	s2 =	simm.s32 $0x14400;
	[tilespmem:s1+$0x800] =	vst v2  }
0x227: {  	[hbm4b:s29+s4] =	stream.linear.scatter [tilespmem:s2], [sflag:$0x4], $0x400, $0x38;
	[tilespmem:$0x16000] =	vst v63  }
0x228: {  	s3 =	sadd.s32 s10, s25;
	s5 =	simm.s32 $0x14800  }
0x229: {  	[hbm4b:s3+s4] =	stream.linear.scatter [tilespmem:s5], [sflag:$0x4], $0x400, $0x38;
	[tilespmem:$0x16000] =	vst v63  }
0x22a: {  	s21 =	sadd.s32 s11, s25;
	s22 =	simm.s32 $0x14C00  }
0x22b: {  	[hbm4b:s21+s4] =	stream.linear.scatter [tilespmem:s22], [sflag:$0x4], $0x400, $0x38;
	[tilespmem:$0x16000] =	vst v63  }
0x22c: {  	s26 =	sadd.s32 s12, s25;
	s29 =	simm.s32 $0x15000  }
0x22d: {  	[hbm4b:s26+s4] =	stream.linear.scatter [tilespmem:s29], [sflag:$0x4], $0x400, $0x38;
	[tilespmem:$0x16000] =	vst v63  }
0x22e: {  	p0 =	sne.s32 s23, $0x62;
	s3 =	sadd.s32 s14, s25;
	s5 =	simm.s32 $0x15400  }
0x22f: {  	[hbm4b:s3+s4] =	stream.linear.scatter [tilespmem:s5], [sflag:$0x4], $0x400, $0x38;
	[tilespmem:$0x16000] =	vst v63  }
.Ltmp3:
0x230: {  	_ = 	snop;
	(pc) =	sbr.rel @p0 .LBB2_2-.Ltmp3, $4  }
0x231: {  	s21 =	sadd.s32 s15, s25;
	s22 =	simm.s32 $0x15800  }
0x232: {  	[hbm4b:s21+s4] =	stream.linear.scatter [tilespmem:s22], [sflag:$0x4], $0x400, $0x38;
	[tilespmem:$0x16000] =	vst v63  }
0x233: {  	s26 =	sadd.s32 s16, s25;
	s29 =	simm.s32 $0x15C00  }
0x234: {  	[hbm4b:s26+s4] =	stream.linear.scatter [tilespmem:s29], [sflag:$0x4], $0x400, $0x38;
	[tilespmem:$0x16000] =	vst v63  }
0x235: {  	s1 =	simm.s32 $0x3  }
0x236: {  	_ =	swait.ge [sflag:s1], $0x400  }
0x237: {  	[sflag:s1] =	ssyncset.done $0x0  }
0x238: {  	[sflag:s1] =	ssyncadd.s32 $0xFFFFFC00  }
0x239: {  	_ =	swait.ge [sflag:s1], $0x400  }
0x23a: {  	[sflag:s1] =	ssyncset.done $0x0  }
0x23b: {  	[sflag:s1] =	ssyncadd.s32 $0xFFFFFC00  }
0x23c: {  	_ =	swait.ge [sflag:s1], $0x400  }
0x23d: {  	[sflag:s1] =	ssyncset.done $0x0  }
0x23e: {  	[sflag:s1] =	ssyncadd.s32 $0xFFFFFC00  }
0x23f: {  	_ =	swait.ge [sflag:s1], $0x400  }
0x240: {  	[sflag:s1] =	ssyncset.done $0x0  }
0x241: {  	[sflag:s1] =	ssyncadd.s32 $0xFFFFFC00  }
0x242: {  	_ =	swait.ge [sflag:s1], $0x400  }
0x243: {  	[sflag:s1] =	ssyncset.done $0x0  }
0x244: {  	[sflag:s1] =	ssyncadd.s32 $0xFFFFFC00  }
0x245: {  	_ =	swait.ge [sflag:s1], $0x400  }
0x246: {  	[sflag:s1] =	ssyncset.done $0x0  }
0x247: {  	[sflag:s1] =	ssyncadd.s32 $0xFFFFFC00  }
0x248: {  	_ =	swait.ge [sflag:s1], $0x400  }
0x249: {  	[sflag:s1] =	ssyncset.done $0x0  }
0x24a: {  	s2 =	simm.s32 $0x4;
	[sflag:s1] =	ssyncadd.s32 $0xFFFFFC00  }
0x24b: {  	_ =	swait.ge [sflag:s2], $0x400  }
0x24c: {  	[sflag:s2] =	ssyncset.done $0x0  }
0x24d: {  	[sflag:s2] =	ssyncadd.s32 $0xFFFFFC00  }
0x24e: {  	_ =	swait.ge [sflag:s2], $0x400  }
0x24f: {  	[sflag:s2] =	ssyncset.done $0x0  }
0x250: {  	[sflag:s2] =	ssyncadd.s32 $0xFFFFFC00  }
0x251: {  	_ =	swait.ge [sflag:s2], $0x400  }
0x252: {  	[sflag:s2] =	ssyncset.done $0x0  }
0x253: {  	[sflag:s2] =	ssyncadd.s32 $0xFFFFFC00  }
0x254: {  	_ =	swait.ge [sflag:s2], $0x400  }
0x255: {  	[sflag:s2] =	ssyncset.done $0x0  }
0x256: {  	[sflag:s2] =	ssyncadd.s32 $0xFFFFFC00  }
0x257: {  	_ =	swait.ge [sflag:s2], $0x400  }
0x258: {  	[sflag:s2] =	ssyncset.done $0x0  }
0x259: {  	[sflag:s2] =	ssyncadd.s32 $0xFFFFFC00  }
0x25a: {  	_ =	swait.ge [sflag:s2], $0x400  }
0x25b: {  	[sflag:s2] =	ssyncset.done $0x0  }
0x25c: {  	[sflag:s2] =	ssyncadd.s32 $0xFFFFFC00  }
0x25d: {  	_ =	swait.ge [sflag:s2], $0x400  }
0x25e: {  	s3 =	rddreg [dreg:$0xc]  }
0x25f: {  	s29 =	rddreg [dreg:$0xb];
	s3 =	sadd.s32 $0x1, s3  }
0x260: {  	p0 =	sne.s32 s3, s29  }
.Ltmp4:
0x261: {  	_ = 	snop;
	(pc) =	sbr.rel @p0 .LBB2_1-.Ltmp4, $3  }
0x262: {  	_ =	sdelay $0x1  }
0x263: {  	[sflag:s2] =	ssyncset.done $0x0  }
0x264: {  	[sflag:s2] =	ssyncadd.s32 $0xFFFFFC00  }
0x265: {  	_ =	sfence.sel $0x180000  }
0x266: {  	[bflag:$0x0] =	sbarrier.arrive $0xFFFF  }
0x267: {  	_ =	strace $0x9000004A  }
0x268: {  	s0 =	stileid.u32;
	[bflag:$0x2] =	sbarrier.arrive $0xFFFF  }
0x269: {  	p0 =	sne.s32 s0, $0x0;
	s0 =	rddreg [dreg:$0x4]  }
0x26a: {  	s0 =	sadd.s32 @!p0 $0x100000, s0  }
0x26b: {  	[sflag:s0] =	ssyncadd.tile.s32 @!p0 $0x1;
	_ =	shalt  }
.Lfunc_end2:
_tile_overlayer_lowered:
.L_overlay_start_2:
0x26c: {  	(tag) =	ssettag $0x2  }
0x26d: {  	s0 =	rddreg [dreg:$0x0];
	s2 =	stileid.u32  }
0x26e: {  	s1 =	rddreg [dreg:$0x1];
	p0 =	sne.s32 s2, $0x0  }
0x26f: {  	s3 =	rddreg [dreg:$0x2];
	[bflag:$0x3] =	sbarrier.arrive $0xFFFF;
	s2 =	simm.s32 @!p0 $0x1C05  }
0x270: {  	[timem:s3], [sflag:s2] =	dma.local @!p0 [hbm:s0], s1  }
0x271: {  	s0 =	simm.s32 @!p0 $0x5  }
0x272: {  	_ =	swait.ge @!p0 [sflag:s0], s1  }
0x273: {  	s1 =	ssub.s32 @!p0 $0x0, s1;
	[sflag:s0] =	ssyncset.done @!p0 $0x0  }
0x274: {  	[sflag:s0] =	ssyncadd.s32 @!p0 s1  }
0x275: {  	[bflag:$0x3] =	sbarrier.arrive $0xFFFF  }
0x276: {  	_ =	shalt  }

</sc_bundles>
